<compile_context>
chip_gen: v7x
topology: tpu7x:2x2x1
jax: 0.10.2.dev20260603
libtpu: 0.0.44.dev20260713+nightly
codegen_flags: <defaults>
</compile_context>

<pallas_src>
import functools

import jax
import jax.numpy as jnp
from jax import lax
from jax.experimental import pallas as pl
from jax.experimental.pallas import tpu as pltpu
from jax.experimental.pallas import tpu_sc as plsc

B = 16384
C = 1000
SMOOTH = 0.1
EPS = 1e-12
LN2 = 0.6931471805599453

B_TC = 12288
B_SC = B - B_TC
NSPLIT = 2
STEP_ROWS = 1024
GRID = B_TC // (STEP_ROWS * NSPLIT)
HALF = STEP_ROWS // 2

NW = 32
SC_ROWS = B_SC // NW
CH = 8
NCHUNK = SC_ROWS // CH
NSUPER = NCHUNK // 2
NVEC = (C // 16) & ~1
NPAIR = NVEC // 2
TAIL0 = C - 16
TAILN = C - NVEC * 16

P5 = (0.04392862784795337, -0.40947558576646115, 1.6101775468967987,
      -3.5202188381455293, 5.069756316633291, -2.7941536765360535)


def _log2(v):
    bits = plsc.bitcast(v, jnp.int32)
    e = (bits >> 23) - 127
    m = plsc.bitcast((bits & 0x007FFFFF) | 0x3F800000, jnp.float32)
    poly = jnp.float32(P5[0])
    for c in P5[1:]:
        poly = poly * m + jnp.float32(c)
    return e.astype(jnp.float32) + poly


def _pair_terms(va, vb, s1, s2):
    pa = jnp.maximum(va, EPS)
    pb = jnp.maximum(vb, EPS)
    s1 = s1 + _log2(pa * pb)
    s2 = s2 + _log2((1.0 - pa) * (1.0 - pb))
    return s1, s2


def _sc_half(x, labels_pad):
    mesh = plsc.VectorSubcoreMesh(core_axis_name="c", subcore_axis_name="s")

    @functools.partial(
        pl.kernel,
        mesh=mesh,
        compiler_params=pltpu.CompilerParams(needs_layout_passes=False,
                                             skip_device_barrier=True),
        out_type=jax.ShapeDtypeStruct((NW, 16), jnp.float32),
        scratch_types=[
            pltpu.VMEM((2, CH, C), jnp.float32),
            pltpu.VMEM((SC_ROWS + 16,), jnp.int32),
            pltpu.VMEM((16,), jnp.float32),
            pltpu.SemaphoreType.DMA,
            pltpu.SemaphoreType.DMA,
        ],
    )
    def k(x_hbm, lbl_hbm, o_hbm, bufs, lblbuf, vout, sem0, sem1):
        lane = lax.iota(jnp.int32, 16)
        wid = lax.axis_index("s") * 2 + lax.axis_index("c")
        r0 = B_TC + wid * SC_ROWS
        pltpu.sync_copy(lbl_hbm.at[pl.ds(r0, SC_ROWS + 16)], lblbuf)

        def chunk_copy(ch_idx, slot, sem):
            return pltpu.make_async_copy(
                x_hbm.at[pl.ds(r0 + ch_idx * CH, CH), :],
                bufs.at[slot], sem)

        chunk_copy(0, 0, sem0).start()

        def process(buf_slot, ch_idx, s1, s2, sg):
            for r in range(CH):
                def pair_body(kk, carry):
                    c1, c2 = carry
                    va = bufs[buf_slot, r, pl.ds(32 * kk, 16)]
                    vb = bufs[buf_slot, r, pl.ds(32 * kk + 16, 16)]
                    return _pair_terms(va, vb, c1, c2)

                s1, s2 = lax.fori_loop(0, NPAIR, pair_body, (s1, s2))
                vt = bufs[buf_slot, r, pl.ds(TAIL0, 16)]
                fresh = lane >= (16 - TAILN)
                pt = jnp.where(fresh, jnp.maximum(vt, EPS), 1.0)
                qt = jnp.where(fresh, 1.0 - jnp.maximum(vt, EPS), 1.0)
                s1 = s1 + _log2(pt)
                s2 = s2 + _log2(qt)
            cols = lblbuf[pl.ds(ch_idx * CH, 16)]
            rows = lane & (CH - 1)
            slot_idx = jnp.full((16,), buf_slot, jnp.int32)
            g = plsc.load_gather(bufs, [slot_idx, rows, cols])
            valid = lane < CH
            gv = jnp.where(valid, jnp.maximum(g, EPS), 0.5)
            sg = sg + _log2(gv) - _log2(1.0 - gv)
            return s1, s2, sg

        def super_body(i, carry):
            s1, s2, sg = carry
            chunk_copy(2 * i + 1, 1, sem1).start()
            chunk_copy(2 * i, 0, sem0).wait()
            s1, s2, sg = process(0, 2 * i, s1, s2, sg)

            @pl.when(i < NSUPER - 1)
            def _():
                chunk_copy(2 * i + 2, 0, sem0).start()

            chunk_copy(2 * i + 1, 1, sem1).wait()
            return process(1, 2 * i + 1, s1, s2, sg)

        zero = jnp.zeros((16,), jnp.float32)
        s1, s2, sg = lax.fori_loop(0, NSUPER, super_body, (zero, zero, zero))
        vout[...] = (SMOOTH * s1 + (1.0 - SMOOTH) * s2
                     + (1.0 - SMOOTH) * sg)
        pltpu.sync_copy(vout, o_hbm.at[wid])

    return k(x, labels_pad)


def _tc_body(*refs):
    x_refs = refs[:NSPLIT]
    l_refs = refs[NSPLIT:2 * NSPLIT]
    o_ref, acc_ref = refs[2 * NSPLIT], refs[2 * NSPLIT + 1]
    step = pl.program_id(0)

    @pl.when(step == 0)
    def _():
        acc_ref[0, 0] = 0.0

    s = 0.0
    for x_ref, l_ref in zip(x_refs, l_refs):
        x = x_ref[...]
        cols = lax.broadcasted_iota(jnp.int32, (STEP_ROWS, C), 1)
        m = cols == l_ref[...]
        g_row = jnp.sum(jnp.where(m, x, 0.0), axis=1, keepdims=True)
        g = jnp.clip(g_row, EPS, 1.0 - EPS)
        s += (1.0 - SMOOTH) * jnp.sum(jnp.log(g) - jnp.log(1.0 - g))
        pa = jnp.clip(x[:HALF], EPS, 1.0 - EPS)
        pb = jnp.clip(x[HALF:], EPS, 1.0 - EPS)
        s += SMOOTH * jnp.sum(jnp.log(pa * pb))
        s += (1.0 - SMOOTH) * jnp.sum(jnp.log((1.0 - pa) * (1.0 - pb)))
    acc_ref[0, 0] += s

    @pl.when(step == GRID - 1)
    def _():
        o_ref[0, 0] = acc_ref[0, 0]


def _combine_body(t_ref, s_ref, o_ref):
    o_ref[0, 0] = -(t_ref[0, 0] + LN2 * jnp.sum(s_ref[...])) * (1.0 / (B * C))


def kernel(inputs, outputs, labels):
    del inputs
    lab = labels.astype(jnp.int32)
    sc_part = _sc_half(outputs, jnp.concatenate(
        [lab, jnp.zeros((16,), jnp.int32)]))
    lab2d = lab.reshape(B, 1)
    tc_part = pl.pallas_call(
        _tc_body,
        grid=(GRID,),
        in_specs=[
            pl.BlockSpec((STEP_ROWS, C), lambda i, k=k: (NSPLIT * i + k, 0))
            for k in range(NSPLIT)
        ] + [
            pl.BlockSpec((STEP_ROWS, 1), lambda i, k=k: (NSPLIT * i + k, 0))
            for k in range(NSPLIT)
        ],
        out_specs=pl.BlockSpec((1, 1), lambda i: (0, 0),
                               memory_space=pltpu.SMEM),
        out_shape=jax.ShapeDtypeStruct((1, 1), jnp.float32),
        scratch_shapes=[pltpu.SMEM((1, 1), jnp.float32)],
    )(*([outputs] * NSPLIT + [lab2d] * NSPLIT))
    loss = pl.pallas_call(
        _combine_body,
        in_specs=[
            pl.BlockSpec(memory_space=pltpu.SMEM),
            pl.BlockSpec(memory_space=pltpu.VMEM),
        ],
        out_specs=pl.BlockSpec(memory_space=pltpu.SMEM),
        out_shape=jax.ShapeDtypeStruct((1, 1), jnp.float32),
    )(tc_part, sc_part)
    return loss[0, 0]

# --- scband reference (transcript-rebuilt; emitter-appended) ---
"""Pipeline reference for scband-bceloss-smooth-76974403879060 (READ-ONLY COPY).

The authoritative reference and input builder live on the scoring server;
editing this copy changes nothing except your own understanding.
"""

import jax, jax.numpy as jnp
import numpy as np

SMOOTH = 0.1

def setup_inputs(seed: int = 0) -> dict:
    key = jax.random.key(seed)
    k1, k2, k3 = jax.random.split(key, 3)
    inputs = jax.random.normal(k1, (16384, 128), dtype=jnp.float32)
    outputs = jax.random.uniform(k2, (16384, 1000), dtype=jnp.float32)
    labels = jax.random.randint(k3, (16384,), 0, 1000, dtype=jnp.int64)
    return {"inputs": inputs, "outputs": outputs, "labels": labels}

def reference(inputs, outputs, labels):
    batch_size, num_classes = outputs.shape
    # torch: zeros(B, C).scatter_(1, labels.unsqueeze(1), 1)
    targets = jnp.zeros((batch_size, num_classes), dtype=jnp.float32)
    targets = targets.at[jnp.arange(batch_size), labels].set(1.0)
    # smooth > 0 branch
    targets = jnp.clip(targets + SMOOTH, 0.0, 1.0)
    # base_criterion = BCELoss (mean reduction) on probabilities
    eps = 1e-12
    p = jnp.clip(outputs, eps, 1.0 - eps)
    loss = jnp.mean(-(targets * jnp.log(p) + (1.0 - targets) * jnp.log(1.0 - p)))
    return loss

if __name__ == "__main__":
    import jax
    _d = setup_inputs()
    print(jax.jit(kernel)(*tuple(_d.values())))

</pallas_src>

<mosaic_0001>
#map = affine_map<(d0, d1) -> (0, 0)>
#map1 = affine_map<(d0, d1) -> (0)>
module attributes {stable_mosaic.version = 14 : i64} {
  func.func @k(%arg0: i32, %arg1: i32, %arg2: memref<16384x1000xf32, #tpu.memory_space<hbm>>, %arg3: memref<16400xi32, #tpu.memory_space<hbm>>, %arg4: memref<32x16xf32, #tpu.memory_space<hbm>>, %arg5: memref<2x8x1000xf32, #tpu.memory_space<vmem>>, %arg6: memref<144xi32, #tpu.memory_space<vmem>>, %arg7: memref<16xf32, #tpu.memory_space<vmem>>, %arg8: memref<!tpu.dma_semaphore, #tpu.memory_space<semaphore_mem>>, %arg9: memref<!tpu.dma_semaphore, #tpu.memory_space<semaphore_mem>>) attributes {dimension_semantics = [#tpu.dimension_semantics<core_parallel>, #tpu.dimension_semantics<subcore_parallel>], iteration_bounds = array<i64: 2, 16>, scalar_prefetch = 0 : i64, scratch_operands = 5 : i64, tpu.core_type = #tpu.core_type<sc_vector_subcore>, window_params = [{transform_indices = #map}, {transform_indices = #map1}, {transform_indices = #map}]} {
    %iota3A = tpu.iota {dimensions = array<i32: 0>} : vector<16xi32>
    %mul3A = arith.constant 2 : i32
    %mul3A_0 = arith.muli %arg1, %mul3A : i32
    %add3A = arith.addi %mul3A_0, %arg0 : i32
    %mul3A_1 = arith.constant 128 : i32
    %mul3A_2 = arith.muli %add3A, %mul3A_1 : i32
    %add3A_3 = arith.constant 12288 : i32
    %add3A_4 = arith.addi %add3A_3, %mul3A_2 : i32
    "tpu.region"() ({
      %run_scoped3A = tpu.sem_alloc : memref<!tpu.dma_semaphore, #tpu.memory_space<semaphore_mem>>
      %dma_start3A_37 = tpu.memref_slice %arg3[%add3A_4] : memref<16400xi32, #tpu.memory_space<hbm>> -> memref<144xi32, #tpu.memory_space<hbm>>
      %dma_start3A_38 = tpu.memref_slice %arg3[%add3A_4] : memref<16400xi32, #tpu.memory_space<hbm>> -> memref<144xi32, #tpu.memory_space<hbm>>
      tpu.enqueue_dma source(%dma_start3A_38 : memref<144xi32, #tpu.memory_space<hbm>>) target(%arg6 : memref<144xi32, #tpu.memory_space<vmem>>) target_semaphore(%run_scoped3A : memref<!tpu.dma_semaphore, #tpu.memory_space<semaphore_mem>>)
      %dma_wait3A = tpu.memref_slice %arg3[%add3A_4] : memref<16400xi32, #tpu.memory_space<hbm>> -> memref<144xi32, #tpu.memory_space<hbm>>
      %dma_wait3A_39 = tpu.memref_slice %arg3[%add3A_4] : memref<16400xi32, #tpu.memory_space<hbm>> -> memref<144xi32, #tpu.memory_space<hbm>>
      tpu.wait_dma2 semaphore(%run_scoped3A : memref<!tpu.dma_semaphore, #tpu.memory_space<semaphore_mem>>) src(%dma_wait3A_39 : memref<144xi32, #tpu.memory_space<hbm>>) dst(%arg6 : memref<144xi32, #tpu.memory_space<vmem>>)
      tpu.yield
    }) : () -> ()
    %add3A_5 = arith.constant 0 : i32
    %add3A_6 = arith.addi %add3A_4, %add3A_5 : i32
    %dma_start3A = arith.constant 0 : i32
    %dma_start3A_7 = arith.constant 0 : i32
    %dma_start3A_8 = arith.constant 0 : i32
    %dma_start3A_9 = tpu.memref_slice %arg5[%dma_start3A, %dma_start3A_7, %dma_start3A_8] : memref<2x8x1000xf32, #tpu.memory_space<vmem>> -> memref<1x8x1000xf32, #tpu.memory_space<vmem>>
    %dma_start3A_10 = tpu.memref_squeeze %dma_start3A_9 : memref<1x8x1000xf32, #tpu.memory_space<vmem>> -> memref<8x1000xf32, #tpu.memory_space<vmem>>
    %dma_start3A_11 = arith.constant 0 : i32
    %dma_start3A_12 = tpu.memref_slice %arg2[%add3A_6, %dma_start3A_11] : memref<16384x1000xf32, #tpu.memory_space<hbm>> -> memref<8x1000xf32, #tpu.memory_space<hbm>>
    %dma_start3A_13 = arith.constant 0 : i32
    %dma_start3A_14 = arith.constant 0 : i32
    %dma_start3A_15 = tpu.memref_slice %arg5[%dma_start3A, %dma_start3A_13, %dma_start3A_14] : memref<2x8x1000xf32, #tpu.memory_space<vmem>> -> memref<1x8x1000xf32, #tpu.memory_space<vmem>>
    %dma_start3A_16 = tpu.memref_squeeze %dma_start3A_15 : memref<1x8x1000xf32, #tpu.memory_space<vmem>> -> memref<8x1000xf32, #tpu.memory_space<vmem>>
    %dma_start3A_17 = arith.constant 0 : i32
    %dma_start3A_18 = tpu.memref_slice %arg2[%add3A_6, %dma_start3A_17] : memref<16384x1000xf32, #tpu.memory_space<hbm>> -> memref<8x1000xf32, #tpu.memory_space<hbm>>
    tpu.enqueue_dma source(%dma_start3A_18 : memref<8x1000xf32, #tpu.memory_space<hbm>>) target(%dma_start3A_16 : memref<8x1000xf32, #tpu.memory_space<vmem>>) target_semaphore(%arg8 : memref<!tpu.dma_semaphore, #tpu.memory_space<semaphore_mem>>)
    %broadcast_in_dim3A = arith.constant 0.000000e+00 : f32
    %broadcast_in_dim3A_19 = vector.broadcast %broadcast_in_dim3A : f32 to vector<16xf32>
    %scan3A = arith.constant 0 : i32
    %scan3A_20 = arith.constant 8 : i32
    %scan3A_21 = arith.addi %scan3A, %scan3A_20 : i32
    %scan3A_22 = arith.constant 1 : i32
    %scan3A_23:3 = scf.for %scan3A_37 = %scan3A to %scan3A_21 step %scan3A_22 iter_args(%scan3A_38 = %broadcast_in_dim3A_19, %scan3A_39 = %broadcast_in_dim3A_19, %scan3A_40 = %broadcast_in_dim3A_19) -> (vector<16xf32>, vector<16xf32>, vector<16xf32>)  : i32 {
      %mul3A_41 = arith.constant 2 : i32
      %mul3A_42 = arith.muli %mul3A_41, %scan3A_37 : i32
      %add3A_43 = arith.constant 1 : i32
      %add3A_44 = arith.addi %mul3A_42, %add3A_43 : i32
      %mul3A_45 = arith.constant 8 : i32
      %mul3A_46 = arith.muli %add3A_44, %mul3A_45 : i32
      %add3A_47 = arith.addi %add3A_4, %mul3A_46 : i32
      %dma_start3A_48 = arith.constant 1 : i32
      %dma_start3A_49 = arith.constant 0 : i32
      %dma_start3A_50 = arith.constant 0 : i32
      %dma_start3A_51 = tpu.memref_slice %arg5[%dma_start3A_48, %dma_start3A_49, %dma_start3A_50] : memref<2x8x1000xf32, #tpu.memory_space<vmem>> -> memref<1x8x1000xf32, #tpu.memory_space<vmem>>
      %dma_start3A_52 = tpu.memref_squeeze %dma_start3A_51 : memref<1x8x1000xf32, #tpu.memory_space<vmem>> -> memref<8x1000xf32, #tpu.memory_space<vmem>>
      %dma_start3A_53 = arith.constant 0 : i32
      %dma_start3A_54 = tpu.memref_slice %arg2[%add3A_47, %dma_start3A_53] : memref<16384x1000xf32, #tpu.memory_space<hbm>> -> memref<8x1000xf32, #tpu.memory_space<hbm>>
      %dma_start3A_55 = arith.constant 0 : i32
      %dma_start3A_56 = arith.constant 0 : i32
      %dma_start3A_57 = tpu.memref_slice %arg5[%dma_start3A_48, %dma_start3A_55, %dma_start3A_56] : memref<2x8x1000xf32, #tpu.memory_space<vmem>> -> memref<1x8x1000xf32, #tpu.memory_space<vmem>>
      %dma_start3A_58 = tpu.memref_squeeze %dma_start3A_57 : memref<1x8x1000xf32, #tpu.memory_space<vmem>> -> memref<8x1000xf32, #tpu.memory_space<vmem>>
      %dma_start3A_59 = arith.constant 0 : i32
      %dma_start3A_60 = tpu.memref_slice %arg2[%add3A_47, %dma_start3A_59] : memref<16384x1000xf32, #tpu.memory_space<hbm>> -> memref<8x1000xf32, #tpu.memory_space<hbm>>
      tpu.enqueue_dma source(%dma_start3A_60 : memref<8x1000xf32, #tpu.memory_space<hbm>>) target(%dma_start3A_58 : memref<8x1000xf32, #tpu.memory_space<vmem>>) target_semaphore(%arg9 : memref<!tpu.dma_semaphore, #tpu.memory_space<semaphore_mem>>)
      %mul3A_61 = arith.constant 2 : i32
      %mul3A_62 = arith.muli %mul3A_61, %scan3A_37 : i32
      %mul3A_63 = arith.constant 8 : i32
      %mul3A_64 = arith.muli %mul3A_62, %mul3A_63 : i32
      %add3A_65 = arith.addi %add3A_4, %mul3A_64 : i32
      %dma_wait3A = arith.constant 0 : i32
      %dma_wait3A_66 = arith.constant 0 : i32
      %dma_wait3A_67 = arith.constant 0 : i32
      %dma_wait3A_68 = tpu.memref_slice %arg5[%dma_wait3A, %dma_wait3A_66, %dma_wait3A_67] : memref<2x8x1000xf32, #tpu.memory_space<vmem>> -> memref<1x8x1000xf32, #tpu.memory_space<vmem>>
      %dma_wait3A_69 = tpu.memref_squeeze %dma_wait3A_68 : memref<1x8x1000xf32, #tpu.memory_space<vmem>> -> memref<8x1000xf32, #tpu.memory_space<vmem>>
      %dma_wait3A_70 = arith.constant 0 : i32
      %dma_wait3A_71 = tpu.memref_slice %arg2[%add3A_65, %dma_wait3A_70] : memref<16384x1000xf32, #tpu.memory_space<hbm>> -> memref<8x1000xf32, #tpu.memory_space<hbm>>
      %dma_wait3A_72 = arith.constant 0 : i32
      %dma_wait3A_73 = arith.constant 0 : i32
      %dma_wait3A_74 = tpu.memref_slice %arg5[%dma_wait3A, %dma_wait3A_72, %dma_wait3A_73] : memref<2x8x1000xf32, #tpu.memory_space<vmem>> -> memref<1x8x1000xf32, #tpu.memory_space<vmem>>
      %dma_wait3A_75 = tpu.memref_squeeze %dma_wait3A_74 : memref<1x8x1000xf32, #tpu.memory_space<vmem>> -> memref<8x1000xf32, #tpu.memory_space<vmem>>
      %dma_wait3A_76 = arith.constant 0 : i32
      %dma_wait3A_77 = tpu.memref_slice %arg2[%add3A_65, %dma_wait3A_76] : memref<16384x1000xf32, #tpu.memory_space<hbm>> -> memref<8x1000xf32, #tpu.memory_space<hbm>>
      tpu.wait_dma2 semaphore(%arg8 : memref<!tpu.dma_semaphore, #tpu.memory_space<semaphore_mem>>) src(%dma_wait3A_77 : memref<8x1000xf32, #tpu.memory_space<hbm>>) dst(%dma_wait3A_75 : memref<8x1000xf32, #tpu.memory_space<vmem>>)
      %mul3A_78 = arith.constant 2 : i32
      %mul3A_79 = arith.muli %mul3A_78, %scan3A_37 : i32
      %scan3A_80 = arith.constant 0 : i32
      %scan3A_81 = arith.constant 31 : i32
      %scan3A_82 = arith.addi %scan3A_80, %scan3A_81 : i32
      %scan3A_83 = arith.constant 1 : i32
      %scan3A_84:2 = scf.for %scan3A_2023 = %scan3A_80 to %scan3A_82 step %scan3A_83 iter_args(%scan3A_2024 = %scan3A_38, %scan3A_2025 = %scan3A_39) -> (vector<16xf32>, vector<16xf32>)  : i32 {
        %mul3A_2026 = arith.constant 32 : i32
        %mul3A_2027 = arith.muli %mul3A_2026, %scan3A_2023 : i32
        %get3A_2028 = arith.constant 0 : i32
        %get3A_2029 = arith.constant 0 : i32
        %get3A_2030 = arith.index_cast %get3A_2028 : i32 to index
        %get3A_2031 = arith.index_cast %get3A_2029 : i32 to index
        %get3A_2032 = arith.index_cast %mul3A_2027 : i32 to index
        %get3A_2033 = tpu.vector_load %arg5[%get3A_2030, %get3A_2031, %get3A_2032] {strides = array<i32>} : memref<2x8x1000xf32, #tpu.memory_space<vmem>>, vector<16xf32>,
        %mul3A_2034 = arith.constant 32 : i32
        %mul3A_2035 = arith.muli %mul3A_2034, %scan3A_2023 : i32
        %add3A_2036 = arith.constant 16 : i32
        %add3A_2037 = arith.addi %mul3A_2035, %add3A_2036 : i32
        %get3A_2038 = arith.constant 0 : i32
        %get3A_2039 = arith.constant 0 : i32
        %get3A_2040 = arith.index_cast %get3A_2038 : i32 to index
        %get3A_2041 = arith.index_cast %get3A_2039 : i32 to index
        %get3A_2042 = arith.index_cast %add3A_2037 : i32 to index
        %get3A_2043 = tpu.vector_load %arg5[%get3A_2040, %get3A_2041, %get3A_2042] {strides = array<i32>} : memref<2x8x1000xf32, #tpu.memory_space<vmem>>, vector<16xf32>,
        %max3A_2044 = arith.constant 9.99999996E-13 : f32
        %max3A_2045 = vector.broadcast %max3A_2044 : f32 to vector<16xf32>
        %max3A_2046 = arith.maximumf %get3A_2033, %max3A_2045 : vector<16xf32>
        %max3A_2047 = arith.constant 9.99999996E-13 : f32
        %max3A_2048 = vector.broadcast %max3A_2047 : f32 to vector<16xf32>
        %max3A_2049 = arith.maximumf %get3A_2043, %max3A_2048 : vector<16xf32>
        %mul3A_2050 = arith.mulf %max3A_2046, %max3A_2049 : vector<16xf32>
        %bitcast3A_2051 = vector.bitcast %mul3A_2050 : vector<16xf32> to vector<16xi32>
        %shift_right_arithmetic3A_2052 = arith.constant 23 : i32
        %shift_right_arithmetic3A_2053 = vector.broadcast %shift_right_arithmetic3A_2052 : i32 to vector<16xi32>
        %shift_right_arithmetic3A_2054 = arith.shrsi %bitcast3A_2051, %shift_right_arithmetic3A_2053 : vector<16xi32>
        %sub3A_2055 = arith.constant 127 : i32
        %sub3A_2056 = vector.broadcast %sub3A_2055 : i32 to vector<16xi32>
        %sub3A_2057 = arith.subi %shift_right_arithmetic3A_2054, %sub3A_2056 : vector<16xi32>
        %and3A_2058 = arith.constant 8388607 : i32
        %and3A_2059 = vector.broadcast %and3A_2058 : i32 to vector<16xi32>
        %and3A_2060 = arith.andi %bitcast3A_2051, %and3A_2059 : vector<16xi32>
        %or3A_2061 = arith.constant 1065353216 : i32
        %or3A_2062 = vector.broadcast %or3A_2061 : i32 to vector<16xi32>
        %or3A_2063 = arith.ori %and3A_2060, %or3A_2062 : vector<16xi32>
        %bitcast3A_2064 = vector.bitcast %or3A_2063 : vector<16xi32> to vector<16xf32>
        %mul3A_2065 = arith.constant 0.0439286269 : f32
        %mul3A_2066 = vector.broadcast %mul3A_2065 : f32 to vector<16xf32>
        %mul3A_2067 = arith.mulf %mul3A_2066, %bitcast3A_2064 : vector<16xf32>
        %add3A_2068 = arith.constant -0.409475595 : f32
        %add3A_2069 = vector.broadcast %add3A_2068 : f32 to vector<16xf32>
        %add3A_2070 = arith.addf %mul3A_2067, %add3A_2069 : vector<16xf32>
        %mul3A_2071 = arith.mulf %add3A_2070, %bitcast3A_2064 : vector<16xf32>
        %add3A_2072 = arith.constant 1.61017752 : f32
        %add3A_2073 = vector.broadcast %add3A_2072 : f32 to vector<16xf32>
        %add3A_2074 = arith.addf %mul3A_2071, %add3A_2073 : vector<16xf32>
        %mul3A_2075 = arith.mulf %add3A_2074, %bitcast3A_2064 : vector<16xf32>
        %add3A_2076 = arith.constant -3.52021885 : f32
        %add3A_2077 = vector.broadcast %add3A_2076 : f32 to vector<16xf32>
        %add3A_2078 = arith.addf %mul3A_2075, %add3A_2077 : vector<16xf32>
        %mul3A_2079 = arith.mulf %add3A_2078, %bitcast3A_2064 : vector<16xf32>
        %add3A_2080 = arith.constant 5.06975651 : f32
        %add3A_2081 = vector.broadcast %add3A_2080 : f32 to vector<16xf32>
        %add3A_2082 = arith.addf %mul3A_2079, %add3A_2081 : vector<16xf32>
        %mul3A_2083 = arith.mulf %add3A_2082, %bitcast3A_2064 : vector<16xf32>
        %add3A_2084 = arith.constant -2.79415369 : f32
        %add3A_2085 = vector.broadcast %add3A_2084 : f32 to vector<16xf32>
        %add3A_2086 = arith.addf %mul3A_2083, %add3A_2085 : vector<16xf32>
        %convert_element_type3A_2087 = arith.sitofp %sub3A_2057 : vector<16xi32> to vector<16xf32>
        %add3A_2088 = arith.addf %convert_element_type3A_2087, %add3A_2086 : vector<16xf32>
        %add3A_2089 = arith.addf %scan3A_2024, %add3A_2088 : vector<16xf32>
        %sub3A_2090 = arith.constant 1.000000e+00 : f32
        %sub3A_2091 = vector.broadcast %sub3A_2090 : f32 to vector<16xf32>
        %sub3A_2092 = arith.subf %sub3A_2091, %max3A_2046 : vector<16xf32>
        %sub3A_2093 = arith.constant 1.000000e+00 : f32
        %sub3A_2094 = vector.broadcast %sub3A_2093 : f32 to vector<16xf32>
        %sub3A_2095 = arith.subf %sub3A_2094, %max3A_2049 : vector<16xf32>
        %mul3A_2096 = arith.mulf %sub3A_2092, %sub3A_2095 : vector<16xf32>
        %bitcast3A_2097 = vector.bitcast %mul3A_2096 : vector<16xf32> to vector<16xi32>
        %shift_right_arithmetic3A_2098 = arith.constant 23 : i32
        %shift_right_arithmetic3A_2099 = vector.broadcast %shift_right_arithmetic3A_2098 : i32 to vector<16xi32>
        %shift_right_arithmetic3A_2100 = arith.shrsi %bitcast3A_2097, %shift_right_arithmetic3A_2099 : vector<16xi32>
        %sub3A_2101 = arith.constant 127 : i32
        %sub3A_2102 = vector.broadcast %sub3A_2101 : i32 to vector<16xi32>
        %sub3A_2103 = arith.subi %shift_right_arithmetic3A_2100, %sub3A_2102 : vector<16xi32>
        %and3A_2104 = arith.constant 8388607 : i32
        %and3A_2105 = vector.broadcast %and3A_2104 : i32 to vector<16xi32>
        %and3A_2106 = arith.andi %bitcast3A_2097, %and3A_2105 : vector<16xi32>
        %or3A_2107 = arith.constant 1065353216 : i32
        %or3A_2108 = vector.broadcast %or3A_2107 : i32 to vector<16xi32>
        %or3A_2109 = arith.ori %and3A_2106, %or3A_2108 : vector<16xi32>
        %bitcast3A_2110 = vector.bitcast %or3A_2109 : vector<16xi32> to vector<16xf32>
        %mul3A_2111 = arith.constant 0.0439286269 : f32
        %mul3A_2112 = vector.broadcast %mul3A_2111 : f32 to vector<16xf32>
        %mul3A_2113 = arith.mulf %mul3A_2112, %bitcast3A_2110 : vector<16xf32>
        %add3A_2114 = arith.constant -0.409475595 : f32
        %add3A_2115 = vector.broadcast %add3A_2114 : f32 to vector<16xf32>
        %add3A_2116 = arith.addf %mul3A_2113, %add3A_2115 : vector<16xf32>
        %mul3A_2117 = arith.mulf %add3A_2116, %bitcast3A_2110 : vector<16xf32>
        %add3A_2118 = arith.constant 1.61017752 : f32
        %add3A_2119 = vector.broadcast %add3A_2118 : f32 to vector<16xf32>
        %add3A_2120 = arith.addf %mul3A_2117, %add3A_2119 : vector<16xf32>
        %mul3A_2121 = arith.mulf %add3A_2120, %bitcast3A_2110 : vector<16xf32>
        %add3A_2122 = arith.constant -3.52021885 : f32
        %add3A_2123 = vector.broadcast %add3A_2122 : f32 to vector<16xf32>
        %add3A_2124 = arith.addf %mul3A_2121, %add3A_2123 : vector<16xf32>
        %mul3A_2125 = arith.mulf %add3A_2124, %bitcast3A_2110 : vector<16xf32>
        %add3A_2126 = arith.constant 5.06975651 : f32
        %add3A_2127 = vector.broadcast %add3A_2126 : f32 to vector<16xf32>
        %add3A_2128 = arith.addf %mul3A_2125, %add3A_2127 : vector<16xf32>
        %mul3A_2129 = arith.mulf %add3A_2128, %bitcast3A_2110 : vector<16xf32>
        %add3A_2130 = arith.constant -2.79415369 : f32
        %add3A_2131 = vector.broadcast %add3A_2130 : f32 to vector<16xf32>
        %add3A_2132 = arith.addf %mul3A_2129, %add3A_2131 : vector<16xf32>
        %convert_element_type3A_2133 = arith.sitofp %sub3A_2103 : vector<16xi32> to vector<16xf32>
        %add3A_2134 = arith.addf %convert_element_type3A_2133, %add3A_2132 : vector<16xf32>
        %add3A_2135 = arith.addf %scan3A_2025, %add3A_2134 : vector<16xf32>
        scf.yield %add3A_2089, %add3A_2135 : vector<16xf32>, vector<16xf32>
      }
      %scan3A_85 = arith.constant 31 : i32
      %get3A = arith.constant 0 : i32
      %get3A_86 = arith.constant 0 : i32
      %get3A_87 = arith.index_cast %get3A : i32 to index
      %get3A_88 = arith.index_cast %get3A_86 : i32 to index
      %get3A_89 = arith.constant 984 : index
      %get3A_90 = tpu.vector_load %arg5[%get3A_87, %get3A_88, %get3A_89] {strides = array<i32>} : memref<2x8x1000xf32, #tpu.memory_space<vmem>>, vector<16xf32>,
      %ge3A = arith.constant 8 : i32
      %ge3A_91 = vector.broadcast %ge3A : i32 to vector<16xi32>
      %ge3A_92 = arith.cmpi sge, %iota3A, %ge3A_91 : vector<16xi32>
      %max3A = arith.constant 9.99999996E-13 : f32
      %max3A_93 = vector.broadcast %max3A : f32 to vector<16xf32>
      %max3A_94 = arith.maximumf %get3A_90, %max3A_93 : vector<16xf32>
      %jit3A = arith.constant 1.000000e+00 : f32
      %broadcast_in_dim3A_95 = vector.broadcast %jit3A : f32 to vector<16xf32>
      %select_n3A = arith.select %ge3A_92, %max3A_94, %broadcast_in_dim3A_95 : vector<16xi1>, vector<16xf32>
      %max3A_96 = arith.constant 9.99999996E-13 : f32
      %max3A_97 = vector.broadcast %max3A_96 : f32 to vector<16xf32>
      %max3A_98 = arith.maximumf %get3A_90, %max3A_97 : vector<16xf32>
      %sub3A = arith.constant 1.000000e+00 : f32
      %sub3A_99 = vector.broadcast %sub3A : f32 to vector<16xf32>
      %sub3A_100 = arith.subf %sub3A_99, %max3A_98 : vector<16xf32>
      %jit3A_101 = arith.constant 1.000000e+00 : f32
      %broadcast_in_dim3A_102 = vector.broadcast %jit3A_101 : f32 to vector<16xf32>
      %select_n3A_103 = arith.select %ge3A_92, %sub3A_100, %broadcast_in_dim3A_102 : vector<16xi1>, vector<16xf32>
      %bitcast3A = vector.bitcast %select_n3A : vector<16xf32> to vector<16xi32>
      %shift_right_arithmetic3A = arith.constant 23 : i32
      %shift_right_arithmetic3A_104 = vector.broadcast %shift_right_arithmetic3A : i32 to vector<16xi32>
      %shift_right_arithmetic3A_105 = arith.shrsi %bitcast3A, %shift_right_arithmetic3A_104 : vector<16xi32>
      %sub3A_106 = arith.constant 127 : i32
      %sub3A_107 = vector.broadcast %sub3A_106 : i32 to vector<16xi32>
      %sub3A_108 = arith.subi %shift_right_arithmetic3A_105, %sub3A_107 : vector<16xi32>
      %and3A = arith.constant 8388607 : i32
      %and3A_109 = vector.broadcast %and3A : i32 to vector<16xi32>
      %and3A_110 = arith.andi %bitcast3A, %and3A_109 : vector<16xi32>
      %or3A = arith.constant 1065353216 : i32
      %or3A_111 = vector.broadcast %or3A : i32 to vector<16xi32>
      %or3A_112 = arith.ori %and3A_110, %or3A_111 : vector<16xi32>
      %bitcast3A_113 = vector.bitcast %or3A_112 : vector<16xi32> to vector<16xf32>
      %mul3A_114 = arith.constant 0.0439286269 : f32
      %mul3A_115 = vector.broadcast %mul3A_114 : f32 to vector<16xf32>
      %mul3A_116 = arith.mulf %mul3A_115, %bitcast3A_113 : vector<16xf32>
      %add3A_117 = arith.constant -0.409475595 : f32
      %add3A_118 = vector.broadcast %add3A_117 : f32 to vector<16xf32>
      %add3A_119 = arith.addf %mul3A_116, %add3A_118 : vector<16xf32>
      %mul3A_120 = arith.mulf %add3A_119, %bitcast3A_113 : vector<16xf32>
      %add3A_121 = arith.constant 1.61017752 : f32
      %add3A_122 = vector.broadcast %add3A_121 : f32 to vector<16xf32>
      %add3A_123 = arith.addf %mul3A_120, %add3A_122 : vector<16xf32>
      %mul3A_124 = arith.mulf %add3A_123, %bitcast3A_113 : vector<16xf32>
      %add3A_125 = arith.constant -3.52021885 : f32
      %add3A_126 = vector.broadcast %add3A_125 : f32 to vector<16xf32>
      %add3A_127 = arith.addf %mul3A_124, %add3A_126 : vector<16xf32>
      %mul3A_128 = arith.mulf %add3A_127, %bitcast3A_113 : vector<16xf32>
      %add3A_129 = arith.constant 5.06975651 : f32
      %add3A_130 = vector.broadcast %add3A_129 : f32 to vector<16xf32>
      %add3A_131 = arith.addf %mul3A_128, %add3A_130 : vector<16xf32>
      %mul3A_132 = arith.mulf %add3A_131, %bitcast3A_113 : vector<16xf32>
      %add3A_133 = arith.constant -2.79415369 : f32
      %add3A_134 = vector.broadcast %add3A_133 : f32 to vector<16xf32>
      %add3A_135 = arith.addf %mul3A_132, %add3A_134 : vector<16xf32>
      %convert_element_type3A = arith.sitofp %sub3A_108 : vector<16xi32> to vector<16xf32>
      %add3A_136 = arith.addf %convert_element_type3A, %add3A_135 : vector<16xf32>
      %add3A_137 = arith.addf %scan3A_84#0, %add3A_136 : vector<16xf32>
      %bitcast3A_138 = vector.bitcast %select_n3A_103 : vector<16xf32> to vector<16xi32>
      %shift_right_arithmetic3A_139 = arith.constant 23 : i32
      %shift_right_arithmetic3A_140 = vector.broadcast %shift_right_arithmetic3A_139 : i32 to vector<16xi32>
      %shift_right_arithmetic3A_141 = arith.shrsi %bitcast3A_138, %shift_right_arithmetic3A_140 : vector<16xi32>
      %sub3A_142 = arith.constant 127 : i32
      %sub3A_143 = vector.broadcast %sub3A_142 : i32 to vector<16xi32>
      %sub3A_144 = arith.subi %shift_right_arithmetic3A_141, %sub3A_143 : vector<16xi32>
      %and3A_145 = arith.constant 8388607 : i32
      %and3A_146 = vector.broadcast %and3A_145 : i32 to vector<16xi32>
      %and3A_147 = arith.andi %bitcast3A_138, %and3A_146 : vector<16xi32>
      %or3A_148 = arith.constant 1065353216 : i32
      %or3A_149 = vector.broadcast %or3A_148 : i32 to vector<16xi32>
      %or3A_150 = arith.ori %and3A_147, %or3A_149 : vector<16xi32>
      %bitcast3A_151 = vector.bitcast %or3A_150 : vector<16xi32> to vector<16xf32>
      %mul3A_152 = arith.constant 0.0439286269 : f32
      %mul3A_153 = vector.broadcast %mul3A_152 : f32 to vector<16xf32>
      %mul3A_154 = arith.mulf %mul3A_153, %bitcast3A_151 : vector<16xf32>
      %add3A_155 = arith.constant -0.409475595 : f32
      %add3A_156 = vector.broadcast %add3A_155 : f32 to vector<16xf32>
      %add3A_157 = arith.addf %mul3A_154, %add3A_156 : vector<16xf32>
      %mul3A_158 = arith.mulf %add3A_157, %bitcast3A_151 : vector<16xf32>
      %add3A_159 = arith.constant 1.61017752 : f32
      %add3A_160 = vector.broadcast %add3A_159 : f32 to vector<16xf32>
      %add3A_161 = arith.addf %mul3A_158, %add3A_160 : vector<16xf32>
      %mul3A_162 = arith.mulf %add3A_161, %bitcast3A_151 : vector<16xf32>
      %add3A_163 = arith.constant -3.52021885 : f32
      %add3A_164 = vector.broadcast %add3A_163 : f32 to vector<16xf32>
      %add3A_165 = arith.addf %mul3A_162, %add3A_164 : vector<16xf32>
      %mul3A_166 = arith.mulf %add3A_165, %bitcast3A_151 : vector<16xf32>
      %add3A_167 = arith.constant 5.06975651 : f32
      %add3A_168 = vector.broadcast %add3A_167 : f32 to vector<16xf32>
      %add3A_169 = arith.addf %mul3A_166, %add3A_168 : vector<16xf32>
      %mul3A_170 = arith.mulf %add3A_169, %bitcast3A_151 : vector<16xf32>
      %add3A_171 = arith.constant -2.79415369 : f32
      %add3A_172 = vector.broadcast %add3A_171 : f32 to vector<16xf32>
      %add3A_173 = arith.addf %mul3A_170, %add3A_172 : vector<16xf32>
      %convert_element_type3A_174 = arith.sitofp %sub3A_144 : vector<16xi32> to vector<16xf32>
      %add3A_175 = arith.addf %convert_element_type3A_174, %add3A_173 : vector<16xf32>
      %add3A_176 = arith.addf %scan3A_84#1, %add3A_175 : vector<16xf32>
      %scan3A_177 = arith.constant 0 : i32
      %scan3A_178 = arith.constant 31 : i32
      %scan3A_179 = arith.addi %scan3A_177, %scan3A_178 : i32
      %scan3A_180 = arith.constant 1 : i32
      %scan3A_181:2 = scf.for %scan3A_2023 = %scan3A_177 to %scan3A_179 step %scan3A_180 iter_args(%scan3A_2024 = %add3A_137, %scan3A_2025 = %add3A_176) -> (vector<16xf32>, vector<16xf32>)  : i32 {
        %mul3A_2026 = arith.constant 32 : i32
        %mul3A_2027 = arith.muli %mul3A_2026, %scan3A_2023 : i32
        %get3A_2028 = arith.constant 0 : i32
        %get3A_2029 = arith.constant 1 : i32
        %get3A_2030 = arith.index_cast %get3A_2028 : i32 to index
        %get3A_2031 = arith.index_cast %get3A_2029 : i32 to index
        %get3A_2032 = arith.index_cast %mul3A_2027 : i32 to index
        %get3A_2033 = tpu.vector_load %arg5[%get3A_2030, %get3A_2031, %get3A_2032] {strides = array<i32>} : memref<2x8x1000xf32, #tpu.memory_space<vmem>>, vector<16xf32>,
        %mul3A_2034 = arith.constant 32 : i32
        %mul3A_2035 = arith.muli %mul3A_2034, %scan3A_2023 : i32
        %add3A_2036 = arith.constant 16 : i32
        %add3A_2037 = arith.addi %mul3A_2035, %add3A_2036 : i32
        %get3A_2038 = arith.constant 0 : i32
        %get3A_2039 = arith.constant 1 : i32
        %get3A_2040 = arith.index_cast %get3A_2038 : i32 to index
        %get3A_2041 = arith.index_cast %get3A_2039 : i32 to index
        %get3A_2042 = arith.index_cast %add3A_2037 : i32 to index
        %get3A_2043 = tpu.vector_load %arg5[%get3A_2040, %get3A_2041, %get3A_2042] {strides = array<i32>} : memref<2x8x1000xf32, #tpu.memory_space<vmem>>, vector<16xf32>,
        %max3A_2044 = arith.constant 9.99999996E-13 : f32
        %max3A_2045 = vector.broadcast %max3A_2044 : f32 to vector<16xf32>
        %max3A_2046 = arith.maximumf %get3A_2033, %max3A_2045 : vector<16xf32>
        %max3A_2047 = arith.constant 9.99999996E-13 : f32
        %max3A_2048 = vector.broadcast %max3A_2047 : f32 to vector<16xf32>
        %max3A_2049 = arith.maximumf %get3A_2043, %max3A_2048 : vector<16xf32>
        %mul3A_2050 = arith.mulf %max3A_2046, %max3A_2049 : vector<16xf32>
        %bitcast3A_2051 = vector.bitcast %mul3A_2050 : vector<16xf32> to vector<16xi32>
        %shift_right_arithmetic3A_2052 = arith.constant 23 : i32
        %shift_right_arithmetic3A_2053 = vector.broadcast %shift_right_arithmetic3A_2052 : i32 to vector<16xi32>
        %shift_right_arithmetic3A_2054 = arith.shrsi %bitcast3A_2051, %shift_right_arithmetic3A_2053 : vector<16xi32>
        %sub3A_2055 = arith.constant 127 : i32
        %sub3A_2056 = vector.broadcast %sub3A_2055 : i32 to vector<16xi32>
        %sub3A_2057 = arith.subi %shift_right_arithmetic3A_2054, %sub3A_2056 : vector<16xi32>
        %and3A_2058 = arith.constant 8388607 : i32
        %and3A_2059 = vector.broadcast %and3A_2058 : i32 to vector<16xi32>
        %and3A_2060 = arith.andi %bitcast3A_2051, %and3A_2059 : vector<16xi32>
        %or3A_2061 = arith.constant 1065353216 : i32
        %or3A_2062 = vector.broadcast %or3A_2061 : i32 to vector<16xi32>
        %or3A_2063 = arith.ori %and3A_2060, %or3A_2062 : vector<16xi32>
        %bitcast3A_2064 = vector.bitcast %or3A_2063 : vector<16xi32> to vector<16xf32>
        %mul3A_2065 = arith.constant 0.0439286269 : f32
        %mul3A_2066 = vector.broadcast %mul3A_2065 : f32 to vector<16xf32>
        %mul3A_2067 = arith.mulf %mul3A_2066, %bitcast3A_2064 : vector<16xf32>
        %add3A_2068 = arith.constant -0.409475595 : f32
        %add3A_2069 = vector.broadcast %add3A_2068 : f32 to vector<16xf32>
        %add3A_2070 = arith.addf %mul3A_2067, %add3A_2069 : vector<16xf32>
        %mul3A_2071 = arith.mulf %add3A_2070, %bitcast3A_2064 : vector<16xf32>
        %add3A_2072 = arith.constant 1.61017752 : f32
        %add3A_2073 = vector.broadcast %add3A_2072 : f32 to vector<16xf32>
        %add3A_2074 = arith.addf %mul3A_2071, %add3A_2073 : vector<16xf32>
        %mul3A_2075 = arith.mulf %add3A_2074, %bitcast3A_2064 : vector<16xf32>
        %add3A_2076 = arith.constant -3.52021885 : f32
        %add3A_2077 = vector.broadcast %add3A_2076 : f32 to vector<16xf32>
        %add3A_2078 = arith.addf %mul3A_2075, %add3A_2077 : vector<16xf32>
        %mul3A_2079 = arith.mulf %add3A_2078, %bitcast3A_2064 : vector<16xf32>
        %add3A_2080 = arith.constant 5.06975651 : f32
        %add3A_2081 = vector.broadcast %add3A_2080 : f32 to vector<16xf32>
        %add3A_2082 = arith.addf %mul3A_2079, %add3A_2081 : vector<16xf32>
        %mul3A_2083 = arith.mulf %add3A_2082, %bitcast3A_2064 : vector<16xf32>
        %add3A_2084 = arith.constant -2.79415369 : f32
        %add3A_2085 = vector.broadcast %add3A_2084 : f32 to vector<16xf32>
        %add3A_2086 = arith.addf %mul3A_2083, %add3A_2085 : vector<16xf32>
        %convert_element_type3A_2087 = arith.sitofp %sub3A_2057 : vector<16xi32> to vector<16xf32>
        %add3A_2088 = arith.addf %convert_element_type3A_2087, %add3A_2086 : vector<16xf32>
        %add3A_2089 = arith.addf %scan3A_2024, %add3A_2088 : vector<16xf32>
        %sub3A_2090 = arith.constant 1.000000e+00 : f32
        %sub3A_2091 = vector.broadcast %sub3A_2090 : f32 to vector<16xf32>
        %sub3A_2092 = arith.subf %sub3A_2091, %max3A_2046 : vector<16xf32>
        %sub3A_2093 = arith.constant 1.000000e+00 : f32
        %sub3A_2094 = vector.broadcast %sub3A_2093 : f32 to vector<16xf32>
        %sub3A_2095 = arith.subf %sub3A_2094, %max3A_2049 : vector<16xf32>
        %mul3A_2096 = arith.mulf %sub3A_2092, %sub3A_2095 : vector<16xf32>
        %bitcast3A_2097 = vector.bitcast %mul3A_2096 : vector<16xf32> to vector<16xi32>
        %shift_right_arithmetic3A_2098 = arith.constant 23 : i32
        %shift_right_arithmetic3A_2099 = vector.broadcast %shift_right_arithmetic3A_2098 : i32 to vector<16xi32>
        %shift_right_arithmetic3A_2100 = arith.shrsi %bitcast3A_2097, %shift_right_arithmetic3A_2099 : vector<16xi32>
        %sub3A_2101 = arith.constant 127 : i32
        %sub3A_2102 = vector.broadcast %sub3A_2101 : i32 to vector<16xi32>
        %sub3A_2103 = arith.subi %shift_right_arithmetic3A_2100, %sub3A_2102 : vector<16xi32>
        %and3A_2104 = arith.constant 8388607 : i32
        %and3A_2105 = vector.broadcast %and3A_2104 : i32 to vector<16xi32>
        %and3A_2106 = arith.andi %bitcast3A_2097, %and3A_2105 : vector<16xi32>
        %or3A_2107 = arith.constant 1065353216 : i32
        %or3A_2108 = vector.broadcast %or3A_2107 : i32 to vector<16xi32>
        %or3A_2109 = arith.ori %and3A_2106, %or3A_2108 : vector<16xi32>
        %bitcast3A_2110 = vector.bitcast %or3A_2109 : vector<16xi32> to vector<16xf32>
        %mul3A_2111 = arith.constant 0.0439286269 : f32
        %mul3A_2112 = vector.broadcast %mul3A_2111 : f32 to vector<16xf32>
        %mul3A_2113 = arith.mulf %mul3A_2112, %bitcast3A_2110 : vector<16xf32>
        %add3A_2114 = arith.constant -0.409475595 : f32
        %add3A_2115 = vector.broadcast %add3A_2114 : f32 to vector<16xf32>
        %add3A_2116 = arith.addf %mul3A_2113, %add3A_2115 : vector<16xf32>
        %mul3A_2117 = arith.mulf %add3A_2116, %bitcast3A_2110 : vector<16xf32>
        %add3A_2118 = arith.constant 1.61017752 : f32
        %add3A_2119 = vector.broadcast %add3A_2118 : f32 to vector<16xf32>
        %add3A_2120 = arith.addf %mul3A_2117, %add3A_2119 : vector<16xf32>
        %mul3A_2121 = arith.mulf %add3A_2120, %bitcast3A_2110 : vector<16xf32>
        %add3A_2122 = arith.constant -3.52021885 : f32
        %add3A_2123 = vector.broadcast %add3A_2122 : f32 to vector<16xf32>
        %add3A_2124 = arith.addf %mul3A_2121, %add3A_2123 : vector<16xf32>
        %mul3A_2125 = arith.mulf %add3A_2124, %bitcast3A_2110 : vector<16xf32>
        %add3A_2126 = arith.constant 5.06975651 : f32
        %add3A_2127 = vector.broadcast %add3A_2126 : f32 to vector<16xf32>
        %add3A_2128 = arith.addf %mul3A_2125, %add3A_2127 : vector<16xf32>
        %mul3A_2129 = arith.mulf %add3A_2128, %bitcast3A_2110 : vector<16xf32>
        %add3A_2130 = arith.constant -2.79415369 : f32
        %add3A_2131 = vector.broadcast %add3A_2130 : f32 to vector<16xf32>
        %add3A_2132 = arith.addf %mul3A_2129, %add3A_2131 : vector<16xf32>
        %convert_element_type3A_2133 = arith.sitofp %sub3A_2103 : vector<16xi32> to vector<16xf32>
        %add3A_2134 = arith.addf %convert_element_type3A_2133, %add3A_2132 : vector<16xf32>
        %add3A_2135 = arith.addf %scan3A_2025, %add3A_2134 : vector<16xf32>
        scf.yield %add3A_2089, %add3A_2135 : vector<16xf32>, vector<16xf32>
      }
      %scan3A_182 = arith.constant 31 : i32
      %get3A_183 = arith.constant 0 : i32
      %get3A_184 = arith.constant 1 : i32
      %get3A_185 = arith.index_cast %get3A_183 : i32 to index
      %get3A_186 = arith.index_cast %get3A_184 : i32 to index
      %get3A_187 = arith.constant 984 : index
      %get3A_188 = tpu.vector_load %arg5[%get3A_185, %get3A_186, %get3A_187] {strides = array<i32>} : memref<2x8x1000xf32, #tpu.memory_space<vmem>>, vector<16xf32>,
      %ge3A_189 = arith.constant 8 : i32
      %ge3A_190 = vector.broadcast %ge3A_189 : i32 to vector<16xi32>
      %ge3A_191 = arith.cmpi sge, %iota3A, %ge3A_190 : vector<16xi32>
      %max3A_192 = arith.constant 9.99999996E-13 : f32
      %max3A_193 = vector.broadcast %max3A_192 : f32 to vector<16xf32>
      %max3A_194 = arith.maximumf %get3A_188, %max3A_193 : vector<16xf32>
      %jit3A_195 = arith.constant 1.000000e+00 : f32
      %broadcast_in_dim3A_196 = vector.broadcast %jit3A_195 : f32 to vector<16xf32>
      %select_n3A_197 = arith.select %ge3A_191, %max3A_194, %broadcast_in_dim3A_196 : vector<16xi1>, vector<16xf32>
      %max3A_198 = arith.constant 9.99999996E-13 : f32
      %max3A_199 = vector.broadcast %max3A_198 : f32 to vector<16xf32>
      %max3A_200 = arith.maximumf %get3A_188, %max3A_199 : vector<16xf32>
      %sub3A_201 = arith.constant 1.000000e+00 : f32
      %sub3A_202 = vector.broadcast %sub3A_201 : f32 to vector<16xf32>
      %sub3A_203 = arith.subf %sub3A_202, %max3A_200 : vector<16xf32>
      %jit3A_204 = arith.constant 1.000000e+00 : f32
      %broadcast_in_dim3A_205 = vector.broadcast %jit3A_204 : f32 to vector<16xf32>
      %select_n3A_206 = arith.select %ge3A_191, %sub3A_203, %broadcast_in_dim3A_205 : vector<16xi1>, vector<16xf32>
      %bitcast3A_207 = vector.bitcast %select_n3A_197 : vector<16xf32> to vector<16xi32>
      %shift_right_arithmetic3A_208 = arith.constant 23 : i32
      %shift_right_arithmetic3A_209 = vector.broadcast %shift_right_arithmetic3A_208 : i32 to vector<16xi32>
      %shift_right_arithmetic3A_210 = arith.shrsi %bitcast3A_207, %shift_right_arithmetic3A_209 : vector<16xi32>
      %sub3A_211 = arith.constant 127 : i32
      %sub3A_212 = vector.broadcast %sub3A_211 : i32 to vector<16xi32>
      %sub3A_213 = arith.subi %shift_right_arithmetic3A_210, %sub3A_212 : vector<16xi32>
      %and3A_214 = arith.constant 8388607 : i32
      %and3A_215 = vector.broadcast %and3A_214 : i32 to vector<16xi32>
      %and3A_216 = arith.andi %bitcast3A_207, %and3A_215 : vector<16xi32>
      %or3A_217 = arith.constant 1065353216 : i32
      %or3A_218 = vector.broadcast %or3A_217 : i32 to vector<16xi32>
      %or3A_219 = arith.ori %and3A_216, %or3A_218 : vector<16xi32>
      %bitcast3A_220 = vector.bitcast %or3A_219 : vector<16xi32> to vector<16xf32>
      %mul3A_221 = arith.constant 0.0439286269 : f32
      %mul3A_222 = vector.broadcast %mul3A_221 : f32 to vector<16xf32>
      %mul3A_223 = arith.mulf %mul3A_222, %bitcast3A_220 : vector<16xf32>
      %add3A_224 = arith.constant -0.409475595 : f32
      %add3A_225 = vector.broadcast %add3A_224 : f32 to vector<16xf32>
      %add3A_226 = arith.addf %mul3A_223, %add3A_225 : vector<16xf32>
      %mul3A_227 = arith.mulf %add3A_226, %bitcast3A_220 : vector<16xf32>
      %add3A_228 = arith.constant 1.61017752 : f32
      %add3A_229 = vector.broadcast %add3A_228 : f32 to vector<16xf32>
      %add3A_230 = arith.addf %mul3A_227, %add3A_229 : vector<16xf32>
      %mul3A_231 = arith.mulf %add3A_230, %bitcast3A_220 : vector<16xf32>
      %add3A_232 = arith.constant -3.52021885 : f32
      %add3A_233 = vector.broadcast %add3A_232 : f32 to vector<16xf32>
      %add3A_234 = arith.addf %mul3A_231, %add3A_233 : vector<16xf32>
      %mul3A_235 = arith.mulf %add3A_234, %bitcast3A_220 : vector<16xf32>
      %add3A_236 = arith.constant 5.06975651 : f32
      %add3A_237 = vector.broadcast %add3A_236 : f32 to vector<16xf32>
      %add3A_238 = arith.addf %mul3A_235, %add3A_237 : vector<16xf32>
      %mul3A_239 = arith.mulf %add3A_238, %bitcast3A_220 : vector<16xf32>
      %add3A_240 = arith.constant -2.79415369 : f32
      %add3A_241 = vector.broadcast %add3A_240 : f32 to vector<16xf32>
      %add3A_242 = arith.addf %mul3A_239, %add3A_241 : vector<16xf32>
      %convert_element_type3A_243 = arith.sitofp %sub3A_213 : vector<16xi32> to vector<16xf32>
      %add3A_244 = arith.addf %convert_element_type3A_243, %add3A_242 : vector<16xf32>
      %add3A_245 = arith.addf %scan3A_181#0, %add3A_244 : vector<16xf32>
      %bitcast3A_246 = vector.bitcast %select_n3A_206 : vector<16xf32> to vector<16xi32>
      %shift_right_arithmetic3A_247 = arith.constant 23 : i32
      %shift_right_arithmetic3A_248 = vector.broadcast %shift_right_arithmetic3A_247 : i32 to vector<16xi32>
      %shift_right_arithmetic3A_249 = arith.shrsi %bitcast3A_246, %shift_right_arithmetic3A_248 : vector<16xi32>
      %sub3A_250 = arith.constant 127 : i32
      %sub3A_251 = vector.broadcast %sub3A_250 : i32 to vector<16xi32>
      %sub3A_252 = arith.subi %shift_right_arithmetic3A_249, %sub3A_251 : vector<16xi32>
      %and3A_253 = arith.constant 8388607 : i32
      %and3A_254 = vector.broadcast %and3A_253 : i32 to vector<16xi32>
      %and3A_255 = arith.andi %bitcast3A_246, %and3A_254 : vector<16xi32>
      %or3A_256 = arith.constant 1065353216 : i32
      %or3A_257 = vector.broadcast %or3A_256 : i32 to vector<16xi32>
      %or3A_258 = arith.ori %and3A_255, %or3A_257 : vector<16xi32>
      %bitcast3A_259 = vector.bitcast %or3A_258 : vector<16xi32> to vector<16xf32>
      %mul3A_260 = arith.constant 0.0439286269 : f32
      %mul3A_261 = vector.broadcast %mul3A_260 : f32 to vector<16xf32>
      %mul3A_262 = arith.mulf %mul3A_261, %bitcast3A_259 : vector<16xf32>
      %add3A_263 = arith.constant -0.409475595 : f32
      %add3A_264 = vector.broadcast %add3A_263 : f32 to vector<16xf32>
      %add3A_265 = arith.addf %mul3A_262, %add3A_264 : vector<16xf32>
      %mul3A_266 = arith.mulf %add3A_265, %bitcast3A_259 : vector<16xf32>
      %add3A_267 = arith.constant 1.61017752 : f32
      %add3A_268 = vector.broadcast %add3A_267 : f32 to vector<16xf32>
      %add3A_269 = arith.addf %mul3A_266, %add3A_268 : vector<16xf32>
      %mul3A_270 = arith.mulf %add3A_269, %bitcast3A_259 : vector<16xf32>
      %add3A_271 = arith.constant -3.52021885 : f32
      %add3A_272 = vector.broadcast %add3A_271 : f32 to vector<16xf32>
      %add3A_273 = arith.addf %mul3A_270, %add3A_272 : vector<16xf32>
      %mul3A_274 = arith.mulf %add3A_273, %bitcast3A_259 : vector<16xf32>
      %add3A_275 = arith.constant 5.06975651 : f32
      %add3A_276 = vector.broadcast %add3A_275 : f32 to vector<16xf32>
      %add3A_277 = arith.addf %mul3A_274, %add3A_276 : vector<16xf32>
      %mul3A_278 = arith.mulf %add3A_277, %bitcast3A_259 : vector<16xf32>
      %add3A_279 = arith.constant -2.79415369 : f32
      %add3A_280 = vector.broadcast %add3A_279 : f32 to vector<16xf32>
      %add3A_281 = arith.addf %mul3A_278, %add3A_280 : vector<16xf32>
      %convert_element_type3A_282 = arith.sitofp %sub3A_252 : vector<16xi32> to vector<16xf32>
      %add3A_283 = arith.addf %convert_element_type3A_282, %add3A_281 : vector<16xf32>
      %add3A_284 = arith.addf %scan3A_181#1, %add3A_283 : vector<16xf32>
      %scan3A_285 = arith.constant 0 : i32
      %scan3A_286 = arith.constant 31 : i32
      %scan3A_287 = arith.addi %scan3A_285, %scan3A_286 : i32
      %scan3A_288 = arith.constant 1 : i32
      %scan3A_289:2 = scf.for %scan3A_2023 = %scan3A_285 to %scan3A_287 step %scan3A_288 iter_args(%scan3A_2024 = %add3A_245, %scan3A_2025 = %add3A_284) -> (vector<16xf32>, vector<16xf32>)  : i32 {
        %mul3A_2026 = arith.constant 32 : i32
        %mul3A_2027 = arith.muli %mul3A_2026, %scan3A_2023 : i32
        %get3A_2028 = arith.constant 0 : i32
        %get3A_2029 = arith.constant 2 : i32
        %get3A_2030 = arith.index_cast %get3A_2028 : i32 to index
        %get3A_2031 = arith.index_cast %get3A_2029 : i32 to index
        %get3A_2032 = arith.index_cast %mul3A_2027 : i32 to index
        %get3A_2033 = tpu.vector_load %arg5[%get3A_2030, %get3A_2031, %get3A_2032] {strides = array<i32>} : memref<2x8x1000xf32, #tpu.memory_space<vmem>>, vector<16xf32>,
        %mul3A_2034 = arith.constant 32 : i32
        %mul3A_2035 = arith.muli %mul3A_2034, %scan3A_2023 : i32
        %add3A_2036 = arith.constant 16 : i32
        %add3A_2037 = arith.addi %mul3A_2035, %add3A_2036 : i32
        %get3A_2038 = arith.constant 0 : i32
        %get3A_2039 = arith.constant 2 : i32
        %get3A_2040 = arith.index_cast %get3A_2038 : i32 to index
        %get3A_2041 = arith.index_cast %get3A_2039 : i32 to index
        %get3A_2042 = arith.index_cast %add3A_2037 : i32 to index
        %get3A_2043 = tpu.vector_load %arg5[%get3A_2040, %get3A_2041, %get3A_2042] {strides = array<i32>} : memref<2x8x1000xf32, #tpu.memory_space<vmem>>, vector<16xf32>,
        %max3A_2044 = arith.constant 9.99999996E-13 : f32
        %max3A_2045 = vector.broadcast %max3A_2044 : f32 to vector<16xf32>
        %max3A_2046 = arith.maximumf %get3A_2033, %max3A_2045 : vector<16xf32>
        %max3A_2047 = arith.constant 9.99999996E-13 : f32
        %max3A_2048 = vector.broadcast %max3A_2047 : f32 to vector<16xf32>
        %max3A_2049 = arith.maximumf %get3A_2043, %max3A_2048 : vector<16xf32>
        %mul3A_2050 = arith.mulf %max3A_2046, %max3A_2049 : vector<16xf32>
        %bitcast3A_2051 = vector.bitcast %mul3A_2050 : vector<16xf32> to vector<16xi32>
        %shift_right_arithmetic3A_2052 = arith.constant 23 : i32
        %shift_right_arithmetic3A_2053 = vector.broadcast %shift_right_arithmetic3A_2052 : i32 to vector<16xi32>
        %shift_right_arithmetic3A_2054 = arith.shrsi %bitcast3A_2051, %shift_right_arithmetic3A_2053 : vector<16xi32>
        %sub3A_2055 = arith.constant 127 : i32
        %sub3A_2056 = vector.broadcast %sub3A_2055 : i32 to vector<16xi32>
        %sub3A_2057 = arith.subi %shift_right_arithmetic3A_2054, %sub3A_2056 : vector<16xi32>
        %and3A_2058 = arith.constant 8388607 : i32
        %and3A_2059 = vector.broadcast %and3A_2058 : i32 to vector<16xi32>
        %and3A_2060 = arith.andi %bitcast3A_2051, %and3A_2059 : vector<16xi32>
        %or3A_2061 = arith.constant 1065353216 : i32
        %or3A_2062 = vector.broadcast %or3A_2061 : i32 to vector<16xi32>
        %or3A_2063 = arith.ori %and3A_2060, %or3A_2062 : vector<16xi32>
        %bitcast3A_2064 = vector.bitcast %or3A_2063 : vector<16xi32> to vector<16xf32>
        %mul3A_2065 = arith.constant 0.0439286269 : f32
        %mul3A_2066 = vector.broadcast %mul3A_2065 : f32 to vector<16xf32>
        %mul3A_2067 = arith.mulf %mul3A_2066, %bitcast3A_2064 : vector<16xf32>
        %add3A_2068 = arith.constant -0.409475595 : f32
        %add3A_2069 = vector.broadcast %add3A_2068 : f32 to vector<16xf32>
        %add3A_2070 = arith.addf %mul3A_2067, %add3A_2069 : vector<16xf32>
        %mul3A_2071 = arith.mulf %add3A_2070, %bitcast3A_2064 : vector<16xf32>
        %add3A_2072 = arith.constant 1.61017752 : f32
        %add3A_2073 = vector.broadcast %add3A_2072 : f32 to vector<16xf32>
        %add3A_2074 = arith.addf %mul3A_2071, %add3A_2073 : vector<16xf32>
        %mul3A_2075 = arith.mulf %add3A_2074, %bitcast3A_2064 : vector<16xf32>
        %add3A_2076 = arith.constant -3.52021885 : f32
        %add3A_2077 = vector.broadcast %add3A_2076 : f32 to vector<16xf32>
        %add3A_2078 = arith.addf %mul3A_2075, %add3A_2077 : vector<16xf32>
        %mul3A_2079 = arith.mulf %add3A_2078, %bitcast3A_2064 : vector<16xf32>
        %add3A_2080 = arith.constant 5.06975651 : f32
        %add3A_2081 = vector.broadcast %add3A_2080 : f32 to vector<16xf32>
        %add3A_2082 = arith.addf %mul3A_2079, %add3A_2081 : vector<16xf32>
        %mul3A_2083 = arith.mulf %add3A_2082, %bitcast3A_2064 : vector<16xf32>
        %add3A_2084 = arith.constant -2.79415369 : f32
        %add3A_2085 = vector.broadcast %add3A_2084 : f32 to vector<16xf32>
        %add3A_2086 = arith.addf %mul3A_2083, %add3A_2085 : vector<16xf32>
        %convert_element_type3A_2087 = arith.sitofp %sub3A_2057 : vector<16xi32> to vector<16xf32>
        %add3A_2088 = arith.addf %convert_element_type3A_2087, %add3A_2086 : vector<16xf32>
        %add3A_2089 = arith.addf %scan3A_2024, %add3A_2088 : vector<16xf32>
        %sub3A_2090 = arith.constant 1.000000e+00 : f32
        %sub3A_2091 = vector.broadcast %sub3A_2090 : f32 to vector<16xf32>
        %sub3A_2092 = arith.subf %sub3A_2091, %max3A_2046 : vector<16xf32>
        %sub3A_2093 = arith.constant 1.000000e+00 : f32
        %sub3A_2094 = vector.broadcast %sub3A_2093 : f32 to vector<16xf32>
        %sub3A_2095 = arith.subf %sub3A_2094, %max3A_2049 : vector<16xf32>
        %mul3A_2096 = arith.mulf %sub3A_2092, %sub3A_2095 : vector<16xf32>
        %bitcast3A_2097 = vector.bitcast %mul3A_2096 : vector<16xf32> to vector<16xi32>
        %shift_right_arithmetic3A_2098 = arith.constant 23 : i32
        %shift_right_arithmetic3A_2099 = vector.broadcast %shift_right_arithmetic3A_2098 : i32 to vector<16xi32>
        %shift_right_arithmetic3A_2100 = arith.shrsi %bitcast3A_2097, %shift_right_arithmetic3A_2099 : vector<16xi32>
        %sub3A_2101 = arith.constant 127 : i32
        %sub3A_2102 = vector.broadcast %sub3A_2101 : i32 to vector<16xi32>
        %sub3A_2103 = arith.subi %shift_right_arithmetic3A_2100, %sub3A_2102 : vector<16xi32>
        %and3A_2104 = arith.constant 8388607 : i32
        %and3A_2105 = vector.broadcast %and3A_2104 : i32 to vector<16xi32>
        %and3A_2106 = arith.andi %bitcast3A_2097, %and3A_2105 : vector<16xi32>
        %or3A_2107 = arith.constant 1065353216 : i32
        %or3A_2108 = vector.broadcast %or3A_2107 : i32 to vector<16xi32>
        %or3A_2109 = arith.ori %and3A_2106, %or3A_2108 : vector<16xi32>
        %bitcast3A_2110 = vector.bitcast %or3A_2109 : vector<16xi32> to vector<16xf32>
        %mul3A_2111 = arith.constant 0.0439286269 : f32
        %mul3A_2112 = vector.broadcast %mul3A_2111 : f32 to vector<16xf32>
        %mul3A_2113 = arith.mulf %mul3A_2112, %bitcast3A_2110 : vector<16xf32>
        %add3A_2114 = arith.constant -0.409475595 : f32
        %add3A_2115 = vector.broadcast %add3A_2114 : f32 to vector<16xf32>
        %add3A_2116 = arith.addf %mul3A_2113, %add3A_2115 : vector<16xf32>
        %mul3A_2117 = arith.mulf %add3A_2116, %bitcast3A_2110 : vector<16xf32>
        %add3A_2118 = arith.constant 1.61017752 : f32
        %add3A_2119 = vector.broadcast %add3A_2118 : f32 to vector<16xf32>
        %add3A_2120 = arith.addf %mul3A_2117, %add3A_2119 : vector<16xf32>
        %mul3A_2121 = arith.mulf %add3A_2120, %bitcast3A_2110 : vector<16xf32>
        %add3A_2122 = arith.constant -3.52021885 : f32
        %add3A_2123 = vector.broadcast %add3A_2122 : f32 to vector<16xf32>
        %add3A_2124 = arith.addf %mul3A_2121, %add3A_2123 : vector<16xf32>
        %mul3A_2125 = arith.mulf %add3A_2124, %bitcast3A_2110 : vector<16xf32>
        %add3A_2126 = arith.constant 5.06975651 : f32
        %add3A_2127 = vector.broadcast %add3A_2126 : f32 to vector<16xf32>
        %add3A_2128 = arith.addf %mul3A_2125, %add3A_2127 : vector<16xf32>
        %mul3A_2129 = arith.mulf %add3A_2128, %bitcast3A_2110 : vector<16xf32>
        %add3A_2130 = arith.constant -2.79415369 : f32
        %add3A_2131 = vector.broadcast %add3A_2130 : f32 to vector<16xf32>
        %add3A_2132 = arith.addf %mul3A_2129, %add3A_2131 : vector<16xf32>
        %convert_element_type3A_2133 = arith.sitofp %sub3A_2103 : vector<16xi32> to vector<16xf32>
        %add3A_2134 = arith.addf %convert_element_type3A_2133, %add3A_2132 : vector<16xf32>
        %add3A_2135 = arith.addf %scan3A_2025, %add3A_2134 : vector<16xf32>
        scf.yield %add3A_2089, %add3A_2135 : vector<16xf32>, vector<16xf32>
      }
      %scan3A_290 = arith.constant 31 : i32
      %get3A_291 = arith.constant 0 : i32
      %get3A_292 = arith.constant 2 : i32
      %get3A_293 = arith.index_cast %get3A_291 : i32 to index
      %get3A_294 = arith.index_cast %get3A_292 : i32 to index
      %get3A_295 = arith.constant 984 : index
      %get3A_296 = tpu.vector_load %arg5[%get3A_293, %get3A_294, %get3A_295] {strides = array<i32>} : memref<2x8x1000xf32, #tpu.memory_space<vmem>>, vector<16xf32>,
      %ge3A_297 = arith.constant 8 : i32
      %ge3A_298 = vector.broadcast %ge3A_297 : i32 to vector<16xi32>
      %ge3A_299 = arith.cmpi sge, %iota3A, %ge3A_298 : vector<16xi32>
      %max3A_300 = arith.constant 9.99999996E-13 : f32
      %max3A_301 = vector.broadcast %max3A_300 : f32 to vector<16xf32>
      %max3A_302 = arith.maximumf %get3A_296, %max3A_301 : vector<16xf32>
      %jit3A_303 = arith.constant 1.000000e+00 : f32
      %broadcast_in_dim3A_304 = vector.broadcast %jit3A_303 : f32 to vector<16xf32>
      %select_n3A_305 = arith.select %ge3A_299, %max3A_302, %broadcast_in_dim3A_304 : vector<16xi1>, vector<16xf32>
      %max3A_306 = arith.constant 9.99999996E-13 : f32
      %max3A_307 = vector.broadcast %max3A_306 : f32 to vector<16xf32>
      %max3A_308 = arith.maximumf %get3A_296, %max3A_307 : vector<16xf32>
      %sub3A_309 = arith.constant 1.000000e+00 : f32
      %sub3A_310 = vector.broadcast %sub3A_309 : f32 to vector<16xf32>
      %sub3A_311 = arith.subf %sub3A_310, %max3A_308 : vector<16xf32>
      %jit3A_312 = arith.constant 1.000000e+00 : f32
      %broadcast_in_dim3A_313 = vector.broadcast %jit3A_312 : f32 to vector<16xf32>
      %select_n3A_314 = arith.select %ge3A_299, %sub3A_311, %broadcast_in_dim3A_313 : vector<16xi1>, vector<16xf32>
      %bitcast3A_315 = vector.bitcast %select_n3A_305 : vector<16xf32> to vector<16xi32>
      %shift_right_arithmetic3A_316 = arith.constant 23 : i32
      %shift_right_arithmetic3A_317 = vector.broadcast %shift_right_arithmetic3A_316 : i32 to vector<16xi32>
      %shift_right_arithmetic3A_318 = arith.shrsi %bitcast3A_315, %shift_right_arithmetic3A_317 : vector<16xi32>
      %sub3A_319 = arith.constant 127 : i32
      %sub3A_320 = vector.broadcast %sub3A_319 : i32 to vector<16xi32>
      %sub3A_321 = arith.subi %shift_right_arithmetic3A_318, %sub3A_320 : vector<16xi32>
      %and3A_322 = arith.constant 8388607 : i32
      %and3A_323 = vector.broadcast %and3A_322 : i32 to vector<16xi32>
      %and3A_324 = arith.andi %bitcast3A_315, %and3A_323 : vector<16xi32>
      %or3A_325 = arith.constant 1065353216 : i32
      %or3A_326 = vector.broadcast %or3A_325 : i32 to vector<16xi32>
      %or3A_327 = arith.ori %and3A_324, %or3A_326 : vector<16xi32>
      %bitcast3A_328 = vector.bitcast %or3A_327 : vector<16xi32> to vector<16xf32>
      %mul3A_329 = arith.constant 0.0439286269 : f32
      %mul3A_330 = vector.broadcast %mul3A_329 : f32 to vector<16xf32>
      %mul3A_331 = arith.mulf %mul3A_330, %bitcast3A_328 : vector<16xf32>
      %add3A_332 = arith.constant -0.409475595 : f32
      %add3A_333 = vector.broadcast %add3A_332 : f32 to vector<16xf32>
      %add3A_334 = arith.addf %mul3A_331, %add3A_333 : vector<16xf32>
      %mul3A_335 = arith.mulf %add3A_334, %bitcast3A_328 : vector<16xf32>
      %add3A_336 = arith.constant 1.61017752 : f32
      %add3A_337 = vector.broadcast %add3A_336 : f32 to vector<16xf32>
      %add3A_338 = arith.addf %mul3A_335, %add3A_337 : vector<16xf32>
      %mul3A_339 = arith.mulf %add3A_338, %bitcast3A_328 : vector<16xf32>
      %add3A_340 = arith.constant -3.52021885 : f32
      %add3A_341 = vector.broadcast %add3A_340 : f32 to vector<16xf32>
      %add3A_342 = arith.addf %mul3A_339, %add3A_341 : vector<16xf32>
      %mul3A_343 = arith.mulf %add3A_342, %bitcast3A_328 : vector<16xf32>
      %add3A_344 = arith.constant 5.06975651 : f32
      %add3A_345 = vector.broadcast %add3A_344 : f32 to vector<16xf32>
      %add3A_346 = arith.addf %mul3A_343, %add3A_345 : vector<16xf32>
      %mul3A_347 = arith.mulf %add3A_346, %bitcast3A_328 : vector<16xf32>
      %add3A_348 = arith.constant -2.79415369 : f32
      %add3A_349 = vector.broadcast %add3A_348 : f32 to vector<16xf32>
      %add3A_350 = arith.addf %mul3A_347, %add3A_349 : vector<16xf32>
      %convert_element_type3A_351 = arith.sitofp %sub3A_321 : vector<16xi32> to vector<16xf32>
      %add3A_352 = arith.addf %convert_element_type3A_351, %add3A_350 : vector<16xf32>
      %add3A_353 = arith.addf %scan3A_289#0, %add3A_352 : vector<16xf32>
      %bitcast3A_354 = vector.bitcast %select_n3A_314 : vector<16xf32> to vector<16xi32>
      %shift_right_arithmetic3A_355 = arith.constant 23 : i32
      %shift_right_arithmetic3A_356 = vector.broadcast %shift_right_arithmetic3A_355 : i32 to vector<16xi32>
      %shift_right_arithmetic3A_357 = arith.shrsi %bitcast3A_354, %shift_right_arithmetic3A_356 : vector<16xi32>
      %sub3A_358 = arith.constant 127 : i32
      %sub3A_359 = vector.broadcast %sub3A_358 : i32 to vector<16xi32>
      %sub3A_360 = arith.subi %shift_right_arithmetic3A_357, %sub3A_359 : vector<16xi32>
      %and3A_361 = arith.constant 8388607 : i32
      %and3A_362 = vector.broadcast %and3A_361 : i32 to vector<16xi32>
      %and3A_363 = arith.andi %bitcast3A_354, %and3A_362 : vector<16xi32>
      %or3A_364 = arith.constant 1065353216 : i32
      %or3A_365 = vector.broadcast %or3A_364 : i32 to vector<16xi32>
      %or3A_366 = arith.ori %and3A_363, %or3A_365 : vector<16xi32>
      %bitcast3A_367 = vector.bitcast %or3A_366 : vector<16xi32> to vector<16xf32>
      %mul3A_368 = arith.constant 0.0439286269 : f32
      %mul3A_369 = vector.broadcast %mul3A_368 : f32 to vector<16xf32>
      %mul3A_370 = arith.mulf %mul3A_369, %bitcast3A_367 : vector<16xf32>
      %add3A_371 = arith.constant -0.409475595 : f32
      %add3A_372 = vector.broadcast %add3A_371 : f32 to vector<16xf32>
      %add3A_373 = arith.addf %mul3A_370, %add3A_372 : vector<16xf32>
      %mul3A_374 = arith.mulf %add3A_373, %bitcast3A_367 : vector<16xf32>
      %add3A_375 = arith.constant 1.61017752 : f32
      %add3A_376 = vector.broadcast %add3A_375 : f32 to vector<16xf32>
      %add3A_377 = arith.addf %mul3A_374, %add3A_376 : vector<16xf32>
      %mul3A_378 = arith.mulf %add3A_377, %bitcast3A_367 : vector<16xf32>
      %add3A_379 = arith.constant -3.52021885 : f32
      %add3A_380 = vector.broadcast %add3A_379 : f32 to vector<16xf32>
      %add3A_381 = arith.addf %mul3A_378, %add3A_380 : vector<16xf32>
      %mul3A_382 = arith.mulf %add3A_381, %bitcast3A_367 : vector<16xf32>
      %add3A_383 = arith.constant 5.06975651 : f32
      %add3A_384 = vector.broadcast %add3A_383 : f32 to vector<16xf32>
      %add3A_385 = arith.addf %mul3A_382, %add3A_384 : vector<16xf32>
      %mul3A_386 = arith.mulf %add3A_385, %bitcast3A_367 : vector<16xf32>
      %add3A_387 = arith.constant -2.79415369 : f32
      %add3A_388 = vector.broadcast %add3A_387 : f32 to vector<16xf32>
      %add3A_389 = arith.addf %mul3A_386, %add3A_388 : vector<16xf32>
      %convert_element_type3A_390 = arith.sitofp %sub3A_360 : vector<16xi32> to vector<16xf32>
      %add3A_391 = arith.addf %convert_element_type3A_390, %add3A_389 : vector<16xf32>
      %add3A_392 = arith.addf %scan3A_289#1, %add3A_391 : vector<16xf32>
      %scan3A_393 = arith.constant 0 : i32
      %scan3A_394 = arith.constant 31 : i32
      %scan3A_395 = arith.addi %scan3A_393, %scan3A_394 : i32
      %scan3A_396 = arith.constant 1 : i32
      %scan3A_397:2 = scf.for %scan3A_2023 = %scan3A_393 to %scan3A_395 step %scan3A_396 iter_args(%scan3A_2024 = %add3A_353, %scan3A_2025 = %add3A_392) -> (vector<16xf32>, vector<16xf32>)  : i32 {
        %mul3A_2026 = arith.constant 32 : i32
        %mul3A_2027 = arith.muli %mul3A_2026, %scan3A_2023 : i32
        %get3A_2028 = arith.constant 0 : i32
        %get3A_2029 = arith.constant 3 : i32
        %get3A_2030 = arith.index_cast %get3A_2028 : i32 to index
        %get3A_2031 = arith.index_cast %get3A_2029 : i32 to index
        %get3A_2032 = arith.index_cast %mul3A_2027 : i32 to index
        %get3A_2033 = tpu.vector_load %arg5[%get3A_2030, %get3A_2031, %get3A_2032] {strides = array<i32>} : memref<2x8x1000xf32, #tpu.memory_space<vmem>>, vector<16xf32>,
        %mul3A_2034 = arith.constant 32 : i32
        %mul3A_2035 = arith.muli %mul3A_2034, %scan3A_2023 : i32
        %add3A_2036 = arith.constant 16 : i32
        %add3A_2037 = arith.addi %mul3A_2035, %add3A_2036 : i32
        %get3A_2038 = arith.constant 0 : i32
        %get3A_2039 = arith.constant 3 : i32
        %get3A_2040 = arith.index_cast %get3A_2038 : i32 to index
        %get3A_2041 = arith.index_cast %get3A_2039 : i32 to index
        %get3A_2042 = arith.index_cast %add3A_2037 : i32 to index
        %get3A_2043 = tpu.vector_load %arg5[%get3A_2040, %get3A_2041, %get3A_2042] {strides = array<i32>} : memref<2x8x1000xf32, #tpu.memory_space<vmem>>, vector<16xf32>,
        %max3A_2044 = arith.constant 9.99999996E-13 : f32
        %max3A_2045 = vector.broadcast %max3A_2044 : f32 to vector<16xf32>
        %max3A_2046 = arith.maximumf %get3A_2033, %max3A_2045 : vector<16xf32>
        %max3A_2047 = arith.constant 9.99999996E-13 : f32
        %max3A_2048 = vector.broadcast %max3A_2047 : f32 to vector<16xf32>
        %max3A_2049 = arith.maximumf %get3A_2043, %max3A_2048 : vector<16xf32>
        %mul3A_2050 = arith.mulf %max3A_2046, %max3A_2049 : vector<16xf32>
        %bitcast3A_2051 = vector.bitcast %mul3A_2050 : vector<16xf32> to vector<16xi32>
        %shift_right_arithmetic3A_2052 = arith.constant 23 : i32
        %shift_right_arithmetic3A_2053 = vector.broadcast %shift_right_arithmetic3A_2052 : i32 to vector<16xi32>
        %shift_right_arithmetic3A_2054 = arith.shrsi %bitcast3A_2051, %shift_right_arithmetic3A_2053 : vector<16xi32>
        %sub3A_2055 = arith.constant 127 : i32
        %sub3A_2056 = vector.broadcast %sub3A_2055 : i32 to vector<16xi32>
        %sub3A_2057 = arith.subi %shift_right_arithmetic3A_2054, %sub3A_2056 : vector<16xi32>
        %and3A_2058 = arith.constant 8388607 : i32
        %and3A_2059 = vector.broadcast %and3A_2058 : i32 to vector<16xi32>
        %and3A_2060 = arith.andi %bitcast3A_2051, %and3A_2059 : vector<16xi32>
        %or3A_2061 = arith.constant 1065353216 : i32
        %or3A_2062 = vector.broadcast %or3A_2061 : i32 to vector<16xi32>
        %or3A_2063 = arith.ori %and3A_2060, %or3A_2062 : vector<16xi32>
        %bitcast3A_2064 = vector.bitcast %or3A_2063 : vector<16xi32> to vector<16xf32>
        %mul3A_2065 = arith.constant 0.0439286269 : f32
        %mul3A_2066 = vector.broadcast %mul3A_2065 : f32 to vector<16xf32>
        %mul3A_2067 = arith.mulf %mul3A_2066, %bitcast3A_2064 : vector<16xf32>
        %add3A_2068 = arith.constant -0.409475595 : f32
        %add3A_2069 = vector.broadcast %add3A_2068 : f32 to vector<16xf32>
        %add3A_2070 = arith.addf %mul3A_2067, %add3A_2069 : vector<16xf32>
        %mul3A_2071 = arith.mulf %add3A_2070, %bitcast3A_2064 : vector<16xf32>
        %add3A_2072 = arith.constant 1.61017752 : f32
        %add3A_2073 = vector.broadcast %add3A_2072 : f32 to vector<16xf32>
        %add3A_2074 = arith.addf %mul3A_2071, %add3A_2073 : vector<16xf32>
        %mul3A_2075 = arith.mulf %add3A_2074, %bitcast3A_2064 : vector<16xf32>
        %add3A_2076 = arith.constant -3.52021885 : f32
        %add3A_2077 = vector.broadcast %add3A_2076 : f32 to vector<16xf32>
        %add3A_2078 = arith.addf %mul3A_2075, %add3A_2077 : vector<16xf32>
        %mul3A_2079 = arith.mulf %add3A_2078, %bitcast3A_2064 : vector<16xf32>
        %add3A_2080 = arith.constant 5.06975651 : f32
        %add3A_2081 = vector.broadcast %add3A_2080 : f32 to vector<16xf32>
        %add3A_2082 = arith.addf %mul3A_2079, %add3A_2081 : vector<16xf32>
        %mul3A_2083 = arith.mulf %add3A_2082, %bitcast3A_2064 : vector<16xf32>
        %add3A_2084 = arith.constant -2.79415369 : f32
        %add3A_2085 = vector.broadcast %add3A_2084 : f32 to vector<16xf32>
        %add3A_2086 = arith.addf %mul3A_2083, %add3A_2085 : vector<16xf32>
        %convert_element_type3A_2087 = arith.sitofp %sub3A_2057 : vector<16xi32> to vector<16xf32>
        %add3A_2088 = arith.addf %convert_element_type3A_2087, %add3A_2086 : vector<16xf32>
        %add3A_2089 = arith.addf %scan3A_2024, %add3A_2088 : vector<16xf32>
        %sub3A_2090 = arith.constant 1.000000e+00 : f32
        %sub3A_2091 = vector.broadcast %sub3A_2090 : f32 to vector<16xf32>
        %sub3A_2092 = arith.subf %sub3A_2091, %max3A_2046 : vector<16xf32>
        %sub3A_2093 = arith.constant 1.000000e+00 : f32
        %sub3A_2094 = vector.broadcast %sub3A_2093 : f32 to vector<16xf32>
        %sub3A_2095 = arith.subf %sub3A_2094, %max3A_2049 : vector<16xf32>
        %mul3A_2096 = arith.mulf %sub3A_2092, %sub3A_2095 : vector<16xf32>
        %bitcast3A_2097 = vector.bitcast %mul3A_2096 : vector<16xf32> to vector<16xi32>
        %shift_right_arithmetic3A_2098 = arith.constant 23 : i32
        %shift_right_arithmetic3A_2099 = vector.broadcast %shift_right_arithmetic3A_2098 : i32 to vector<16xi32>
        %shift_right_arithmetic3A_2100 = arith.shrsi %bitcast3A_2097, %shift_right_arithmetic3A_2099 : vector<16xi32>
        %sub3A_2101 = arith.constant 127 : i32
        %sub3A_2102 = vector.broadcast %sub3A_2101 : i32 to vector<16xi32>
        %sub3A_2103 = arith.subi %shift_right_arithmetic3A_2100, %sub3A_2102 : vector<16xi32>
        %and3A_2104 = arith.constant 8388607 : i32
        %and3A_2105 = vector.broadcast %and3A_2104 : i32 to vector<16xi32>
        %and3A_2106 = arith.andi %bitcast3A_2097, %and3A_2105 : vector<16xi32>
        %or3A_2107 = arith.constant 1065353216 : i32
        %or3A_2108 = vector.broadcast %or3A_2107 : i32 to vector<16xi32>
        %or3A_2109 = arith.ori %and3A_2106, %or3A_2108 : vector<16xi32>
        %bitcast3A_2110 = vector.bitcast %or3A_2109 : vector<16xi32> to vector<16xf32>
        %mul3A_2111 = arith.constant 0.0439286269 : f32
        %mul3A_2112 = vector.broadcast %mul3A_2111 : f32 to vector<16xf32>
        %mul3A_2113 = arith.mulf %mul3A_2112, %bitcast3A_2110 : vector<16xf32>
        %add3A_2114 = arith.constant -0.409475595 : f32
        %add3A_2115 = vector.broadcast %add3A_2114 : f32 to vector<16xf32>
        %add3A_2116 = arith.addf %mul3A_2113, %add3A_2115 : vector<16xf32>
        %mul3A_2117 = arith.mulf %add3A_2116, %bitcast3A_2110 : vector<16xf32>
        %add3A_2118 = arith.constant 1.61017752 : f32
        %add3A_2119 = vector.broadcast %add3A_2118 : f32 to vector<16xf32>
        %add3A_2120 = arith.addf %mul3A_2117, %add3A_2119 : vector<16xf32>
        %mul3A_2121 = arith.mulf %add3A_2120, %bitcast3A_2110 : vector<16xf32>
        %add3A_2122 = arith.constant -3.52021885 : f32
        %add3A_2123 = vector.broadcast %add3A_2122 : f32 to vector<16xf32>
        %add3A_2124 = arith.addf %mul3A_2121, %add3A_2123 : vector<16xf32>
        %mul3A_2125 = arith.mulf %add3A_2124, %bitcast3A_2110 : vector<16xf32>
        %add3A_2126 = arith.constant 5.06975651 : f32
        %add3A_2127 = vector.broadcast %add3A_2126 : f32 to vector<16xf32>
        %add3A_2128 = arith.addf %mul3A_2125, %add3A_2127 : vector<16xf32>
        %mul3A_2129 = arith.mulf %add3A_2128, %bitcast3A_2110 : vector<16xf32>
        %add3A_2130 = arith.constant -2.79415369 : f32
        %add3A_2131 = vector.broadcast %add3A_2130 : f32 to vector<16xf32>
        %add3A_2132 = arith.addf %mul3A_2129, %add3A_2131 : vector<16xf32>
        %convert_element_type3A_2133 = arith.sitofp %sub3A_2103 : vector<16xi32> to vector<16xf32>
        %add3A_2134 = arith.addf %convert_element_type3A_2133, %add3A_2132 : vector<16xf32>
        %add3A_2135 = arith.addf %scan3A_2025, %add3A_2134 : vector<16xf32>
        scf.yield %add3A_2089, %add3A_2135 : vector<16xf32>, vector<16xf32>
      }
      %scan3A_398 = arith.constant 31 : i32
      %get3A_399 = arith.constant 0 : i32
      %get3A_400 = arith.constant 3 : i32
      %get3A_401 = arith.index_cast %get3A_399 : i32 to index
      %get3A_402 = arith.index_cast %get3A_400 : i32 to index
      %get3A_403 = arith.constant 984 : index
      %get3A_404 = tpu.vector_load %arg5[%get3A_401, %get3A_402, %get3A_403] {strides = array<i32>} : memref<2x8x1000xf32, #tpu.memory_space<vmem>>, vector<16xf32>,
      %ge3A_405 = arith.constant 8 : i32
      %ge3A_406 = vector.broadcast %ge3A_405 : i32 to vector<16xi32>
      %ge3A_407 = arith.cmpi sge, %iota3A, %ge3A_406 : vector<16xi32>
      %max3A_408 = arith.constant 9.99999996E-13 : f32
      %max3A_409 = vector.broadcast %max3A_408 : f32 to vector<16xf32>
      %max3A_410 = arith.maximumf %get3A_404, %max3A_409 : vector<16xf32>
      %jit3A_411 = arith.constant 1.000000e+00 : f32
      %broadcast_in_dim3A_412 = vector.broadcast %jit3A_411 : f32 to vector<16xf32>
      %select_n3A_413 = arith.select %ge3A_407, %max3A_410, %broadcast_in_dim3A_412 : vector<16xi1>, vector<16xf32>
      %max3A_414 = arith.constant 9.99999996E-13 : f32
      %max3A_415 = vector.broadcast %max3A_414 : f32 to vector<16xf32>
      %max3A_416 = arith.maximumf %get3A_404, %max3A_415 : vector<16xf32>
      %sub3A_417 = arith.constant 1.000000e+00 : f32
      %sub3A_418 = vector.broadcast %sub3A_417 : f32 to vector<16xf32>
      %sub3A_419 = arith.subf %sub3A_418, %max3A_416 : vector<16xf32>
      %jit3A_420 = arith.constant 1.000000e+00 : f32
      %broadcast_in_dim3A_421 = vector.broadcast %jit3A_420 : f32 to vector<16xf32>
      %select_n3A_422 = arith.select %ge3A_407, %sub3A_419, %broadcast_in_dim3A_421 : vector<16xi1>, vector<16xf32>
      %bitcast3A_423 = vector.bitcast %select_n3A_413 : vector<16xf32> to vector<16xi32>
      %shift_right_arithmetic3A_424 = arith.constant 23 : i32
      %shift_right_arithmetic3A_425 = vector.broadcast %shift_right_arithmetic3A_424 : i32 to vector<16xi32>
      %shift_right_arithmetic3A_426 = arith.shrsi %bitcast3A_423, %shift_right_arithmetic3A_425 : vector<16xi32>
      %sub3A_427 = arith.constant 127 : i32
      %sub3A_428 = vector.broadcast %sub3A_427 : i32 to vector<16xi32>
      %sub3A_429 = arith.subi %shift_right_arithmetic3A_426, %sub3A_428 : vector<16xi32>
      %and3A_430 = arith.constant 8388607 : i32
      %and3A_431 = vector.broadcast %and3A_430 : i32 to vector<16xi32>
      %and3A_432 = arith.andi %bitcast3A_423, %and3A_431 : vector<16xi32>
      %or3A_433 = arith.constant 1065353216 : i32
      %or3A_434 = vector.broadcast %or3A_433 : i32 to vector<16xi32>
      %or3A_435 = arith.ori %and3A_432, %or3A_434 : vector<16xi32>
      %bitcast3A_436 = vector.bitcast %or3A_435 : vector<16xi32> to vector<16xf32>
      %mul3A_437 = arith.constant 0.0439286269 : f32
      %mul3A_438 = vector.broadcast %mul3A_437 : f32 to vector<16xf32>
      %mul3A_439 = arith.mulf %mul3A_438, %bitcast3A_436 : vector<16xf32>
      %add3A_440 = arith.constant -0.409475595 : f32
      %add3A_441 = vector.broadcast %add3A_440 : f32 to vector<16xf32>
      %add3A_442 = arith.addf %mul3A_439, %add3A_441 : vector<16xf32>
      %mul3A_443 = arith.mulf %add3A_442, %bitcast3A_436 : vector<16xf32>
      %add3A_444 = arith.constant 1.61017752 : f32
      %add3A_445 = vector.broadcast %add3A_444 : f32 to vector<16xf32>
      %add3A_446 = arith.addf %mul3A_443, %add3A_445 : vector<16xf32>
      %mul3A_447 = arith.mulf %add3A_446, %bitcast3A_436 : vector<16xf32>
      %add3A_448 = arith.constant -3.52021885 : f32
      %add3A_449 = vector.broadcast %add3A_448 : f32 to vector<16xf32>
      %add3A_450 = arith.addf %mul3A_447, %add3A_449 : vector<16xf32>
      %mul3A_451 = arith.mulf %add3A_450, %bitcast3A_436 : vector<16xf32>
      %add3A_452 = arith.constant 5.06975651 : f32
      %add3A_453 = vector.broadcast %add3A_452 : f32 to vector<16xf32>
      %add3A_454 = arith.addf %mul3A_451, %add3A_453 : vector<16xf32>
      %mul3A_455 = arith.mulf %add3A_454, %bitcast3A_436 : vector<16xf32>
      %add3A_456 = arith.constant -2.79415369 : f32
      %add3A_457 = vector.broadcast %add3A_456 : f32 to vector<16xf32>
      %add3A_458 = arith.addf %mul3A_455, %add3A_457 : vector<16xf32>
      %convert_element_type3A_459 = arith.sitofp %sub3A_429 : vector<16xi32> to vector<16xf32>
      %add3A_460 = arith.addf %convert_element_type3A_459, %add3A_458 : vector<16xf32>
      %add3A_461 = arith.addf %scan3A_397#0, %add3A_460 : vector<16xf32>
      %bitcast3A_462 = vector.bitcast %select_n3A_422 : vector<16xf32> to vector<16xi32>
      %shift_right_arithmetic3A_463 = arith.constant 23 : i32
      %shift_right_arithmetic3A_464 = vector.broadcast %shift_right_arithmetic3A_463 : i32 to vector<16xi32>
      %shift_right_arithmetic3A_465 = arith.shrsi %bitcast3A_462, %shift_right_arithmetic3A_464 : vector<16xi32>
      %sub3A_466 = arith.constant 127 : i32
      %sub3A_467 = vector.broadcast %sub3A_466 : i32 to vector<16xi32>
      %sub3A_468 = arith.subi %shift_right_arithmetic3A_465, %sub3A_467 : vector<16xi32>
      %and3A_469 = arith.constant 8388607 : i32
      %and3A_470 = vector.broadcast %and3A_469 : i32 to vector<16xi32>
      %and3A_471 = arith.andi %bitcast3A_462, %and3A_470 : vector<16xi32>
      %or3A_472 = arith.constant 1065353216 : i32
      %or3A_473 = vector.broadcast %or3A_472 : i32 to vector<16xi32>
      %or3A_474 = arith.ori %and3A_471, %or3A_473 : vector<16xi32>
      %bitcast3A_475 = vector.bitcast %or3A_474 : vector<16xi32> to vector<16xf32>
      %mul3A_476 = arith.constant 0.0439286269 : f32
      %mul3A_477 = vector.broadcast %mul3A_476 : f32 to vector<16xf32>
      %mul3A_478 = arith.mulf %mul3A_477, %bitcast3A_475 : vector<16xf32>
      %add3A_479 = arith.constant -0.409475595 : f32
      %add3A_480 = vector.broadcast %add3A_479 : f32 to vector<16xf32>
      %add3A_481 = arith.addf %mul3A_478, %add3A_480 : vector<16xf32>
      %mul3A_482 = arith.mulf %add3A_481, %bitcast3A_475 : vector<16xf32>
      %add3A_483 = arith.constant 1.61017752 : f32
      %add3A_484 = vector.broadcast %add3A_483 : f32 to vector<16xf32>
      %add3A_485 = arith.addf %mul3A_482, %add3A_484 : vector<16xf32>
      %mul3A_486 = arith.mulf %add3A_485, %bitcast3A_475 : vector<16xf32>
      %add3A_487 = arith.constant -3.52021885 : f32
      %add3A_488 = vector.broadcast %add3A_487 : f32 to vector<16xf32>
      %add3A_489 = arith.addf %mul3A_486, %add3A_488 : vector<16xf32>
      %mul3A_490 = arith.mulf %add3A_489, %bitcast3A_475 : vector<16xf32>
      %add3A_491 = arith.constant 5.06975651 : f32
      %add3A_492 = vector.broadcast %add3A_491 : f32 to vector<16xf32>
      %add3A_493 = arith.addf %mul3A_490, %add3A_492 : vector<16xf32>
      %mul3A_494 = arith.mulf %add3A_493, %bitcast3A_475 : vector<16xf32>
      %add3A_495 = arith.constant -2.79415369 : f32
      %add3A_496 = vector.broadcast %add3A_495 : f32 to vector<16xf32>
      %add3A_497 = arith.addf %mul3A_494, %add3A_496 : vector<16xf32>
      %convert_element_type3A_498 = arith.sitofp %sub3A_468 : vector<16xi32> to vector<16xf32>
      %add3A_499 = arith.addf %convert_element_type3A_498, %add3A_497 : vector<16xf32>
      %add3A_500 = arith.addf %scan3A_397#1, %add3A_499 : vector<16xf32>
      %scan3A_501 = arith.constant 0 : i32
      %scan3A_502 = arith.constant 31 : i32
      %scan3A_503 = arith.addi %scan3A_501, %scan3A_502 : i32
      %scan3A_504 = arith.constant 1 : i32
      %scan3A_505:2 = scf.for %scan3A_2023 = %scan3A_501 to %scan3A_503 step %scan3A_504 iter_args(%scan3A_2024 = %add3A_461, %scan3A_2025 = %add3A_500) -> (vector<16xf32>, vector<16xf32>)  : i32 {
        %mul3A_2026 = arith.constant 32 : i32
        %mul3A_2027 = arith.muli %mul3A_2026, %scan3A_2023 : i32
        %get3A_2028 = arith.constant 0 : i32
        %get3A_2029 = arith.constant 4 : i32
        %get3A_2030 = arith.index_cast %get3A_2028 : i32 to index
        %get3A_2031 = arith.index_cast %get3A_2029 : i32 to index
        %get3A_2032 = arith.index_cast %mul3A_2027 : i32 to index
        %get3A_2033 = tpu.vector_load %arg5[%get3A_2030, %get3A_2031, %get3A_2032] {strides = array<i32>} : memref<2x8x1000xf32, #tpu.memory_space<vmem>>, vector<16xf32>,
        %mul3A_2034 = arith.constant 32 : i32
        %mul3A_2035 = arith.muli %mul3A_2034, %scan3A_2023 : i32
        %add3A_2036 = arith.constant 16 : i32
        %add3A_2037 = arith.addi %mul3A_2035, %add3A_2036 : i32
        %get3A_2038 = arith.constant 0 : i32
        %get3A_2039 = arith.constant 4 : i32
        %get3A_2040 = arith.index_cast %get3A_2038 : i32 to index
        %get3A_2041 = arith.index_cast %get3A_2039 : i32 to index
        %get3A_2042 = arith.index_cast %add3A_2037 : i32 to index
        %get3A_2043 = tpu.vector_load %arg5[%get3A_2040, %get3A_2041, %get3A_2042] {strides = array<i32>} : memref<2x8x1000xf32, #tpu.memory_space<vmem>>, vector<16xf32>,
        %max3A_2044 = arith.constant 9.99999996E-13 : f32
        %max3A_2045 = vector.broadcast %max3A_2044 : f32 to vector<16xf32>
        %max3A_2046 = arith.maximumf %get3A_2033, %max3A_2045 : vector<16xf32>
        %max3A_2047 = arith.constant 9.99999996E-13 : f32
        %max3A_2048 = vector.broadcast %max3A_2047 : f32 to vector<16xf32>
        %max3A_2049 = arith.maximumf %get3A_2043, %max3A_2048 : vector<16xf32>
        %mul3A_2050 = arith.mulf %max3A_2046, %max3A_2049 : vector<16xf32>
        %bitcast3A_2051 = vector.bitcast %mul3A_2050 : vector<16xf32> to vector<16xi32>
        %shift_right_arithmetic3A_2052 = arith.constant 23 : i32
        %shift_right_arithmetic3A_2053 = vector.broadcast %shift_right_arithmetic3A_2052 : i32 to vector<16xi32>
        %shift_right_arithmetic3A_2054 = arith.shrsi %bitcast3A_2051, %shift_right_arithmetic3A_2053 : vector<16xi32>
        %sub3A_2055 = arith.constant 127 : i32
        %sub3A_2056 = vector.broadcast %sub3A_2055 : i32 to vector<16xi32>
        %sub3A_2057 = arith.subi %shift_right_arithmetic3A_2054, %sub3A_2056 : vector<16xi32>
        %and3A_2058 = arith.constant 8388607 : i32
        %and3A_2059 = vector.broadcast %and3A_2058 : i32 to vector<16xi32>
        %and3A_2060 = arith.andi %bitcast3A_2051, %and3A_2059 : vector<16xi32>
        %or3A_2061 = arith.constant 1065353216 : i32
        %or3A_2062 = vector.broadcast %or3A_2061 : i32 to vector<16xi32>
        %or3A_2063 = arith.ori %and3A_2060, %or3A_2062 : vector<16xi32>
        %bitcast3A_2064 = vector.bitcast %or3A_2063 : vector<16xi32> to vector<16xf32>
        %mul3A_2065 = arith.constant 0.0439286269 : f32
        %mul3A_2066 = vector.broadcast %mul3A_2065 : f32 to vector<16xf32>
        %mul3A_2067 = arith.mulf %mul3A_2066, %bitcast3A_2064 : vector<16xf32>
        %add3A_2068 = arith.constant -0.409475595 : f32
        %add3A_2069 = vector.broadcast %add3A_2068 : f32 to vector<16xf32>
        %add3A_2070 = arith.addf %mul3A_2067, %add3A_2069 : vector<16xf32>
        %mul3A_2071 = arith.mulf %add3A_2070, %bitcast3A_2064 : vector<16xf32>
        %add3A_2072 = arith.constant 1.61017752 : f32
        %add3A_2073 = vector.broadcast %add3A_2072 : f32 to vector<16xf32>
        %add3A_2074 = arith.addf %mul3A_2071, %add3A_2073 : vector<16xf32>
        %mul3A_2075 = arith.mulf %add3A_2074, %bitcast3A_2064 : vector<16xf32>
        %add3A_2076 = arith.constant -3.52021885 : f32
        %add3A_2077 = vector.broadcast %add3A_2076 : f32 to vector<16xf32>
        %add3A_2078 = arith.addf %mul3A_2075, %add3A_2077 : vector<16xf32>
        %mul3A_2079 = arith.mulf %add3A_2078, %bitcast3A_2064 : vector<16xf32>
        %add3A_2080 = arith.constant 5.06975651 : f32
        %add3A_2081 = vector.broadcast %add3A_2080 : f32 to vector<16xf32>
        %add3A_2082 = arith.addf %mul3A_2079, %add3A_2081 : vector<16xf32>
        %mul3A_2083 = arith.mulf %add3A_2082, %bitcast3A_2064 : vector<16xf32>
        %add3A_2084 = arith.constant -2.79415369 : f32
        %add3A_2085 = vector.broadcast %add3A_2084 : f32 to vector<16xf32>
        %add3A_2086 = arith.addf %mul3A_2083, %add3A_2085 : vector<16xf32>
        %convert_element_type3A_2087 = arith.sitofp %sub3A_2057 : vector<16xi32> to vector<16xf32>
        %add3A_2088 = arith.addf %convert_element_type3A_2087, %add3A_2086 : vector<16xf32>
        %add3A_2089 = arith.addf %scan3A_2024, %add3A_2088 : vector<16xf32>
        %sub3A_2090 = arith.constant 1.000000e+00 : f32
        %sub3A_2091 = vector.broadcast %sub3A_2090 : f32 to vector<16xf32>
        %sub3A_2092 = arith.subf %sub3A_2091, %max3A_2046 : vector<16xf32>
        %sub3A_2093 = arith.constant 1.000000e+00 : f32
        %sub3A_2094 = vector.broadcast %sub3A_2093 : f32 to vector<16xf32>
        %sub3A_2095 = arith.subf %sub3A_2094, %max3A_2049 : vector<16xf32>
        %mul3A_2096 = arith.mulf %sub3A_2092, %sub3A_2095 : vector<16xf32>
        %bitcast3A_2097 = vector.bitcast %mul3A_2096 : vector<16xf32> to vector<16xi32>
        %shift_right_arithmetic3A_2098 = arith.constant 23 : i32
        %shift_right_arithmetic3A_2099 = vector.broadcast %shift_right_arithmetic3A_2098 : i32 to vector<16xi32>
        %shift_right_arithmetic3A_2100 = arith.shrsi %bitcast3A_2097, %shift_right_arithmetic3A_2099 : vector<16xi32>
        %sub3A_2101 = arith.constant 127 : i32
        %sub3A_2102 = vector.broadcast %sub3A_2101 : i32 to vector<16xi32>
        %sub3A_2103 = arith.subi %shift_right_arithmetic3A_2100, %sub3A_2102 : vector<16xi32>
        %and3A_2104 = arith.constant 8388607 : i32
        %and3A_2105 = vector.broadcast %and3A_2104 : i32 to vector<16xi32>
        %and3A_2106 = arith.andi %bitcast3A_2097, %and3A_2105 : vector<16xi32>
        %or3A_2107 = arith.constant 1065353216 : i32
        %or3A_2108 = vector.broadcast %or3A_2107 : i32 to vector<16xi32>
        %or3A_2109 = arith.ori %and3A_2106, %or3A_2108 : vector<16xi32>
        %bitcast3A_2110 = vector.bitcast %or3A_2109 : vector<16xi32> to vector<16xf32>
        %mul3A_2111 = arith.constant 0.0439286269 : f32
        %mul3A_2112 = vector.broadcast %mul3A_2111 : f32 to vector<16xf32>
        %mul3A_2113 = arith.mulf %mul3A_2112, %bitcast3A_2110 : vector<16xf32>
        %add3A_2114 = arith.constant -0.409475595 : f32
        %add3A_2115 = vector.broadcast %add3A_2114 : f32 to vector<16xf32>
        %add3A_2116 = arith.addf %mul3A_2113, %add3A_2115 : vector<16xf32>
        %mul3A_2117 = arith.mulf %add3A_2116, %bitcast3A_2110 : vector<16xf32>
        %add3A_2118 = arith.constant 1.61017752 : f32
        %add3A_2119 = vector.broadcast %add3A_2118 : f32 to vector<16xf32>
        %add3A_2120 = arith.addf %mul3A_2117, %add3A_2119 : vector<16xf32>
        %mul3A_2121 = arith.mulf %add3A_2120, %bitcast3A_2110 : vector<16xf32>
        %add3A_2122 = arith.constant -3.52021885 : f32
        %add3A_2123 = vector.broadcast %add3A_2122 : f32 to vector<16xf32>
        %add3A_2124 = arith.addf %mul3A_2121, %add3A_2123 : vector<16xf32>
        %mul3A_2125 = arith.mulf %add3A_2124, %bitcast3A_2110 : vector<16xf32>
        %add3A_2126 = arith.constant 5.06975651 : f32
        %add3A_2127 = vector.broadcast %add3A_2126 : f32 to vector<16xf32>
        %add3A_2128 = arith.addf %mul3A_2125, %add3A_2127 : vector<16xf32>
        %mul3A_2129 = arith.mulf %add3A_2128, %bitcast3A_2110 : vector<16xf32>
        %add3A_2130 = arith.constant -2.79415369 : f32
        %add3A_2131 = vector.broadcast %add3A_2130 : f32 to vector<16xf32>
        %add3A_2132 = arith.addf %mul3A_2129, %add3A_2131 : vector<16xf32>
        %convert_element_type3A_2133 = arith.sitofp %sub3A_2103 : vector<16xi32> to vector<16xf32>
        %add3A_2134 = arith.addf %convert_element_type3A_2133, %add3A_2132 : vector<16xf32>
        %add3A_2135 = arith.addf %scan3A_2025, %add3A_2134 : vector<16xf32>
        scf.yield %add3A_2089, %add3A_2135 : vector<16xf32>, vector<16xf32>
      }
      %scan3A_506 = arith.constant 31 : i32
      %get3A_507 = arith.constant 0 : i32
      %get3A_508 = arith.constant 4 : i32
      %get3A_509 = arith.index_cast %get3A_507 : i32 to index
      %get3A_510 = arith.index_cast %get3A_508 : i32 to index
      %get3A_511 = arith.constant 984 : index
      %get3A_512 = tpu.vector_load %arg5[%get3A_509, %get3A_510, %get3A_511] {strides = array<i32>} : memref<2x8x1000xf32, #tpu.memory_space<vmem>>, vector<16xf32>,
      %ge3A_513 = arith.constant 8 : i32
      %ge3A_514 = vector.broadcast %ge3A_513 : i32 to vector<16xi32>
      %ge3A_515 = arith.cmpi sge, %iota3A, %ge3A_514 : vector<16xi32>
      %max3A_516 = arith.constant 9.99999996E-13 : f32
      %max3A_517 = vector.broadcast %max3A_516 : f32 to vector<16xf32>
      %max3A_518 = arith.maximumf %get3A_512, %max3A_517 : vector<16xf32>
      %jit3A_519 = arith.constant 1.000000e+00 : f32
      %broadcast_in_dim3A_520 = vector.broadcast %jit3A_519 : f32 to vector<16xf32>
      %select_n3A_521 = arith.select %ge3A_515, %max3A_518, %broadcast_in_dim3A_520 : vector<16xi1>, vector<16xf32>
      %max3A_522 = arith.constant 9.99999996E-13 : f32
      %max3A_523 = vector.broadcast %max3A_522 : f32 to vector<16xf32>
      %max3A_524 = arith.maximumf %get3A_512, %max3A_523 : vector<16xf32>
      %sub3A_525 = arith.constant 1.000000e+00 : f32
      %sub3A_526 = vector.broadcast %sub3A_525 : f32 to vector<16xf32>
      %sub3A_527 = arith.subf %sub3A_526, %max3A_524 : vector<16xf32>
      %jit3A_528 = arith.constant 1.000000e+00 : f32
      %broadcast_in_dim3A_529 = vector.broadcast %jit3A_528 : f32 to vector<16xf32>
      %select_n3A_530 = arith.select %ge3A_515, %sub3A_527, %broadcast_in_dim3A_529 : vector<16xi1>, vector<16xf32>
      %bitcast3A_531 = vector.bitcast %select_n3A_521 : vector<16xf32> to vector<16xi32>
      %shift_right_arithmetic3A_532 = arith.constant 23 : i32
      %shift_right_arithmetic3A_533 = vector.broadcast %shift_right_arithmetic3A_532 : i32 to vector<16xi32>
      %shift_right_arithmetic3A_534 = arith.shrsi %bitcast3A_531, %shift_right_arithmetic3A_533 : vector<16xi32>
      %sub3A_535 = arith.constant 127 : i32
      %sub3A_536 = vector.broadcast %sub3A_535 : i32 to vector<16xi32>
      %sub3A_537 = arith.subi %shift_right_arithmetic3A_534, %sub3A_536 : vector<16xi32>
      %and3A_538 = arith.constant 8388607 : i32
      %and3A_539 = vector.broadcast %and3A_538 : i32 to vector<16xi32>
      %and3A_540 = arith.andi %bitcast3A_531, %and3A_539 : vector<16xi32>
      %or3A_541 = arith.constant 1065353216 : i32
      %or3A_542 = vector.broadcast %or3A_541 : i32 to vector<16xi32>
      %or3A_543 = arith.ori %and3A_540, %or3A_542 : vector<16xi32>
      %bitcast3A_544 = vector.bitcast %or3A_543 : vector<16xi32> to vector<16xf32>
      %mul3A_545 = arith.constant 0.0439286269 : f32
      %mul3A_546 = vector.broadcast %mul3A_545 : f32 to vector<16xf32>
      %mul3A_547 = arith.mulf %mul3A_546, %bitcast3A_544 : vector<16xf32>
      %add3A_548 = arith.constant -0.409475595 : f32
      %add3A_549 = vector.broadcast %add3A_548 : f32 to vector<16xf32>
      %add3A_550 = arith.addf %mul3A_547, %add3A_549 : vector<16xf32>
      %mul3A_551 = arith.mulf %add3A_550, %bitcast3A_544 : vector<16xf32>
      %add3A_552 = arith.constant 1.61017752 : f32
      %add3A_553 = vector.broadcast %add3A_552 : f32 to vector<16xf32>
      %add3A_554 = arith.addf %mul3A_551, %add3A_553 : vector<16xf32>
      %mul3A_555 = arith.mulf %add3A_554, %bitcast3A_544 : vector<16xf32>
      %add3A_556 = arith.constant -3.52021885 : f32
      %add3A_557 = vector.broadcast %add3A_556 : f32 to vector<16xf32>
      %add3A_558 = arith.addf %mul3A_555, %add3A_557 : vector<16xf32>
      %mul3A_559 = arith.mulf %add3A_558, %bitcast3A_544 : vector<16xf32>
      %add3A_560 = arith.constant 5.06975651 : f32
      %add3A_561 = vector.broadcast %add3A_560 : f32 to vector<16xf32>
      %add3A_562 = arith.addf %mul3A_559, %add3A_561 : vector<16xf32>
      %mul3A_563 = arith.mulf %add3A_562, %bitcast3A_544 : vector<16xf32>
      %add3A_564 = arith.constant -2.79415369 : f32
      %add3A_565 = vector.broadcast %add3A_564 : f32 to vector<16xf32>
      %add3A_566 = arith.addf %mul3A_563, %add3A_565 : vector<16xf32>
      %convert_element_type3A_567 = arith.sitofp %sub3A_537 : vector<16xi32> to vector<16xf32>
      %add3A_568 = arith.addf %convert_element_type3A_567, %add3A_566 : vector<16xf32>
      %add3A_569 = arith.addf %scan3A_505#0, %add3A_568 : vector<16xf32>
      %bitcast3A_570 = vector.bitcast %select_n3A_530 : vector<16xf32> to vector<16xi32>
      %shift_right_arithmetic3A_571 = arith.constant 23 : i32
      %shift_right_arithmetic3A_572 = vector.broadcast %shift_right_arithmetic3A_571 : i32 to vector<16xi32>
      %shift_right_arithmetic3A_573 = arith.shrsi %bitcast3A_570, %shift_right_arithmetic3A_572 : vector<16xi32>
      %sub3A_574 = arith.constant 127 : i32
      %sub3A_575 = vector.broadcast %sub3A_574 : i32 to vector<16xi32>
      %sub3A_576 = arith.subi %shift_right_arithmetic3A_573, %sub3A_575 : vector<16xi32>
      %and3A_577 = arith.constant 8388607 : i32
      %and3A_578 = vector.broadcast %and3A_577 : i32 to vector<16xi32>
      %and3A_579 = arith.andi %bitcast3A_570, %and3A_578 : vector<16xi32>
      %or3A_580 = arith.constant 1065353216 : i32
      %or3A_581 = vector.broadcast %or3A_580 : i32 to vector<16xi32>
      %or3A_582 = arith.ori %and3A_579, %or3A_581 : vector<16xi32>
      %bitcast3A_583 = vector.bitcast %or3A_582 : vector<16xi32> to vector<16xf32>
      %mul3A_584 = arith.constant 0.0439286269 : f32
      %mul3A_585 = vector.broadcast %mul3A_584 : f32 to vector<16xf32>
      %mul3A_586 = arith.mulf %mul3A_585, %bitcast3A_583 : vector<16xf32>
      %add3A_587 = arith.constant -0.409475595 : f32
      %add3A_588 = vector.broadcast %add3A_587 : f32 to vector<16xf32>
      %add3A_589 = arith.addf %mul3A_586, %add3A_588 : vector<16xf32>
      %mul3A_590 = arith.mulf %add3A_589, %bitcast3A_583 : vector<16xf32>
      %add3A_591 = arith.constant 1.61017752 : f32
      %add3A_592 = vector.broadcast %add3A_591 : f32 to vector<16xf32>
      %add3A_593 = arith.addf %mul3A_590, %add3A_592 : vector<16xf32>
      %mul3A_594 = arith.mulf %add3A_593, %bitcast3A_583 : vector<16xf32>
      %add3A_595 = arith.constant -3.52021885 : f32
      %add3A_596 = vector.broadcast %add3A_595 : f32 to vector<16xf32>
      %add3A_597 = arith.addf %mul3A_594, %add3A_596 : vector<16xf32>
      %mul3A_598 = arith.mulf %add3A_597, %bitcast3A_583 : vector<16xf32>
      %add3A_599 = arith.constant 5.06975651 : f32
      %add3A_600 = vector.broadcast %add3A_599 : f32 to vector<16xf32>
      %add3A_601 = arith.addf %mul3A_598, %add3A_600 : vector<16xf32>
      %mul3A_602 = arith.mulf %add3A_601, %bitcast3A_583 : vector<16xf32>
      %add3A_603 = arith.constant -2.79415369 : f32
      %add3A_604 = vector.broadcast %add3A_603 : f32 to vector<16xf32>
      %add3A_605 = arith.addf %mul3A_602, %add3A_604 : vector<16xf32>
      %convert_element_type3A_606 = arith.sitofp %sub3A_576 : vector<16xi32> to vector<16xf32>
      %add3A_607 = arith.addf %convert_element_type3A_606, %add3A_605 : vector<16xf32>
      %add3A_608 = arith.addf %scan3A_505#1, %add3A_607 : vector<16xf32>
      %scan3A_609 = arith.constant 0 : i32
      %scan3A_610 = arith.constant 31 : i32
      %scan3A_611 = arith.addi %scan3A_609, %scan3A_610 : i32
      %scan3A_612 = arith.constant 1 : i32
      %scan3A_613:2 = scf.for %scan3A_2023 = %scan3A_609 to %scan3A_611 step %scan3A_612 iter_args(%scan3A_2024 = %add3A_569, %scan3A_2025 = %add3A_608) -> (vector<16xf32>, vector<16xf32>)  : i32 {
        %mul3A_2026 = arith.constant 32 : i32
        %mul3A_2027 = arith.muli %mul3A_2026, %scan3A_2023 : i32
        %get3A_2028 = arith.constant 0 : i32
        %get3A_2029 = arith.constant 5 : i32
        %get3A_2030 = arith.index_cast %get3A_2028 : i32 to index
        %get3A_2031 = arith.index_cast %get3A_2029 : i32 to index
        %get3A_2032 = arith.index_cast %mul3A_2027 : i32 to index
        %get3A_2033 = tpu.vector_load %arg5[%get3A_2030, %get3A_2031, %get3A_2032] {strides = array<i32>} : memref<2x8x1000xf32, #tpu.memory_space<vmem>>, vector<16xf32>,
        %mul3A_2034 = arith.constant 32 : i32
        %mul3A_2035 = arith.muli %mul3A_2034, %scan3A_2023 : i32
        %add3A_2036 = arith.constant 16 : i32
        %add3A_2037 = arith.addi %mul3A_2035, %add3A_2036 : i32
        %get3A_2038 = arith.constant 0 : i32
        %get3A_2039 = arith.constant 5 : i32
        %get3A_2040 = arith.index_cast %get3A_2038 : i32 to index
        %get3A_2041 = arith.index_cast %get3A_2039 : i32 to index
        %get3A_2042 = arith.index_cast %add3A_2037 : i32 to index
        %get3A_2043 = tpu.vector_load %arg5[%get3A_2040, %get3A_2041, %get3A_2042] {strides = array<i32>} : memref<2x8x1000xf32, #tpu.memory_space<vmem>>, vector<16xf32>,
        %max3A_2044 = arith.constant 9.99999996E-13 : f32
        %max3A_2045 = vector.broadcast %max3A_2044 : f32 to vector<16xf32>
        %max3A_2046 = arith.maximumf %get3A_2033, %max3A_2045 : vector<16xf32>
        %max3A_2047 = arith.constant 9.99999996E-13 : f32
        %max3A_2048 = vector.broadcast %max3A_2047 : f32 to vector<16xf32>
        %max3A_2049 = arith.maximumf %get3A_2043, %max3A_2048 : vector<16xf32>
        %mul3A_2050 = arith.mulf %max3A_2046, %max3A_2049 : vector<16xf32>
        %bitcast3A_2051 = vector.bitcast %mul3A_2050 : vector<16xf32> to vector<16xi32>
        %shift_right_arithmetic3A_2052 = arith.constant 23 : i32
        %shift_right_arithmetic3A_2053 = vector.broadcast %shift_right_arithmetic3A_2052 : i32 to vector<16xi32>
        %shift_right_arithmetic3A_2054 = arith.shrsi %bitcast3A_2051, %shift_right_arithmetic3A_2053 : vector<16xi32>
        %sub3A_2055 = arith.constant 127 : i32
        %sub3A_2056 = vector.broadcast %sub3A_2055 : i32 to vector<16xi32>
        %sub3A_2057 = arith.subi %shift_right_arithmetic3A_2054, %sub3A_2056 : vector<16xi32>
        %and3A_2058 = arith.constant 8388607 : i32
        %and3A_2059 = vector.broadcast %and3A_2058 : i32 to vector<16xi32>
        %and3A_2060 = arith.andi %bitcast3A_2051, %and3A_2059 : vector<16xi32>
        %or3A_2061 = arith.constant 1065353216 : i32
        %or3A_2062 = vector.broadcast %or3A_2061 : i32 to vector<16xi32>
        %or3A_2063 = arith.ori %and3A_2060, %or3A_2062 : vector<16xi32>
        %bitcast3A_2064 = vector.bitcast %or3A_2063 : vector<16xi32> to vector<16xf32>
        %mul3A_2065 = arith.constant 0.0439286269 : f32
        %mul3A_2066 = vector.broadcast %mul3A_2065 : f32 to vector<16xf32>
        %mul3A_2067 = arith.mulf %mul3A_2066, %bitcast3A_2064 : vector<16xf32>
        %add3A_2068 = arith.constant -0.409475595 : f32
        %add3A_2069 = vector.broadcast %add3A_2068 : f32 to vector<16xf32>
        %add3A_2070 = arith.addf %mul3A_2067, %add3A_2069 : vector<16xf32>
        %mul3A_2071 = arith.mulf %add3A_2070, %bitcast3A_2064 : vector<16xf32>
        %add3A_2072 = arith.constant 1.61017752 : f32
        %add3A_2073 = vector.broadcast %add3A_2072 : f32 to vector<16xf32>
        %add3A_2074 = arith.addf %mul3A_2071, %add3A_2073 : vector<16xf32>
        %mul3A_2075 = arith.mulf %add3A_2074, %bitcast3A_2064 : vector<16xf32>
        %add3A_2076 = arith.constant -3.52021885 : f32
        %add3A_2077 = vector.broadcast %add3A_2076 : f32 to vector<16xf32>
        %add3A_2078 = arith.addf %mul3A_2075, %add3A_2077 : vector<16xf32>
        %mul3A_2079 = arith.mulf %add3A_2078, %bitcast3A_2064 : vector<16xf32>
        %add3A_2080 = arith.constant 5.06975651 : f32
        %add3A_2081 = vector.broadcast %add3A_2080 : f32 to vector<16xf32>
        %add3A_2082 = arith.addf %mul3A_2079, %add3A_2081 : vector<16xf32>
        %mul3A_2083 = arith.mulf %add3A_2082, %bitcast3A_2064 : vector<16xf32>
        %add3A_2084 = arith.constant -2.79415369 : f32
        %add3A_2085 = vector.broadcast %add3A_2084 : f32 to vector<16xf32>
        %add3A_2086 = arith.addf %mul3A_2083, %add3A_2085 : vector<16xf32>
        %convert_element_type3A_2087 = arith.sitofp %sub3A_2057 : vector<16xi32> to vector<16xf32>
        %add3A_2088 = arith.addf %convert_element_type3A_2087, %add3A_2086 : vector<16xf32>
        %add3A_2089 = arith.addf %scan3A_2024, %add3A_2088 : vector<16xf32>
        %sub3A_2090 = arith.constant 1.000000e+00 : f32
        %sub3A_2091 = vector.broadcast %sub3A_2090 : f32 to vector<16xf32>
        %sub3A_2092 = arith.subf %sub3A_2091, %max3A_2046 : vector<16xf32>
        %sub3A_2093 = arith.constant 1.000000e+00 : f32
        %sub3A_2094 = vector.broadcast %sub3A_2093 : f32 to vector<16xf32>
        %sub3A_2095 = arith.subf %sub3A_2094, %max3A_2049 : vector<16xf32>
        %mul3A_2096 = arith.mulf %sub3A_2092, %sub3A_2095 : vector<16xf32>
        %bitcast3A_2097 = vector.bitcast %mul3A_2096 : vector<16xf32> to vector<16xi32>
        %shift_right_arithmetic3A_2098 = arith.constant 23 : i32
        %shift_right_arithmetic3A_2099 = vector.broadcast %shift_right_arithmetic3A_2098 : i32 to vector<16xi32>
        %shift_right_arithmetic3A_2100 = arith.shrsi %bitcast3A_2097, %shift_right_arithmetic3A_2099 : vector<16xi32>
        %sub3A_2101 = arith.constant 127 : i32
        %sub3A_2102 = vector.broadcast %sub3A_2101 : i32 to vector<16xi32>
        %sub3A_2103 = arith.subi %shift_right_arithmetic3A_2100, %sub3A_2102 : vector<16xi32>
        %and3A_2104 = arith.constant 8388607 : i32
        %and3A_2105 = vector.broadcast %and3A_2104 : i32 to vector<16xi32>
        %and3A_2106 = arith.andi %bitcast3A_2097, %and3A_2105 : vector<16xi32>
        %or3A_2107 = arith.constant 1065353216 : i32
        %or3A_2108 = vector.broadcast %or3A_2107 : i32 to vector<16xi32>
        %or3A_2109 = arith.ori %and3A_2106, %or3A_2108 : vector<16xi32>
        %bitcast3A_2110 = vector.bitcast %or3A_2109 : vector<16xi32> to vector<16xf32>
        %mul3A_2111 = arith.constant 0.0439286269 : f32
        %mul3A_2112 = vector.broadcast %mul3A_2111 : f32 to vector<16xf32>
        %mul3A_2113 = arith.mulf %mul3A_2112, %bitcast3A_2110 : vector<16xf32>
        %add3A_2114 = arith.constant -0.409475595 : f32
        %add3A_2115 = vector.broadcast %add3A_2114 : f32 to vector<16xf32>
        %add3A_2116 = arith.addf %mul3A_2113, %add3A_2115 : vector<16xf32>
        %mul3A_2117 = arith.mulf %add3A_2116, %bitcast3A_2110 : vector<16xf32>
        %add3A_2118 = arith.constant 1.61017752 : f32
        %add3A_2119 = vector.broadcast %add3A_2118 : f32 to vector<16xf32>
        %add3A_2120 = arith.addf %mul3A_2117, %add3A_2119 : vector<16xf32>
        %mul3A_2121 = arith.mulf %add3A_2120, %bitcast3A_2110 : vector<16xf32>
        %add3A_2122 = arith.constant -3.52021885 : f32
        %add3A_2123 = vector.broadcast %add3A_2122 : f32 to vector<16xf32>
        %add3A_2124 = arith.addf %mul3A_2121, %add3A_2123 : vector<16xf32>
        %mul3A_2125 = arith.mulf %add3A_2124, %bitcast3A_2110 : vector<16xf32>
        %add3A_2126 = arith.constant 5.06975651 : f32
        %add3A_2127 = vector.broadcast %add3A_2126 : f32 to vector<16xf32>
        %add3A_2128 = arith.addf %mul3A_2125, %add3A_2127 : vector<16xf32>
        %mul3A_2129 = arith.mulf %add3A_2128, %bitcast3A_2110 : vector<16xf32>
        %add3A_2130 = arith.constant -2.79415369 : f32
        %add3A_2131 = vector.broadcast %add3A_2130 : f32 to vector<16xf32>
        %add3A_2132 = arith.addf %mul3A_2129, %add3A_2131 : vector<16xf32>
        %convert_element_type3A_2133 = arith.sitofp %sub3A_2103 : vector<16xi32> to vector<16xf32>
        %add3A_2134 = arith.addf %convert_element_type3A_2133, %add3A_2132 : vector<16xf32>
        %add3A_2135 = arith.addf %scan3A_2025, %add3A_2134 : vector<16xf32>
        scf.yield %add3A_2089, %add3A_2135 : vector<16xf32>, vector<16xf32>
      }
      %scan3A_614 = arith.constant 31 : i32
      %get3A_615 = arith.constant 0 : i32
      %get3A_616 = arith.constant 5 : i32
      %get3A_617 = arith.index_cast %get3A_615 : i32 to index
      %get3A_618 = arith.index_cast %get3A_616 : i32 to index
      %get3A_619 = arith.constant 984 : index
      %get3A_620 = tpu.vector_load %arg5[%get3A_617, %get3A_618, %get3A_619] {strides = array<i32>} : memref<2x8x1000xf32, #tpu.memory_space<vmem>>, vector<16xf32>,
      %ge3A_621 = arith.constant 8 : i32
      %ge3A_622 = vector.broadcast %ge3A_621 : i32 to vector<16xi32>
      %ge3A_623 = arith.cmpi sge, %iota3A, %ge3A_622 : vector<16xi32>
      %max3A_624 = arith.constant 9.99999996E-13 : f32
      %max3A_625 = vector.broadcast %max3A_624 : f32 to vector<16xf32>
      %max3A_626 = arith.maximumf %get3A_620, %max3A_625 : vector<16xf32>
      %jit3A_627 = arith.constant 1.000000e+00 : f32
      %broadcast_in_dim3A_628 = vector.broadcast %jit3A_627 : f32 to vector<16xf32>
      %select_n3A_629 = arith.select %ge3A_623, %max3A_626, %broadcast_in_dim3A_628 : vector<16xi1>, vector<16xf32>
      %max3A_630 = arith.constant 9.99999996E-13 : f32
      %max3A_631 = vector.broadcast %max3A_630 : f32 to vector<16xf32>
      %max3A_632 = arith.maximumf %get3A_620, %max3A_631 : vector<16xf32>
      %sub3A_633 = arith.constant 1.000000e+00 : f32
      %sub3A_634 = vector.broadcast %sub3A_633 : f32 to vector<16xf32>
      %sub3A_635 = arith.subf %sub3A_634, %max3A_632 : vector<16xf32>
      %jit3A_636 = arith.constant 1.000000e+00 : f32
      %broadcast_in_dim3A_637 = vector.broadcast %jit3A_636 : f32 to vector<16xf32>
      %select_n3A_638 = arith.select %ge3A_623, %sub3A_635, %broadcast_in_dim3A_637 : vector<16xi1>, vector<16xf32>
      %bitcast3A_639 = vector.bitcast %select_n3A_629 : vector<16xf32> to vector<16xi32>
      %shift_right_arithmetic3A_640 = arith.constant 23 : i32
      %shift_right_arithmetic3A_641 = vector.broadcast %shift_right_arithmetic3A_640 : i32 to vector<16xi32>
      %shift_right_arithmetic3A_642 = arith.shrsi %bitcast3A_639, %shift_right_arithmetic3A_641 : vector<16xi32>
      %sub3A_643 = arith.constant 127 : i32
      %sub3A_644 = vector.broadcast %sub3A_643 : i32 to vector<16xi32>
      %sub3A_645 = arith.subi %shift_right_arithmetic3A_642, %sub3A_644 : vector<16xi32>
      %and3A_646 = arith.constant 8388607 : i32
      %and3A_647 = vector.broadcast %and3A_646 : i32 to vector<16xi32>
      %and3A_648 = arith.andi %bitcast3A_639, %and3A_647 : vector<16xi32>
      %or3A_649 = arith.constant 1065353216 : i32
      %or3A_650 = vector.broadcast %or3A_649 : i32 to vector<16xi32>
      %or3A_651 = arith.ori %and3A_648, %or3A_650 : vector<16xi32>
      %bitcast3A_652 = vector.bitcast %or3A_651 : vector<16xi32> to vector<16xf32>
      %mul3A_653 = arith.constant 0.0439286269 : f32
      %mul3A_654 = vector.broadcast %mul3A_653 : f32 to vector<16xf32>
      %mul3A_655 = arith.mulf %mul3A_654, %bitcast3A_652 : vector<16xf32>
      %add3A_656 = arith.constant -0.409475595 : f32
      %add3A_657 = vector.broadcast %add3A_656 : f32 to vector<16xf32>
      %add3A_658 = arith.addf %mul3A_655, %add3A_657 : vector<16xf32>
      %mul3A_659 = arith.mulf %add3A_658, %bitcast3A_652 : vector<16xf32>
      %add3A_660 = arith.constant 1.61017752 : f32
      %add3A_661 = vector.broadcast %add3A_660 : f32 to vector<16xf32>
      %add3A_662 = arith.addf %mul3A_659, %add3A_661 : vector<16xf32>
      %mul3A_663 = arith.mulf %add3A_662, %bitcast3A_652 : vector<16xf32>
      %add3A_664 = arith.constant -3.52021885 : f32
      %add3A_665 = vector.broadcast %add3A_664 : f32 to vector<16xf32>
      %add3A_666 = arith.addf %mul3A_663, %add3A_665 : vector<16xf32>
      %mul3A_667 = arith.mulf %add3A_666, %bitcast3A_652 : vector<16xf32>
      %add3A_668 = arith.constant 5.06975651 : f32
      %add3A_669 = vector.broadcast %add3A_668 : f32 to vector<16xf32>
      %add3A_670 = arith.addf %mul3A_667, %add3A_669 : vector<16xf32>
      %mul3A_671 = arith.mulf %add3A_670, %bitcast3A_652 : vector<16xf32>
      %add3A_672 = arith.constant -2.79415369 : f32
      %add3A_673 = vector.broadcast %add3A_672 : f32 to vector<16xf32>
      %add3A_674 = arith.addf %mul3A_671, %add3A_673 : vector<16xf32>
      %convert_element_type3A_675 = arith.sitofp %sub3A_645 : vector<16xi32> to vector<16xf32>
      %add3A_676 = arith.addf %convert_element_type3A_675, %add3A_674 : vector<16xf32>
      %add3A_677 = arith.addf %scan3A_613#0, %add3A_676 : vector<16xf32>
      %bitcast3A_678 = vector.bitcast %select_n3A_638 : vector<16xf32> to vector<16xi32>
      %shift_right_arithmetic3A_679 = arith.constant 23 : i32
      %shift_right_arithmetic3A_680 = vector.broadcast %shift_right_arithmetic3A_679 : i32 to vector<16xi32>
      %shift_right_arithmetic3A_681 = arith.shrsi %bitcast3A_678, %shift_right_arithmetic3A_680 : vector<16xi32>
      %sub3A_682 = arith.constant 127 : i32
      %sub3A_683 = vector.broadcast %sub3A_682 : i32 to vector<16xi32>
      %sub3A_684 = arith.subi %shift_right_arithmetic3A_681, %sub3A_683 : vector<16xi32>
      %and3A_685 = arith.constant 8388607 : i32
      %and3A_686 = vector.broadcast %and3A_685 : i32 to vector<16xi32>
      %and3A_687 = arith.andi %bitcast3A_678, %and3A_686 : vector<16xi32>
      %or3A_688 = arith.constant 1065353216 : i32
      %or3A_689 = vector.broadcast %or3A_688 : i32 to vector<16xi32>
      %or3A_690 = arith.ori %and3A_687, %or3A_689 : vector<16xi32>
      %bitcast3A_691 = vector.bitcast %or3A_690 : vector<16xi32> to vector<16xf32>
      %mul3A_692 = arith.constant 0.0439286269 : f32
      %mul3A_693 = vector.broadcast %mul3A_692 : f32 to vector<16xf32>
      %mul3A_694 = arith.mulf %mul3A_693, %bitcast3A_691 : vector<16xf32>
      %add3A_695 = arith.constant -0.409475595 : f32
      %add3A_696 = vector.broadcast %add3A_695 : f32 to vector<16xf32>
      %add3A_697 = arith.addf %mul3A_694, %add3A_696 : vector<16xf32>
      %mul3A_698 = arith.mulf %add3A_697, %bitcast3A_691 : vector<16xf32>
      %add3A_699 = arith.constant 1.61017752 : f32
      %add3A_700 = vector.broadcast %add3A_699 : f32 to vector<16xf32>
      %add3A_701 = arith.addf %mul3A_698, %add3A_700 : vector<16xf32>
      %mul3A_702 = arith.mulf %add3A_701, %bitcast3A_691 : vector<16xf32>
      %add3A_703 = arith.constant -3.52021885 : f32
      %add3A_704 = vector.broadcast %add3A_703 : f32 to vector<16xf32>
      %add3A_705 = arith.addf %mul3A_702, %add3A_704 : vector<16xf32>
      %mul3A_706 = arith.mulf %add3A_705, %bitcast3A_691 : vector<16xf32>
      %add3A_707 = arith.constant 5.06975651 : f32
      %add3A_708 = vector.broadcast %add3A_707 : f32 to vector<16xf32>
      %add3A_709 = arith.addf %mul3A_706, %add3A_708 : vector<16xf32>
      %mul3A_710 = arith.mulf %add3A_709, %bitcast3A_691 : vector<16xf32>
      %add3A_711 = arith.constant -2.79415369 : f32
      %add3A_712 = vector.broadcast %add3A_711 : f32 to vector<16xf32>
      %add3A_713 = arith.addf %mul3A_710, %add3A_712 : vector<16xf32>
      %convert_element_type3A_714 = arith.sitofp %sub3A_684 : vector<16xi32> to vector<16xf32>
      %add3A_715 = arith.addf %convert_element_type3A_714, %add3A_713 : vector<16xf32>
      %add3A_716 = arith.addf %scan3A_613#1, %add3A_715 : vector<16xf32>
      %scan3A_717 = arith.constant 0 : i32
      %scan3A_718 = arith.constant 31 : i32
      %scan3A_719 = arith.addi %scan3A_717, %scan3A_718 : i32
      %scan3A_720 = arith.constant 1 : i32
      %scan3A_721:2 = scf.for %scan3A_2023 = %scan3A_717 to %scan3A_719 step %scan3A_720 iter_args(%scan3A_2024 = %add3A_677, %scan3A_2025 = %add3A_716) -> (vector<16xf32>, vector<16xf32>)  : i32 {
        %mul3A_2026 = arith.constant 32 : i32
        %mul3A_2027 = arith.muli %mul3A_2026, %scan3A_2023 : i32
        %get3A_2028 = arith.constant 0 : i32
        %get3A_2029 = arith.constant 6 : i32
        %get3A_2030 = arith.index_cast %get3A_2028 : i32 to index
        %get3A_2031 = arith.index_cast %get3A_2029 : i32 to index
        %get3A_2032 = arith.index_cast %mul3A_2027 : i32 to index
        %get3A_2033 = tpu.vector_load %arg5[%get3A_2030, %get3A_2031, %get3A_2032] {strides = array<i32>} : memref<2x8x1000xf32, #tpu.memory_space<vmem>>, vector<16xf32>,
        %mul3A_2034 = arith.constant 32 : i32
        %mul3A_2035 = arith.muli %mul3A_2034, %scan3A_2023 : i32
        %add3A_2036 = arith.constant 16 : i32
        %add3A_2037 = arith.addi %mul3A_2035, %add3A_2036 : i32
        %get3A_2038 = arith.constant 0 : i32
        %get3A_2039 = arith.constant 6 : i32
        %get3A_2040 = arith.index_cast %get3A_2038 : i32 to index
        %get3A_2041 = arith.index_cast %get3A_2039 : i32 to index
        %get3A_2042 = arith.index_cast %add3A_2037 : i32 to index
        %get3A_2043 = tpu.vector_load %arg5[%get3A_2040, %get3A_2041, %get3A_2042] {strides = array<i32>} : memref<2x8x1000xf32, #tpu.memory_space<vmem>>, vector<16xf32>,
        %max3A_2044 = arith.constant 9.99999996E-13 : f32
        %max3A_2045 = vector.broadcast %max3A_2044 : f32 to vector<16xf32>
        %max3A_2046 = arith.maximumf %get3A_2033, %max3A_2045 : vector<16xf32>
        %max3A_2047 = arith.constant 9.99999996E-13 : f32
        %max3A_2048 = vector.broadcast %max3A_2047 : f32 to vector<16xf32>
        %max3A_2049 = arith.maximumf %get3A_2043, %max3A_2048 : vector<16xf32>
        %mul3A_2050 = arith.mulf %max3A_2046, %max3A_2049 : vector<16xf32>
        %bitcast3A_2051 = vector.bitcast %mul3A_2050 : vector<16xf32> to vector<16xi32>
        %shift_right_arithmetic3A_2052 = arith.constant 23 : i32
        %shift_right_arithmetic3A_2053 = vector.broadcast %shift_right_arithmetic3A_2052 : i32 to vector<16xi32>
        %shift_right_arithmetic3A_2054 = arith.shrsi %bitcast3A_2051, %shift_right_arithmetic3A_2053 : vector<16xi32>
        %sub3A_2055 = arith.constant 127 : i32
        %sub3A_2056 = vector.broadcast %sub3A_2055 : i32 to vector<16xi32>
        %sub3A_2057 = arith.subi %shift_right_arithmetic3A_2054, %sub3A_2056 : vector<16xi32>
        %and3A_2058 = arith.constant 8388607 : i32
        %and3A_2059 = vector.broadcast %and3A_2058 : i32 to vector<16xi32>
        %and3A_2060 = arith.andi %bitcast3A_2051, %and3A_2059 : vector<16xi32>
        %or3A_2061 = arith.constant 1065353216 : i32
        %or3A_2062 = vector.broadcast %or3A_2061 : i32 to vector<16xi32>
        %or3A_2063 = arith.ori %and3A_2060, %or3A_2062 : vector<16xi32>
        %bitcast3A_2064 = vector.bitcast %or3A_2063 : vector<16xi32> to vector<16xf32>
        %mul3A_2065 = arith.constant 0.0439286269 : f32
        %mul3A_2066 = vector.broadcast %mul3A_2065 : f32 to vector<16xf32>
        %mul3A_2067 = arith.mulf %mul3A_2066, %bitcast3A_2064 : vector<16xf32>
        %add3A_2068 = arith.constant -0.409475595 : f32
        %add3A_2069 = vector.broadcast %add3A_2068 : f32 to vector<16xf32>
        %add3A_2070 = arith.addf %mul3A_2067, %add3A_2069 : vector<16xf32>
        %mul3A_2071 = arith.mulf %add3A_2070, %bitcast3A_2064 : vector<16xf32>
        %add3A_2072 = arith.constant 1.61017752 : f32
        %add3A_2073 = vector.broadcast %add3A_2072 : f32 to vector<16xf32>
        %add3A_2074 = arith.addf %mul3A_2071, %add3A_2073 : vector<16xf32>
        %mul3A_2075 = arith.mulf %add3A_2074, %bitcast3A_2064 : vector<16xf32>
        %add3A_2076 = arith.constant -3.52021885 : f32
        %add3A_2077 = vector.broadcast %add3A_2076 : f32 to vector<16xf32>
        %add3A_2078 = arith.addf %mul3A_2075, %add3A_2077 : vector<16xf32>
        %mul3A_2079 = arith.mulf %add3A_2078, %bitcast3A_2064 : vector<16xf32>
        %add3A_2080 = arith.constant 5.06975651 : f32
        %add3A_2081 = vector.broadcast %add3A_2080 : f32 to vector<16xf32>
        %add3A_2082 = arith.addf %mul3A_2079, %add3A_2081 : vector<16xf32>
        %mul3A_2083 = arith.mulf %add3A_2082, %bitcast3A_2064 : vector<16xf32>
        %add3A_2084 = arith.constant -2.79415369 : f32
        %add3A_2085 = vector.broadcast %add3A_2084 : f32 to vector<16xf32>
        %add3A_2086 = arith.addf %mul3A_2083, %add3A_2085 : vector<16xf32>
        %convert_element_type3A_2087 = arith.sitofp %sub3A_2057 : vector<16xi32> to vector<16xf32>
        %add3A_2088 = arith.addf %convert_element_type3A_2087, %add3A_2086 : vector<16xf32>
        %add3A_2089 = arith.addf %scan3A_2024, %add3A_2088 : vector<16xf32>
        %sub3A_2090 = arith.constant 1.000000e+00 : f32
        %sub3A_2091 = vector.broadcast %sub3A_2090 : f32 to vector<16xf32>
        %sub3A_2092 = arith.subf %sub3A_2091, %max3A_2046 : vector<16xf32>
        %sub3A_2093 = arith.constant 1.000000e+00 : f32
        %sub3A_2094 = vector.broadcast %sub3A_2093 : f32 to vector<16xf32>
        %sub3A_2095 = arith.subf %sub3A_2094, %max3A_2049 : vector<16xf32>
        %mul3A_2096 = arith.mulf %sub3A_2092, %sub3A_2095 : vector<16xf32>
        %bitcast3A_2097 = vector.bitcast %mul3A_2096 : vector<16xf32> to vector<16xi32>
        %shift_right_arithmetic3A_2098 = arith.constant 23 : i32
        %shift_right_arithmetic3A_2099 = vector.broadcast %shift_right_arithmetic3A_2098 : i32 to vector<16xi32>
        %shift_right_arithmetic3A_2100 = arith.shrsi %bitcast3A_2097, %shift_right_arithmetic3A_2099 : vector<16xi32>
        %sub3A_2101 = arith.constant 127 : i32
        %sub3A_2102 = vector.broadcast %sub3A_2101 : i32 to vector<16xi32>
        %sub3A_2103 = arith.subi %shift_right_arithmetic3A_2100, %sub3A_2102 : vector<16xi32>
        %and3A_2104 = arith.constant 8388607 : i32
        %and3A_2105 = vector.broadcast %and3A_2104 : i32 to vector<16xi32>
        %and3A_2106 = arith.andi %bitcast3A_2097, %and3A_2105 : vector<16xi32>
        %or3A_2107 = arith.constant 1065353216 : i32
        %or3A_2108 = vector.broadcast %or3A_2107 : i32 to vector<16xi32>
        %or3A_2109 = arith.ori %and3A_2106, %or3A_2108 : vector<16xi32>
        %bitcast3A_2110 = vector.bitcast %or3A_2109 : vector<16xi32> to vector<16xf32>
        %mul3A_2111 = arith.constant 0.0439286269 : f32
        %mul3A_2112 = vector.broadcast %mul3A_2111 : f32 to vector<16xf32>
        %mul3A_2113 = arith.mulf %mul3A_2112, %bitcast3A_2110 : vector<16xf32>
        %add3A_2114 = arith.constant -0.409475595 : f32
        %add3A_2115 = vector.broadcast %add3A_2114 : f32 to vector<16xf32>
        %add3A_2116 = arith.addf %mul3A_2113, %add3A_2115 : vector<16xf32>
        %mul3A_2117 = arith.mulf %add3A_2116, %bitcast3A_2110 : vector<16xf32>
        %add3A_2118 = arith.constant 1.61017752 : f32
        %add3A_2119 = vector.broadcast %add3A_2118 : f32 to vector<16xf32>
        %add3A_2120 = arith.addf %mul3A_2117, %add3A_2119 : vector<16xf32>
        %mul3A_2121 = arith.mulf %add3A_2120, %bitcast3A_2110 : vector<16xf32>
        %add3A_2122 = arith.constant -3.52021885 : f32
        %add3A_2123 = vector.broadcast %add3A_2122 : f32 to vector<16xf32>
        %add3A_2124 = arith.addf %mul3A_2121, %add3A_2123 : vector<16xf32>
        %mul3A_2125 = arith.mulf %add3A_2124, %bitcast3A_2110 : vector<16xf32>
        %add3A_2126 = arith.constant 5.06975651 : f32
        %add3A_2127 = vector.broadcast %add3A_2126 : f32 to vector<16xf32>
        %add3A_2128 = arith.addf %mul3A_2125, %add3A_2127 : vector<16xf32>
        %mul3A_2129 = arith.mulf %add3A_2128, %bitcast3A_2110 : vector<16xf32>
        %add3A_2130 = arith.constant -2.79415369 : f32
        %add3A_2131 = vector.broadcast %add3A_2130 : f32 to vector<16xf32>
        %add3A_2132 = arith.addf %mul3A_2129, %add3A_2131 : vector<16xf32>
        %convert_element_type3A_2133 = arith.sitofp %sub3A_2103 : vector<16xi32> to vector<16xf32>
        %add3A_2134 = arith.addf %convert_element_type3A_2133, %add3A_2132 : vector<16xf32>
        %add3A_2135 = arith.addf %scan3A_2025, %add3A_2134 : vector<16xf32>
        scf.yield %add3A_2089, %add3A_2135 : vector<16xf32>, vector<16xf32>
      }
      %scan3A_722 = arith.constant 31 : i32
      %get3A_723 = arith.constant 0 : i32
      %get3A_724 = arith.constant 6 : i32
      %get3A_725 = arith.index_cast %get3A_723 : i32 to index
      %get3A_726 = arith.index_cast %get3A_724 : i32 to index
      %get3A_727 = arith.constant 984 : index
      %get3A_728 = tpu.vector_load %arg5[%get3A_725, %get3A_726, %get3A_727] {strides = array<i32>} : memref<2x8x1000xf32, #tpu.memory_space<vmem>>, vector<16xf32>,
      %ge3A_729 = arith.constant 8 : i32
      %ge3A_730 = vector.broadcast %ge3A_729 : i32 to vector<16xi32>
      %ge3A_731 = arith.cmpi sge, %iota3A, %ge3A_730 : vector<16xi32>
      %max3A_732 = arith.constant 9.99999996E-13 : f32
      %max3A_733 = vector.broadcast %max3A_732 : f32 to vector<16xf32>
      %max3A_734 = arith.maximumf %get3A_728, %max3A_733 : vector<16xf32>
      %jit3A_735 = arith.constant 1.000000e+00 : f32
      %broadcast_in_dim3A_736 = vector.broadcast %jit3A_735 : f32 to vector<16xf32>
      %select_n3A_737 = arith.select %ge3A_731, %max3A_734, %broadcast_in_dim3A_736 : vector<16xi1>, vector<16xf32>
      %max3A_738 = arith.constant 9.99999996E-13 : f32
      %max3A_739 = vector.broadcast %max3A_738 : f32 to vector<16xf32>
      %max3A_740 = arith.maximumf %get3A_728, %max3A_739 : vector<16xf32>
      %sub3A_741 = arith.constant 1.000000e+00 : f32
      %sub3A_742 = vector.broadcast %sub3A_741 : f32 to vector<16xf32>
      %sub3A_743 = arith.subf %sub3A_742, %max3A_740 : vector<16xf32>
      %jit3A_744 = arith.constant 1.000000e+00 : f32
      %broadcast_in_dim3A_745 = vector.broadcast %jit3A_744 : f32 to vector<16xf32>
      %select_n3A_746 = arith.select %ge3A_731, %sub3A_743, %broadcast_in_dim3A_745 : vector<16xi1>, vector<16xf32>
      %bitcast3A_747 = vector.bitcast %select_n3A_737 : vector<16xf32> to vector<16xi32>
      %shift_right_arithmetic3A_748 = arith.constant 23 : i32
      %shift_right_arithmetic3A_749 = vector.broadcast %shift_right_arithmetic3A_748 : i32 to vector<16xi32>
      %shift_right_arithmetic3A_750 = arith.shrsi %bitcast3A_747, %shift_right_arithmetic3A_749 : vector<16xi32>
      %sub3A_751 = arith.constant 127 : i32
      %sub3A_752 = vector.broadcast %sub3A_751 : i32 to vector<16xi32>
      %sub3A_753 = arith.subi %shift_right_arithmetic3A_750, %sub3A_752 : vector<16xi32>
      %and3A_754 = arith.constant 8388607 : i32
      %and3A_755 = vector.broadcast %and3A_754 : i32 to vector<16xi32>
      %and3A_756 = arith.andi %bitcast3A_747, %and3A_755 : vector<16xi32>
      %or3A_757 = arith.constant 1065353216 : i32
      %or3A_758 = vector.broadcast %or3A_757 : i32 to vector<16xi32>
      %or3A_759 = arith.ori %and3A_756, %or3A_758 : vector<16xi32>
      %bitcast3A_760 = vector.bitcast %or3A_759 : vector<16xi32> to vector<16xf32>
      %mul3A_761 = arith.constant 0.0439286269 : f32
      %mul3A_762 = vector.broadcast %mul3A_761 : f32 to vector<16xf32>
      %mul3A_763 = arith.mulf %mul3A_762, %bitcast3A_760 : vector<16xf32>
      %add3A_764 = arith.constant -0.409475595 : f32
      %add3A_765 = vector.broadcast %add3A_764 : f32 to vector<16xf32>
      %add3A_766 = arith.addf %mul3A_763, %add3A_765 : vector<16xf32>
      %mul3A_767 = arith.mulf %add3A_766, %bitcast3A_760 : vector<16xf32>
      %add3A_768 = arith.constant 1.61017752 : f32
      %add3A_769 = vector.broadcast %add3A_768 : f32 to vector<16xf32>
      %add3A_770 = arith.addf %mul3A_767, %add3A_769 : vector<16xf32>
      %mul3A_771 = arith.mulf %add3A_770, %bitcast3A_760 : vector<16xf32>
      %add3A_772 = arith.constant -3.52021885 : f32
      %add3A_773 = vector.broadcast %add3A_772 : f32 to vector<16xf32>
      %add3A_774 = arith.addf %mul3A_771, %add3A_773 : vector<16xf32>
      %mul3A_775 = arith.mulf %add3A_774, %bitcast3A_760 : vector<16xf32>
      %add3A_776 = arith.constant 5.06975651 : f32
      %add3A_777 = vector.broadcast %add3A_776 : f32 to vector<16xf32>
      %add3A_778 = arith.addf %mul3A_775, %add3A_777 : vector<16xf32>
      %mul3A_779 = arith.mulf %add3A_778, %bitcast3A_760 : vector<16xf32>
      %add3A_780 = arith.constant -2.79415369 : f32
      %add3A_781 = vector.broadcast %add3A_780 : f32 to vector<16xf32>
      %add3A_782 = arith.addf %mul3A_779, %add3A_781 : vector<16xf32>
      %convert_element_type3A_783 = arith.sitofp %sub3A_753 : vector<16xi32> to vector<16xf32>
      %add3A_784 = arith.addf %convert_element_type3A_783, %add3A_782 : vector<16xf32>
      %add3A_785 = arith.addf %scan3A_721#0, %add3A_784 : vector<16xf32>
      %bitcast3A_786 = vector.bitcast %select_n3A_746 : vector<16xf32> to vector<16xi32>
      %shift_right_arithmetic3A_787 = arith.constant 23 : i32
      %shift_right_arithmetic3A_788 = vector.broadcast %shift_right_arithmetic3A_787 : i32 to vector<16xi32>
      %shift_right_arithmetic3A_789 = arith.shrsi %bitcast3A_786, %shift_right_arithmetic3A_788 : vector<16xi32>
      %sub3A_790 = arith.constant 127 : i32
      %sub3A_791 = vector.broadcast %sub3A_790 : i32 to vector<16xi32>
      %sub3A_792 = arith.subi %shift_right_arithmetic3A_789, %sub3A_791 : vector<16xi32>
      %and3A_793 = arith.constant 8388607 : i32
      %and3A_794 = vector.broadcast %and3A_793 : i32 to vector<16xi32>
      %and3A_795 = arith.andi %bitcast3A_786, %and3A_794 : vector<16xi32>
      %or3A_796 = arith.constant 1065353216 : i32
      %or3A_797 = vector.broadcast %or3A_796 : i32 to vector<16xi32>
      %or3A_798 = arith.ori %and3A_795, %or3A_797 : vector<16xi32>
      %bitcast3A_799 = vector.bitcast %or3A_798 : vector<16xi32> to vector<16xf32>
      %mul3A_800 = arith.constant 0.0439286269 : f32
      %mul3A_801 = vector.broadcast %mul3A_800 : f32 to vector<16xf32>
      %mul3A_802 = arith.mulf %mul3A_801, %bitcast3A_799 : vector<16xf32>
      %add3A_803 = arith.constant -0.409475595 : f32
      %add3A_804 = vector.broadcast %add3A_803 : f32 to vector<16xf32>
      %add3A_805 = arith.addf %mul3A_802, %add3A_804 : vector<16xf32>
      %mul3A_806 = arith.mulf %add3A_805, %bitcast3A_799 : vector<16xf32>
      %add3A_807 = arith.constant 1.61017752 : f32
      %add3A_808 = vector.broadcast %add3A_807 : f32 to vector<16xf32>
      %add3A_809 = arith.addf %mul3A_806, %add3A_808 : vector<16xf32>
      %mul3A_810 = arith.mulf %add3A_809, %bitcast3A_799 : vector<16xf32>
      %add3A_811 = arith.constant -3.52021885 : f32
      %add3A_812 = vector.broadcast %add3A_811 : f32 to vector<16xf32>
      %add3A_813 = arith.addf %mul3A_810, %add3A_812 : vector<16xf32>
      %mul3A_814 = arith.mulf %add3A_813, %bitcast3A_799 : vector<16xf32>
      %add3A_815 = arith.constant 5.06975651 : f32
      %add3A_816 = vector.broadcast %add3A_815 : f32 to vector<16xf32>
      %add3A_817 = arith.addf %mul3A_814, %add3A_816 : vector<16xf32>
      %mul3A_818 = arith.mulf %add3A_817, %bitcast3A_799 : vector<16xf32>
      %add3A_819 = arith.constant -2.79415369 : f32
      %add3A_820 = vector.broadcast %add3A_819 : f32 to vector<16xf32>
      %add3A_821 = arith.addf %mul3A_818, %add3A_820 : vector<16xf32>
      %convert_element_type3A_822 = arith.sitofp %sub3A_792 : vector<16xi32> to vector<16xf32>
      %add3A_823 = arith.addf %convert_element_type3A_822, %add3A_821 : vector<16xf32>
      %add3A_824 = arith.addf %scan3A_721#1, %add3A_823 : vector<16xf32>
      %scan3A_825 = arith.constant 0 : i32
      %scan3A_826 = arith.constant 31 : i32
      %scan3A_827 = arith.addi %scan3A_825, %scan3A_826 : i32
      %scan3A_828 = arith.constant 1 : i32
      %scan3A_829:2 = scf.for %scan3A_2023 = %scan3A_825 to %scan3A_827 step %scan3A_828 iter_args(%scan3A_2024 = %add3A_785, %scan3A_2025 = %add3A_824) -> (vector<16xf32>, vector<16xf32>)  : i32 {
        %mul3A_2026 = arith.constant 32 : i32
        %mul3A_2027 = arith.muli %mul3A_2026, %scan3A_2023 : i32
        %get3A_2028 = arith.constant 0 : i32
        %get3A_2029 = arith.constant 7 : i32
        %get3A_2030 = arith.index_cast %get3A_2028 : i32 to index
        %get3A_2031 = arith.index_cast %get3A_2029 : i32 to index
        %get3A_2032 = arith.index_cast %mul3A_2027 : i32 to index
        %get3A_2033 = tpu.vector_load %arg5[%get3A_2030, %get3A_2031, %get3A_2032] {strides = array<i32>} : memref<2x8x1000xf32, #tpu.memory_space<vmem>>, vector<16xf32>,
        %mul3A_2034 = arith.constant 32 : i32
        %mul3A_2035 = arith.muli %mul3A_2034, %scan3A_2023 : i32
        %add3A_2036 = arith.constant 16 : i32
        %add3A_2037 = arith.addi %mul3A_2035, %add3A_2036 : i32
        %get3A_2038 = arith.constant 0 : i32
        %get3A_2039 = arith.constant 7 : i32
        %get3A_2040 = arith.index_cast %get3A_2038 : i32 to index
        %get3A_2041 = arith.index_cast %get3A_2039 : i32 to index
        %get3A_2042 = arith.index_cast %add3A_2037 : i32 to index
        %get3A_2043 = tpu.vector_load %arg5[%get3A_2040, %get3A_2041, %get3A_2042] {strides = array<i32>} : memref<2x8x1000xf32, #tpu.memory_space<vmem>>, vector<16xf32>,
        %max3A_2044 = arith.constant 9.99999996E-13 : f32
        %max3A_2045 = vector.broadcast %max3A_2044 : f32 to vector<16xf32>
        %max3A_2046 = arith.maximumf %get3A_2033, %max3A_2045 : vector<16xf32>
        %max3A_2047 = arith.constant 9.99999996E-13 : f32
        %max3A_2048 = vector.broadcast %max3A_2047 : f32 to vector<16xf32>
        %max3A_2049 = arith.maximumf %get3A_2043, %max3A_2048 : vector<16xf32>
        %mul3A_2050 = arith.mulf %max3A_2046, %max3A_2049 : vector<16xf32>
        %bitcast3A_2051 = vector.bitcast %mul3A_2050 : vector<16xf32> to vector<16xi32>
        %shift_right_arithmetic3A_2052 = arith.constant 23 : i32
        %shift_right_arithmetic3A_2053 = vector.broadcast %shift_right_arithmetic3A_2052 : i32 to vector<16xi32>
        %shift_right_arithmetic3A_2054 = arith.shrsi %bitcast3A_2051, %shift_right_arithmetic3A_2053 : vector<16xi32>
        %sub3A_2055 = arith.constant 127 : i32
        %sub3A_2056 = vector.broadcast %sub3A_2055 : i32 to vector<16xi32>
        %sub3A_2057 = arith.subi %shift_right_arithmetic3A_2054, %sub3A_2056 : vector<16xi32>
        %and3A_2058 = arith.constant 8388607 : i32
        %and3A_2059 = vector.broadcast %and3A_2058 : i32 to vector<16xi32>
        %and3A_2060 = arith.andi %bitcast3A_2051, %and3A_2059 : vector<16xi32>
        %or3A_2061 = arith.constant 1065353216 : i32
        %or3A_2062 = vector.broadcast %or3A_2061 : i32 to vector<16xi32>
        %or3A_2063 = arith.ori %and3A_2060, %or3A_2062 : vector<16xi32>
        %bitcast3A_2064 = vector.bitcast %or3A_2063 : vector<16xi32> to vector<16xf32>
        %mul3A_2065 = arith.constant 0.0439286269 : f32
        %mul3A_2066 = vector.broadcast %mul3A_2065 : f32 to vector<16xf32>
        %mul3A_2067 = arith.mulf %mul3A_2066, %bitcast3A_2064 : vector<16xf32>
        %add3A_2068 = arith.constant -0.409475595 : f32
        %add3A_2069 = vector.broadcast %add3A_2068 : f32 to vector<16xf32>
        %add3A_2070 = arith.addf %mul3A_2067, %add3A_2069 : vector<16xf32>
        %mul3A_2071 = arith.mulf %add3A_2070, %bitcast3A_2064 : vector<16xf32>
        %add3A_2072 = arith.constant 1.61017752 : f32
        %add3A_2073 = vector.broadcast %add3A_2072 : f32 to vector<16xf32>
        %add3A_2074 = arith.addf %mul3A_2071, %add3A_2073 : vector<16xf32>
        %mul3A_2075 = arith.mulf %add3A_2074, %bitcast3A_2064 : vector<16xf32>
        %add3A_2076 = arith.constant -3.52021885 : f32
        %add3A_2077 = vector.broadcast %add3A_2076 : f32 to vector<16xf32>
        %add3A_2078 = arith.addf %mul3A_2075, %add3A_2077 : vector<16xf32>
        %mul3A_2079 = arith.mulf %add3A_2078, %bitcast3A_2064 : vector<16xf32>
        %add3A_2080 = arith.constant 5.06975651 : f32
        %add3A_2081 = vector.broadcast %add3A_2080 : f32 to vector<16xf32>
        %add3A_2082 = arith.addf %mul3A_2079, %add3A_2081 : vector<16xf32>
        %mul3A_2083 = arith.mulf %add3A_2082, %bitcast3A_2064 : vector<16xf32>
        %add3A_2084 = arith.constant -2.79415369 : f32
        %add3A_2085 = vector.broadcast %add3A_2084 : f32 to vector<16xf32>
        %add3A_2086 = arith.addf %mul3A_2083, %add3A_2085 : vector<16xf32>
        %convert_element_type3A_2087 = arith.sitofp %sub3A_2057 : vector<16xi32> to vector<16xf32>
        %add3A_2088 = arith.addf %convert_element_type3A_2087, %add3A_2086 : vector<16xf32>
        %add3A_2089 = arith.addf %scan3A_2024, %add3A_2088 : vector<16xf32>
        %sub3A_2090 = arith.constant 1.000000e+00 : f32
        %sub3A_2091 = vector.broadcast %sub3A_2090 : f32 to vector<16xf32>
        %sub3A_2092 = arith.subf %sub3A_2091, %max3A_2046 : vector<16xf32>
        %sub3A_2093 = arith.constant 1.000000e+00 : f32
        %sub3A_2094 = vector.broadcast %sub3A_2093 : f32 to vector<16xf32>
        %sub3A_2095 = arith.subf %sub3A_2094, %max3A_2049 : vector<16xf32>
        %mul3A_2096 = arith.mulf %sub3A_2092, %sub3A_2095 : vector<16xf32>
        %bitcast3A_2097 = vector.bitcast %mul3A_2096 : vector<16xf32> to vector<16xi32>
        %shift_right_arithmetic3A_2098 = arith.constant 23 : i32
        %shift_right_arithmetic3A_2099 = vector.broadcast %shift_right_arithmetic3A_2098 : i32 to vector<16xi32>
        %shift_right_arithmetic3A_2100 = arith.shrsi %bitcast3A_2097, %shift_right_arithmetic3A_2099 : vector<16xi32>
        %sub3A_2101 = arith.constant 127 : i32
        %sub3A_2102 = vector.broadcast %sub3A_2101 : i32 to vector<16xi32>
        %sub3A_2103 = arith.subi %shift_right_arithmetic3A_2100, %sub3A_2102 : vector<16xi32>
        %and3A_2104 = arith.constant 8388607 : i32
        %and3A_2105 = vector.broadcast %and3A_2104 : i32 to vector<16xi32>
        %and3A_2106 = arith.andi %bitcast3A_2097, %and3A_2105 : vector<16xi32>
        %or3A_2107 = arith.constant 1065353216 : i32
        %or3A_2108 = vector.broadcast %or3A_2107 : i32 to vector<16xi32>
        %or3A_2109 = arith.ori %and3A_2106, %or3A_2108 : vector<16xi32>
        %bitcast3A_2110 = vector.bitcast %or3A_2109 : vector<16xi32> to vector<16xf32>
        %mul3A_2111 = arith.constant 0.0439286269 : f32
        %mul3A_2112 = vector.broadcast %mul3A_2111 : f32 to vector<16xf32>
        %mul3A_2113 = arith.mulf %mul3A_2112, %bitcast3A_2110 : vector<16xf32>
        %add3A_2114 = arith.constant -0.409475595 : f32
        %add3A_2115 = vector.broadcast %add3A_2114 : f32 to vector<16xf32>
        %add3A_2116 = arith.addf %mul3A_2113, %add3A_2115 : vector<16xf32>
        %mul3A_2117 = arith.mulf %add3A_2116, %bitcast3A_2110 : vector<16xf32>
        %add3A_2118 = arith.constant 1.61017752 : f32
        %add3A_2119 = vector.broadcast %add3A_2118 : f32 to vector<16xf32>
        %add3A_2120 = arith.addf %mul3A_2117, %add3A_2119 : vector<16xf32>
        %mul3A_2121 = arith.mulf %add3A_2120, %bitcast3A_2110 : vector<16xf32>
        %add3A_2122 = arith.constant -3.52021885 : f32
        %add3A_2123 = vector.broadcast %add3A_2122 : f32 to vector<16xf32>
        %add3A_2124 = arith.addf %mul3A_2121, %add3A_2123 : vector<16xf32>
        %mul3A_2125 = arith.mulf %add3A_2124, %bitcast3A_2110 : vector<16xf32>
        %add3A_2126 = arith.constant 5.06975651 : f32
        %add3A_2127 = vector.broadcast %add3A_2126 : f32 to vector<16xf32>
        %add3A_2128 = arith.addf %mul3A_2125, %add3A_2127 : vector<16xf32>
        %mul3A_2129 = arith.mulf %add3A_2128, %bitcast3A_2110 : vector<16xf32>
        %add3A_2130 = arith.constant -2.79415369 : f32
        %add3A_2131 = vector.broadcast %add3A_2130 : f32 to vector<16xf32>
        %add3A_2132 = arith.addf %mul3A_2129, %add3A_2131 : vector<16xf32>
        %convert_element_type3A_2133 = arith.sitofp %sub3A_2103 : vector<16xi32> to vector<16xf32>
        %add3A_2134 = arith.addf %convert_element_type3A_2133, %add3A_2132 : vector<16xf32>
        %add3A_2135 = arith.addf %scan3A_2025, %add3A_2134 : vector<16xf32>
        scf.yield %add3A_2089, %add3A_2135 : vector<16xf32>, vector<16xf32>
      }
      %scan3A_830 = arith.constant 31 : i32
      %get3A_831 = arith.constant 0 : i32
      %get3A_832 = arith.constant 7 : i32
      %get3A_833 = arith.index_cast %get3A_831 : i32 to index
      %get3A_834 = arith.index_cast %get3A_832 : i32 to index
      %get3A_835 = arith.constant 984 : index
      %get3A_836 = tpu.vector_load %arg5[%get3A_833, %get3A_834, %get3A_835] {strides = array<i32>} : memref<2x8x1000xf32, #tpu.memory_space<vmem>>, vector<16xf32>,
      %ge3A_837 = arith.constant 8 : i32
      %ge3A_838 = vector.broadcast %ge3A_837 : i32 to vector<16xi32>
      %ge3A_839 = arith.cmpi sge, %iota3A, %ge3A_838 : vector<16xi32>
      %max3A_840 = arith.constant 9.99999996E-13 : f32
      %max3A_841 = vector.broadcast %max3A_840 : f32 to vector<16xf32>
      %max3A_842 = arith.maximumf %get3A_836, %max3A_841 : vector<16xf32>
      %jit3A_843 = arith.constant 1.000000e+00 : f32
      %broadcast_in_dim3A_844 = vector.broadcast %jit3A_843 : f32 to vector<16xf32>
      %select_n3A_845 = arith.select %ge3A_839, %max3A_842, %broadcast_in_dim3A_844 : vector<16xi1>, vector<16xf32>
      %max3A_846 = arith.constant 9.99999996E-13 : f32
      %max3A_847 = vector.broadcast %max3A_846 : f32 to vector<16xf32>
      %max3A_848 = arith.maximumf %get3A_836, %max3A_847 : vector<16xf32>
      %sub3A_849 = arith.constant 1.000000e+00 : f32
      %sub3A_850 = vector.broadcast %sub3A_849 : f32 to vector<16xf32>
      %sub3A_851 = arith.subf %sub3A_850, %max3A_848 : vector<16xf32>
      %jit3A_852 = arith.constant 1.000000e+00 : f32
      %broadcast_in_dim3A_853 = vector.broadcast %jit3A_852 : f32 to vector<16xf32>
      %select_n3A_854 = arith.select %ge3A_839, %sub3A_851, %broadcast_in_dim3A_853 : vector<16xi1>, vector<16xf32>
      %bitcast3A_855 = vector.bitcast %select_n3A_845 : vector<16xf32> to vector<16xi32>
      %shift_right_arithmetic3A_856 = arith.constant 23 : i32
      %shift_right_arithmetic3A_857 = vector.broadcast %shift_right_arithmetic3A_856 : i32 to vector<16xi32>
      %shift_right_arithmetic3A_858 = arith.shrsi %bitcast3A_855, %shift_right_arithmetic3A_857 : vector<16xi32>
      %sub3A_859 = arith.constant 127 : i32
      %sub3A_860 = vector.broadcast %sub3A_859 : i32 to vector<16xi32>
      %sub3A_861 = arith.subi %shift_right_arithmetic3A_858, %sub3A_860 : vector<16xi32>
      %and3A_862 = arith.constant 8388607 : i32
      %and3A_863 = vector.broadcast %and3A_862 : i32 to vector<16xi32>
      %and3A_864 = arith.andi %bitcast3A_855, %and3A_863 : vector<16xi32>
      %or3A_865 = arith.constant 1065353216 : i32
      %or3A_866 = vector.broadcast %or3A_865 : i32 to vector<16xi32>
      %or3A_867 = arith.ori %and3A_864, %or3A_866 : vector<16xi32>
      %bitcast3A_868 = vector.bitcast %or3A_867 : vector<16xi32> to vector<16xf32>
      %mul3A_869 = arith.constant 0.0439286269 : f32
      %mul3A_870 = vector.broadcast %mul3A_869 : f32 to vector<16xf32>
      %mul3A_871 = arith.mulf %mul3A_870, %bitcast3A_868 : vector<16xf32>
      %add3A_872 = arith.constant -0.409475595 : f32
      %add3A_873 = vector.broadcast %add3A_872 : f32 to vector<16xf32>
      %add3A_874 = arith.addf %mul3A_871, %add3A_873 : vector<16xf32>
      %mul3A_875 = arith.mulf %add3A_874, %bitcast3A_868 : vector<16xf32>
      %add3A_876 = arith.constant 1.61017752 : f32
      %add3A_877 = vector.broadcast %add3A_876 : f32 to vector<16xf32>
      %add3A_878 = arith.addf %mul3A_875, %add3A_877 : vector<16xf32>
      %mul3A_879 = arith.mulf %add3A_878, %bitcast3A_868 : vector<16xf32>
      %add3A_880 = arith.constant -3.52021885 : f32
      %add3A_881 = vector.broadcast %add3A_880 : f32 to vector<16xf32>
      %add3A_882 = arith.addf %mul3A_879, %add3A_881 : vector<16xf32>
      %mul3A_883 = arith.mulf %add3A_882, %bitcast3A_868 : vector<16xf32>
      %add3A_884 = arith.constant 5.06975651 : f32
      %add3A_885 = vector.broadcast %add3A_884 : f32 to vector<16xf32>
      %add3A_886 = arith.addf %mul3A_883, %add3A_885 : vector<16xf32>
      %mul3A_887 = arith.mulf %add3A_886, %bitcast3A_868 : vector<16xf32>
      %add3A_888 = arith.constant -2.79415369 : f32
      %add3A_889 = vector.broadcast %add3A_888 : f32 to vector<16xf32>
      %add3A_890 = arith.addf %mul3A_887, %add3A_889 : vector<16xf32>
      %convert_element_type3A_891 = arith.sitofp %sub3A_861 : vector<16xi32> to vector<16xf32>
      %add3A_892 = arith.addf %convert_element_type3A_891, %add3A_890 : vector<16xf32>
      %add3A_893 = arith.addf %scan3A_829#0, %add3A_892 : vector<16xf32>
      %bitcast3A_894 = vector.bitcast %select_n3A_854 : vector<16xf32> to vector<16xi32>
      %shift_right_arithmetic3A_895 = arith.constant 23 : i32
      %shift_right_arithmetic3A_896 = vector.broadcast %shift_right_arithmetic3A_895 : i32 to vector<16xi32>
      %shift_right_arithmetic3A_897 = arith.shrsi %bitcast3A_894, %shift_right_arithmetic3A_896 : vector<16xi32>
      %sub3A_898 = arith.constant 127 : i32
      %sub3A_899 = vector.broadcast %sub3A_898 : i32 to vector<16xi32>
      %sub3A_900 = arith.subi %shift_right_arithmetic3A_897, %sub3A_899 : vector<16xi32>
      %and3A_901 = arith.constant 8388607 : i32
      %and3A_902 = vector.broadcast %and3A_901 : i32 to vector<16xi32>
      %and3A_903 = arith.andi %bitcast3A_894, %and3A_902 : vector<16xi32>
      %or3A_904 = arith.constant 1065353216 : i32
      %or3A_905 = vector.broadcast %or3A_904 : i32 to vector<16xi32>
      %or3A_906 = arith.ori %and3A_903, %or3A_905 : vector<16xi32>
      %bitcast3A_907 = vector.bitcast %or3A_906 : vector<16xi32> to vector<16xf32>
      %mul3A_908 = arith.constant 0.0439286269 : f32
      %mul3A_909 = vector.broadcast %mul3A_908 : f32 to vector<16xf32>
      %mul3A_910 = arith.mulf %mul3A_909, %bitcast3A_907 : vector<16xf32>
      %add3A_911 = arith.constant -0.409475595 : f32
      %add3A_912 = vector.broadcast %add3A_911 : f32 to vector<16xf32>
      %add3A_913 = arith.addf %mul3A_910, %add3A_912 : vector<16xf32>
      %mul3A_914 = arith.mulf %add3A_913, %bitcast3A_907 : vector<16xf32>
      %add3A_915 = arith.constant 1.61017752 : f32
      %add3A_916 = vector.broadcast %add3A_915 : f32 to vector<16xf32>
      %add3A_917 = arith.addf %mul3A_914, %add3A_916 : vector<16xf32>
      %mul3A_918 = arith.mulf %add3A_917, %bitcast3A_907 : vector<16xf32>
      %add3A_919 = arith.constant -3.52021885 : f32
      %add3A_920 = vector.broadcast %add3A_919 : f32 to vector<16xf32>
      %add3A_921 = arith.addf %mul3A_918, %add3A_920 : vector<16xf32>
      %mul3A_922 = arith.mulf %add3A_921, %bitcast3A_907 : vector<16xf32>
      %add3A_923 = arith.constant 5.06975651 : f32
      %add3A_924 = vector.broadcast %add3A_923 : f32 to vector<16xf32>
      %add3A_925 = arith.addf %mul3A_922, %add3A_924 : vector<16xf32>
      %mul3A_926 = arith.mulf %add3A_925, %bitcast3A_907 : vector<16xf32>
      %add3A_927 = arith.constant -2.79415369 : f32
      %add3A_928 = vector.broadcast %add3A_927 : f32 to vector<16xf32>
      %add3A_929 = arith.addf %mul3A_926, %add3A_928 : vector<16xf32>
      %convert_element_type3A_930 = arith.sitofp %sub3A_900 : vector<16xi32> to vector<16xf32>
      %add3A_931 = arith.addf %convert_element_type3A_930, %add3A_929 : vector<16xf32>
      %add3A_932 = arith.addf %scan3A_829#1, %add3A_931 : vector<16xf32>
      %mul3A_933 = arith.constant 8 : i32
      %mul3A_934 = arith.muli %mul3A_79, %mul3A_933 : i32
      %get3A_935 = arith.index_cast %mul3A_934 : i32 to index
      %get3A_936 = tpu.vector_load %arg6[%get3A_935] {strides = array<i32>} : memref<144xi32, #tpu.memory_space<vmem>>, vector<16xi32>,
      %and3A_937 = arith.constant 7 : i32
      %and3A_938 = vector.broadcast %and3A_937 : i32 to vector<16xi32>
      %and3A_939 = arith.andi %iota3A, %and3A_938 : vector<16xi32>
      %broadcast_in_dim3A_940 = arith.constant 0 : i32
      %broadcast_in_dim3A_941 = vector.broadcast %broadcast_in_dim3A_940 : i32 to vector<16xi32>
      %gather3A = tpu.vector_load_idx %arg5[%broadcast_in_dim3A_941, %and3A_939, %get3A_936] : memref<2x8x1000xf32, #tpu.memory_space<vmem>>[vector<16xi32>, vector<16xi32>, vector<16xi32>], vector<16xf32>,
      %lt3A = arith.constant 8 : i32
      %lt3A_942 = vector.broadcast %lt3A : i32 to vector<16xi32>
      %lt3A_943 = arith.cmpi slt, %iota3A, %lt3A_942 : vector<16xi32>
      %max3A_944 = arith.constant 9.99999996E-13 : f32
      %max3A_945 = vector.broadcast %max3A_944 : f32 to vector<16xf32>
      %max3A_946 = arith.maximumf %gather3A, %max3A_945 : vector<16xf32>
      %jit3A_947 = arith.constant 5.000000e-01 : f32
      %broadcast_in_dim3A_948 = vector.broadcast %jit3A_947 : f32 to vector<16xf32>
      %select_n3A_949 = arith.select %lt3A_943, %max3A_946, %broadcast_in_dim3A_948 : vector<16xi1>, vector<16xf32>
      %bitcast3A_950 = vector.bitcast %select_n3A_949 : vector<16xf32> to vector<16xi32>
      %shift_right_arithmetic3A_951 = arith.constant 23 : i32
      %shift_right_arithmetic3A_952 = vector.broadcast %shift_right_arithmetic3A_951 : i32 to vector<16xi32>
      %shift_right_arithmetic3A_953 = arith.shrsi %bitcast3A_950, %shift_right_arithmetic3A_952 : vector<16xi32>
      %sub3A_954 = arith.constant 127 : i32
      %sub3A_955 = vector.broadcast %sub3A_954 : i32 to vector<16xi32>
      %sub3A_956 = arith.subi %shift_right_arithmetic3A_953, %sub3A_955 : vector<16xi32>
      %and3A_957 = arith.constant 8388607 : i32
      %and3A_958 = vector.broadcast %and3A_957 : i32 to vector<16xi32>
      %and3A_959 = arith.andi %bitcast3A_950, %and3A_958 : vector<16xi32>
      %or3A_960 = arith.constant 1065353216 : i32
      %or3A_961 = vector.broadcast %or3A_960 : i32 to vector<16xi32>
      %or3A_962 = arith.ori %and3A_959, %or3A_961 : vector<16xi32>
      %bitcast3A_963 = vector.bitcast %or3A_962 : vector<16xi32> to vector<16xf32>
      %mul3A_964 = arith.constant 0.0439286269 : f32
      %mul3A_965 = vector.broadcast %mul3A_964 : f32 to vector<16xf32>
      %mul3A_966 = arith.mulf %mul3A_965, %bitcast3A_963 : vector<16xf32>
      %add3A_967 = arith.constant -0.409475595 : f32
      %add3A_968 = vector.broadcast %add3A_967 : f32 to vector<16xf32>
      %add3A_969 = arith.addf %mul3A_966, %add3A_968 : vector<16xf32>
      %mul3A_970 = arith.mulf %add3A_969, %bitcast3A_963 : vector<16xf32>
      %add3A_971 = arith.constant 1.61017752 : f32
      %add3A_972 = vector.broadcast %add3A_971 : f32 to vector<16xf32>
      %add3A_973 = arith.addf %mul3A_970, %add3A_972 : vector<16xf32>
      %mul3A_974 = arith.mulf %add3A_973, %bitcast3A_963 : vector<16xf32>
      %add3A_975 = arith.constant -3.52021885 : f32
      %add3A_976 = vector.broadcast %add3A_975 : f32 to vector<16xf32>
      %add3A_977 = arith.addf %mul3A_974, %add3A_976 : vector<16xf32>
      %mul3A_978 = arith.mulf %add3A_977, %bitcast3A_963 : vector<16xf32>
      %add3A_979 = arith.constant 5.06975651 : f32
      %add3A_980 = vector.broadcast %add3A_979 : f32 to vector<16xf32>
      %add3A_981 = arith.addf %mul3A_978, %add3A_980 : vector<16xf32>
      %mul3A_982 = arith.mulf %add3A_981, %bitcast3A_963 : vector<16xf32>
      %add3A_983 = arith.constant -2.79415369 : f32
      %add3A_984 = vector.broadcast %add3A_983 : f32 to vector<16xf32>
      %add3A_985 = arith.addf %mul3A_982, %add3A_984 : vector<16xf32>
      %convert_element_type3A_986 = arith.sitofp %sub3A_956 : vector<16xi32> to vector<16xf32>
      %add3A_987 = arith.addf %convert_element_type3A_986, %add3A_985 : vector<16xf32>
      %add3A_988 = arith.addf %scan3A_40, %add3A_987 : vector<16xf32>
      %sub3A_989 = arith.constant 1.000000e+00 : f32
      %sub3A_990 = vector.broadcast %sub3A_989 : f32 to vector<16xf32>
      %sub3A_991 = arith.subf %sub3A_990, %select_n3A_949 : vector<16xf32>
      %bitcast3A_992 = vector.bitcast %sub3A_991 : vector<16xf32> to vector<16xi32>
      %shift_right_arithmetic3A_993 = arith.constant 23 : i32
      %shift_right_arithmetic3A_994 = vector.broadcast %shift_right_arithmetic3A_993 : i32 to vector<16xi32>
      %shift_right_arithmetic3A_995 = arith.shrsi %bitcast3A_992, %shift_right_arithmetic3A_994 : vector<16xi32>
      %sub3A_996 = arith.constant 127 : i32
      %sub3A_997 = vector.broadcast %sub3A_996 : i32 to vector<16xi32>
      %sub3A_998 = arith.subi %shift_right_arithmetic3A_995, %sub3A_997 : vector<16xi32>
      %and3A_999 = arith.constant 8388607 : i32
      %and3A_1000 = vector.broadcast %and3A_999 : i32 to vector<16xi32>
      %and3A_1001 = arith.andi %bitcast3A_992, %and3A_1000 : vector<16xi32>
      %or3A_1002 = arith.constant 1065353216 : i32
      %or3A_1003 = vector.broadcast %or3A_1002 : i32 to vector<16xi32>
      %or3A_1004 = arith.ori %and3A_1001, %or3A_1003 : vector<16xi32>
      %bitcast3A_1005 = vector.bitcast %or3A_1004 : vector<16xi32> to vector<16xf32>
      %mul3A_1006 = arith.constant 0.0439286269 : f32
      %mul3A_1007 = vector.broadcast %mul3A_1006 : f32 to vector<16xf32>
      %mul3A_1008 = arith.mulf %mul3A_1007, %bitcast3A_1005 : vector<16xf32>
      %add3A_1009 = arith.constant -0.409475595 : f32
      %add3A_1010 = vector.broadcast %add3A_1009 : f32 to vector<16xf32>
      %add3A_1011 = arith.addf %mul3A_1008, %add3A_1010 : vector<16xf32>
      %mul3A_1012 = arith.mulf %add3A_1011, %bitcast3A_1005 : vector<16xf32>
      %add3A_1013 = arith.constant 1.61017752 : f32
      %add3A_1014 = vector.broadcast %add3A_1013 : f32 to vector<16xf32>
      %add3A_1015 = arith.addf %mul3A_1012, %add3A_1014 : vector<16xf32>
      %mul3A_1016 = arith.mulf %add3A_1015, %bitcast3A_1005 : vector<16xf32>
      %add3A_1017 = arith.constant -3.52021885 : f32
      %add3A_1018 = vector.broadcast %add3A_1017 : f32 to vector<16xf32>
      %add3A_1019 = arith.addf %mul3A_1016, %add3A_1018 : vector<16xf32>
      %mul3A_1020 = arith.mulf %add3A_1019, %bitcast3A_1005 : vector<16xf32>
      %add3A_1021 = arith.constant 5.06975651 : f32
      %add3A_1022 = vector.broadcast %add3A_1021 : f32 to vector<16xf32>
      %add3A_1023 = arith.addf %mul3A_1020, %add3A_1022 : vector<16xf32>
      %mul3A_1024 = arith.mulf %add3A_1023, %bitcast3A_1005 : vector<16xf32>
      %add3A_1025 = arith.constant -2.79415369 : f32
      %add3A_1026 = vector.broadcast %add3A_1025 : f32 to vector<16xf32>
      %add3A_1027 = arith.addf %mul3A_1024, %add3A_1026 : vector<16xf32>
      %convert_element_type3A_1028 = arith.sitofp %sub3A_998 : vector<16xi32> to vector<16xf32>
      %add3A_1029 = arith.addf %convert_element_type3A_1028, %add3A_1027 : vector<16xf32>
      %sub3A_1030 = arith.subf %add3A_988, %add3A_1029 : vector<16xf32>
      %lt3A_1031 = arith.constant 7 : i32
      %lt3A_1032 = arith.cmpi slt, %scan3A_37, %lt3A_1031 : i32
      %convert_element_type3A_1033 = arith.extui %lt3A_1032 : i1 to i32
      %cond3A = arith.constant 0 : i32
      %cond3A_1034 = arith.cmpi ne, %convert_element_type3A_1033, %cond3A : i32
      scf.if %cond3A_1034 {
        %mul3A_2023 = arith.constant 2 : i32
        %mul3A_2024 = arith.muli %mul3A_2023, %scan3A_37 : i32
        %add3A_2025 = arith.constant 2 : i32
        %add3A_2026 = arith.addi %mul3A_2024, %add3A_2025 : i32
        %mul3A_2027 = arith.constant 8 : i32
        %mul3A_2028 = arith.muli %add3A_2026, %mul3A_2027 : i32
        %add3A_2029 = arith.addi %add3A_4, %mul3A_2028 : i32
        %dma_start3A_2030 = arith.constant 0 : i32
        %dma_start3A_2031 = arith.constant 0 : i32
        %dma_start3A_2032 = arith.constant 0 : i32
        %dma_start3A_2033 = tpu.memref_slice %arg5[%dma_start3A_2030, %dma_start3A_2031, %dma_start3A_2032] : memref<2x8x1000xf32, #tpu.memory_space<vmem>> -> memref<1x8x1000xf32, #tpu.memory_space<vmem>>
        %dma_start3A_2034 = tpu.memref_squeeze %dma_start3A_2033 : memref<1x8x1000xf32, #tpu.memory_space<vmem>> -> memref<8x1000xf32, #tpu.memory_space<vmem>>
        %dma_start3A_2035 = arith.constant 0 : i32
        %dma_start3A_2036 = tpu.memref_slice %arg2[%add3A_2029, %dma_start3A_2035] : memref<16384x1000xf32, #tpu.memory_space<hbm>> -> memref<8x1000xf32, #tpu.memory_space<hbm>>
        %dma_start3A_2037 = arith.constant 0 : i32
        %dma_start3A_2038 = arith.constant 0 : i32
        %dma_start3A_2039 = tpu.memref_slice %arg5[%dma_start3A_2030, %dma_start3A_2037, %dma_start3A_2038] : memref<2x8x1000xf32, #tpu.memory_space<vmem>> -> memref<1x8x1000xf32, #tpu.memory_space<vmem>>
        %dma_start3A_2040 = tpu.memref_squeeze %dma_start3A_2039 : memref<1x8x1000xf32, #tpu.memory_space<vmem>> -> memref<8x1000xf32, #tpu.memory_space<vmem>>
        %dma_start3A_2041 = arith.constant 0 : i32
        %dma_start3A_2042 = tpu.memref_slice %arg2[%add3A_2029, %dma_start3A_2041] : memref<16384x1000xf32, #tpu.memory_space<hbm>> -> memref<8x1000xf32, #tpu.memory_space<hbm>>
        tpu.enqueue_dma source(%dma_start3A_2042 : memref<8x1000xf32, #tpu.memory_space<hbm>>) target(%dma_start3A_2040 : memref<8x1000xf32, #tpu.memory_space<vmem>>) target_semaphore(%arg8 : memref<!tpu.dma_semaphore, #tpu.memory_space<semaphore_mem>>)
      } else {
      }
      %mul3A_1035 = arith.constant 2 : i32
      %mul3A_1036 = arith.muli %mul3A_1035, %scan3A_37 : i32
      %add3A_1037 = arith.constant 1 : i32
      %add3A_1038 = arith.addi %mul3A_1036, %add3A_1037 : i32
      %mul3A_1039 = arith.constant 8 : i32
      %mul3A_1040 = arith.muli %add3A_1038, %mul3A_1039 : i32
      %add3A_1041 = arith.addi %add3A_4, %mul3A_1040 : i32
      %dma_wait3A_1042 = arith.constant 1 : i32
      %dma_wait3A_1043 = arith.constant 0 : i32
      %dma_wait3A_1044 = arith.constant 0 : i32
      %dma_wait3A_1045 = tpu.memref_slice %arg5[%dma_wait3A_1042, %dma_wait3A_1043, %dma_wait3A_1044] : memref<2x8x1000xf32, #tpu.memory_space<vmem>> -> memref<1x8x1000xf32, #tpu.memory_space<vmem>>
      %dma_wait3A_1046 = tpu.memref_squeeze %dma_wait3A_1045 : memref<1x8x1000xf32, #tpu.memory_space<vmem>> -> memref<8x1000xf32, #tpu.memory_space<vmem>>
      %dma_wait3A_1047 = arith.constant 0 : i32
      %dma_wait3A_1048 = tpu.memref_slice %arg2[%add3A_1041, %dma_wait3A_1047] : memref<16384x1000xf32, #tpu.memory_space<hbm>> -> memref<8x1000xf32, #tpu.memory_space<hbm>>
      %dma_wait3A_1049 = arith.constant 0 : i32
      %dma_wait3A_1050 = arith.constant 0 : i32
      %dma_wait3A_1051 = tpu.memref_slice %arg5[%dma_wait3A_1042, %dma_wait3A_1049, %dma_wait3A_1050] : memref<2x8x1000xf32, #tpu.memory_space<vmem>> -> memref<1x8x1000xf32, #tpu.memory_space<vmem>>
      %dma_wait3A_1052 = tpu.memref_squeeze %dma_wait3A_1051 : memref<1x8x1000xf32, #tpu.memory_space<vmem>> -> memref<8x1000xf32, #tpu.memory_space<vmem>>
      %dma_wait3A_1053 = arith.constant 0 : i32
      %dma_wait3A_1054 = tpu.memref_slice %arg2[%add3A_1041, %dma_wait3A_1053] : memref<16384x1000xf32, #tpu.memory_space<hbm>> -> memref<8x1000xf32, #tpu.memory_space<hbm>>
      tpu.wait_dma2 semaphore(%arg9 : memref<!tpu.dma_semaphore, #tpu.memory_space<semaphore_mem>>) src(%dma_wait3A_1054 : memref<8x1000xf32, #tpu.memory_space<hbm>>) dst(%dma_wait3A_1052 : memref<8x1000xf32, #tpu.memory_space<vmem>>)
      %mul3A_1055 = arith.constant 2 : i32
      %mul3A_1056 = arith.muli %mul3A_1055, %scan3A_37 : i32
      %add3A_1057 = arith.constant 1 : i32
      %add3A_1058 = arith.addi %mul3A_1056, %add3A_1057 : i32
      %scan3A_1059 = arith.constant 0 : i32
      %scan3A_1060 = arith.constant 31 : i32
      %scan3A_1061 = arith.addi %scan3A_1059, %scan3A_1060 : i32
      %scan3A_1062 = arith.constant 1 : i32
      %scan3A_1063:2 = scf.for %scan3A_2023 = %scan3A_1059 to %scan3A_1061 step %scan3A_1062 iter_args(%scan3A_2024 = %add3A_893, %scan3A_2025 = %add3A_932) -> (vector<16xf32>, vector<16xf32>)  : i32 {
        %mul3A_2026 = arith.constant 32 : i32
        %mul3A_2027 = arith.muli %mul3A_2026, %scan3A_2023 : i32
        %get3A_2028 = arith.constant 1 : i32
        %get3A_2029 = arith.constant 0 : i32
        %get3A_2030 = arith.index_cast %get3A_2028 : i32 to index
        %get3A_2031 = arith.index_cast %get3A_2029 : i32 to index
        %get3A_2032 = arith.index_cast %mul3A_2027 : i32 to index
        %get3A_2033 = tpu.vector_load %arg5[%get3A_2030, %get3A_2031, %get3A_2032] {strides = array<i32>} : memref<2x8x1000xf32, #tpu.memory_space<vmem>>, vector<16xf32>,
        %mul3A_2034 = arith.constant 32 : i32
        %mul3A_2035 = arith.muli %mul3A_2034, %scan3A_2023 : i32
        %add3A_2036 = arith.constant 16 : i32
        %add3A_2037 = arith.addi %mul3A_2035, %add3A_2036 : i32
        %get3A_2038 = arith.constant 1 : i32
        %get3A_2039 = arith.constant 0 : i32
        %get3A_2040 = arith.index_cast %get3A_2038 : i32 to index
        %get3A_2041 = arith.index_cast %get3A_2039 : i32 to index
        %get3A_2042 = arith.index_cast %add3A_2037 : i32 to index
        %get3A_2043 = tpu.vector_load %arg5[%get3A_2040, %get3A_2041, %get3A_2042] {strides = array<i32>} : memref<2x8x1000xf32, #tpu.memory_space<vmem>>, vector<16xf32>,
        %max3A_2044 = arith.constant 9.99999996E-13 : f32
        %max3A_2045 = vector.broadcast %max3A_2044 : f32 to vector<16xf32>
        %max3A_2046 = arith.maximumf %get3A_2033, %max3A_2045 : vector<16xf32>
        %max3A_2047 = arith.constant 9.99999996E-13 : f32
        %max3A_2048 = vector.broadcast %max3A_2047 : f32 to vector<16xf32>
        %max3A_2049 = arith.maximumf %get3A_2043, %max3A_2048 : vector<16xf32>
        %mul3A_2050 = arith.mulf %max3A_2046, %max3A_2049 : vector<16xf32>
        %bitcast3A_2051 = vector.bitcast %mul3A_2050 : vector<16xf32> to vector<16xi32>
        %shift_right_arithmetic3A_2052 = arith.constant 23 : i32
        %shift_right_arithmetic3A_2053 = vector.broadcast %shift_right_arithmetic3A_2052 : i32 to vector<16xi32>
        %shift_right_arithmetic3A_2054 = arith.shrsi %bitcast3A_2051, %shift_right_arithmetic3A_2053 : vector<16xi32>
        %sub3A_2055 = arith.constant 127 : i32
        %sub3A_2056 = vector.broadcast %sub3A_2055 : i32 to vector<16xi32>
        %sub3A_2057 = arith.subi %shift_right_arithmetic3A_2054, %sub3A_2056 : vector<16xi32>
        %and3A_2058 = arith.constant 8388607 : i32
        %and3A_2059 = vector.broadcast %and3A_2058 : i32 to vector<16xi32>
        %and3A_2060 = arith.andi %bitcast3A_2051, %and3A_2059 : vector<16xi32>
        %or3A_2061 = arith.constant 1065353216 : i32
        %or3A_2062 = vector.broadcast %or3A_2061 : i32 to vector<16xi32>
        %or3A_2063 = arith.ori %and3A_2060, %or3A_2062 : vector<16xi32>
        %bitcast3A_2064 = vector.bitcast %or3A_2063 : vector<16xi32> to vector<16xf32>
        %mul3A_2065 = arith.constant 0.0439286269 : f32
        %mul3A_2066 = vector.broadcast %mul3A_2065 : f32 to vector<16xf32>
        %mul3A_2067 = arith.mulf %mul3A_2066, %bitcast3A_2064 : vector<16xf32>
        %add3A_2068 = arith.constant -0.409475595 : f32
        %add3A_2069 = vector.broadcast %add3A_2068 : f32 to vector<16xf32>
        %add3A_2070 = arith.addf %mul3A_2067, %add3A_2069 : vector<16xf32>
        %mul3A_2071 = arith.mulf %add3A_2070, %bitcast3A_2064 : vector<16xf32>
        %add3A_2072 = arith.constant 1.61017752 : f32
        %add3A_2073 = vector.broadcast %add3A_2072 : f32 to vector<16xf32>
        %add3A_2074 = arith.addf %mul3A_2071, %add3A_2073 : vector<16xf32>
        %mul3A_2075 = arith.mulf %add3A_2074, %bitcast3A_2064 : vector<16xf32>
        %add3A_2076 = arith.constant -3.52021885 : f32
        %add3A_2077 = vector.broadcast %add3A_2076 : f32 to vector<16xf32>
        %add3A_2078 = arith.addf %mul3A_2075, %add3A_2077 : vector<16xf32>
        %mul3A_2079 = arith.mulf %add3A_2078, %bitcast3A_2064 : vector<16xf32>
        %add3A_2080 = arith.constant 5.06975651 : f32
        %add3A_2081 = vector.broadcast %add3A_2080 : f32 to vector<16xf32>
        %add3A_2082 = arith.addf %mul3A_2079, %add3A_2081 : vector<16xf32>
        %mul3A_2083 = arith.mulf %add3A_2082, %bitcast3A_2064 : vector<16xf32>
        %add3A_2084 = arith.constant -2.79415369 : f32
        %add3A_2085 = vector.broadcast %add3A_2084 : f32 to vector<16xf32>
        %add3A_2086 = arith.addf %mul3A_2083, %add3A_2085 : vector<16xf32>
        %convert_element_type3A_2087 = arith.sitofp %sub3A_2057 : vector<16xi32> to vector<16xf32>
        %add3A_2088 = arith.addf %convert_element_type3A_2087, %add3A_2086 : vector<16xf32>
        %add3A_2089 = arith.addf %scan3A_2024, %add3A_2088 : vector<16xf32>
        %sub3A_2090 = arith.constant 1.000000e+00 : f32
        %sub3A_2091 = vector.broadcast %sub3A_2090 : f32 to vector<16xf32>
        %sub3A_2092 = arith.subf %sub3A_2091, %max3A_2046 : vector<16xf32>
        %sub3A_2093 = arith.constant 1.000000e+00 : f32
        %sub3A_2094 = vector.broadcast %sub3A_2093 : f32 to vector<16xf32>
        %sub3A_2095 = arith.subf %sub3A_2094, %max3A_2049 : vector<16xf32>
        %mul3A_2096 = arith.mulf %sub3A_2092, %sub3A_2095 : vector<16xf32>
        %bitcast3A_2097 = vector.bitcast %mul3A_2096 : vector<16xf32> to vector<16xi32>
        %shift_right_arithmetic3A_2098 = arith.constant 23 : i32
        %shift_right_arithmetic3A_2099 = vector.broadcast %shift_right_arithmetic3A_2098 : i32 to vector<16xi32>
        %shift_right_arithmetic3A_2100 = arith.shrsi %bitcast3A_2097, %shift_right_arithmetic3A_2099 : vector<16xi32>
        %sub3A_2101 = arith.constant 127 : i32
        %sub3A_2102 = vector.broadcast %sub3A_2101 : i32 to vector<16xi32>
        %sub3A_2103 = arith.subi %shift_right_arithmetic3A_2100, %sub3A_2102 : vector<16xi32>
        %and3A_2104 = arith.constant 8388607 : i32
        %and3A_2105 = vector.broadcast %and3A_2104 : i32 to vector<16xi32>
        %and3A_2106 = arith.andi %bitcast3A_2097, %and3A_2105 : vector<16xi32>
        %or3A_2107 = arith.constant 1065353216 : i32
        %or3A_2108 = vector.broadcast %or3A_2107 : i32 to vector<16xi32>
        %or3A_2109 = arith.ori %and3A_2106, %or3A_2108 : vector<16xi32>
        %bitcast3A_2110 = vector.bitcast %or3A_2109 : vector<16xi32> to vector<16xf32>
        %mul3A_2111 = arith.constant 0.0439286269 : f32
        %mul3A_2112 = vector.broadcast %mul3A_2111 : f32 to vector<16xf32>
        %mul3A_2113 = arith.mulf %mul3A_2112, %bitcast3A_2110 : vector<16xf32>
        %add3A_2114 = arith.constant -0.409475595 : f32
        %add3A_2115 = vector.broadcast %add3A_2114 : f32 to vector<16xf32>
        %add3A_2116 = arith.addf %mul3A_2113, %add3A_2115 : vector<16xf32>
        %mul3A_2117 = arith.mulf %add3A_2116, %bitcast3A_2110 : vector<16xf32>
        %add3A_2118 = arith.constant 1.61017752 : f32
        %add3A_2119 = vector.broadcast %add3A_2118 : f32 to vector<16xf32>
        %add3A_2120 = arith.addf %mul3A_2117, %add3A_2119 : vector<16xf32>
        %mul3A_2121 = arith.mulf %add3A_2120, %bitcast3A_2110 : vector<16xf32>
        %add3A_2122 = arith.constant -3.52021885 : f32
        %add3A_2123 = vector.broadcast %add3A_2122 : f32 to vector<16xf32>
        %add3A_2124 = arith.addf %mul3A_2121, %add3A_2123 : vector<16xf32>
        %mul3A_2125 = arith.mulf %add3A_2124, %bitcast3A_2110 : vector<16xf32>
        %add3A_2126 = arith.constant 5.06975651 : f32
        %add3A_2127 = vector.broadcast %add3A_2126 : f32 to vector<16xf32>
        %add3A_2128 = arith.addf %mul3A_2125, %add3A_2127 : vector<16xf32>
        %mul3A_2129 = arith.mulf %add3A_2128, %bitcast3A_2110 : vector<16xf32>
        %add3A_2130 = arith.constant -2.79415369 : f32
        %add3A_2131 = vector.broadcast %add3A_2130 : f32 to vector<16xf32>
        %add3A_2132 = arith.addf %mul3A_2129, %add3A_2131 : vector<16xf32>
        %convert_element_type3A_2133 = arith.sitofp %sub3A_2103 : vector<16xi32> to vector<16xf32>
        %add3A_2134 = arith.addf %convert_element_type3A_2133, %add3A_2132 : vector<16xf32>
        %add3A_2135 = arith.addf %scan3A_2025, %add3A_2134 : vector<16xf32>
        scf.yield %add3A_2089, %add3A_2135 : vector<16xf32>, vector<16xf32>
      }
      %scan3A_1064 = arith.constant 31 : i32
      %get3A_1065 = arith.constant 1 : i32
      %get3A_1066 = arith.constant 0 : i32
      %get3A_1067 = arith.index_cast %get3A_1065 : i32 to index
      %get3A_1068 = arith.index_cast %get3A_1066 : i32 to index
      %get3A_1069 = arith.constant 984 : index
      %get3A_1070 = tpu.vector_load %arg5[%get3A_1067, %get3A_1068, %get3A_1069] {strides = array<i32>} : memref<2x8x1000xf32, #tpu.memory_space<vmem>>, vector<16xf32>,
      %ge3A_1071 = arith.constant 8 : i32
      %ge3A_1072 = vector.broadcast %ge3A_1071 : i32 to vector<16xi32>
      %ge3A_1073 = arith.cmpi sge, %iota3A, %ge3A_1072 : vector<16xi32>
      %max3A_1074 = arith.constant 9.99999996E-13 : f32
      %max3A_1075 = vector.broadcast %max3A_1074 : f32 to vector<16xf32>
      %max3A_1076 = arith.maximumf %get3A_1070, %max3A_1075 : vector<16xf32>
      %jit3A_1077 = arith.constant 1.000000e+00 : f32
      %broadcast_in_dim3A_1078 = vector.broadcast %jit3A_1077 : f32 to vector<16xf32>
      %select_n3A_1079 = arith.select %ge3A_1073, %max3A_1076, %broadcast_in_dim3A_1078 : vector<16xi1>, vector<16xf32>
      %max3A_1080 = arith.constant 9.99999996E-13 : f32
      %max3A_1081 = vector.broadcast %max3A_1080 : f32 to vector<16xf32>
      %max3A_1082 = arith.maximumf %get3A_1070, %max3A_1081 : vector<16xf32>
      %sub3A_1083 = arith.constant 1.000000e+00 : f32
      %sub3A_1084 = vector.broadcast %sub3A_1083 : f32 to vector<16xf32>
      %sub3A_1085 = arith.subf %sub3A_1084, %max3A_1082 : vector<16xf32>
      %jit3A_1086 = arith.constant 1.000000e+00 : f32
      %broadcast_in_dim3A_1087 = vector.broadcast %jit3A_1086 : f32 to vector<16xf32>
      %select_n3A_1088 = arith.select %ge3A_1073, %sub3A_1085, %broadcast_in_dim3A_1087 : vector<16xi1>, vector<16xf32>
      %bitcast3A_1089 = vector.bitcast %select_n3A_1079 : vector<16xf32> to vector<16xi32>
      %shift_right_arithmetic3A_1090 = arith.constant 23 : i32
      %shift_right_arithmetic3A_1091 = vector.broadcast %shift_right_arithmetic3A_1090 : i32 to vector<16xi32>
      %shift_right_arithmetic3A_1092 = arith.shrsi %bitcast3A_1089, %shift_right_arithmetic3A_1091 : vector<16xi32>
      %sub3A_1093 = arith.constant 127 : i32
      %sub3A_1094 = vector.broadcast %sub3A_1093 : i32 to vector<16xi32>
      %sub3A_1095 = arith.subi %shift_right_arithmetic3A_1092, %sub3A_1094 : vector<16xi32>
      %and3A_1096 = arith.constant 8388607 : i32
      %and3A_1097 = vector.broadcast %and3A_1096 : i32 to vector<16xi32>
      %and3A_1098 = arith.andi %bitcast3A_1089, %and3A_1097 : vector<16xi32>
      %or3A_1099 = arith.constant 1065353216 : i32
      %or3A_1100 = vector.broadcast %or3A_1099 : i32 to vector<16xi32>
      %or3A_1101 = arith.ori %and3A_1098, %or3A_1100 : vector<16xi32>
      %bitcast3A_1102 = vector.bitcast %or3A_1101 : vector<16xi32> to vector<16xf32>
      %mul3A_1103 = arith.constant 0.0439286269 : f32
      %mul3A_1104 = vector.broadcast %mul3A_1103 : f32 to vector<16xf32>
      %mul3A_1105 = arith.mulf %mul3A_1104, %bitcast3A_1102 : vector<16xf32>
      %add3A_1106 = arith.constant -0.409475595 : f32
      %add3A_1107 = vector.broadcast %add3A_1106 : f32 to vector<16xf32>
      %add3A_1108 = arith.addf %mul3A_1105, %add3A_1107 : vector<16xf32>
      %mul3A_1109 = arith.mulf %add3A_1108, %bitcast3A_1102 : vector<16xf32>
      %add3A_1110 = arith.constant 1.61017752 : f32
      %add3A_1111 = vector.broadcast %add3A_1110 : f32 to vector<16xf32>
      %add3A_1112 = arith.addf %mul3A_1109, %add3A_1111 : vector<16xf32>
      %mul3A_1113 = arith.mulf %add3A_1112, %bitcast3A_1102 : vector<16xf32>
      %add3A_1114 = arith.constant -3.52021885 : f32
      %add3A_1115 = vector.broadcast %add3A_1114 : f32 to vector<16xf32>
      %add3A_1116 = arith.addf %mul3A_1113, %add3A_1115 : vector<16xf32>
      %mul3A_1117 = arith.mulf %add3A_1116, %bitcast3A_1102 : vector<16xf32>
      %add3A_1118 = arith.constant 5.06975651 : f32
      %add3A_1119 = vector.broadcast %add3A_1118 : f32 to vector<16xf32>
      %add3A_1120 = arith.addf %mul3A_1117, %add3A_1119 : vector<16xf32>
      %mul3A_1121 = arith.mulf %add3A_1120, %bitcast3A_1102 : vector<16xf32>
      %add3A_1122 = arith.constant -2.79415369 : f32
      %add3A_1123 = vector.broadcast %add3A_1122 : f32 to vector<16xf32>
      %add3A_1124 = arith.addf %mul3A_1121, %add3A_1123 : vector<16xf32>
      %convert_element_type3A_1125 = arith.sitofp %sub3A_1095 : vector<16xi32> to vector<16xf32>
      %add3A_1126 = arith.addf %convert_element_type3A_1125, %add3A_1124 : vector<16xf32>
      %add3A_1127 = arith.addf %scan3A_1063#0, %add3A_1126 : vector<16xf32>
      %bitcast3A_1128 = vector.bitcast %select_n3A_1088 : vector<16xf32> to vector<16xi32>
      %shift_right_arithmetic3A_1129 = arith.constant 23 : i32
      %shift_right_arithmetic3A_1130 = vector.broadcast %shift_right_arithmetic3A_1129 : i32 to vector<16xi32>
      %shift_right_arithmetic3A_1131 = arith.shrsi %bitcast3A_1128, %shift_right_arithmetic3A_1130 : vector<16xi32>
      %sub3A_1132 = arith.constant 127 : i32
      %sub3A_1133 = vector.broadcast %sub3A_1132 : i32 to vector<16xi32>
      %sub3A_1134 = arith.subi %shift_right_arithmetic3A_1131, %sub3A_1133 : vector<16xi32>
      %and3A_1135 = arith.constant 8388607 : i32
      %and3A_1136 = vector.broadcast %and3A_1135 : i32 to vector<16xi32>
      %and3A_1137 = arith.andi %bitcast3A_1128, %and3A_1136 : vector<16xi32>
      %or3A_1138 = arith.constant 1065353216 : i32
      %or3A_1139 = vector.broadcast %or3A_1138 : i32 to vector<16xi32>
      %or3A_1140 = arith.ori %and3A_1137, %or3A_1139 : vector<16xi32>
      %bitcast3A_1141 = vector.bitcast %or3A_1140 : vector<16xi32> to vector<16xf32>
      %mul3A_1142 = arith.constant 0.0439286269 : f32
      %mul3A_1143 = vector.broadcast %mul3A_1142 : f32 to vector<16xf32>
      %mul3A_1144 = arith.mulf %mul3A_1143, %bitcast3A_1141 : vector<16xf32>
      %add3A_1145 = arith.constant -0.409475595 : f32
      %add3A_1146 = vector.broadcast %add3A_1145 : f32 to vector<16xf32>
      %add3A_1147 = arith.addf %mul3A_1144, %add3A_1146 : vector<16xf32>
      %mul3A_1148 = arith.mulf %add3A_1147, %bitcast3A_1141 : vector<16xf32>
      %add3A_1149 = arith.constant 1.61017752 : f32
      %add3A_1150 = vector.broadcast %add3A_1149 : f32 to vector<16xf32>
      %add3A_1151 = arith.addf %mul3A_1148, %add3A_1150 : vector<16xf32>
      %mul3A_1152 = arith.mulf %add3A_1151, %bitcast3A_1141 : vector<16xf32>
      %add3A_1153 = arith.constant -3.52021885 : f32
      %add3A_1154 = vector.broadcast %add3A_1153 : f32 to vector<16xf32>
      %add3A_1155 = arith.addf %mul3A_1152, %add3A_1154 : vector<16xf32>
      %mul3A_1156 = arith.mulf %add3A_1155, %bitcast3A_1141 : vector<16xf32>
      %add3A_1157 = arith.constant 5.06975651 : f32
      %add3A_1158 = vector.broadcast %add3A_1157 : f32 to vector<16xf32>
      %add3A_1159 = arith.addf %mul3A_1156, %add3A_1158 : vector<16xf32>
      %mul3A_1160 = arith.mulf %add3A_1159, %bitcast3A_1141 : vector<16xf32>
      %add3A_1161 = arith.constant -2.79415369 : f32
      %add3A_1162 = vector.broadcast %add3A_1161 : f32 to vector<16xf32>
      %add3A_1163 = arith.addf %mul3A_1160, %add3A_1162 : vector<16xf32>
      %convert_element_type3A_1164 = arith.sitofp %sub3A_1134 : vector<16xi32> to vector<16xf32>
      %add3A_1165 = arith.addf %convert_element_type3A_1164, %add3A_1163 : vector<16xf32>
      %add3A_1166 = arith.addf %scan3A_1063#1, %add3A_1165 : vector<16xf32>
      %scan3A_1167 = arith.constant 0 : i32
      %scan3A_1168 = arith.constant 31 : i32
      %scan3A_1169 = arith.addi %scan3A_1167, %scan3A_1168 : i32
      %scan3A_1170 = arith.constant 1 : i32
      %scan3A_1171:2 = scf.for %scan3A_2023 = %scan3A_1167 to %scan3A_1169 step %scan3A_1170 iter_args(%scan3A_2024 = %add3A_1127, %scan3A_2025 = %add3A_1166) -> (vector<16xf32>, vector<16xf32>)  : i32 {
        %mul3A_2026 = arith.constant 32 : i32
        %mul3A_2027 = arith.muli %mul3A_2026, %scan3A_2023 : i32
        %get3A_2028 = arith.constant 1 : i32
        %get3A_2029 = arith.constant 1 : i32
        %get3A_2030 = arith.index_cast %get3A_2028 : i32 to index
        %get3A_2031 = arith.index_cast %get3A_2029 : i32 to index
        %get3A_2032 = arith.index_cast %mul3A_2027 : i32 to index
        %get3A_2033 = tpu.vector_load %arg5[%get3A_2030, %get3A_2031, %get3A_2032] {strides = array<i32>} : memref<2x8x1000xf32, #tpu.memory_space<vmem>>, vector<16xf32>,
        %mul3A_2034 = arith.constant 32 : i32
        %mul3A_2035 = arith.muli %mul3A_2034, %scan3A_2023 : i32
        %add3A_2036 = arith.constant 16 : i32
        %add3A_2037 = arith.addi %mul3A_2035, %add3A_2036 : i32
        %get3A_2038 = arith.constant 1 : i32
        %get3A_2039 = arith.constant 1 : i32
        %get3A_2040 = arith.index_cast %get3A_2038 : i32 to index
        %get3A_2041 = arith.index_cast %get3A_2039 : i32 to index
        %get3A_2042 = arith.index_cast %add3A_2037 : i32 to index
        %get3A_2043 = tpu.vector_load %arg5[%get3A_2040, %get3A_2041, %get3A_2042] {strides = array<i32>} : memref<2x8x1000xf32, #tpu.memory_space<vmem>>, vector<16xf32>,
        %max3A_2044 = arith.constant 9.99999996E-13 : f32
        %max3A_2045 = vector.broadcast %max3A_2044 : f32 to vector<16xf32>
        %max3A_2046 = arith.maximumf %get3A_2033, %max3A_2045 : vector<16xf32>
        %max3A_2047 = arith.constant 9.99999996E-13 : f32
        %max3A_2048 = vector.broadcast %max3A_2047 : f32 to vector<16xf32>
        %max3A_2049 = arith.maximumf %get3A_2043, %max3A_2048 : vector<16xf32>
        %mul3A_2050 = arith.mulf %max3A_2046, %max3A_2049 : vector<16xf32>
        %bitcast3A_2051 = vector.bitcast %mul3A_2050 : vector<16xf32> to vector<16xi32>
        %shift_right_arithmetic3A_2052 = arith.constant 23 : i32
        %shift_right_arithmetic3A_2053 = vector.broadcast %shift_right_arithmetic3A_2052 : i32 to vector<16xi32>
        %shift_right_arithmetic3A_2054 = arith.shrsi %bitcast3A_2051, %shift_right_arithmetic3A_2053 : vector<16xi32>
        %sub3A_2055 = arith.constant 127 : i32
        %sub3A_2056 = vector.broadcast %sub3A_2055 : i32 to vector<16xi32>
        %sub3A_2057 = arith.subi %shift_right_arithmetic3A_2054, %sub3A_2056 : vector<16xi32>
        %and3A_2058 = arith.constant 8388607 : i32
        %and3A_2059 = vector.broadcast %and3A_2058 : i32 to vector<16xi32>
        %and3A_2060 = arith.andi %bitcast3A_2051, %and3A_2059 : vector<16xi32>
        %or3A_2061 = arith.constant 1065353216 : i32
        %or3A_2062 = vector.broadcast %or3A_2061 : i32 to vector<16xi32>
        %or3A_2063 = arith.ori %and3A_2060, %or3A_2062 : vector<16xi32>
        %bitcast3A_2064 = vector.bitcast %or3A_2063 : vector<16xi32> to vector<16xf32>
        %mul3A_2065 = arith.constant 0.0439286269 : f32
        %mul3A_2066 = vector.broadcast %mul3A_2065 : f32 to vector<16xf32>
        %mul3A_2067 = arith.mulf %mul3A_2066, %bitcast3A_2064 : vector<16xf32>
        %add3A_2068 = arith.constant -0.409475595 : f32
        %add3A_2069 = vector.broadcast %add3A_2068 : f32 to vector<16xf32>
        %add3A_2070 = arith.addf %mul3A_2067, %add3A_2069 : vector<16xf32>
        %mul3A_2071 = arith.mulf %add3A_2070, %bitcast3A_2064 : vector<16xf32>
        %add3A_2072 = arith.constant 1.61017752 : f32
        %add3A_2073 = vector.broadcast %add3A_2072 : f32 to vector<16xf32>
        %add3A_2074 = arith.addf %mul3A_2071, %add3A_2073 : vector<16xf32>
        %mul3A_2075 = arith.mulf %add3A_2074, %bitcast3A_2064 : vector<16xf32>
        %add3A_2076 = arith.constant -3.52021885 : f32
        %add3A_2077 = vector.broadcast %add3A_2076 : f32 to vector<16xf32>
        %add3A_2078 = arith.addf %mul3A_2075, %add3A_2077 : vector<16xf32>
        %mul3A_2079 = arith.mulf %add3A_2078, %bitcast3A_2064 : vector<16xf32>
        %add3A_2080 = arith.constant 5.06975651 : f32
        %add3A_2081 = vector.broadcast %add3A_2080 : f32 to vector<16xf32>
        %add3A_2082 = arith.addf %mul3A_2079, %add3A_2081 : vector<16xf32>
        %mul3A_2083 = arith.mulf %add3A_2082, %bitcast3A_2064 : vector<16xf32>
        %add3A_2084 = arith.constant -2.79415369 : f32
        %add3A_2085 = vector.broadcast %add3A_2084 : f32 to vector<16xf32>
        %add3A_2086 = arith.addf %mul3A_2083, %add3A_2085 : vector<16xf32>
        %convert_element_type3A_2087 = arith.sitofp %sub3A_2057 : vector<16xi32> to vector<16xf32>
        %add3A_2088 = arith.addf %convert_element_type3A_2087, %add3A_2086 : vector<16xf32>
        %add3A_2089 = arith.addf %scan3A_2024, %add3A_2088 : vector<16xf32>
        %sub3A_2090 = arith.constant 1.000000e+00 : f32
        %sub3A_2091 = vector.broadcast %sub3A_2090 : f32 to vector<16xf32>
        %sub3A_2092 = arith.subf %sub3A_2091, %max3A_2046 : vector<16xf32>
        %sub3A_2093 = arith.constant 1.000000e+00 : f32
        %sub3A_2094 = vector.broadcast %sub3A_2093 : f32 to vector<16xf32>
        %sub3A_2095 = arith.subf %sub3A_2094, %max3A_2049 : vector<16xf32>
        %mul3A_2096 = arith.mulf %sub3A_2092, %sub3A_2095 : vector<16xf32>
        %bitcast3A_2097 = vector.bitcast %mul3A_2096 : vector<16xf32> to vector<16xi32>
        %shift_right_arithmetic3A_2098 = arith.constant 23 : i32
        %shift_right_arithmetic3A_2099 = vector.broadcast %shift_right_arithmetic3A_2098 : i32 to vector<16xi32>
        %shift_right_arithmetic3A_2100 = arith.shrsi %bitcast3A_2097, %shift_right_arithmetic3A_2099 : vector<16xi32>
        %sub3A_2101 = arith.constant 127 : i32
        %sub3A_2102 = vector.broadcast %sub3A_2101 : i32 to vector<16xi32>
        %sub3A_2103 = arith.subi %shift_right_arithmetic3A_2100, %sub3A_2102 : vector<16xi32>
        %and3A_2104 = arith.constant 8388607 : i32
        %and3A_2105 = vector.broadcast %and3A_2104 : i32 to vector<16xi32>
        %and3A_2106 = arith.andi %bitcast3A_2097, %and3A_2105 : vector<16xi32>
        %or3A_2107 = arith.constant 1065353216 : i32
        %or3A_2108 = vector.broadcast %or3A_2107 : i32 to vector<16xi32>
        %or3A_2109 = arith.ori %and3A_2106, %or3A_2108 : vector<16xi32>
        %bitcast3A_2110 = vector.bitcast %or3A_2109 : vector<16xi32> to vector<16xf32>
        %mul3A_2111 = arith.constant 0.0439286269 : f32
        %mul3A_2112 = vector.broadcast %mul3A_2111 : f32 to vector<16xf32>
        %mul3A_2113 = arith.mulf %mul3A_2112, %bitcast3A_2110 : vector<16xf32>
        %add3A_2114 = arith.constant -0.409475595 : f32
        %add3A_2115 = vector.broadcast %add3A_2114 : f32 to vector<16xf32>
        %add3A_2116 = arith.addf %mul3A_2113, %add3A_2115 : vector<16xf32>
        %mul3A_2117 = arith.mulf %add3A_2116, %bitcast3A_2110 : vector<16xf32>
        %add3A_2118 = arith.constant 1.61017752 : f32
        %add3A_2119 = vector.broadcast %add3A_2118 : f32 to vector<16xf32>
        %add3A_2120 = arith.addf %mul3A_2117, %add3A_2119 : vector<16xf32>
        %mul3A_2121 = arith.mulf %add3A_2120, %bitcast3A_2110 : vector<16xf32>
        %add3A_2122 = arith.constant -3.52021885 : f32
        %add3A_2123 = vector.broadcast %add3A_2122 : f32 to vector<16xf32>
        %add3A_2124 = arith.addf %mul3A_2121, %add3A_2123 : vector<16xf32>
        %mul3A_2125 = arith.mulf %add3A_2124, %bitcast3A_2110 : vector<16xf32>
        %add3A_2126 = arith.constant 5.06975651 : f32
        %add3A_2127 = vector.broadcast %add3A_2126 : f32 to vector<16xf32>
        %add3A_2128 = arith.addf %mul3A_2125, %add3A_2127 : vector<16xf32>
        %mul3A_2129 = arith.mulf %add3A_2128, %bitcast3A_2110 : vector<16xf32>
        %add3A_2130 = arith.constant -2.79415369 : f32
        %add3A_2131 = vector.broadcast %add3A_2130 : f32 to vector<16xf32>
        %add3A_2132 = arith.addf %mul3A_2129, %add3A_2131 : vector<16xf32>
        %convert_element_type3A_2133 = arith.sitofp %sub3A_2103 : vector<16xi32> to vector<16xf32>
        %add3A_2134 = arith.addf %convert_element_type3A_2133, %add3A_2132 : vector<16xf32>
        %add3A_2135 = arith.addf %scan3A_2025, %add3A_2134 : vector<16xf32>
        scf.yield %add3A_2089, %add3A_2135 : vector<16xf32>, vector<16xf32>
      }
      %scan3A_1172 = arith.constant 31 : i32
      %get3A_1173 = arith.constant 1 : i32
      %get3A_1174 = arith.constant 1 : i32
      %get3A_1175 = arith.index_cast %get3A_1173 : i32 to index
      %get3A_1176 = arith.index_cast %get3A_1174 : i32 to index
      %get3A_1177 = arith.constant 984 : index
      %get3A_1178 = tpu.vector_load %arg5[%get3A_1175, %get3A_1176, %get3A_1177] {strides = array<i32>} : memref<2x8x1000xf32, #tpu.memory_space<vmem>>, vector<16xf32>,
      %ge3A_1179 = arith.constant 8 : i32
      %ge3A_1180 = vector.broadcast %ge3A_1179 : i32 to vector<16xi32>
      %ge3A_1181 = arith.cmpi sge, %iota3A, %ge3A_1180 : vector<16xi32>
      %max3A_1182 = arith.constant 9.99999996E-13 : f32
      %max3A_1183 = vector.broadcast %max3A_1182 : f32 to vector<16xf32>
      %max3A_1184 = arith.maximumf %get3A_1178, %max3A_1183 : vector<16xf32>
      %jit3A_1185 = arith.constant 1.000000e+00 : f32
      %broadcast_in_dim3A_1186 = vector.broadcast %jit3A_1185 : f32 to vector<16xf32>
      %select_n3A_1187 = arith.select %ge3A_1181, %max3A_1184, %broadcast_in_dim3A_1186 : vector<16xi1>, vector<16xf32>
      %max3A_1188 = arith.constant 9.99999996E-13 : f32
      %max3A_1189 = vector.broadcast %max3A_1188 : f32 to vector<16xf32>
      %max3A_1190 = arith.maximumf %get3A_1178, %max3A_1189 : vector<16xf32>
      %sub3A_1191 = arith.constant 1.000000e+00 : f32
      %sub3A_1192 = vector.broadcast %sub3A_1191 : f32 to vector<16xf32>
      %sub3A_1193 = arith.subf %sub3A_1192, %max3A_1190 : vector<16xf32>
      %jit3A_1194 = arith.constant 1.000000e+00 : f32
      %broadcast_in_dim3A_1195 = vector.broadcast %jit3A_1194 : f32 to vector<16xf32>
      %select_n3A_1196 = arith.select %ge3A_1181, %sub3A_1193, %broadcast_in_dim3A_1195 : vector<16xi1>, vector<16xf32>
      %bitcast3A_1197 = vector.bitcast %select_n3A_1187 : vector<16xf32> to vector<16xi32>
      %shift_right_arithmetic3A_1198 = arith.constant 23 : i32
      %shift_right_arithmetic3A_1199 = vector.broadcast %shift_right_arithmetic3A_1198 : i32 to vector<16xi32>
      %shift_right_arithmetic3A_1200 = arith.shrsi %bitcast3A_1197, %shift_right_arithmetic3A_1199 : vector<16xi32>
      %sub3A_1201 = arith.constant 127 : i32
      %sub3A_1202 = vector.broadcast %sub3A_1201 : i32 to vector<16xi32>
      %sub3A_1203 = arith.subi %shift_right_arithmetic3A_1200, %sub3A_1202 : vector<16xi32>
      %and3A_1204 = arith.constant 8388607 : i32
      %and3A_1205 = vector.broadcast %and3A_1204 : i32 to vector<16xi32>
      %and3A_1206 = arith.andi %bitcast3A_1197, %and3A_1205 : vector<16xi32>
      %or3A_1207 = arith.constant 1065353216 : i32
      %or3A_1208 = vector.broadcast %or3A_1207 : i32 to vector<16xi32>
      %or3A_1209 = arith.ori %and3A_1206, %or3A_1208 : vector<16xi32>
      %bitcast3A_1210 = vector.bitcast %or3A_1209 : vector<16xi32> to vector<16xf32>
      %mul3A_1211 = arith.constant 0.0439286269 : f32
      %mul3A_1212 = vector.broadcast %mul3A_1211 : f32 to vector<16xf32>
      %mul3A_1213 = arith.mulf %mul3A_1212, %bitcast3A_1210 : vector<16xf32>
      %add3A_1214 = arith.constant -0.409475595 : f32
      %add3A_1215 = vector.broadcast %add3A_1214 : f32 to vector<16xf32>
      %add3A_1216 = arith.addf %mul3A_1213, %add3A_1215 : vector<16xf32>
      %mul3A_1217 = arith.mulf %add3A_1216, %bitcast3A_1210 : vector<16xf32>
      %add3A_1218 = arith.constant 1.61017752 : f32
      %add3A_1219 = vector.broadcast %add3A_1218 : f32 to vector<16xf32>
      %add3A_1220 = arith.addf %mul3A_1217, %add3A_1219 : vector<16xf32>
      %mul3A_1221 = arith.mulf %add3A_1220, %bitcast3A_1210 : vector<16xf32>
      %add3A_1222 = arith.constant -3.52021885 : f32
      %add3A_1223 = vector.broadcast %add3A_1222 : f32 to vector<16xf32>
      %add3A_1224 = arith.addf %mul3A_1221, %add3A_1223 : vector<16xf32>
      %mul3A_1225 = arith.mulf %add3A_1224, %bitcast3A_1210 : vector<16xf32>
      %add3A_1226 = arith.constant 5.06975651 : f32
      %add3A_1227 = vector.broadcast %add3A_1226 : f32 to vector<16xf32>
      %add3A_1228 = arith.addf %mul3A_1225, %add3A_1227 : vector<16xf32>
      %mul3A_1229 = arith.mulf %add3A_1228, %bitcast3A_1210 : vector<16xf32>
      %add3A_1230 = arith.constant -2.79415369 : f32
      %add3A_1231 = vector.broadcast %add3A_1230 : f32 to vector<16xf32>
      %add3A_1232 = arith.addf %mul3A_1229, %add3A_1231 : vector<16xf32>
      %convert_element_type3A_1233 = arith.sitofp %sub3A_1203 : vector<16xi32> to vector<16xf32>
      %add3A_1234 = arith.addf %convert_element_type3A_1233, %add3A_1232 : vector<16xf32>
      %add3A_1235 = arith.addf %scan3A_1171#0, %add3A_1234 : vector<16xf32>
      %bitcast3A_1236 = vector.bitcast %select_n3A_1196 : vector<16xf32> to vector<16xi32>
      %shift_right_arithmetic3A_1237 = arith.constant 23 : i32
      %shift_right_arithmetic3A_1238 = vector.broadcast %shift_right_arithmetic3A_1237 : i32 to vector<16xi32>
      %shift_right_arithmetic3A_1239 = arith.shrsi %bitcast3A_1236, %shift_right_arithmetic3A_1238 : vector<16xi32>
      %sub3A_1240 = arith.constant 127 : i32
      %sub3A_1241 = vector.broadcast %sub3A_1240 : i32 to vector<16xi32>
      %sub3A_1242 = arith.subi %shift_right_arithmetic3A_1239, %sub3A_1241 : vector<16xi32>
      %and3A_1243 = arith.constant 8388607 : i32
      %and3A_1244 = vector.broadcast %and3A_1243 : i32 to vector<16xi32>
      %and3A_1245 = arith.andi %bitcast3A_1236, %and3A_1244 : vector<16xi32>
      %or3A_1246 = arith.constant 1065353216 : i32
      %or3A_1247 = vector.broadcast %or3A_1246 : i32 to vector<16xi32>
      %or3A_1248 = arith.ori %and3A_1245, %or3A_1247 : vector<16xi32>
      %bitcast3A_1249 = vector.bitcast %or3A_1248 : vector<16xi32> to vector<16xf32>
      %mul3A_1250 = arith.constant 0.0439286269 : f32
      %mul3A_1251 = vector.broadcast %mul3A_1250 : f32 to vector<16xf32>
      %mul3A_1252 = arith.mulf %mul3A_1251, %bitcast3A_1249 : vector<16xf32>
      %add3A_1253 = arith.constant -0.409475595 : f32
      %add3A_1254 = vector.broadcast %add3A_1253 : f32 to vector<16xf32>
      %add3A_1255 = arith.addf %mul3A_1252, %add3A_1254 : vector<16xf32>
      %mul3A_1256 = arith.mulf %add3A_1255, %bitcast3A_1249 : vector<16xf32>
      %add3A_1257 = arith.constant 1.61017752 : f32
      %add3A_1258 = vector.broadcast %add3A_1257 : f32 to vector<16xf32>
      %add3A_1259 = arith.addf %mul3A_1256, %add3A_1258 : vector<16xf32>
      %mul3A_1260 = arith.mulf %add3A_1259, %bitcast3A_1249 : vector<16xf32>
      %add3A_1261 = arith.constant -3.52021885 : f32
      %add3A_1262 = vector.broadcast %add3A_1261 : f32 to vector<16xf32>
      %add3A_1263 = arith.addf %mul3A_1260, %add3A_1262 : vector<16xf32>
      %mul3A_1264 = arith.mulf %add3A_1263, %bitcast3A_1249 : vector<16xf32>
      %add3A_1265 = arith.constant 5.06975651 : f32
      %add3A_1266 = vector.broadcast %add3A_1265 : f32 to vector<16xf32>
      %add3A_1267 = arith.addf %mul3A_1264, %add3A_1266 : vector<16xf32>
      %mul3A_1268 = arith.mulf %add3A_1267, %bitcast3A_1249 : vector<16xf32>
      %add3A_1269 = arith.constant -2.79415369 : f32
      %add3A_1270 = vector.broadcast %add3A_1269 : f32 to vector<16xf32>
      %add3A_1271 = arith.addf %mul3A_1268, %add3A_1270 : vector<16xf32>
      %convert_element_type3A_1272 = arith.sitofp %sub3A_1242 : vector<16xi32> to vector<16xf32>
      %add3A_1273 = arith.addf %convert_element_type3A_1272, %add3A_1271 : vector<16xf32>
      %add3A_1274 = arith.addf %scan3A_1171#1, %add3A_1273 : vector<16xf32>
      %scan3A_1275 = arith.constant 0 : i32
      %scan3A_1276 = arith.constant 31 : i32
      %scan3A_1277 = arith.addi %scan3A_1275, %scan3A_1276 : i32
      %scan3A_1278 = arith.constant 1 : i32
      %scan3A_1279:2 = scf.for %scan3A_2023 = %scan3A_1275 to %scan3A_1277 step %scan3A_1278 iter_args(%scan3A_2024 = %add3A_1235, %scan3A_2025 = %add3A_1274) -> (vector<16xf32>, vector<16xf32>)  : i32 {
        %mul3A_2026 = arith.constant 32 : i32
        %mul3A_2027 = arith.muli %mul3A_2026, %scan3A_2023 : i32
        %get3A_2028 = arith.constant 1 : i32
        %get3A_2029 = arith.constant 2 : i32
        %get3A_2030 = arith.index_cast %get3A_2028 : i32 to index
        %get3A_2031 = arith.index_cast %get3A_2029 : i32 to index
        %get3A_2032 = arith.index_cast %mul3A_2027 : i32 to index
        %get3A_2033 = tpu.vector_load %arg5[%get3A_2030, %get3A_2031, %get3A_2032] {strides = array<i32>} : memref<2x8x1000xf32, #tpu.memory_space<vmem>>, vector<16xf32>,
        %mul3A_2034 = arith.constant 32 : i32
        %mul3A_2035 = arith.muli %mul3A_2034, %scan3A_2023 : i32
        %add3A_2036 = arith.constant 16 : i32
        %add3A_2037 = arith.addi %mul3A_2035, %add3A_2036 : i32
        %get3A_2038 = arith.constant 1 : i32
        %get3A_2039 = arith.constant 2 : i32
        %get3A_2040 = arith.index_cast %get3A_2038 : i32 to index
        %get3A_2041 = arith.index_cast %get3A_2039 : i32 to index
        %get3A_2042 = arith.index_cast %add3A_2037 : i32 to index
        %get3A_2043 = tpu.vector_load %arg5[%get3A_2040, %get3A_2041, %get3A_2042] {strides = array<i32>} : memref<2x8x1000xf32, #tpu.memory_space<vmem>>, vector<16xf32>,
        %max3A_2044 = arith.constant 9.99999996E-13 : f32
        %max3A_2045 = vector.broadcast %max3A_2044 : f32 to vector<16xf32>
        %max3A_2046 = arith.maximumf %get3A_2033, %max3A_2045 : vector<16xf32>
        %max3A_2047 = arith.constant 9.99999996E-13 : f32
        %max3A_2048 = vector.broadcast %max3A_2047 : f32 to vector<16xf32>
        %max3A_2049 = arith.maximumf %get3A_2043, %max3A_2048 : vector<16xf32>
        %mul3A_2050 = arith.mulf %max3A_2046, %max3A_2049 : vector<16xf32>
        %bitcast3A_2051 = vector.bitcast %mul3A_2050 : vector<16xf32> to vector<16xi32>
        %shift_right_arithmetic3A_2052 = arith.constant 23 : i32
        %shift_right_arithmetic3A_2053 = vector.broadcast %shift_right_arithmetic3A_2052 : i32 to vector<16xi32>
        %shift_right_arithmetic3A_2054 = arith.shrsi %bitcast3A_2051, %shift_right_arithmetic3A_2053 : vector<16xi32>
        %sub3A_2055 = arith.constant 127 : i32
        %sub3A_2056 = vector.broadcast %sub3A_2055 : i32 to vector<16xi32>
        %sub3A_2057 = arith.subi %shift_right_arithmetic3A_2054, %sub3A_2056 : vector<16xi32>
        %and3A_2058 = arith.constant 8388607 : i32
        %and3A_2059 = vector.broadcast %and3A_2058 : i32 to vector<16xi32>
        %and3A_2060 = arith.andi %bitcast3A_2051, %and3A_2059 : vector<16xi32>
        %or3A_2061 = arith.constant 1065353216 : i32
        %or3A_2062 = vector.broadcast %or3A_2061 : i32 to vector<16xi32>
        %or3A_2063 = arith.ori %and3A_2060, %or3A_2062 : vector<16xi32>
        %bitcast3A_2064 = vector.bitcast %or3A_2063 : vector<16xi32> to vector<16xf32>
        %mul3A_2065 = arith.constant 0.0439286269 : f32
        %mul3A_2066 = vector.broadcast %mul3A_2065 : f32 to vector<16xf32>
        %mul3A_2067 = arith.mulf %mul3A_2066, %bitcast3A_2064 : vector<16xf32>
        %add3A_2068 = arith.constant -0.409475595 : f32
        %add3A_2069 = vector.broadcast %add3A_2068 : f32 to vector<16xf32>
        %add3A_2070 = arith.addf %mul3A_2067, %add3A_2069 : vector<16xf32>
        %mul3A_2071 = arith.mulf %add3A_2070, %bitcast3A_2064 : vector<16xf32>
        %add3A_2072 = arith.constant 1.61017752 : f32
        %add3A_2073 = vector.broadcast %add3A_2072 : f32 to vector<16xf32>
        %add3A_2074 = arith.addf %mul3A_2071, %add3A_2073 : vector<16xf32>
        %mul3A_2075 = arith.mulf %add3A_2074, %bitcast3A_2064 : vector<16xf32>
        %add3A_2076 = arith.constant -3.52021885 : f32
        %add3A_2077 = vector.broadcast %add3A_2076 : f32 to vector<16xf32>
        %add3A_2078 = arith.addf %mul3A_2075, %add3A_2077 : vector<16xf32>
        %mul3A_2079 = arith.mulf %add3A_2078, %bitcast3A_2064 : vector<16xf32>
        %add3A_2080 = arith.constant 5.06975651 : f32
        %add3A_2081 = vector.broadcast %add3A_2080 : f32 to vector<16xf32>
        %add3A_2082 = arith.addf %mul3A_2079, %add3A_2081 : vector<16xf32>
        %mul3A_2083 = arith.mulf %add3A_2082, %bitcast3A_2064 : vector<16xf32>
        %add3A_2084 = arith.constant -2.79415369 : f32
        %add3A_2085 = vector.broadcast %add3A_2084 : f32 to vector<16xf32>
        %add3A_2086 = arith.addf %mul3A_2083, %add3A_2085 : vector<16xf32>
        %convert_element_type3A_2087 = arith.sitofp %sub3A_2057 : vector<16xi32> to vector<16xf32>
        %add3A_2088 = arith.addf %convert_element_type3A_2087, %add3A_2086 : vector<16xf32>
        %add3A_2089 = arith.addf %scan3A_2024, %add3A_2088 : vector<16xf32>
        %sub3A_2090 = arith.constant 1.000000e+00 : f32
        %sub3A_2091 = vector.broadcast %sub3A_2090 : f32 to vector<16xf32>
        %sub3A_2092 = arith.subf %sub3A_2091, %max3A_2046 : vector<16xf32>
        %sub3A_2093 = arith.constant 1.000000e+00 : f32
        %sub3A_2094 = vector.broadcast %sub3A_2093 : f32 to vector<16xf32>
        %sub3A_2095 = arith.subf %sub3A_2094, %max3A_2049 : vector<16xf32>
        %mul3A_2096 = arith.mulf %sub3A_2092, %sub3A_2095 : vector<16xf32>
        %bitcast3A_2097 = vector.bitcast %mul3A_2096 : vector<16xf32> to vector<16xi32>
        %shift_right_arithmetic3A_2098 = arith.constant 23 : i32
        %shift_right_arithmetic3A_2099 = vector.broadcast %shift_right_arithmetic3A_2098 : i32 to vector<16xi32>
        %shift_right_arithmetic3A_2100 = arith.shrsi %bitcast3A_2097, %shift_right_arithmetic3A_2099 : vector<16xi32>
        %sub3A_2101 = arith.constant 127 : i32
        %sub3A_2102 = vector.broadcast %sub3A_2101 : i32 to vector<16xi32>
        %sub3A_2103 = arith.subi %shift_right_arithmetic3A_2100, %sub3A_2102 : vector<16xi32>
        %and3A_2104 = arith.constant 8388607 : i32
        %and3A_2105 = vector.broadcast %and3A_2104 : i32 to vector<16xi32>
        %and3A_2106 = arith.andi %bitcast3A_2097, %and3A_2105 : vector<16xi32>
        %or3A_2107 = arith.constant 1065353216 : i32
        %or3A_2108 = vector.broadcast %or3A_2107 : i32 to vector<16xi32>
        %or3A_2109 = arith.ori %and3A_2106, %or3A_2108 : vector<16xi32>
        %bitcast3A_2110 = vector.bitcast %or3A_2109 : vector<16xi32> to vector<16xf32>
        %mul3A_2111 = arith.constant 0.0439286269 : f32
        %mul3A_2112 = vector.broadcast %mul3A_2111 : f32 to vector<16xf32>
        %mul3A_2113 = arith.mulf %mul3A_2112, %bitcast3A_2110 : vector<16xf32>
        %add3A_2114 = arith.constant -0.409475595 : f32
        %add3A_2115 = vector.broadcast %add3A_2114 : f32 to vector<16xf32>
        %add3A_2116 = arith.addf %mul3A_2113, %add3A_2115 : vector<16xf32>
        %mul3A_2117 = arith.mulf %add3A_2116, %bitcast3A_2110 : vector<16xf32>
        %add3A_2118 = arith.constant 1.61017752 : f32
        %add3A_2119 = vector.broadcast %add3A_2118 : f32 to vector<16xf32>
        %add3A_2120 = arith.addf %mul3A_2117, %add3A_2119 : vector<16xf32>
        %mul3A_2121 = arith.mulf %add3A_2120, %bitcast3A_2110 : vector<16xf32>
        %add3A_2122 = arith.constant -3.52021885 : f32
        %add3A_2123 = vector.broadcast %add3A_2122 : f32 to vector<16xf32>
        %add3A_2124 = arith.addf %mul3A_2121, %add3A_2123 : vector<16xf32>
        %mul3A_2125 = arith.mulf %add3A_2124, %bitcast3A_2110 : vector<16xf32>
        %add3A_2126 = arith.constant 5.06975651 : f32
        %add3A_2127 = vector.broadcast %add3A_2126 : f32 to vector<16xf32>
        %add3A_2128 = arith.addf %mul3A_2125, %add3A_2127 : vector<16xf32>
        %mul3A_2129 = arith.mulf %add3A_2128, %bitcast3A_2110 : vector<16xf32>
        %add3A_2130 = arith.constant -2.79415369 : f32
        %add3A_2131 = vector.broadcast %add3A_2130 : f32 to vector<16xf32>
        %add3A_2132 = arith.addf %mul3A_2129, %add3A_2131 : vector<16xf32>
        %convert_element_type3A_2133 = arith.sitofp %sub3A_2103 : vector<16xi32> to vector<16xf32>
        %add3A_2134 = arith.addf %convert_element_type3A_2133, %add3A_2132 : vector<16xf32>
        %add3A_2135 = arith.addf %scan3A_2025, %add3A_2134 : vector<16xf32>
        scf.yield %add3A_2089, %add3A_2135 : vector<16xf32>, vector<16xf32>
      }
      %scan3A_1280 = arith.constant 31 : i32
      %get3A_1281 = arith.constant 1 : i32
      %get3A_1282 = arith.constant 2 : i32
      %get3A_1283 = arith.index_cast %get3A_1281 : i32 to index
      %get3A_1284 = arith.index_cast %get3A_1282 : i32 to index
      %get3A_1285 = arith.constant 984 : index
      %get3A_1286 = tpu.vector_load %arg5[%get3A_1283, %get3A_1284, %get3A_1285] {strides = array<i32>} : memref<2x8x1000xf32, #tpu.memory_space<vmem>>, vector<16xf32>,
      %ge3A_1287 = arith.constant 8 : i32
      %ge3A_1288 = vector.broadcast %ge3A_1287 : i32 to vector<16xi32>
      %ge3A_1289 = arith.cmpi sge, %iota3A, %ge3A_1288 : vector<16xi32>
      %max3A_1290 = arith.constant 9.99999996E-13 : f32
      %max3A_1291 = vector.broadcast %max3A_1290 : f32 to vector<16xf32>
      %max3A_1292 = arith.maximumf %get3A_1286, %max3A_1291 : vector<16xf32>
      %jit3A_1293 = arith.constant 1.000000e+00 : f32
      %broadcast_in_dim3A_1294 = vector.broadcast %jit3A_1293 : f32 to vector<16xf32>
      %select_n3A_1295 = arith.select %ge3A_1289, %max3A_1292, %broadcast_in_dim3A_1294 : vector<16xi1>, vector<16xf32>
      %max3A_1296 = arith.constant 9.99999996E-13 : f32
      %max3A_1297 = vector.broadcast %max3A_1296 : f32 to vector<16xf32>
      %max3A_1298 = arith.maximumf %get3A_1286, %max3A_1297 : vector<16xf32>
      %sub3A_1299 = arith.constant 1.000000e+00 : f32
      %sub3A_1300 = vector.broadcast %sub3A_1299 : f32 to vector<16xf32>
      %sub3A_1301 = arith.subf %sub3A_1300, %max3A_1298 : vector<16xf32>
      %jit3A_1302 = arith.constant 1.000000e+00 : f32
      %broadcast_in_dim3A_1303 = vector.broadcast %jit3A_1302 : f32 to vector<16xf32>
      %select_n3A_1304 = arith.select %ge3A_1289, %sub3A_1301, %broadcast_in_dim3A_1303 : vector<16xi1>, vector<16xf32>
      %bitcast3A_1305 = vector.bitcast %select_n3A_1295 : vector<16xf32> to vector<16xi32>
      %shift_right_arithmetic3A_1306 = arith.constant 23 : i32
      %shift_right_arithmetic3A_1307 = vector.broadcast %shift_right_arithmetic3A_1306 : i32 to vector<16xi32>
      %shift_right_arithmetic3A_1308 = arith.shrsi %bitcast3A_1305, %shift_right_arithmetic3A_1307 : vector<16xi32>
      %sub3A_1309 = arith.constant 127 : i32
      %sub3A_1310 = vector.broadcast %sub3A_1309 : i32 to vector<16xi32>
      %sub3A_1311 = arith.subi %shift_right_arithmetic3A_1308, %sub3A_1310 : vector<16xi32>
      %and3A_1312 = arith.constant 8388607 : i32
      %and3A_1313 = vector.broadcast %and3A_1312 : i32 to vector<16xi32>
      %and3A_1314 = arith.andi %bitcast3A_1305, %and3A_1313 : vector<16xi32>
      %or3A_1315 = arith.constant 1065353216 : i32
      %or3A_1316 = vector.broadcast %or3A_1315 : i32 to vector<16xi32>
      %or3A_1317 = arith.ori %and3A_1314, %or3A_1316 : vector<16xi32>
      %bitcast3A_1318 = vector.bitcast %or3A_1317 : vector<16xi32> to vector<16xf32>
      %mul3A_1319 = arith.constant 0.0439286269 : f32
      %mul3A_1320 = vector.broadcast %mul3A_1319 : f32 to vector<16xf32>
      %mul3A_1321 = arith.mulf %mul3A_1320, %bitcast3A_1318 : vector<16xf32>
      %add3A_1322 = arith.constant -0.409475595 : f32
      %add3A_1323 = vector.broadcast %add3A_1322 : f32 to vector<16xf32>
      %add3A_1324 = arith.addf %mul3A_1321, %add3A_1323 : vector<16xf32>
      %mul3A_1325 = arith.mulf %add3A_1324, %bitcast3A_1318 : vector<16xf32>
      %add3A_1326 = arith.constant 1.61017752 : f32
      %add3A_1327 = vector.broadcast %add3A_1326 : f32 to vector<16xf32>
      %add3A_1328 = arith.addf %mul3A_1325, %add3A_1327 : vector<16xf32>
      %mul3A_1329 = arith.mulf %add3A_1328, %bitcast3A_1318 : vector<16xf32>
      %add3A_1330 = arith.constant -3.52021885 : f32
      %add3A_1331 = vector.broadcast %add3A_1330 : f32 to vector<16xf32>
      %add3A_1332 = arith.addf %mul3A_1329, %add3A_1331 : vector<16xf32>
      %mul3A_1333 = arith.mulf %add3A_1332, %bitcast3A_1318 : vector<16xf32>
      %add3A_1334 = arith.constant 5.06975651 : f32
      %add3A_1335 = vector.broadcast %add3A_1334 : f32 to vector<16xf32>
      %add3A_1336 = arith.addf %mul3A_1333, %add3A_1335 : vector<16xf32>
      %mul3A_1337 = arith.mulf %add3A_1336, %bitcast3A_1318 : vector<16xf32>
      %add3A_1338 = arith.constant -2.79415369 : f32
      %add3A_1339 = vector.broadcast %add3A_1338 : f32 to vector<16xf32>
      %add3A_1340 = arith.addf %mul3A_1337, %add3A_1339 : vector<16xf32>
      %convert_element_type3A_1341 = arith.sitofp %sub3A_1311 : vector<16xi32> to vector<16xf32>
      %add3A_1342 = arith.addf %convert_element_type3A_1341, %add3A_1340 : vector<16xf32>
      %add3A_1343 = arith.addf %scan3A_1279#0, %add3A_1342 : vector<16xf32>
      %bitcast3A_1344 = vector.bitcast %select_n3A_1304 : vector<16xf32> to vector<16xi32>
      %shift_right_arithmetic3A_1345 = arith.constant 23 : i32
      %shift_right_arithmetic3A_1346 = vector.broadcast %shift_right_arithmetic3A_1345 : i32 to vector<16xi32>
      %shift_right_arithmetic3A_1347 = arith.shrsi %bitcast3A_1344, %shift_right_arithmetic3A_1346 : vector<16xi32>
      %sub3A_1348 = arith.constant 127 : i32
      %sub3A_1349 = vector.broadcast %sub3A_1348 : i32 to vector<16xi32>
      %sub3A_1350 = arith.subi %shift_right_arithmetic3A_1347, %sub3A_1349 : vector<16xi32>
      %and3A_1351 = arith.constant 8388607 : i32
      %and3A_1352 = vector.broadcast %and3A_1351 : i32 to vector<16xi32>
      %and3A_1353 = arith.andi %bitcast3A_1344, %and3A_1352 : vector<16xi32>
      %or3A_1354 = arith.constant 1065353216 : i32
      %or3A_1355 = vector.broadcast %or3A_1354 : i32 to vector<16xi32>
      %or3A_1356 = arith.ori %and3A_1353, %or3A_1355 : vector<16xi32>
      %bitcast3A_1357 = vector.bitcast %or3A_1356 : vector<16xi32> to vector<16xf32>
      %mul3A_1358 = arith.constant 0.0439286269 : f32
      %mul3A_1359 = vector.broadcast %mul3A_1358 : f32 to vector<16xf32>
      %mul3A_1360 = arith.mulf %mul3A_1359, %bitcast3A_1357 : vector<16xf32>
      %add3A_1361 = arith.constant -0.409475595 : f32
      %add3A_1362 = vector.broadcast %add3A_1361 : f32 to vector<16xf32>
      %add3A_1363 = arith.addf %mul3A_1360, %add3A_1362 : vector<16xf32>
      %mul3A_1364 = arith.mulf %add3A_1363, %bitcast3A_1357 : vector<16xf32>
      %add3A_1365 = arith.constant 1.61017752 : f32
      %add3A_1366 = vector.broadcast %add3A_1365 : f32 to vector<16xf32>
      %add3A_1367 = arith.addf %mul3A_1364, %add3A_1366 : vector<16xf32>
      %mul3A_1368 = arith.mulf %add3A_1367, %bitcast3A_1357 : vector<16xf32>
      %add3A_1369 = arith.constant -3.52021885 : f32
      %add3A_1370 = vector.broadcast %add3A_1369 : f32 to vector<16xf32>
      %add3A_1371 = arith.addf %mul3A_1368, %add3A_1370 : vector<16xf32>
      %mul3A_1372 = arith.mulf %add3A_1371, %bitcast3A_1357 : vector<16xf32>
      %add3A_1373 = arith.constant 5.06975651 : f32
      %add3A_1374 = vector.broadcast %add3A_1373 : f32 to vector<16xf32>
      %add3A_1375 = arith.addf %mul3A_1372, %add3A_1374 : vector<16xf32>
      %mul3A_1376 = arith.mulf %add3A_1375, %bitcast3A_1357 : vector<16xf32>
      %add3A_1377 = arith.constant -2.79415369 : f32
      %add3A_1378 = vector.broadcast %add3A_1377 : f32 to vector<16xf32>
      %add3A_1379 = arith.addf %mul3A_1376, %add3A_1378 : vector<16xf32>
      %convert_element_type3A_1380 = arith.sitofp %sub3A_1350 : vector<16xi32> to vector<16xf32>
      %add3A_1381 = arith.addf %convert_element_type3A_1380, %add3A_1379 : vector<16xf32>
      %add3A_1382 = arith.addf %scan3A_1279#1, %add3A_1381 : vector<16xf32>
      %scan3A_1383 = arith.constant 0 : i32
      %scan3A_1384 = arith.constant 31 : i32
      %scan3A_1385 = arith.addi %scan3A_1383, %scan3A_1384 : i32
      %scan3A_1386 = arith.constant 1 : i32
      %scan3A_1387:2 = scf.for %scan3A_2023 = %scan3A_1383 to %scan3A_1385 step %scan3A_1386 iter_args(%scan3A_2024 = %add3A_1343, %scan3A_2025 = %add3A_1382) -> (vector<16xf32>, vector<16xf32>)  : i32 {
        %mul3A_2026 = arith.constant 32 : i32
        %mul3A_2027 = arith.muli %mul3A_2026, %scan3A_2023 : i32
        %get3A_2028 = arith.constant 1 : i32
        %get3A_2029 = arith.constant 3 : i32
        %get3A_2030 = arith.index_cast %get3A_2028 : i32 to index
        %get3A_2031 = arith.index_cast %get3A_2029 : i32 to index
        %get3A_2032 = arith.index_cast %mul3A_2027 : i32 to index
        %get3A_2033 = tpu.vector_load %arg5[%get3A_2030, %get3A_2031, %get3A_2032] {strides = array<i32>} : memref<2x8x1000xf32, #tpu.memory_space<vmem>>, vector<16xf32>,
        %mul3A_2034 = arith.constant 32 : i32
        %mul3A_2035 = arith.muli %mul3A_2034, %scan3A_2023 : i32
        %add3A_2036 = arith.constant 16 : i32
        %add3A_2037 = arith.addi %mul3A_2035, %add3A_2036 : i32
        %get3A_2038 = arith.constant 1 : i32
        %get3A_2039 = arith.constant 3 : i32
        %get3A_2040 = arith.index_cast %get3A_2038 : i32 to index
        %get3A_2041 = arith.index_cast %get3A_2039 : i32 to index
        %get3A_2042 = arith.index_cast %add3A_2037 : i32 to index
        %get3A_2043 = tpu.vector_load %arg5[%get3A_2040, %get3A_2041, %get3A_2042] {strides = array<i32>} : memref<2x8x1000xf32, #tpu.memory_space<vmem>>, vector<16xf32>,
        %max3A_2044 = arith.constant 9.99999996E-13 : f32
        %max3A_2045 = vector.broadcast %max3A_2044 : f32 to vector<16xf32>
        %max3A_2046 = arith.maximumf %get3A_2033, %max3A_2045 : vector<16xf32>
        %max3A_2047 = arith.constant 9.99999996E-13 : f32
        %max3A_2048 = vector.broadcast %max3A_2047 : f32 to vector<16xf32>
        %max3A_2049 = arith.maximumf %get3A_2043, %max3A_2048 : vector<16xf32>
        %mul3A_2050 = arith.mulf %max3A_2046, %max3A_2049 : vector<16xf32>
        %bitcast3A_2051 = vector.bitcast %mul3A_2050 : vector<16xf32> to vector<16xi32>
        %shift_right_arithmetic3A_2052 = arith.constant 23 : i32
        %shift_right_arithmetic3A_2053 = vector.broadcast %shift_right_arithmetic3A_2052 : i32 to vector<16xi32>
        %shift_right_arithmetic3A_2054 = arith.shrsi %bitcast3A_2051, %shift_right_arithmetic3A_2053 : vector<16xi32>
        %sub3A_2055 = arith.constant 127 : i32
        %sub3A_2056 = vector.broadcast %sub3A_2055 : i32 to vector<16xi32>
        %sub3A_2057 = arith.subi %shift_right_arithmetic3A_2054, %sub3A_2056 : vector<16xi32>
        %and3A_2058 = arith.constant 8388607 : i32
        %and3A_2059 = vector.broadcast %and3A_2058 : i32 to vector<16xi32>
        %and3A_2060 = arith.andi %bitcast3A_2051, %and3A_2059 : vector<16xi32>
        %or3A_2061 = arith.constant 1065353216 : i32
        %or3A_2062 = vector.broadcast %or3A_2061 : i32 to vector<16xi32>
        %or3A_2063 = arith.ori %and3A_2060, %or3A_2062 : vector<16xi32>
        %bitcast3A_2064 = vector.bitcast %or3A_2063 : vector<16xi32> to vector<16xf32>
        %mul3A_2065 = arith.constant 0.0439286269 : f32
        %mul3A_2066 = vector.broadcast %mul3A_2065 : f32 to vector<16xf32>
        %mul3A_2067 = arith.mulf %mul3A_2066, %bitcast3A_2064 : vector<16xf32>
        %add3A_2068 = arith.constant -0.409475595 : f32
        %add3A_2069 = vector.broadcast %add3A_2068 : f32 to vector<16xf32>
        %add3A_2070 = arith.addf %mul3A_2067, %add3A_2069 : vector<16xf32>
        %mul3A_2071 = arith.mulf %add3A_2070, %bitcast3A_2064 : vector<16xf32>
        %add3A_2072 = arith.constant 1.61017752 : f32
        %add3A_2073 = vector.broadcast %add3A_2072 : f32 to vector<16xf32>
        %add3A_2074 = arith.addf %mul3A_2071, %add3A_2073 : vector<16xf32>
        %mul3A_2075 = arith.mulf %add3A_2074, %bitcast3A_2064 : vector<16xf32>
        %add3A_2076 = arith.constant -3.52021885 : f32
        %add3A_2077 = vector.broadcast %add3A_2076 : f32 to vector<16xf32>
        %add3A_2078 = arith.addf %mul3A_2075, %add3A_2077 : vector<16xf32>
        %mul3A_2079 = arith.mulf %add3A_2078, %bitcast3A_2064 : vector<16xf32>
        %add3A_2080 = arith.constant 5.06975651 : f32
        %add3A_2081 = vector.broadcast %add3A_2080 : f32 to vector<16xf32>
        %add3A_2082 = arith.addf %mul3A_2079, %add3A_2081 : vector<16xf32>
        %mul3A_2083 = arith.mulf %add3A_2082, %bitcast3A_2064 : vector<16xf32>
        %add3A_2084 = arith.constant -2.79415369 : f32
        %add3A_2085 = vector.broadcast %add3A_2084 : f32 to vector<16xf32>
        %add3A_2086 = arith.addf %mul3A_2083, %add3A_2085 : vector<16xf32>
        %convert_element_type3A_2087 = arith.sitofp %sub3A_2057 : vector<16xi32> to vector<16xf32>
        %add3A_2088 = arith.addf %convert_element_type3A_2087, %add3A_2086 : vector<16xf32>
        %add3A_2089 = arith.addf %scan3A_2024, %add3A_2088 : vector<16xf32>
        %sub3A_2090 = arith.constant 1.000000e+00 : f32
        %sub3A_2091 = vector.broadcast %sub3A_2090 : f32 to vector<16xf32>
        %sub3A_2092 = arith.subf %sub3A_2091, %max3A_2046 : vector<16xf32>
        %sub3A_2093 = arith.constant 1.000000e+00 : f32
        %sub3A_2094 = vector.broadcast %sub3A_2093 : f32 to vector<16xf32>
        %sub3A_2095 = arith.subf %sub3A_2094, %max3A_2049 : vector<16xf32>
        %mul3A_2096 = arith.mulf %sub3A_2092, %sub3A_2095 : vector<16xf32>
        %bitcast3A_2097 = vector.bitcast %mul3A_2096 : vector<16xf32> to vector<16xi32>
        %shift_right_arithmetic3A_2098 = arith.constant 23 : i32
        %shift_right_arithmetic3A_2099 = vector.broadcast %shift_right_arithmetic3A_2098 : i32 to vector<16xi32>
        %shift_right_arithmetic3A_2100 = arith.shrsi %bitcast3A_2097, %shift_right_arithmetic3A_2099 : vector<16xi32>
        %sub3A_2101 = arith.constant 127 : i32
        %sub3A_2102 = vector.broadcast %sub3A_2101 : i32 to vector<16xi32>
        %sub3A_2103 = arith.subi %shift_right_arithmetic3A_2100, %sub3A_2102 : vector<16xi32>
        %and3A_2104 = arith.constant 8388607 : i32
        %and3A_2105 = vector.broadcast %and3A_2104 : i32 to vector<16xi32>
        %and3A_2106 = arith.andi %bitcast3A_2097, %and3A_2105 : vector<16xi32>
        %or3A_2107 = arith.constant 1065353216 : i32
        %or3A_2108 = vector.broadcast %or3A_2107 : i32 to vector<16xi32>
        %or3A_2109 = arith.ori %and3A_2106, %or3A_2108 : vector<16xi32>
        %bitcast3A_2110 = vector.bitcast %or3A_2109 : vector<16xi32> to vector<16xf32>
        %mul3A_2111 = arith.constant 0.0439286269 : f32
        %mul3A_2112 = vector.broadcast %mul3A_2111 : f32 to vector<16xf32>
        %mul3A_2113 = arith.mulf %mul3A_2112, %bitcast3A_2110 : vector<16xf32>
        %add3A_2114 = arith.constant -0.409475595 : f32
        %add3A_2115 = vector.broadcast %add3A_2114 : f32 to vector<16xf32>
        %add3A_2116 = arith.addf %mul3A_2113, %add3A_2115 : vector<16xf32>
        %mul3A_2117 = arith.mulf %add3A_2116, %bitcast3A_2110 : vector<16xf32>
        %add3A_2118 = arith.constant 1.61017752 : f32
        %add3A_2119 = vector.broadcast %add3A_2118 : f32 to vector<16xf32>
        %add3A_2120 = arith.addf %mul3A_2117, %add3A_2119 : vector<16xf32>
        %mul3A_2121 = arith.mulf %add3A_2120, %bitcast3A_2110 : vector<16xf32>
        %add3A_2122 = arith.constant -3.52021885 : f32
        %add3A_2123 = vector.broadcast %add3A_2122 : f32 to vector<16xf32>
        %add3A_2124 = arith.addf %mul3A_2121, %add3A_2123 : vector<16xf32>
        %mul3A_2125 = arith.mulf %add3A_2124, %bitcast3A_2110 : vector<16xf32>
        %add3A_2126 = arith.constant 5.06975651 : f32
        %add3A_2127 = vector.broadcast %add3A_2126 : f32 to vector<16xf32>
        %add3A_2128 = arith.addf %mul3A_2125, %add3A_2127 : vector<16xf32>
        %mul3A_2129 = arith.mulf %add3A_2128, %bitcast3A_2110 : vector<16xf32>
        %add3A_2130 = arith.constant -2.79415369 : f32
        %add3A_2131 = vector.broadcast %add3A_2130 : f32 to vector<16xf32>
        %add3A_2132 = arith.addf %mul3A_2129, %add3A_2131 : vector<16xf32>
        %convert_element_type3A_2133 = arith.sitofp %sub3A_2103 : vector<16xi32> to vector<16xf32>
        %add3A_2134 = arith.addf %convert_element_type3A_2133, %add3A_2132 : vector<16xf32>
        %add3A_2135 = arith.addf %scan3A_2025, %add3A_2134 : vector<16xf32>
        scf.yield %add3A_2089, %add3A_2135 : vector<16xf32>, vector<16xf32>
      }
      %scan3A_1388 = arith.constant 31 : i32
      %get3A_1389 = arith.constant 1 : i32
      %get3A_1390 = arith.constant 3 : i32
      %get3A_1391 = arith.index_cast %get3A_1389 : i32 to index
      %get3A_1392 = arith.index_cast %get3A_1390 : i32 to index
      %get3A_1393 = arith.constant 984 : index
      %get3A_1394 = tpu.vector_load %arg5[%get3A_1391, %get3A_1392, %get3A_1393] {strides = array<i32>} : memref<2x8x1000xf32, #tpu.memory_space<vmem>>, vector<16xf32>,
      %ge3A_1395 = arith.constant 8 : i32
      %ge3A_1396 = vector.broadcast %ge3A_1395 : i32 to vector<16xi32>
      %ge3A_1397 = arith.cmpi sge, %iota3A, %ge3A_1396 : vector<16xi32>
      %max3A_1398 = arith.constant 9.99999996E-13 : f32
      %max3A_1399 = vector.broadcast %max3A_1398 : f32 to vector<16xf32>
      %max3A_1400 = arith.maximumf %get3A_1394, %max3A_1399 : vector<16xf32>
      %jit3A_1401 = arith.constant 1.000000e+00 : f32
      %broadcast_in_dim3A_1402 = vector.broadcast %jit3A_1401 : f32 to vector<16xf32>
      %select_n3A_1403 = arith.select %ge3A_1397, %max3A_1400, %broadcast_in_dim3A_1402 : vector<16xi1>, vector<16xf32>
      %max3A_1404 = arith.constant 9.99999996E-13 : f32
      %max3A_1405 = vector.broadcast %max3A_1404 : f32 to vector<16xf32>
      %max3A_1406 = arith.maximumf %get3A_1394, %max3A_1405 : vector<16xf32>
      %sub3A_1407 = arith.constant 1.000000e+00 : f32
      %sub3A_1408 = vector.broadcast %sub3A_1407 : f32 to vector<16xf32>
      %sub3A_1409 = arith.subf %sub3A_1408, %max3A_1406 : vector<16xf32>
      %jit3A_1410 = arith.constant 1.000000e+00 : f32
      %broadcast_in_dim3A_1411 = vector.broadcast %jit3A_1410 : f32 to vector<16xf32>
      %select_n3A_1412 = arith.select %ge3A_1397, %sub3A_1409, %broadcast_in_dim3A_1411 : vector<16xi1>, vector<16xf32>
      %bitcast3A_1413 = vector.bitcast %select_n3A_1403 : vector<16xf32> to vector<16xi32>
      %shift_right_arithmetic3A_1414 = arith.constant 23 : i32
      %shift_right_arithmetic3A_1415 = vector.broadcast %shift_right_arithmetic3A_1414 : i32 to vector<16xi32>
      %shift_right_arithmetic3A_1416 = arith.shrsi %bitcast3A_1413, %shift_right_arithmetic3A_1415 : vector<16xi32>
      %sub3A_1417 = arith.constant 127 : i32
      %sub3A_1418 = vector.broadcast %sub3A_1417 : i32 to vector<16xi32>
      %sub3A_1419 = arith.subi %shift_right_arithmetic3A_1416, %sub3A_1418 : vector<16xi32>
      %and3A_1420 = arith.constant 8388607 : i32
      %and3A_1421 = vector.broadcast %and3A_1420 : i32 to vector<16xi32>
      %and3A_1422 = arith.andi %bitcast3A_1413, %and3A_1421 : vector<16xi32>
      %or3A_1423 = arith.constant 1065353216 : i32
      %or3A_1424 = vector.broadcast %or3A_1423 : i32 to vector<16xi32>
      %or3A_1425 = arith.ori %and3A_1422, %or3A_1424 : vector<16xi32>
      %bitcast3A_1426 = vector.bitcast %or3A_1425 : vector<16xi32> to vector<16xf32>
      %mul3A_1427 = arith.constant 0.0439286269 : f32
      %mul3A_1428 = vector.broadcast %mul3A_1427 : f32 to vector<16xf32>
      %mul3A_1429 = arith.mulf %mul3A_1428, %bitcast3A_1426 : vector<16xf32>
      %add3A_1430 = arith.constant -0.409475595 : f32
      %add3A_1431 = vector.broadcast %add3A_1430 : f32 to vector<16xf32>
      %add3A_1432 = arith.addf %mul3A_1429, %add3A_1431 : vector<16xf32>
      %mul3A_1433 = arith.mulf %add3A_1432, %bitcast3A_1426 : vector<16xf32>
      %add3A_1434 = arith.constant 1.61017752 : f32
      %add3A_1435 = vector.broadcast %add3A_1434 : f32 to vector<16xf32>
      %add3A_1436 = arith.addf %mul3A_1433, %add3A_1435 : vector<16xf32>
      %mul3A_1437 = arith.mulf %add3A_1436, %bitcast3A_1426 : vector<16xf32>
      %add3A_1438 = arith.constant -3.52021885 : f32
      %add3A_1439 = vector.broadcast %add3A_1438 : f32 to vector<16xf32>
      %add3A_1440 = arith.addf %mul3A_1437, %add3A_1439 : vector<16xf32>
      %mul3A_1441 = arith.mulf %add3A_1440, %bitcast3A_1426 : vector<16xf32>
      %add3A_1442 = arith.constant 5.06975651 : f32
      %add3A_1443 = vector.broadcast %add3A_1442 : f32 to vector<16xf32>
      %add3A_1444 = arith.addf %mul3A_1441, %add3A_1443 : vector<16xf32>
      %mul3A_1445 = arith.mulf %add3A_1444, %bitcast3A_1426 : vector<16xf32>
      %add3A_1446 = arith.constant -2.79415369 : f32
      %add3A_1447 = vector.broadcast %add3A_1446 : f32 to vector<16xf32>
      %add3A_1448 = arith.addf %mul3A_1445, %add3A_1447 : vector<16xf32>
      %convert_element_type3A_1449 = arith.sitofp %sub3A_1419 : vector<16xi32> to vector<16xf32>
      %add3A_1450 = arith.addf %convert_element_type3A_1449, %add3A_1448 : vector<16xf32>
      %add3A_1451 = arith.addf %scan3A_1387#0, %add3A_1450 : vector<16xf32>
      %bitcast3A_1452 = vector.bitcast %select_n3A_1412 : vector<16xf32> to vector<16xi32>
      %shift_right_arithmetic3A_1453 = arith.constant 23 : i32
      %shift_right_arithmetic3A_1454 = vector.broadcast %shift_right_arithmetic3A_1453 : i32 to vector<16xi32>
      %shift_right_arithmetic3A_1455 = arith.shrsi %bitcast3A_1452, %shift_right_arithmetic3A_1454 : vector<16xi32>
      %sub3A_1456 = arith.constant 127 : i32
      %sub3A_1457 = vector.broadcast %sub3A_1456 : i32 to vector<16xi32>
      %sub3A_1458 = arith.subi %shift_right_arithmetic3A_1455, %sub3A_1457 : vector<16xi32>
      %and3A_1459 = arith.constant 8388607 : i32
      %and3A_1460 = vector.broadcast %and3A_1459 : i32 to vector<16xi32>
      %and3A_1461 = arith.andi %bitcast3A_1452, %and3A_1460 : vector<16xi32>
      %or3A_1462 = arith.constant 1065353216 : i32
      %or3A_1463 = vector.broadcast %or3A_1462 : i32 to vector<16xi32>
      %or3A_1464 = arith.ori %and3A_1461, %or3A_1463 : vector<16xi32>
      %bitcast3A_1465 = vector.bitcast %or3A_1464 : vector<16xi32> to vector<16xf32>
      %mul3A_1466 = arith.constant 0.0439286269 : f32
      %mul3A_1467 = vector.broadcast %mul3A_1466 : f32 to vector<16xf32>
      %mul3A_1468 = arith.mulf %mul3A_1467, %bitcast3A_1465 : vector<16xf32>
      %add3A_1469 = arith.constant -0.409475595 : f32
      %add3A_1470 = vector.broadcast %add3A_1469 : f32 to vector<16xf32>
      %add3A_1471 = arith.addf %mul3A_1468, %add3A_1470 : vector<16xf32>
      %mul3A_1472 = arith.mulf %add3A_1471, %bitcast3A_1465 : vector<16xf32>
      %add3A_1473 = arith.constant 1.61017752 : f32
      %add3A_1474 = vector.broadcast %add3A_1473 : f32 to vector<16xf32>
      %add3A_1475 = arith.addf %mul3A_1472, %add3A_1474 : vector<16xf32>
      %mul3A_1476 = arith.mulf %add3A_1475, %bitcast3A_1465 : vector<16xf32>
      %add3A_1477 = arith.constant -3.52021885 : f32
      %add3A_1478 = vector.broadcast %add3A_1477 : f32 to vector<16xf32>
      %add3A_1479 = arith.addf %mul3A_1476, %add3A_1478 : vector<16xf32>
      %mul3A_1480 = arith.mulf %add3A_1479, %bitcast3A_1465 : vector<16xf32>
      %add3A_1481 = arith.constant 5.06975651 : f32
      %add3A_1482 = vector.broadcast %add3A_1481 : f32 to vector<16xf32>
      %add3A_1483 = arith.addf %mul3A_1480, %add3A_1482 : vector<16xf32>
      %mul3A_1484 = arith.mulf %add3A_1483, %bitcast3A_1465 : vector<16xf32>
      %add3A_1485 = arith.constant -2.79415369 : f32
      %add3A_1486 = vector.broadcast %add3A_1485 : f32 to vector<16xf32>
      %add3A_1487 = arith.addf %mul3A_1484, %add3A_1486 : vector<16xf32>
      %convert_element_type3A_1488 = arith.sitofp %sub3A_1458 : vector<16xi32> to vector<16xf32>
      %add3A_1489 = arith.addf %convert_element_type3A_1488, %add3A_1487 : vector<16xf32>
      %add3A_1490 = arith.addf %scan3A_1387#1, %add3A_1489 : vector<16xf32>
      %scan3A_1491 = arith.constant 0 : i32
      %scan3A_1492 = arith.constant 31 : i32
      %scan3A_1493 = arith.addi %scan3A_1491, %scan3A_1492 : i32
      %scan3A_1494 = arith.constant 1 : i32
      %scan3A_1495:2 = scf.for %scan3A_2023 = %scan3A_1491 to %scan3A_1493 step %scan3A_1494 iter_args(%scan3A_2024 = %add3A_1451, %scan3A_2025 = %add3A_1490) -> (vector<16xf32>, vector<16xf32>)  : i32 {
        %mul3A_2026 = arith.constant 32 : i32
        %mul3A_2027 = arith.muli %mul3A_2026, %scan3A_2023 : i32
        %get3A_2028 = arith.constant 1 : i32
        %get3A_2029 = arith.constant 4 : i32
        %get3A_2030 = arith.index_cast %get3A_2028 : i32 to index
        %get3A_2031 = arith.index_cast %get3A_2029 : i32 to index
        %get3A_2032 = arith.index_cast %mul3A_2027 : i32 to index
        %get3A_2033 = tpu.vector_load %arg5[%get3A_2030, %get3A_2031, %get3A_2032] {strides = array<i32>} : memref<2x8x1000xf32, #tpu.memory_space<vmem>>, vector<16xf32>,
        %mul3A_2034 = arith.constant 32 : i32
        %mul3A_2035 = arith.muli %mul3A_2034, %scan3A_2023 : i32
        %add3A_2036 = arith.constant 16 : i32
        %add3A_2037 = arith.addi %mul3A_2035, %add3A_2036 : i32
        %get3A_2038 = arith.constant 1 : i32
        %get3A_2039 = arith.constant 4 : i32
        %get3A_2040 = arith.index_cast %get3A_2038 : i32 to index
        %get3A_2041 = arith.index_cast %get3A_2039 : i32 to index
        %get3A_2042 = arith.index_cast %add3A_2037 : i32 to index
        %get3A_2043 = tpu.vector_load %arg5[%get3A_2040, %get3A_2041, %get3A_2042] {strides = array<i32>} : memref<2x8x1000xf32, #tpu.memory_space<vmem>>, vector<16xf32>,
        %max3A_2044 = arith.constant 9.99999996E-13 : f32
        %max3A_2045 = vector.broadcast %max3A_2044 : f32 to vector<16xf32>
        %max3A_2046 = arith.maximumf %get3A_2033, %max3A_2045 : vector<16xf32>
        %max3A_2047 = arith.constant 9.99999996E-13 : f32
        %max3A_2048 = vector.broadcast %max3A_2047 : f32 to vector<16xf32>
        %max3A_2049 = arith.maximumf %get3A_2043, %max3A_2048 : vector<16xf32>
        %mul3A_2050 = arith.mulf %max3A_2046, %max3A_2049 : vector<16xf32>
        %bitcast3A_2051 = vector.bitcast %mul3A_2050 : vector<16xf32> to vector<16xi32>
        %shift_right_arithmetic3A_2052 = arith.constant 23 : i32
        %shift_right_arithmetic3A_2053 = vector.broadcast %shift_right_arithmetic3A_2052 : i32 to vector<16xi32>
        %shift_right_arithmetic3A_2054 = arith.shrsi %bitcast3A_2051, %shift_right_arithmetic3A_2053 : vector<16xi32>
        %sub3A_2055 = arith.constant 127 : i32
        %sub3A_2056 = vector.broadcast %sub3A_2055 : i32 to vector<16xi32>
        %sub3A_2057 = arith.subi %shift_right_arithmetic3A_2054, %sub3A_2056 : vector<16xi32>
        %and3A_2058 = arith.constant 8388607 : i32
        %and3A_2059 = vector.broadcast %and3A_2058 : i32 to vector<16xi32>
        %and3A_2060 = arith.andi %bitcast3A_2051, %and3A_2059 : vector<16xi32>
        %or3A_2061 = arith.constant 1065353216 : i32
        %or3A_2062 = vector.broadcast %or3A_2061 : i32 to vector<16xi32>
        %or3A_2063 = arith.ori %and3A_2060, %or3A_2062 : vector<16xi32>
        %bitcast3A_2064 = vector.bitcast %or3A_2063 : vector<16xi32> to vector<16xf32>
        %mul3A_2065 = arith.constant 0.0439286269 : f32
        %mul3A_2066 = vector.broadcast %mul3A_2065 : f32 to vector<16xf32>
        %mul3A_2067 = arith.mulf %mul3A_2066, %bitcast3A_2064 : vector<16xf32>
        %add3A_2068 = arith.constant -0.409475595 : f32
        %add3A_2069 = vector.broadcast %add3A_2068 : f32 to vector<16xf32>
        %add3A_2070 = arith.addf %mul3A_2067, %add3A_2069 : vector<16xf32>
        %mul3A_2071 = arith.mulf %add3A_2070, %bitcast3A_2064 : vector<16xf32>
        %add3A_2072 = arith.constant 1.61017752 : f32
        %add3A_2073 = vector.broadcast %add3A_2072 : f32 to vector<16xf32>
        %add3A_2074 = arith.addf %mul3A_2071, %add3A_2073 : vector<16xf32>
        %mul3A_2075 = arith.mulf %add3A_2074, %bitcast3A_2064 : vector<16xf32>
        %add3A_2076 = arith.constant -3.52021885 : f32
        %add3A_2077 = vector.broadcast %add3A_2076 : f32 to vector<16xf32>
        %add3A_2078 = arith.addf %mul3A_2075, %add3A_2077 : vector<16xf32>
        %mul3A_2079 = arith.mulf %add3A_2078, %bitcast3A_2064 : vector<16xf32>
        %add3A_2080 = arith.constant 5.06975651 : f32
        %add3A_2081 = vector.broadcast %add3A_2080 : f32 to vector<16xf32>
        %add3A_2082 = arith.addf %mul3A_2079, %add3A_2081 : vector<16xf32>
        %mul3A_2083 = arith.mulf %add3A_2082, %bitcast3A_2064 : vector<16xf32>
        %add3A_2084 = arith.constant -2.79415369 : f32
        %add3A_2085 = vector.broadcast %add3A_2084 : f32 to vector<16xf32>
        %add3A_2086 = arith.addf %mul3A_2083, %add3A_2085 : vector<16xf32>
        %convert_element_type3A_2087 = arith.sitofp %sub3A_2057 : vector<16xi32> to vector<16xf32>
        %add3A_2088 = arith.addf %convert_element_type3A_2087, %add3A_2086 : vector<16xf32>
        %add3A_2089 = arith.addf %scan3A_2024, %add3A_2088 : vector<16xf32>
        %sub3A_2090 = arith.constant 1.000000e+00 : f32
        %sub3A_2091 = vector.broadcast %sub3A_2090 : f32 to vector<16xf32>
        %sub3A_2092 = arith.subf %sub3A_2091, %max3A_2046 : vector<16xf32>
        %sub3A_2093 = arith.constant 1.000000e+00 : f32
        %sub3A_2094 = vector.broadcast %sub3A_2093 : f32 to vector<16xf32>
        %sub3A_2095 = arith.subf %sub3A_2094, %max3A_2049 : vector<16xf32>
        %mul3A_2096 = arith.mulf %sub3A_2092, %sub3A_2095 : vector<16xf32>
        %bitcast3A_2097 = vector.bitcast %mul3A_2096 : vector<16xf32> to vector<16xi32>
        %shift_right_arithmetic3A_2098 = arith.constant 23 : i32
        %shift_right_arithmetic3A_2099 = vector.broadcast %shift_right_arithmetic3A_2098 : i32 to vector<16xi32>
        %shift_right_arithmetic3A_2100 = arith.shrsi %bitcast3A_2097, %shift_right_arithmetic3A_2099 : vector<16xi32>
        %sub3A_2101 = arith.constant 127 : i32
        %sub3A_2102 = vector.broadcast %sub3A_2101 : i32 to vector<16xi32>
        %sub3A_2103 = arith.subi %shift_right_arithmetic3A_2100, %sub3A_2102 : vector<16xi32>
        %and3A_2104 = arith.constant 8388607 : i32
        %and3A_2105 = vector.broadcast %and3A_2104 : i32 to vector<16xi32>
        %and3A_2106 = arith.andi %bitcast3A_2097, %and3A_2105 : vector<16xi32>
        %or3A_2107 = arith.constant 1065353216 : i32
        %or3A_2108 = vector.broadcast %or3A_2107 : i32 to vector<16xi32>
        %or3A_2109 = arith.ori %and3A_2106, %or3A_2108 : vector<16xi32>
        %bitcast3A_2110 = vector.bitcast %or3A_2109 : vector<16xi32> to vector<16xf32>
        %mul3A_2111 = arith.constant 0.0439286269 : f32
        %mul3A_2112 = vector.broadcast %mul3A_2111 : f32 to vector<16xf32>
        %mul3A_2113 = arith.mulf %mul3A_2112, %bitcast3A_2110 : vector<16xf32>
        %add3A_2114 = arith.constant -0.409475595 : f32
        %add3A_2115 = vector.broadcast %add3A_2114 : f32 to vector<16xf32>
        %add3A_2116 = arith.addf %mul3A_2113, %add3A_2115 : vector<16xf32>
        %mul3A_2117 = arith.mulf %add3A_2116, %bitcast3A_2110 : vector<16xf32>
        %add3A_2118 = arith.constant 1.61017752 : f32
        %add3A_2119 = vector.broadcast %add3A_2118 : f32 to vector<16xf32>
        %add3A_2120 = arith.addf %mul3A_2117, %add3A_2119 : vector<16xf32>
        %mul3A_2121 = arith.mulf %add3A_2120, %bitcast3A_2110 : vector<16xf32>
        %add3A_2122 = arith.constant -3.52021885 : f32
        %add3A_2123 = vector.broadcast %add3A_2122 : f32 to vector<16xf32>
        %add3A_2124 = arith.addf %mul3A_2121, %add3A_2123 : vector<16xf32>
        %mul3A_2125 = arith.mulf %add3A_2124, %bitcast3A_2110 : vector<16xf32>
        %add3A_2126 = arith.constant 5.06975651 : f32
        %add3A_2127 = vector.broadcast %add3A_2126 : f32 to vector<16xf32>
        %add3A_2128 = arith.addf %mul3A_2125, %add3A_2127 : vector<16xf32>
        %mul3A_2129 = arith.mulf %add3A_2128, %bitcast3A_2110 : vector<16xf32>
        %add3A_2130 = arith.constant -2.79415369 : f32
        %add3A_2131 = vector.broadcast %add3A_2130 : f32 to vector<16xf32>
        %add3A_2132 = arith.addf %mul3A_2129, %add3A_2131 : vector<16xf32>
        %convert_element_type3A_2133 = arith.sitofp %sub3A_2103 : vector<16xi32> to vector<16xf32>
        %add3A_2134 = arith.addf %convert_element_type3A_2133, %add3A_2132 : vector<16xf32>
        %add3A_2135 = arith.addf %scan3A_2025, %add3A_2134 : vector<16xf32>
        scf.yield %add3A_2089, %add3A_2135 : vector<16xf32>, vector<16xf32>
      }
      %scan3A_1496 = arith.constant 31 : i32
      %get3A_1497 = arith.constant 1 : i32
      %get3A_1498 = arith.constant 4 : i32
      %get3A_1499 = arith.index_cast %get3A_1497 : i32 to index
      %get3A_1500 = arith.index_cast %get3A_1498 : i32 to index
      %get3A_1501 = arith.constant 984 : index
      %get3A_1502 = tpu.vector_load %arg5[%get3A_1499, %get3A_1500, %get3A_1501] {strides = array<i32>} : memref<2x8x1000xf32, #tpu.memory_space<vmem>>, vector<16xf32>,
      %ge3A_1503 = arith.constant 8 : i32
      %ge3A_1504 = vector.broadcast %ge3A_1503 : i32 to vector<16xi32>
      %ge3A_1505 = arith.cmpi sge, %iota3A, %ge3A_1504 : vector<16xi32>
      %max3A_1506 = arith.constant 9.99999996E-13 : f32
      %max3A_1507 = vector.broadcast %max3A_1506 : f32 to vector<16xf32>
      %max3A_1508 = arith.maximumf %get3A_1502, %max3A_1507 : vector<16xf32>
      %jit3A_1509 = arith.constant 1.000000e+00 : f32
      %broadcast_in_dim3A_1510 = vector.broadcast %jit3A_1509 : f32 to vector<16xf32>
      %select_n3A_1511 = arith.select %ge3A_1505, %max3A_1508, %broadcast_in_dim3A_1510 : vector<16xi1>, vector<16xf32>
      %max3A_1512 = arith.constant 9.99999996E-13 : f32
      %max3A_1513 = vector.broadcast %max3A_1512 : f32 to vector<16xf32>
      %max3A_1514 = arith.maximumf %get3A_1502, %max3A_1513 : vector<16xf32>
      %sub3A_1515 = arith.constant 1.000000e+00 : f32
      %sub3A_1516 = vector.broadcast %sub3A_1515 : f32 to vector<16xf32>
      %sub3A_1517 = arith.subf %sub3A_1516, %max3A_1514 : vector<16xf32>
      %jit3A_1518 = arith.constant 1.000000e+00 : f32
      %broadcast_in_dim3A_1519 = vector.broadcast %jit3A_1518 : f32 to vector<16xf32>
      %select_n3A_1520 = arith.select %ge3A_1505, %sub3A_1517, %broadcast_in_dim3A_1519 : vector<16xi1>, vector<16xf32>
      %bitcast3A_1521 = vector.bitcast %select_n3A_1511 : vector<16xf32> to vector<16xi32>
      %shift_right_arithmetic3A_1522 = arith.constant 23 : i32
      %shift_right_arithmetic3A_1523 = vector.broadcast %shift_right_arithmetic3A_1522 : i32 to vector<16xi32>
      %shift_right_arithmetic3A_1524 = arith.shrsi %bitcast3A_1521, %shift_right_arithmetic3A_1523 : vector<16xi32>
      %sub3A_1525 = arith.constant 127 : i32
      %sub3A_1526 = vector.broadcast %sub3A_1525 : i32 to vector<16xi32>
      %sub3A_1527 = arith.subi %shift_right_arithmetic3A_1524, %sub3A_1526 : vector<16xi32>
      %and3A_1528 = arith.constant 8388607 : i32
      %and3A_1529 = vector.broadcast %and3A_1528 : i32 to vector<16xi32>
      %and3A_1530 = arith.andi %bitcast3A_1521, %and3A_1529 : vector<16xi32>
      %or3A_1531 = arith.constant 1065353216 : i32
      %or3A_1532 = vector.broadcast %or3A_1531 : i32 to vector<16xi32>
      %or3A_1533 = arith.ori %and3A_1530, %or3A_1532 : vector<16xi32>
      %bitcast3A_1534 = vector.bitcast %or3A_1533 : vector<16xi32> to vector<16xf32>
      %mul3A_1535 = arith.constant 0.0439286269 : f32
      %mul3A_1536 = vector.broadcast %mul3A_1535 : f32 to vector<16xf32>
      %mul3A_1537 = arith.mulf %mul3A_1536, %bitcast3A_1534 : vector<16xf32>
      %add3A_1538 = arith.constant -0.409475595 : f32
      %add3A_1539 = vector.broadcast %add3A_1538 : f32 to vector<16xf32>
      %add3A_1540 = arith.addf %mul3A_1537, %add3A_1539 : vector<16xf32>
      %mul3A_1541 = arith.mulf %add3A_1540, %bitcast3A_1534 : vector<16xf32>
      %add3A_1542 = arith.constant 1.61017752 : f32
      %add3A_1543 = vector.broadcast %add3A_1542 : f32 to vector<16xf32>
      %add3A_1544 = arith.addf %mul3A_1541, %add3A_1543 : vector<16xf32>
      %mul3A_1545 = arith.mulf %add3A_1544, %bitcast3A_1534 : vector<16xf32>
      %add3A_1546 = arith.constant -3.52021885 : f32
      %add3A_1547 = vector.broadcast %add3A_1546 : f32 to vector<16xf32>
      %add3A_1548 = arith.addf %mul3A_1545, %add3A_1547 : vector<16xf32>
      %mul3A_1549 = arith.mulf %add3A_1548, %bitcast3A_1534 : vector<16xf32>
      %add3A_1550 = arith.constant 5.06975651 : f32
      %add3A_1551 = vector.broadcast %add3A_1550 : f32 to vector<16xf32>
      %add3A_1552 = arith.addf %mul3A_1549, %add3A_1551 : vector<16xf32>
      %mul3A_1553 = arith.mulf %add3A_1552, %bitcast3A_1534 : vector<16xf32>
      %add3A_1554 = arith.constant -2.79415369 : f32
      %add3A_1555 = vector.broadcast %add3A_1554 : f32 to vector<16xf32>
      %add3A_1556 = arith.addf %mul3A_1553, %add3A_1555 : vector<16xf32>
      %convert_element_type3A_1557 = arith.sitofp %sub3A_1527 : vector<16xi32> to vector<16xf32>
      %add3A_1558 = arith.addf %convert_element_type3A_1557, %add3A_1556 : vector<16xf32>
      %add3A_1559 = arith.addf %scan3A_1495#0, %add3A_1558 : vector<16xf32>
      %bitcast3A_1560 = vector.bitcast %select_n3A_1520 : vector<16xf32> to vector<16xi32>
      %shift_right_arithmetic3A_1561 = arith.constant 23 : i32
      %shift_right_arithmetic3A_1562 = vector.broadcast %shift_right_arithmetic3A_1561 : i32 to vector<16xi32>
      %shift_right_arithmetic3A_1563 = arith.shrsi %bitcast3A_1560, %shift_right_arithmetic3A_1562 : vector<16xi32>
      %sub3A_1564 = arith.constant 127 : i32
      %sub3A_1565 = vector.broadcast %sub3A_1564 : i32 to vector<16xi32>
      %sub3A_1566 = arith.subi %shift_right_arithmetic3A_1563, %sub3A_1565 : vector<16xi32>
      %and3A_1567 = arith.constant 8388607 : i32
      %and3A_1568 = vector.broadcast %and3A_1567 : i32 to vector<16xi32>
      %and3A_1569 = arith.andi %bitcast3A_1560, %and3A_1568 : vector<16xi32>
      %or3A_1570 = arith.constant 1065353216 : i32
      %or3A_1571 = vector.broadcast %or3A_1570 : i32 to vector<16xi32>
      %or3A_1572 = arith.ori %and3A_1569, %or3A_1571 : vector<16xi32>
      %bitcast3A_1573 = vector.bitcast %or3A_1572 : vector<16xi32> to vector<16xf32>
      %mul3A_1574 = arith.constant 0.0439286269 : f32
      %mul3A_1575 = vector.broadcast %mul3A_1574 : f32 to vector<16xf32>
      %mul3A_1576 = arith.mulf %mul3A_1575, %bitcast3A_1573 : vector<16xf32>
      %add3A_1577 = arith.constant -0.409475595 : f32
      %add3A_1578 = vector.broadcast %add3A_1577 : f32 to vector<16xf32>
      %add3A_1579 = arith.addf %mul3A_1576, %add3A_1578 : vector<16xf32>
      %mul3A_1580 = arith.mulf %add3A_1579, %bitcast3A_1573 : vector<16xf32>
      %add3A_1581 = arith.constant 1.61017752 : f32
      %add3A_1582 = vector.broadcast %add3A_1581 : f32 to vector<16xf32>
      %add3A_1583 = arith.addf %mul3A_1580, %add3A_1582 : vector<16xf32>
      %mul3A_1584 = arith.mulf %add3A_1583, %bitcast3A_1573 : vector<16xf32>
      %add3A_1585 = arith.constant -3.52021885 : f32
      %add3A_1586 = vector.broadcast %add3A_1585 : f32 to vector<16xf32>
      %add3A_1587 = arith.addf %mul3A_1584, %add3A_1586 : vector<16xf32>
      %mul3A_1588 = arith.mulf %add3A_1587, %bitcast3A_1573 : vector<16xf32>
      %add3A_1589 = arith.constant 5.06975651 : f32
      %add3A_1590 = vector.broadcast %add3A_1589 : f32 to vector<16xf32>
      %add3A_1591 = arith.addf %mul3A_1588, %add3A_1590 : vector<16xf32>
      %mul3A_1592 = arith.mulf %add3A_1591, %bitcast3A_1573 : vector<16xf32>
      %add3A_1593 = arith.constant -2.79415369 : f32
      %add3A_1594 = vector.broadcast %add3A_1593 : f32 to vector<16xf32>
      %add3A_1595 = arith.addf %mul3A_1592, %add3A_1594 : vector<16xf32>
      %convert_element_type3A_1596 = arith.sitofp %sub3A_1566 : vector<16xi32> to vector<16xf32>
      %add3A_1597 = arith.addf %convert_element_type3A_1596, %add3A_1595 : vector<16xf32>
      %add3A_1598 = arith.addf %scan3A_1495#1, %add3A_1597 : vector<16xf32>
      %scan3A_1599 = arith.constant 0 : i32
      %scan3A_1600 = arith.constant 31 : i32
      %scan3A_1601 = arith.addi %scan3A_1599, %scan3A_1600 : i32
      %scan3A_1602 = arith.constant 1 : i32
      %scan3A_1603:2 = scf.for %scan3A_2023 = %scan3A_1599 to %scan3A_1601 step %scan3A_1602 iter_args(%scan3A_2024 = %add3A_1559, %scan3A_2025 = %add3A_1598) -> (vector<16xf32>, vector<16xf32>)  : i32 {
        %mul3A_2026 = arith.constant 32 : i32
        %mul3A_2027 = arith.muli %mul3A_2026, %scan3A_2023 : i32
        %get3A_2028 = arith.constant 1 : i32
        %get3A_2029 = arith.constant 5 : i32
        %get3A_2030 = arith.index_cast %get3A_2028 : i32 to index
        %get3A_2031 = arith.index_cast %get3A_2029 : i32 to index
        %get3A_2032 = arith.index_cast %mul3A_2027 : i32 to index
        %get3A_2033 = tpu.vector_load %arg5[%get3A_2030, %get3A_2031, %get3A_2032] {strides = array<i32>} : memref<2x8x1000xf32, #tpu.memory_space<vmem>>, vector<16xf32>,
        %mul3A_2034 = arith.constant 32 : i32
        %mul3A_2035 = arith.muli %mul3A_2034, %scan3A_2023 : i32
        %add3A_2036 = arith.constant 16 : i32
        %add3A_2037 = arith.addi %mul3A_2035, %add3A_2036 : i32
        %get3A_2038 = arith.constant 1 : i32
        %get3A_2039 = arith.constant 5 : i32
        %get3A_2040 = arith.index_cast %get3A_2038 : i32 to index
        %get3A_2041 = arith.index_cast %get3A_2039 : i32 to index
        %get3A_2042 = arith.index_cast %add3A_2037 : i32 to index
        %get3A_2043 = tpu.vector_load %arg5[%get3A_2040, %get3A_2041, %get3A_2042] {strides = array<i32>} : memref<2x8x1000xf32, #tpu.memory_space<vmem>>, vector<16xf32>,
        %max3A_2044 = arith.constant 9.99999996E-13 : f32
        %max3A_2045 = vector.broadcast %max3A_2044 : f32 to vector<16xf32>
        %max3A_2046 = arith.maximumf %get3A_2033, %max3A_2045 : vector<16xf32>
        %max3A_2047 = arith.constant 9.99999996E-13 : f32
        %max3A_2048 = vector.broadcast %max3A_2047 : f32 to vector<16xf32>
        %max3A_2049 = arith.maximumf %get3A_2043, %max3A_2048 : vector<16xf32>
        %mul3A_2050 = arith.mulf %max3A_2046, %max3A_2049 : vector<16xf32>
        %bitcast3A_2051 = vector.bitcast %mul3A_2050 : vector<16xf32> to vector<16xi32>
        %shift_right_arithmetic3A_2052 = arith.constant 23 : i32
        %shift_right_arithmetic3A_2053 = vector.broadcast %shift_right_arithmetic3A_2052 : i32 to vector<16xi32>
        %shift_right_arithmetic3A_2054 = arith.shrsi %bitcast3A_2051, %shift_right_arithmetic3A_2053 : vector<16xi32>
        %sub3A_2055 = arith.constant 127 : i32
        %sub3A_2056 = vector.broadcast %sub3A_2055 : i32 to vector<16xi32>
        %sub3A_2057 = arith.subi %shift_right_arithmetic3A_2054, %sub3A_2056 : vector<16xi32>
        %and3A_2058 = arith.constant 8388607 : i32
        %and3A_2059 = vector.broadcast %and3A_2058 : i32 to vector<16xi32>
        %and3A_2060 = arith.andi %bitcast3A_2051, %and3A_2059 : vector<16xi32>
        %or3A_2061 = arith.constant 1065353216 : i32
        %or3A_2062 = vector.broadcast %or3A_2061 : i32 to vector<16xi32>
        %or3A_2063 = arith.ori %and3A_2060, %or3A_2062 : vector<16xi32>
        %bitcast3A_2064 = vector.bitcast %or3A_2063 : vector<16xi32> to vector<16xf32>
        %mul3A_2065 = arith.constant 0.0439286269 : f32
        %mul3A_2066 = vector.broadcast %mul3A_2065 : f32 to vector<16xf32>
        %mul3A_2067 = arith.mulf %mul3A_2066, %bitcast3A_2064 : vector<16xf32>
        %add3A_2068 = arith.constant -0.409475595 : f32
        %add3A_2069 = vector.broadcast %add3A_2068 : f32 to vector<16xf32>
        %add3A_2070 = arith.addf %mul3A_2067, %add3A_2069 : vector<16xf32>
        %mul3A_2071 = arith.mulf %add3A_2070, %bitcast3A_2064 : vector<16xf32>
        %add3A_2072 = arith.constant 1.61017752 : f32
        %add3A_2073 = vector.broadcast %add3A_2072 : f32 to vector<16xf32>
        %add3A_2074 = arith.addf %mul3A_2071, %add3A_2073 : vector<16xf32>
        %mul3A_2075 = arith.mulf %add3A_2074, %bitcast3A_2064 : vector<16xf32>
        %add3A_2076 = arith.constant -3.52021885 : f32
        %add3A_2077 = vector.broadcast %add3A_2076 : f32 to vector<16xf32>
        %add3A_2078 = arith.addf %mul3A_2075, %add3A_2077 : vector<16xf32>
        %mul3A_2079 = arith.mulf %add3A_2078, %bitcast3A_2064 : vector<16xf32>
        %add3A_2080 = arith.constant 5.06975651 : f32
        %add3A_2081 = vector.broadcast %add3A_2080 : f32 to vector<16xf32>
        %add3A_2082 = arith.addf %mul3A_2079, %add3A_2081 : vector<16xf32>
        %mul3A_2083 = arith.mulf %add3A_2082, %bitcast3A_2064 : vector<16xf32>
        %add3A_2084 = arith.constant -2.79415369 : f32
        %add3A_2085 = vector.broadcast %add3A_2084 : f32 to vector<16xf32>
        %add3A_2086 = arith.addf %mul3A_2083, %add3A_2085 : vector<16xf32>
        %convert_element_type3A_2087 = arith.sitofp %sub3A_2057 : vector<16xi32> to vector<16xf32>
        %add3A_2088 = arith.addf %convert_element_type3A_2087, %add3A_2086 : vector<16xf32>
        %add3A_2089 = arith.addf %scan3A_2024, %add3A_2088 : vector<16xf32>
        %sub3A_2090 = arith.constant 1.000000e+00 : f32
        %sub3A_2091 = vector.broadcast %sub3A_2090 : f32 to vector<16xf32>
        %sub3A_2092 = arith.subf %sub3A_2091, %max3A_2046 : vector<16xf32>
        %sub3A_2093 = arith.constant 1.000000e+00 : f32
        %sub3A_2094 = vector.broadcast %sub3A_2093 : f32 to vector<16xf32>
        %sub3A_2095 = arith.subf %sub3A_2094, %max3A_2049 : vector<16xf32>
        %mul3A_2096 = arith.mulf %sub3A_2092, %sub3A_2095 : vector<16xf32>
        %bitcast3A_2097 = vector.bitcast %mul3A_2096 : vector<16xf32> to vector<16xi32>
        %shift_right_arithmetic3A_2098 = arith.constant 23 : i32
        %shift_right_arithmetic3A_2099 = vector.broadcast %shift_right_arithmetic3A_2098 : i32 to vector<16xi32>
        %shift_right_arithmetic3A_2100 = arith.shrsi %bitcast3A_2097, %shift_right_arithmetic3A_2099 : vector<16xi32>
        %sub3A_2101 = arith.constant 127 : i32
        %sub3A_2102 = vector.broadcast %sub3A_2101 : i32 to vector<16xi32>
        %sub3A_2103 = arith.subi %shift_right_arithmetic3A_2100, %sub3A_2102 : vector<16xi32>
        %and3A_2104 = arith.constant 8388607 : i32
        %and3A_2105 = vector.broadcast %and3A_2104 : i32 to vector<16xi32>
        %and3A_2106 = arith.andi %bitcast3A_2097, %and3A_2105 : vector<16xi32>
        %or3A_2107 = arith.constant 1065353216 : i32
        %or3A_2108 = vector.broadcast %or3A_2107 : i32 to vector<16xi32>
        %or3A_2109 = arith.ori %and3A_2106, %or3A_2108 : vector<16xi32>
        %bitcast3A_2110 = vector.bitcast %or3A_2109 : vector<16xi32> to vector<16xf32>
        %mul3A_2111 = arith.constant 0.0439286269 : f32
        %mul3A_2112 = vector.broadcast %mul3A_2111 : f32 to vector<16xf32>
        %mul3A_2113 = arith.mulf %mul3A_2112, %bitcast3A_2110 : vector<16xf32>
        %add3A_2114 = arith.constant -0.409475595 : f32
        %add3A_2115 = vector.broadcast %add3A_2114 : f32 to vector<16xf32>
        %add3A_2116 = arith.addf %mul3A_2113, %add3A_2115 : vector<16xf32>
        %mul3A_2117 = arith.mulf %add3A_2116, %bitcast3A_2110 : vector<16xf32>
        %add3A_2118 = arith.constant 1.61017752 : f32
        %add3A_2119 = vector.broadcast %add3A_2118 : f32 to vector<16xf32>
        %add3A_2120 = arith.addf %mul3A_2117, %add3A_2119 : vector<16xf32>
        %mul3A_2121 = arith.mulf %add3A_2120, %bitcast3A_2110 : vector<16xf32>
        %add3A_2122 = arith.constant -3.52021885 : f32
        %add3A_2123 = vector.broadcast %add3A_2122 : f32 to vector<16xf32>
        %add3A_2124 = arith.addf %mul3A_2121, %add3A_2123 : vector<16xf32>
        %mul3A_2125 = arith.mulf %add3A_2124, %bitcast3A_2110 : vector<16xf32>
        %add3A_2126 = arith.constant 5.06975651 : f32
        %add3A_2127 = vector.broadcast %add3A_2126 : f32 to vector<16xf32>
        %add3A_2128 = arith.addf %mul3A_2125, %add3A_2127 : vector<16xf32>
        %mul3A_2129 = arith.mulf %add3A_2128, %bitcast3A_2110 : vector<16xf32>
        %add3A_2130 = arith.constant -2.79415369 : f32
        %add3A_2131 = vector.broadcast %add3A_2130 : f32 to vector<16xf32>
        %add3A_2132 = arith.addf %mul3A_2129, %add3A_2131 : vector<16xf32>
        %convert_element_type3A_2133 = arith.sitofp %sub3A_2103 : vector<16xi32> to vector<16xf32>
        %add3A_2134 = arith.addf %convert_element_type3A_2133, %add3A_2132 : vector<16xf32>
        %add3A_2135 = arith.addf %scan3A_2025, %add3A_2134 : vector<16xf32>
        scf.yield %add3A_2089, %add3A_2135 : vector<16xf32>, vector<16xf32>
      }
      %scan3A_1604 = arith.constant 31 : i32
      %get3A_1605 = arith.constant 1 : i32
      %get3A_1606 = arith.constant 5 : i32
      %get3A_1607 = arith.index_cast %get3A_1605 : i32 to index
      %get3A_1608 = arith.index_cast %get3A_1606 : i32 to index
      %get3A_1609 = arith.constant 984 : index
      %get3A_1610 = tpu.vector_load %arg5[%get3A_1607, %get3A_1608, %get3A_1609] {strides = array<i32>} : memref<2x8x1000xf32, #tpu.memory_space<vmem>>, vector<16xf32>,
      %ge3A_1611 = arith.constant 8 : i32
      %ge3A_1612 = vector.broadcast %ge3A_1611 : i32 to vector<16xi32>
      %ge3A_1613 = arith.cmpi sge, %iota3A, %ge3A_1612 : vector<16xi32>
      %max3A_1614 = arith.constant 9.99999996E-13 : f32
      %max3A_1615 = vector.broadcast %max3A_1614 : f32 to vector<16xf32>
      %max3A_1616 = arith.maximumf %get3A_1610, %max3A_1615 : vector<16xf32>
      %jit3A_1617 = arith.constant 1.000000e+00 : f32
      %broadcast_in_dim3A_1618 = vector.broadcast %jit3A_1617 : f32 to vector<16xf32>
      %select_n3A_1619 = arith.select %ge3A_1613, %max3A_1616, %broadcast_in_dim3A_1618 : vector<16xi1>, vector<16xf32>
      %max3A_1620 = arith.constant 9.99999996E-13 : f32
      %max3A_1621 = vector.broadcast %max3A_1620 : f32 to vector<16xf32>
      %max3A_1622 = arith.maximumf %get3A_1610, %max3A_1621 : vector<16xf32>
      %sub3A_1623 = arith.constant 1.000000e+00 : f32
      %sub3A_1624 = vector.broadcast %sub3A_1623 : f32 to vector<16xf32>
      %sub3A_1625 = arith.subf %sub3A_1624, %max3A_1622 : vector<16xf32>
      %jit3A_1626 = arith.constant 1.000000e+00 : f32
      %broadcast_in_dim3A_1627 = vector.broadcast %jit3A_1626 : f32 to vector<16xf32>
      %select_n3A_1628 = arith.select %ge3A_1613, %sub3A_1625, %broadcast_in_dim3A_1627 : vector<16xi1>, vector<16xf32>
      %bitcast3A_1629 = vector.bitcast %select_n3A_1619 : vector<16xf32> to vector<16xi32>
      %shift_right_arithmetic3A_1630 = arith.constant 23 : i32
      %shift_right_arithmetic3A_1631 = vector.broadcast %shift_right_arithmetic3A_1630 : i32 to vector<16xi32>
      %shift_right_arithmetic3A_1632 = arith.shrsi %bitcast3A_1629, %shift_right_arithmetic3A_1631 : vector<16xi32>
      %sub3A_1633 = arith.constant 127 : i32
      %sub3A_1634 = vector.broadcast %sub3A_1633 : i32 to vector<16xi32>
      %sub3A_1635 = arith.subi %shift_right_arithmetic3A_1632, %sub3A_1634 : vector<16xi32>
      %and3A_1636 = arith.constant 8388607 : i32
      %and3A_1637 = vector.broadcast %and3A_1636 : i32 to vector<16xi32>
      %and3A_1638 = arith.andi %bitcast3A_1629, %and3A_1637 : vector<16xi32>
      %or3A_1639 = arith.constant 1065353216 : i32
      %or3A_1640 = vector.broadcast %or3A_1639 : i32 to vector<16xi32>
      %or3A_1641 = arith.ori %and3A_1638, %or3A_1640 : vector<16xi32>
      %bitcast3A_1642 = vector.bitcast %or3A_1641 : vector<16xi32> to vector<16xf32>
      %mul3A_1643 = arith.constant 0.0439286269 : f32
      %mul3A_1644 = vector.broadcast %mul3A_1643 : f32 to vector<16xf32>
      %mul3A_1645 = arith.mulf %mul3A_1644, %bitcast3A_1642 : vector<16xf32>
      %add3A_1646 = arith.constant -0.409475595 : f32
      %add3A_1647 = vector.broadcast %add3A_1646 : f32 to vector<16xf32>
      %add3A_1648 = arith.addf %mul3A_1645, %add3A_1647 : vector<16xf32>
      %mul3A_1649 = arith.mulf %add3A_1648, %bitcast3A_1642 : vector<16xf32>
      %add3A_1650 = arith.constant 1.61017752 : f32
      %add3A_1651 = vector.broadcast %add3A_1650 : f32 to vector<16xf32>
      %add3A_1652 = arith.addf %mul3A_1649, %add3A_1651 : vector<16xf32>
      %mul3A_1653 = arith.mulf %add3A_1652, %bitcast3A_1642 : vector<16xf32>
      %add3A_1654 = arith.constant -3.52021885 : f32
      %add3A_1655 = vector.broadcast %add3A_1654 : f32 to vector<16xf32>
      %add3A_1656 = arith.addf %mul3A_1653, %add3A_1655 : vector<16xf32>
      %mul3A_1657 = arith.mulf %add3A_1656, %bitcast3A_1642 : vector<16xf32>
      %add3A_1658 = arith.constant 5.06975651 : f32
      %add3A_1659 = vector.broadcast %add3A_1658 : f32 to vector<16xf32>
      %add3A_1660 = arith.addf %mul3A_1657, %add3A_1659 : vector<16xf32>
      %mul3A_1661 = arith.mulf %add3A_1660, %bitcast3A_1642 : vector<16xf32>
      %add3A_1662 = arith.constant -2.79415369 : f32
      %add3A_1663 = vector.broadcast %add3A_1662 : f32 to vector<16xf32>
      %add3A_1664 = arith.addf %mul3A_1661, %add3A_1663 : vector<16xf32>
      %convert_element_type3A_1665 = arith.sitofp %sub3A_1635 : vector<16xi32> to vector<16xf32>
      %add3A_1666 = arith.addf %convert_element_type3A_1665, %add3A_1664 : vector<16xf32>
      %add3A_1667 = arith.addf %scan3A_1603#0, %add3A_1666 : vector<16xf32>
      %bitcast3A_1668 = vector.bitcast %select_n3A_1628 : vector<16xf32> to vector<16xi32>
      %shift_right_arithmetic3A_1669 = arith.constant 23 : i32
      %shift_right_arithmetic3A_1670 = vector.broadcast %shift_right_arithmetic3A_1669 : i32 to vector<16xi32>
      %shift_right_arithmetic3A_1671 = arith.shrsi %bitcast3A_1668, %shift_right_arithmetic3A_1670 : vector<16xi32>
      %sub3A_1672 = arith.constant 127 : i32
      %sub3A_1673 = vector.broadcast %sub3A_1672 : i32 to vector<16xi32>
      %sub3A_1674 = arith.subi %shift_right_arithmetic3A_1671, %sub3A_1673 : vector<16xi32>
      %and3A_1675 = arith.constant 8388607 : i32
      %and3A_1676 = vector.broadcast %and3A_1675 : i32 to vector<16xi32>
      %and3A_1677 = arith.andi %bitcast3A_1668, %and3A_1676 : vector<16xi32>
      %or3A_1678 = arith.constant 1065353216 : i32
      %or3A_1679 = vector.broadcast %or3A_1678 : i32 to vector<16xi32>
      %or3A_1680 = arith.ori %and3A_1677, %or3A_1679 : vector<16xi32>
      %bitcast3A_1681 = vector.bitcast %or3A_1680 : vector<16xi32> to vector<16xf32>
      %mul3A_1682 = arith.constant 0.0439286269 : f32
      %mul3A_1683 = vector.broadcast %mul3A_1682 : f32 to vector<16xf32>
      %mul3A_1684 = arith.mulf %mul3A_1683, %bitcast3A_1681 : vector<16xf32>
      %add3A_1685 = arith.constant -0.409475595 : f32
      %add3A_1686 = vector.broadcast %add3A_1685 : f32 to vector<16xf32>
      %add3A_1687 = arith.addf %mul3A_1684, %add3A_1686 : vector<16xf32>
      %mul3A_1688 = arith.mulf %add3A_1687, %bitcast3A_1681 : vector<16xf32>
      %add3A_1689 = arith.constant 1.61017752 : f32
      %add3A_1690 = vector.broadcast %add3A_1689 : f32 to vector<16xf32>
      %add3A_1691 = arith.addf %mul3A_1688, %add3A_1690 : vector<16xf32>
      %mul3A_1692 = arith.mulf %add3A_1691, %bitcast3A_1681 : vector<16xf32>
      %add3A_1693 = arith.constant -3.52021885 : f32
      %add3A_1694 = vector.broadcast %add3A_1693 : f32 to vector<16xf32>
      %add3A_1695 = arith.addf %mul3A_1692, %add3A_1694 : vector<16xf32>
      %mul3A_1696 = arith.mulf %add3A_1695, %bitcast3A_1681 : vector<16xf32>
      %add3A_1697 = arith.constant 5.06975651 : f32
      %add3A_1698 = vector.broadcast %add3A_1697 : f32 to vector<16xf32>
      %add3A_1699 = arith.addf %mul3A_1696, %add3A_1698 : vector<16xf32>
      %mul3A_1700 = arith.mulf %add3A_1699, %bitcast3A_1681 : vector<16xf32>
      %add3A_1701 = arith.constant -2.79415369 : f32
      %add3A_1702 = vector.broadcast %add3A_1701 : f32 to vector<16xf32>
      %add3A_1703 = arith.addf %mul3A_1700, %add3A_1702 : vector<16xf32>
      %convert_element_type3A_1704 = arith.sitofp %sub3A_1674 : vector<16xi32> to vector<16xf32>
      %add3A_1705 = arith.addf %convert_element_type3A_1704, %add3A_1703 : vector<16xf32>
      %add3A_1706 = arith.addf %scan3A_1603#1, %add3A_1705 : vector<16xf32>
      %scan3A_1707 = arith.constant 0 : i32
      %scan3A_1708 = arith.constant 31 : i32
      %scan3A_1709 = arith.addi %scan3A_1707, %scan3A_1708 : i32
      %scan3A_1710 = arith.constant 1 : i32
      %scan3A_1711:2 = scf.for %scan3A_2023 = %scan3A_1707 to %scan3A_1709 step %scan3A_1710 iter_args(%scan3A_2024 = %add3A_1667, %scan3A_2025 = %add3A_1706) -> (vector<16xf32>, vector<16xf32>)  : i32 {
        %mul3A_2026 = arith.constant 32 : i32
        %mul3A_2027 = arith.muli %mul3A_2026, %scan3A_2023 : i32
        %get3A_2028 = arith.constant 1 : i32
        %get3A_2029 = arith.constant 6 : i32
        %get3A_2030 = arith.index_cast %get3A_2028 : i32 to index
        %get3A_2031 = arith.index_cast %get3A_2029 : i32 to index
        %get3A_2032 = arith.index_cast %mul3A_2027 : i32 to index
        %get3A_2033 = tpu.vector_load %arg5[%get3A_2030, %get3A_2031, %get3A_2032] {strides = array<i32>} : memref<2x8x1000xf32, #tpu.memory_space<vmem>>, vector<16xf32>,
        %mul3A_2034 = arith.constant 32 : i32
        %mul3A_2035 = arith.muli %mul3A_2034, %scan3A_2023 : i32
        %add3A_2036 = arith.constant 16 : i32
        %add3A_2037 = arith.addi %mul3A_2035, %add3A_2036 : i32
        %get3A_2038 = arith.constant 1 : i32
        %get3A_2039 = arith.constant 6 : i32
        %get3A_2040 = arith.index_cast %get3A_2038 : i32 to index
        %get3A_2041 = arith.index_cast %get3A_2039 : i32 to index
        %get3A_2042 = arith.index_cast %add3A_2037 : i32 to index
        %get3A_2043 = tpu.vector_load %arg5[%get3A_2040, %get3A_2041, %get3A_2042] {strides = array<i32>} : memref<2x8x1000xf32, #tpu.memory_space<vmem>>, vector<16xf32>,
        %max3A_2044 = arith.constant 9.99999996E-13 : f32
        %max3A_2045 = vector.broadcast %max3A_2044 : f32 to vector<16xf32>
        %max3A_2046 = arith.maximumf %get3A_2033, %max3A_2045 : vector<16xf32>
        %max3A_2047 = arith.constant 9.99999996E-13 : f32
        %max3A_2048 = vector.broadcast %max3A_2047 : f32 to vector<16xf32>
        %max3A_2049 = arith.maximumf %get3A_2043, %max3A_2048 : vector<16xf32>
        %mul3A_2050 = arith.mulf %max3A_2046, %max3A_2049 : vector<16xf32>
        %bitcast3A_2051 = vector.bitcast %mul3A_2050 : vector<16xf32> to vector<16xi32>
        %shift_right_arithmetic3A_2052 = arith.constant 23 : i32
        %shift_right_arithmetic3A_2053 = vector.broadcast %shift_right_arithmetic3A_2052 : i32 to vector<16xi32>
        %shift_right_arithmetic3A_2054 = arith.shrsi %bitcast3A_2051, %shift_right_arithmetic3A_2053 : vector<16xi32>
        %sub3A_2055 = arith.constant 127 : i32
        %sub3A_2056 = vector.broadcast %sub3A_2055 : i32 to vector<16xi32>
        %sub3A_2057 = arith.subi %shift_right_arithmetic3A_2054, %sub3A_2056 : vector<16xi32>
        %and3A_2058 = arith.constant 8388607 : i32
        %and3A_2059 = vector.broadcast %and3A_2058 : i32 to vector<16xi32>
        %and3A_2060 = arith.andi %bitcast3A_2051, %and3A_2059 : vector<16xi32>
        %or3A_2061 = arith.constant 1065353216 : i32
        %or3A_2062 = vector.broadcast %or3A_2061 : i32 to vector<16xi32>
        %or3A_2063 = arith.ori %and3A_2060, %or3A_2062 : vector<16xi32>
        %bitcast3A_2064 = vector.bitcast %or3A_2063 : vector<16xi32> to vector<16xf32>
        %mul3A_2065 = arith.constant 0.0439286269 : f32
        %mul3A_2066 = vector.broadcast %mul3A_2065 : f32 to vector<16xf32>
        %mul3A_2067 = arith.mulf %mul3A_2066, %bitcast3A_2064 : vector<16xf32>
        %add3A_2068 = arith.constant -0.409475595 : f32
        %add3A_2069 = vector.broadcast %add3A_2068 : f32 to vector<16xf32>
        %add3A_2070 = arith.addf %mul3A_2067, %add3A_2069 : vector<16xf32>
        %mul3A_2071 = arith.mulf %add3A_2070, %bitcast3A_2064 : vector<16xf32>
        %add3A_2072 = arith.constant 1.61017752 : f32
        %add3A_2073 = vector.broadcast %add3A_2072 : f32 to vector<16xf32>
        %add3A_2074 = arith.addf %mul3A_2071, %add3A_2073 : vector<16xf32>
        %mul3A_2075 = arith.mulf %add3A_2074, %bitcast3A_2064 : vector<16xf32>
        %add3A_2076 = arith.constant -3.52021885 : f32
        %add3A_2077 = vector.broadcast %add3A_2076 : f32 to vector<16xf32>
        %add3A_2078 = arith.addf %mul3A_2075, %add3A_2077 : vector<16xf32>
        %mul3A_2079 = arith.mulf %add3A_2078, %bitcast3A_2064 : vector<16xf32>
        %add3A_2080 = arith.constant 5.06975651 : f32
        %add3A_2081 = vector.broadcast %add3A_2080 : f32 to vector<16xf32>
        %add3A_2082 = arith.addf %mul3A_2079, %add3A_2081 : vector<16xf32>
        %mul3A_2083 = arith.mulf %add3A_2082, %bitcast3A_2064 : vector<16xf32>
        %add3A_2084 = arith.constant -2.79415369 : f32
        %add3A_2085 = vector.broadcast %add3A_2084 : f32 to vector<16xf32>
        %add3A_2086 = arith.addf %mul3A_2083, %add3A_2085 : vector<16xf32>
        %convert_element_type3A_2087 = arith.sitofp %sub3A_2057 : vector<16xi32> to vector<16xf32>
        %add3A_2088 = arith.addf %convert_element_type3A_2087, %add3A_2086 : vector<16xf32>
        %add3A_2089 = arith.addf %scan3A_2024, %add3A_2088 : vector<16xf32>
        %sub3A_2090 = arith.constant 1.000000e+00 : f32
        %sub3A_2091 = vector.broadcast %sub3A_2090 : f32 to vector<16xf32>
        %sub3A_2092 = arith.subf %sub3A_2091, %max3A_2046 : vector<16xf32>
        %sub3A_2093 = arith.constant 1.000000e+00 : f32
        %sub3A_2094 = vector.broadcast %sub3A_2093 : f32 to vector<16xf32>
        %sub3A_2095 = arith.subf %sub3A_2094, %max3A_2049 : vector<16xf32>
        %mul3A_2096 = arith.mulf %sub3A_2092, %sub3A_2095 : vector<16xf32>
        %bitcast3A_2097 = vector.bitcast %mul3A_2096 : vector<16xf32> to vector<16xi32>
        %shift_right_arithmetic3A_2098 = arith.constant 23 : i32
        %shift_right_arithmetic3A_2099 = vector.broadcast %shift_right_arithmetic3A_2098 : i32 to vector<16xi32>
        %shift_right_arithmetic3A_2100 = arith.shrsi %bitcast3A_2097, %shift_right_arithmetic3A_2099 : vector<16xi32>
        %sub3A_2101 = arith.constant 127 : i32
        %sub3A_2102 = vector.broadcast %sub3A_2101 : i32 to vector<16xi32>
        %sub3A_2103 = arith.subi %shift_right_arithmetic3A_2100, %sub3A_2102 : vector<16xi32>
        %and3A_2104 = arith.constant 8388607 : i32
        %and3A_2105 = vector.broadcast %and3A_2104 : i32 to vector<16xi32>
        %and3A_2106 = arith.andi %bitcast3A_2097, %and3A_2105 : vector<16xi32>
        %or3A_2107 = arith.constant 1065353216 : i32
        %or3A_2108 = vector.broadcast %or3A_2107 : i32 to vector<16xi32>
        %or3A_2109 = arith.ori %and3A_2106, %or3A_2108 : vector<16xi32>
        %bitcast3A_2110 = vector.bitcast %or3A_2109 : vector<16xi32> to vector<16xf32>
        %mul3A_2111 = arith.constant 0.0439286269 : f32
        %mul3A_2112 = vector.broadcast %mul3A_2111 : f32 to vector<16xf32>
        %mul3A_2113 = arith.mulf %mul3A_2112, %bitcast3A_2110 : vector<16xf32>
        %add3A_2114 = arith.constant -0.409475595 : f32
        %add3A_2115 = vector.broadcast %add3A_2114 : f32 to vector<16xf32>
        %add3A_2116 = arith.addf %mul3A_2113, %add3A_2115 : vector<16xf32>
        %mul3A_2117 = arith.mulf %add3A_2116, %bitcast3A_2110 : vector<16xf32>
        %add3A_2118 = arith.constant 1.61017752 : f32
        %add3A_2119 = vector.broadcast %add3A_2118 : f32 to vector<16xf32>
        %add3A_2120 = arith.addf %mul3A_2117, %add3A_2119 : vector<16xf32>
        %mul3A_2121 = arith.mulf %add3A_2120, %bitcast3A_2110 : vector<16xf32>
        %add3A_2122 = arith.constant -3.52021885 : f32
        %add3A_2123 = vector.broadcast %add3A_2122 : f32 to vector<16xf32>
        %add3A_2124 = arith.addf %mul3A_2121, %add3A_2123 : vector<16xf32>
        %mul3A_2125 = arith.mulf %add3A_2124, %bitcast3A_2110 : vector<16xf32>
        %add3A_2126 = arith.constant 5.06975651 : f32
        %add3A_2127 = vector.broadcast %add3A_2126 : f32 to vector<16xf32>
        %add3A_2128 = arith.addf %mul3A_2125, %add3A_2127 : vector<16xf32>
        %mul3A_2129 = arith.mulf %add3A_2128, %bitcast3A_2110 : vector<16xf32>
        %add3A_2130 = arith.constant -2.79415369 : f32
        %add3A_2131 = vector.broadcast %add3A_2130 : f32 to vector<16xf32>
        %add3A_2132 = arith.addf %mul3A_2129, %add3A_2131 : vector<16xf32>
        %convert_element_type3A_2133 = arith.sitofp %sub3A_2103 : vector<16xi32> to vector<16xf32>
        %add3A_2134 = arith.addf %convert_element_type3A_2133, %add3A_2132 : vector<16xf32>
        %add3A_2135 = arith.addf %scan3A_2025, %add3A_2134 : vector<16xf32>
        scf.yield %add3A_2089, %add3A_2135 : vector<16xf32>, vector<16xf32>
      }
      %scan3A_1712 = arith.constant 31 : i32
      %get3A_1713 = arith.constant 1 : i32
      %get3A_1714 = arith.constant 6 : i32
      %get3A_1715 = arith.index_cast %get3A_1713 : i32 to index
      %get3A_1716 = arith.index_cast %get3A_1714 : i32 to index
      %get3A_1717 = arith.constant 984 : index
      %get3A_1718 = tpu.vector_load %arg5[%get3A_1715, %get3A_1716, %get3A_1717] {strides = array<i32>} : memref<2x8x1000xf32, #tpu.memory_space<vmem>>, vector<16xf32>,
      %ge3A_1719 = arith.constant 8 : i32
      %ge3A_1720 = vector.broadcast %ge3A_1719 : i32 to vector<16xi32>
      %ge3A_1721 = arith.cmpi sge, %iota3A, %ge3A_1720 : vector<16xi32>
      %max3A_1722 = arith.constant 9.99999996E-13 : f32
      %max3A_1723 = vector.broadcast %max3A_1722 : f32 to vector<16xf32>
      %max3A_1724 = arith.maximumf %get3A_1718, %max3A_1723 : vector<16xf32>
      %jit3A_1725 = arith.constant 1.000000e+00 : f32
      %broadcast_in_dim3A_1726 = vector.broadcast %jit3A_1725 : f32 to vector<16xf32>
      %select_n3A_1727 = arith.select %ge3A_1721, %max3A_1724, %broadcast_in_dim3A_1726 : vector<16xi1>, vector<16xf32>
      %max3A_1728 = arith.constant 9.99999996E-13 : f32
      %max3A_1729 = vector.broadcast %max3A_1728 : f32 to vector<16xf32>
      %max3A_1730 = arith.maximumf %get3A_1718, %max3A_1729 : vector<16xf32>
      %sub3A_1731 = arith.constant 1.000000e+00 : f32
      %sub3A_1732 = vector.broadcast %sub3A_1731 : f32 to vector<16xf32>
      %sub3A_1733 = arith.subf %sub3A_1732, %max3A_1730 : vector<16xf32>
      %jit3A_1734 = arith.constant 1.000000e+00 : f32
      %broadcast_in_dim3A_1735 = vector.broadcast %jit3A_1734 : f32 to vector<16xf32>
      %select_n3A_1736 = arith.select %ge3A_1721, %sub3A_1733, %broadcast_in_dim3A_1735 : vector<16xi1>, vector<16xf32>
      %bitcast3A_1737 = vector.bitcast %select_n3A_1727 : vector<16xf32> to vector<16xi32>
      %shift_right_arithmetic3A_1738 = arith.constant 23 : i32
      %shift_right_arithmetic3A_1739 = vector.broadcast %shift_right_arithmetic3A_1738 : i32 to vector<16xi32>
      %shift_right_arithmetic3A_1740 = arith.shrsi %bitcast3A_1737, %shift_right_arithmetic3A_1739 : vector<16xi32>
      %sub3A_1741 = arith.constant 127 : i32
      %sub3A_1742 = vector.broadcast %sub3A_1741 : i32 to vector<16xi32>
      %sub3A_1743 = arith.subi %shift_right_arithmetic3A_1740, %sub3A_1742 : vector<16xi32>
      %and3A_1744 = arith.constant 8388607 : i32
      %and3A_1745 = vector.broadcast %and3A_1744 : i32 to vector<16xi32>
      %and3A_1746 = arith.andi %bitcast3A_1737, %and3A_1745 : vector<16xi32>
      %or3A_1747 = arith.constant 1065353216 : i32
      %or3A_1748 = vector.broadcast %or3A_1747 : i32 to vector<16xi32>
      %or3A_1749 = arith.ori %and3A_1746, %or3A_1748 : vector<16xi32>
      %bitcast3A_1750 = vector.bitcast %or3A_1749 : vector<16xi32> to vector<16xf32>
      %mul3A_1751 = arith.constant 0.0439286269 : f32
      %mul3A_1752 = vector.broadcast %mul3A_1751 : f32 to vector<16xf32>
      %mul3A_1753 = arith.mulf %mul3A_1752, %bitcast3A_1750 : vector<16xf32>
      %add3A_1754 = arith.constant -0.409475595 : f32
      %add3A_1755 = vector.broadcast %add3A_1754 : f32 to vector<16xf32>
      %add3A_1756 = arith.addf %mul3A_1753, %add3A_1755 : vector<16xf32>
      %mul3A_1757 = arith.mulf %add3A_1756, %bitcast3A_1750 : vector<16xf32>
      %add3A_1758 = arith.constant 1.61017752 : f32
      %add3A_1759 = vector.broadcast %add3A_1758 : f32 to vector<16xf32>
      %add3A_1760 = arith.addf %mul3A_1757, %add3A_1759 : vector<16xf32>
      %mul3A_1761 = arith.mulf %add3A_1760, %bitcast3A_1750 : vector<16xf32>
      %add3A_1762 = arith.constant -3.52021885 : f32
      %add3A_1763 = vector.broadcast %add3A_1762 : f32 to vector<16xf32>
      %add3A_1764 = arith.addf %mul3A_1761, %add3A_1763 : vector<16xf32>
      %mul3A_1765 = arith.mulf %add3A_1764, %bitcast3A_1750 : vector<16xf32>
      %add3A_1766 = arith.constant 5.06975651 : f32
      %add3A_1767 = vector.broadcast %add3A_1766 : f32 to vector<16xf32>
      %add3A_1768 = arith.addf %mul3A_1765, %add3A_1767 : vector<16xf32>
      %mul3A_1769 = arith.mulf %add3A_1768, %bitcast3A_1750 : vector<16xf32>
      %add3A_1770 = arith.constant -2.79415369 : f32
      %add3A_1771 = vector.broadcast %add3A_1770 : f32 to vector<16xf32>
      %add3A_1772 = arith.addf %mul3A_1769, %add3A_1771 : vector<16xf32>
      %convert_element_type3A_1773 = arith.sitofp %sub3A_1743 : vector<16xi32> to vector<16xf32>
      %add3A_1774 = arith.addf %convert_element_type3A_1773, %add3A_1772 : vector<16xf32>
      %add3A_1775 = arith.addf %scan3A_1711#0, %add3A_1774 : vector<16xf32>
      %bitcast3A_1776 = vector.bitcast %select_n3A_1736 : vector<16xf32> to vector<16xi32>
      %shift_right_arithmetic3A_1777 = arith.constant 23 : i32
      %shift_right_arithmetic3A_1778 = vector.broadcast %shift_right_arithmetic3A_1777 : i32 to vector<16xi32>
      %shift_right_arithmetic3A_1779 = arith.shrsi %bitcast3A_1776, %shift_right_arithmetic3A_1778 : vector<16xi32>
      %sub3A_1780 = arith.constant 127 : i32
      %sub3A_1781 = vector.broadcast %sub3A_1780 : i32 to vector<16xi32>
      %sub3A_1782 = arith.subi %shift_right_arithmetic3A_1779, %sub3A_1781 : vector<16xi32>
      %and3A_1783 = arith.constant 8388607 : i32
      %and3A_1784 = vector.broadcast %and3A_1783 : i32 to vector<16xi32>
      %and3A_1785 = arith.andi %bitcast3A_1776, %and3A_1784 : vector<16xi32>
      %or3A_1786 = arith.constant 1065353216 : i32
      %or3A_1787 = vector.broadcast %or3A_1786 : i32 to vector<16xi32>
      %or3A_1788 = arith.ori %and3A_1785, %or3A_1787 : vector<16xi32>
      %bitcast3A_1789 = vector.bitcast %or3A_1788 : vector<16xi32> to vector<16xf32>
      %mul3A_1790 = arith.constant 0.0439286269 : f32
      %mul3A_1791 = vector.broadcast %mul3A_1790 : f32 to vector<16xf32>
      %mul3A_1792 = arith.mulf %mul3A_1791, %bitcast3A_1789 : vector<16xf32>
      %add3A_1793 = arith.constant -0.409475595 : f32
      %add3A_1794 = vector.broadcast %add3A_1793 : f32 to vector<16xf32>
      %add3A_1795 = arith.addf %mul3A_1792, %add3A_1794 : vector<16xf32>
      %mul3A_1796 = arith.mulf %add3A_1795, %bitcast3A_1789 : vector<16xf32>
      %add3A_1797 = arith.constant 1.61017752 : f32
      %add3A_1798 = vector.broadcast %add3A_1797 : f32 to vector<16xf32>
      %add3A_1799 = arith.addf %mul3A_1796, %add3A_1798 : vector<16xf32>
      %mul3A_1800 = arith.mulf %add3A_1799, %bitcast3A_1789 : vector<16xf32>
      %add3A_1801 = arith.constant -3.52021885 : f32
      %add3A_1802 = vector.broadcast %add3A_1801 : f32 to vector<16xf32>
      %add3A_1803 = arith.addf %mul3A_1800, %add3A_1802 : vector<16xf32>
      %mul3A_1804 = arith.mulf %add3A_1803, %bitcast3A_1789 : vector<16xf32>
      %add3A_1805 = arith.constant 5.06975651 : f32
      %add3A_1806 = vector.broadcast %add3A_1805 : f32 to vector<16xf32>
      %add3A_1807 = arith.addf %mul3A_1804, %add3A_1806 : vector<16xf32>
      %mul3A_1808 = arith.mulf %add3A_1807, %bitcast3A_1789 : vector<16xf32>
      %add3A_1809 = arith.constant -2.79415369 : f32
      %add3A_1810 = vector.broadcast %add3A_1809 : f32 to vector<16xf32>
      %add3A_1811 = arith.addf %mul3A_1808, %add3A_1810 : vector<16xf32>
      %convert_element_type3A_1812 = arith.sitofp %sub3A_1782 : vector<16xi32> to vector<16xf32>
      %add3A_1813 = arith.addf %convert_element_type3A_1812, %add3A_1811 : vector<16xf32>
      %add3A_1814 = arith.addf %scan3A_1711#1, %add3A_1813 : vector<16xf32>
      %scan3A_1815 = arith.constant 0 : i32
      %scan3A_1816 = arith.constant 31 : i32
      %scan3A_1817 = arith.addi %scan3A_1815, %scan3A_1816 : i32
      %scan3A_1818 = arith.constant 1 : i32
      %scan3A_1819:2 = scf.for %scan3A_2023 = %scan3A_1815 to %scan3A_1817 step %scan3A_1818 iter_args(%scan3A_2024 = %add3A_1775, %scan3A_2025 = %add3A_1814) -> (vector<16xf32>, vector<16xf32>)  : i32 {
        %mul3A_2026 = arith.constant 32 : i32
        %mul3A_2027 = arith.muli %mul3A_2026, %scan3A_2023 : i32
        %get3A_2028 = arith.constant 1 : i32
        %get3A_2029 = arith.constant 7 : i32
        %get3A_2030 = arith.index_cast %get3A_2028 : i32 to index
        %get3A_2031 = arith.index_cast %get3A_2029 : i32 to index
        %get3A_2032 = arith.index_cast %mul3A_2027 : i32 to index
        %get3A_2033 = tpu.vector_load %arg5[%get3A_2030, %get3A_2031, %get3A_2032] {strides = array<i32>} : memref<2x8x1000xf32, #tpu.memory_space<vmem>>, vector<16xf32>,
        %mul3A_2034 = arith.constant 32 : i32
        %mul3A_2035 = arith.muli %mul3A_2034, %scan3A_2023 : i32
        %add3A_2036 = arith.constant 16 : i32
        %add3A_2037 = arith.addi %mul3A_2035, %add3A_2036 : i32
        %get3A_2038 = arith.constant 1 : i32
        %get3A_2039 = arith.constant 7 : i32
        %get3A_2040 = arith.index_cast %get3A_2038 : i32 to index
        %get3A_2041 = arith.index_cast %get3A_2039 : i32 to index
        %get3A_2042 = arith.index_cast %add3A_2037 : i32 to index
        %get3A_2043 = tpu.vector_load %arg5[%get3A_2040, %get3A_2041, %get3A_2042] {strides = array<i32>} : memref<2x8x1000xf32, #tpu.memory_space<vmem>>, vector<16xf32>,
        %max3A_2044 = arith.constant 9.99999996E-13 : f32
        %max3A_2045 = vector.broadcast %max3A_2044 : f32 to vector<16xf32>
        %max3A_2046 = arith.maximumf %get3A_2033, %max3A_2045 : vector<16xf32>
        %max3A_2047 = arith.constant 9.99999996E-13 : f32
        %max3A_2048 = vector.broadcast %max3A_2047 : f32 to vector<16xf32>
        %max3A_2049 = arith.maximumf %get3A_2043, %max3A_2048 : vector<16xf32>
        %mul3A_2050 = arith.mulf %max3A_2046, %max3A_2049 : vector<16xf32>
        %bitcast3A_2051 = vector.bitcast %mul3A_2050 : vector<16xf32> to vector<16xi32>
        %shift_right_arithmetic3A_2052 = arith.constant 23 : i32
        %shift_right_arithmetic3A_2053 = vector.broadcast %shift_right_arithmetic3A_2052 : i32 to vector<16xi32>
        %shift_right_arithmetic3A_2054 = arith.shrsi %bitcast3A_2051, %shift_right_arithmetic3A_2053 : vector<16xi32>
        %sub3A_2055 = arith.constant 127 : i32
        %sub3A_2056 = vector.broadcast %sub3A_2055 : i32 to vector<16xi32>
        %sub3A_2057 = arith.subi %shift_right_arithmetic3A_2054, %sub3A_2056 : vector<16xi32>
        %and3A_2058 = arith.constant 8388607 : i32
        %and3A_2059 = vector.broadcast %and3A_2058 : i32 to vector<16xi32>
        %and3A_2060 = arith.andi %bitcast3A_2051, %and3A_2059 : vector<16xi32>
        %or3A_2061 = arith.constant 1065353216 : i32
        %or3A_2062 = vector.broadcast %or3A_2061 : i32 to vector<16xi32>
        %or3A_2063 = arith.ori %and3A_2060, %or3A_2062 : vector<16xi32>
        %bitcast3A_2064 = vector.bitcast %or3A_2063 : vector<16xi32> to vector<16xf32>
        %mul3A_2065 = arith.constant 0.0439286269 : f32
        %mul3A_2066 = vector.broadcast %mul3A_2065 : f32 to vector<16xf32>
        %mul3A_2067 = arith.mulf %mul3A_2066, %bitcast3A_2064 : vector<16xf32>
        %add3A_2068 = arith.constant -0.409475595 : f32
        %add3A_2069 = vector.broadcast %add3A_2068 : f32 to vector<16xf32>
        %add3A_2070 = arith.addf %mul3A_2067, %add3A_2069 : vector<16xf32>
        %mul3A_2071 = arith.mulf %add3A_2070, %bitcast3A_2064 : vector<16xf32>
        %add3A_2072 = arith.constant 1.61017752 : f32
        %add3A_2073 = vector.broadcast %add3A_2072 : f32 to vector<16xf32>
        %add3A_2074 = arith.addf %mul3A_2071, %add3A_2073 : vector<16xf32>
        %mul3A_2075 = arith.mulf %add3A_2074, %bitcast3A_2064 : vector<16xf32>
        %add3A_2076 = arith.constant -3.52021885 : f32
        %add3A_2077 = vector.broadcast %add3A_2076 : f32 to vector<16xf32>
        %add3A_2078 = arith.addf %mul3A_2075, %add3A_2077 : vector<16xf32>
        %mul3A_2079 = arith.mulf %add3A_2078, %bitcast3A_2064 : vector<16xf32>
        %add3A_2080 = arith.constant 5.06975651 : f32
        %add3A_2081 = vector.broadcast %add3A_2080 : f32 to vector<16xf32>
        %add3A_2082 = arith.addf %mul3A_2079, %add3A_2081 : vector<16xf32>
        %mul3A_2083 = arith.mulf %add3A_2082, %bitcast3A_2064 : vector<16xf32>
        %add3A_2084 = arith.constant -2.79415369 : f32
        %add3A_2085 = vector.broadcast %add3A_2084 : f32 to vector<16xf32>
        %add3A_2086 = arith.addf %mul3A_2083, %add3A_2085 : vector<16xf32>
        %convert_element_type3A_2087 = arith.sitofp %sub3A_2057 : vector<16xi32> to vector<16xf32>
        %add3A_2088 = arith.addf %convert_element_type3A_2087, %add3A_2086 : vector<16xf32>
        %add3A_2089 = arith.addf %scan3A_2024, %add3A_2088 : vector<16xf32>
        %sub3A_2090 = arith.constant 1.000000e+00 : f32
        %sub3A_2091 = vector.broadcast %sub3A_2090 : f32 to vector<16xf32>
        %sub3A_2092 = arith.subf %sub3A_2091, %max3A_2046 : vector<16xf32>
        %sub3A_2093 = arith.constant 1.000000e+00 : f32
        %sub3A_2094 = vector.broadcast %sub3A_2093 : f32 to vector<16xf32>
        %sub3A_2095 = arith.subf %sub3A_2094, %max3A_2049 : vector<16xf32>
        %mul3A_2096 = arith.mulf %sub3A_2092, %sub3A_2095 : vector<16xf32>
        %bitcast3A_2097 = vector.bitcast %mul3A_2096 : vector<16xf32> to vector<16xi32>
        %shift_right_arithmetic3A_2098 = arith.constant 23 : i32
        %shift_right_arithmetic3A_2099 = vector.broadcast %shift_right_arithmetic3A_2098 : i32 to vector<16xi32>
        %shift_right_arithmetic3A_2100 = arith.shrsi %bitcast3A_2097, %shift_right_arithmetic3A_2099 : vector<16xi32>
        %sub3A_2101 = arith.constant 127 : i32
        %sub3A_2102 = vector.broadcast %sub3A_2101 : i32 to vector<16xi32>
        %sub3A_2103 = arith.subi %shift_right_arithmetic3A_2100, %sub3A_2102 : vector<16xi32>
        %and3A_2104 = arith.constant 8388607 : i32
        %and3A_2105 = vector.broadcast %and3A_2104 : i32 to vector<16xi32>
        %and3A_2106 = arith.andi %bitcast3A_2097, %and3A_2105 : vector<16xi32>
        %or3A_2107 = arith.constant 1065353216 : i32
        %or3A_2108 = vector.broadcast %or3A_2107 : i32 to vector<16xi32>
        %or3A_2109 = arith.ori %and3A_2106, %or3A_2108 : vector<16xi32>
        %bitcast3A_2110 = vector.bitcast %or3A_2109 : vector<16xi32> to vector<16xf32>
        %mul3A_2111 = arith.constant 0.0439286269 : f32
        %mul3A_2112 = vector.broadcast %mul3A_2111 : f32 to vector<16xf32>
        %mul3A_2113 = arith.mulf %mul3A_2112, %bitcast3A_2110 : vector<16xf32>
        %add3A_2114 = arith.constant -0.409475595 : f32
        %add3A_2115 = vector.broadcast %add3A_2114 : f32 to vector<16xf32>
        %add3A_2116 = arith.addf %mul3A_2113, %add3A_2115 : vector<16xf32>
        %mul3A_2117 = arith.mulf %add3A_2116, %bitcast3A_2110 : vector<16xf32>
        %add3A_2118 = arith.constant 1.61017752 : f32
        %add3A_2119 = vector.broadcast %add3A_2118 : f32 to vector<16xf32>
        %add3A_2120 = arith.addf %mul3A_2117, %add3A_2119 : vector<16xf32>
        %mul3A_2121 = arith.mulf %add3A_2120, %bitcast3A_2110 : vector<16xf32>
        %add3A_2122 = arith.constant -3.52021885 : f32
        %add3A_2123 = vector.broadcast %add3A_2122 : f32 to vector<16xf32>
        %add3A_2124 = arith.addf %mul3A_2121, %add3A_2123 : vector<16xf32>
        %mul3A_2125 = arith.mulf %add3A_2124, %bitcast3A_2110 : vector<16xf32>
        %add3A_2126 = arith.constant 5.06975651 : f32
        %add3A_2127 = vector.broadcast %add3A_2126 : f32 to vector<16xf32>
        %add3A_2128 = arith.addf %mul3A_2125, %add3A_2127 : vector<16xf32>
        %mul3A_2129 = arith.mulf %add3A_2128, %bitcast3A_2110 : vector<16xf32>
        %add3A_2130 = arith.constant -2.79415369 : f32
        %add3A_2131 = vector.broadcast %add3A_2130 : f32 to vector<16xf32>
        %add3A_2132 = arith.addf %mul3A_2129, %add3A_2131 : vector<16xf32>
        %convert_element_type3A_2133 = arith.sitofp %sub3A_2103 : vector<16xi32> to vector<16xf32>
        %add3A_2134 = arith.addf %convert_element_type3A_2133, %add3A_2132 : vector<16xf32>
        %add3A_2135 = arith.addf %scan3A_2025, %add3A_2134 : vector<16xf32>
        scf.yield %add3A_2089, %add3A_2135 : vector<16xf32>, vector<16xf32>
      }
      %scan3A_1820 = arith.constant 31 : i32
      %get3A_1821 = arith.constant 1 : i32
      %get3A_1822 = arith.constant 7 : i32
      %get3A_1823 = arith.index_cast %get3A_1821 : i32 to index
      %get3A_1824 = arith.index_cast %get3A_1822 : i32 to index
      %get3A_1825 = arith.constant 984 : index
      %get3A_1826 = tpu.vector_load %arg5[%get3A_1823, %get3A_1824, %get3A_1825] {strides = array<i32>} : memref<2x8x1000xf32, #tpu.memory_space<vmem>>, vector<16xf32>,
      %ge3A_1827 = arith.constant 8 : i32
      %ge3A_1828 = vector.broadcast %ge3A_1827 : i32 to vector<16xi32>
      %ge3A_1829 = arith.cmpi sge, %iota3A, %ge3A_1828 : vector<16xi32>
      %max3A_1830 = arith.constant 9.99999996E-13 : f32
      %max3A_1831 = vector.broadcast %max3A_1830 : f32 to vector<16xf32>
      %max3A_1832 = arith.maximumf %get3A_1826, %max3A_1831 : vector<16xf32>
      %jit3A_1833 = arith.constant 1.000000e+00 : f32
      %broadcast_in_dim3A_1834 = vector.broadcast %jit3A_1833 : f32 to vector<16xf32>
      %select_n3A_1835 = arith.select %ge3A_1829, %max3A_1832, %broadcast_in_dim3A_1834 : vector<16xi1>, vector<16xf32>
      %max3A_1836 = arith.constant 9.99999996E-13 : f32
      %max3A_1837 = vector.broadcast %max3A_1836 : f32 to vector<16xf32>
      %max3A_1838 = arith.maximumf %get3A_1826, %max3A_1837 : vector<16xf32>
      %sub3A_1839 = arith.constant 1.000000e+00 : f32
      %sub3A_1840 = vector.broadcast %sub3A_1839 : f32 to vector<16xf32>
      %sub3A_1841 = arith.subf %sub3A_1840, %max3A_1838 : vector<16xf32>
      %jit3A_1842 = arith.constant 1.000000e+00 : f32
      %broadcast_in_dim3A_1843 = vector.broadcast %jit3A_1842 : f32 to vector<16xf32>
      %select_n3A_1844 = arith.select %ge3A_1829, %sub3A_1841, %broadcast_in_dim3A_1843 : vector<16xi1>, vector<16xf32>
      %bitcast3A_1845 = vector.bitcast %select_n3A_1835 : vector<16xf32> to vector<16xi32>
      %shift_right_arithmetic3A_1846 = arith.constant 23 : i32
      %shift_right_arithmetic3A_1847 = vector.broadcast %shift_right_arithmetic3A_1846 : i32 to vector<16xi32>
      %shift_right_arithmetic3A_1848 = arith.shrsi %bitcast3A_1845, %shift_right_arithmetic3A_1847 : vector<16xi32>
      %sub3A_1849 = arith.constant 127 : i32
      %sub3A_1850 = vector.broadcast %sub3A_1849 : i32 to vector<16xi32>
      %sub3A_1851 = arith.subi %shift_right_arithmetic3A_1848, %sub3A_1850 : vector<16xi32>
      %and3A_1852 = arith.constant 8388607 : i32
      %and3A_1853 = vector.broadcast %and3A_1852 : i32 to vector<16xi32>
      %and3A_1854 = arith.andi %bitcast3A_1845, %and3A_1853 : vector<16xi32>
      %or3A_1855 = arith.constant 1065353216 : i32
      %or3A_1856 = vector.broadcast %or3A_1855 : i32 to vector<16xi32>
      %or3A_1857 = arith.ori %and3A_1854, %or3A_1856 : vector<16xi32>
      %bitcast3A_1858 = vector.bitcast %or3A_1857 : vector<16xi32> to vector<16xf32>
      %mul3A_1859 = arith.constant 0.0439286269 : f32
      %mul3A_1860 = vector.broadcast %mul3A_1859 : f32 to vector<16xf32>
      %mul3A_1861 = arith.mulf %mul3A_1860, %bitcast3A_1858 : vector<16xf32>
      %add3A_1862 = arith.constant -0.409475595 : f32
      %add3A_1863 = vector.broadcast %add3A_1862 : f32 to vector<16xf32>
      %add3A_1864 = arith.addf %mul3A_1861, %add3A_1863 : vector<16xf32>
      %mul3A_1865 = arith.mulf %add3A_1864, %bitcast3A_1858 : vector<16xf32>
      %add3A_1866 = arith.constant 1.61017752 : f32
      %add3A_1867 = vector.broadcast %add3A_1866 : f32 to vector<16xf32>
      %add3A_1868 = arith.addf %mul3A_1865, %add3A_1867 : vector<16xf32>
      %mul3A_1869 = arith.mulf %add3A_1868, %bitcast3A_1858 : vector<16xf32>
      %add3A_1870 = arith.constant -3.52021885 : f32
      %add3A_1871 = vector.broadcast %add3A_1870 : f32 to vector<16xf32>
      %add3A_1872 = arith.addf %mul3A_1869, %add3A_1871 : vector<16xf32>
      %mul3A_1873 = arith.mulf %add3A_1872, %bitcast3A_1858 : vector<16xf32>
      %add3A_1874 = arith.constant 5.06975651 : f32
      %add3A_1875 = vector.broadcast %add3A_1874 : f32 to vector<16xf32>
      %add3A_1876 = arith.addf %mul3A_1873, %add3A_1875 : vector<16xf32>
      %mul3A_1877 = arith.mulf %add3A_1876, %bitcast3A_1858 : vector<16xf32>
      %add3A_1878 = arith.constant -2.79415369 : f32
      %add3A_1879 = vector.broadcast %add3A_1878 : f32 to vector<16xf32>
      %add3A_1880 = arith.addf %mul3A_1877, %add3A_1879 : vector<16xf32>
      %convert_element_type3A_1881 = arith.sitofp %sub3A_1851 : vector<16xi32> to vector<16xf32>
      %add3A_1882 = arith.addf %convert_element_type3A_1881, %add3A_1880 : vector<16xf32>
      %add3A_1883 = arith.addf %scan3A_1819#0, %add3A_1882 : vector<16xf32>
      %bitcast3A_1884 = vector.bitcast %select_n3A_1844 : vector<16xf32> to vector<16xi32>
      %shift_right_arithmetic3A_1885 = arith.constant 23 : i32
      %shift_right_arithmetic3A_1886 = vector.broadcast %shift_right_arithmetic3A_1885 : i32 to vector<16xi32>
      %shift_right_arithmetic3A_1887 = arith.shrsi %bitcast3A_1884, %shift_right_arithmetic3A_1886 : vector<16xi32>
      %sub3A_1888 = arith.constant 127 : i32
      %sub3A_1889 = vector.broadcast %sub3A_1888 : i32 to vector<16xi32>
      %sub3A_1890 = arith.subi %shift_right_arithmetic3A_1887, %sub3A_1889 : vector<16xi32>
      %and3A_1891 = arith.constant 8388607 : i32
      %and3A_1892 = vector.broadcast %and3A_1891 : i32 to vector<16xi32>
      %and3A_1893 = arith.andi %bitcast3A_1884, %and3A_1892 : vector<16xi32>
      %or3A_1894 = arith.constant 1065353216 : i32
      %or3A_1895 = vector.broadcast %or3A_1894 : i32 to vector<16xi32>
      %or3A_1896 = arith.ori %and3A_1893, %or3A_1895 : vector<16xi32>
      %bitcast3A_1897 = vector.bitcast %or3A_1896 : vector<16xi32> to vector<16xf32>
      %mul3A_1898 = arith.constant 0.0439286269 : f32
      %mul3A_1899 = vector.broadcast %mul3A_1898 : f32 to vector<16xf32>
      %mul3A_1900 = arith.mulf %mul3A_1899, %bitcast3A_1897 : vector<16xf32>
      %add3A_1901 = arith.constant -0.409475595 : f32
      %add3A_1902 = vector.broadcast %add3A_1901 : f32 to vector<16xf32>
      %add3A_1903 = arith.addf %mul3A_1900, %add3A_1902 : vector<16xf32>
      %mul3A_1904 = arith.mulf %add3A_1903, %bitcast3A_1897 : vector<16xf32>
      %add3A_1905 = arith.constant 1.61017752 : f32
      %add3A_1906 = vector.broadcast %add3A_1905 : f32 to vector<16xf32>
      %add3A_1907 = arith.addf %mul3A_1904, %add3A_1906 : vector<16xf32>
      %mul3A_1908 = arith.mulf %add3A_1907, %bitcast3A_1897 : vector<16xf32>
      %add3A_1909 = arith.constant -3.52021885 : f32
      %add3A_1910 = vector.broadcast %add3A_1909 : f32 to vector<16xf32>
      %add3A_1911 = arith.addf %mul3A_1908, %add3A_1910 : vector<16xf32>
      %mul3A_1912 = arith.mulf %add3A_1911, %bitcast3A_1897 : vector<16xf32>
      %add3A_1913 = arith.constant 5.06975651 : f32
      %add3A_1914 = vector.broadcast %add3A_1913 : f32 to vector<16xf32>
      %add3A_1915 = arith.addf %mul3A_1912, %add3A_1914 : vector<16xf32>
      %mul3A_1916 = arith.mulf %add3A_1915, %bitcast3A_1897 : vector<16xf32>
      %add3A_1917 = arith.constant -2.79415369 : f32
      %add3A_1918 = vector.broadcast %add3A_1917 : f32 to vector<16xf32>
      %add3A_1919 = arith.addf %mul3A_1916, %add3A_1918 : vector<16xf32>
      %convert_element_type3A_1920 = arith.sitofp %sub3A_1890 : vector<16xi32> to vector<16xf32>
      %add3A_1921 = arith.addf %convert_element_type3A_1920, %add3A_1919 : vector<16xf32>
      %add3A_1922 = arith.addf %scan3A_1819#1, %add3A_1921 : vector<16xf32>
      %mul3A_1923 = arith.constant 8 : i32
      %mul3A_1924 = arith.muli %add3A_1058, %mul3A_1923 : i32
      %get3A_1925 = arith.index_cast %mul3A_1924 : i32 to index
      %get3A_1926 = tpu.vector_load %arg6[%get3A_1925] {strides = array<i32>} : memref<144xi32, #tpu.memory_space<vmem>>, vector<16xi32>,
      %and3A_1927 = arith.constant 7 : i32
      %and3A_1928 = vector.broadcast %and3A_1927 : i32 to vector<16xi32>
      %and3A_1929 = arith.andi %iota3A, %and3A_1928 : vector<16xi32>
      %broadcast_in_dim3A_1930 = arith.constant 1 : i32
      %broadcast_in_dim3A_1931 = vector.broadcast %broadcast_in_dim3A_1930 : i32 to vector<16xi32>
      %gather3A_1932 = tpu.vector_load_idx %arg5[%broadcast_in_dim3A_1931, %and3A_1929, %get3A_1926] : memref<2x8x1000xf32, #tpu.memory_space<vmem>>[vector<16xi32>, vector<16xi32>, vector<16xi32>], vector<16xf32>,
      %lt3A_1933 = arith.constant 8 : i32
      %lt3A_1934 = vector.broadcast %lt3A_1933 : i32 to vector<16xi32>
      %lt3A_1935 = arith.cmpi slt, %iota3A, %lt3A_1934 : vector<16xi32>
      %max3A_1936 = arith.constant 9.99999996E-13 : f32
      %max3A_1937 = vector.broadcast %max3A_1936 : f32 to vector<16xf32>
      %max3A_1938 = arith.maximumf %gather3A_1932, %max3A_1937 : vector<16xf32>
      %jit3A_1939 = arith.constant 5.000000e-01 : f32
      %broadcast_in_dim3A_1940 = vector.broadcast %jit3A_1939 : f32 to vector<16xf32>
      %select_n3A_1941 = arith.select %lt3A_1935, %max3A_1938, %broadcast_in_dim3A_1940 : vector<16xi1>, vector<16xf32>
      %bitcast3A_1942 = vector.bitcast %select_n3A_1941 : vector<16xf32> to vector<16xi32>
      %shift_right_arithmetic3A_1943 = arith.constant 23 : i32
      %shift_right_arithmetic3A_1944 = vector.broadcast %shift_right_arithmetic3A_1943 : i32 to vector<16xi32>
      %shift_right_arithmetic3A_1945 = arith.shrsi %bitcast3A_1942, %shift_right_arithmetic3A_1944 : vector<16xi32>
      %sub3A_1946 = arith.constant 127 : i32
      %sub3A_1947 = vector.broadcast %sub3A_1946 : i32 to vector<16xi32>
      %sub3A_1948 = arith.subi %shift_right_arithmetic3A_1945, %sub3A_1947 : vector<16xi32>
      %and3A_1949 = arith.constant 8388607 : i32
      %and3A_1950 = vector.broadcast %and3A_1949 : i32 to vector<16xi32>
      %and3A_1951 = arith.andi %bitcast3A_1942, %and3A_1950 : vector<16xi32>
      %or3A_1952 = arith.constant 1065353216 : i32
      %or3A_1953 = vector.broadcast %or3A_1952 : i32 to vector<16xi32>
      %or3A_1954 = arith.ori %and3A_1951, %or3A_1953 : vector<16xi32>
      %bitcast3A_1955 = vector.bitcast %or3A_1954 : vector<16xi32> to vector<16xf32>
      %mul3A_1956 = arith.constant 0.0439286269 : f32
      %mul3A_1957 = vector.broadcast %mul3A_1956 : f32 to vector<16xf32>
      %mul3A_1958 = arith.mulf %mul3A_1957, %bitcast3A_1955 : vector<16xf32>
      %add3A_1959 = arith.constant -0.409475595 : f32
      %add3A_1960 = vector.broadcast %add3A_1959 : f32 to vector<16xf32>
      %add3A_1961 = arith.addf %mul3A_1958, %add3A_1960 : vector<16xf32>
      %mul3A_1962 = arith.mulf %add3A_1961, %bitcast3A_1955 : vector<16xf32>
      %add3A_1963 = arith.constant 1.61017752 : f32
      %add3A_1964 = vector.broadcast %add3A_1963 : f32 to vector<16xf32>
      %add3A_1965 = arith.addf %mul3A_1962, %add3A_1964 : vector<16xf32>
      %mul3A_1966 = arith.mulf %add3A_1965, %bitcast3A_1955 : vector<16xf32>
      %add3A_1967 = arith.constant -3.52021885 : f32
      %add3A_1968 = vector.broadcast %add3A_1967 : f32 to vector<16xf32>
      %add3A_1969 = arith.addf %mul3A_1966, %add3A_1968 : vector<16xf32>
      %mul3A_1970 = arith.mulf %add3A_1969, %bitcast3A_1955 : vector<16xf32>
      %add3A_1971 = arith.constant 5.06975651 : f32
      %add3A_1972 = vector.broadcast %add3A_1971 : f32 to vector<16xf32>
      %add3A_1973 = arith.addf %mul3A_1970, %add3A_1972 : vector<16xf32>
      %mul3A_1974 = arith.mulf %add3A_1973, %bitcast3A_1955 : vector<16xf32>
      %add3A_1975 = arith.constant -2.79415369 : f32
      %add3A_1976 = vector.broadcast %add3A_1975 : f32 to vector<16xf32>
      %add3A_1977 = arith.addf %mul3A_1974, %add3A_1976 : vector<16xf32>
      %convert_element_type3A_1978 = arith.sitofp %sub3A_1948 : vector<16xi32> to vector<16xf32>
      %add3A_1979 = arith.addf %convert_element_type3A_1978, %add3A_1977 : vector<16xf32>
      %add3A_1980 = arith.addf %sub3A_1030, %add3A_1979 : vector<16xf32>
      %sub3A_1981 = arith.constant 1.000000e+00 : f32
      %sub3A_1982 = vector.broadcast %sub3A_1981 : f32 to vector<16xf32>
      %sub3A_1983 = arith.subf %sub3A_1982, %select_n3A_1941 : vector<16xf32>
      %bitcast3A_1984 = vector.bitcast %sub3A_1983 : vector<16xf32> to vector<16xi32>
      %shift_right_arithmetic3A_1985 = arith.constant 23 : i32
      %shift_right_arithmetic3A_1986 = vector.broadcast %shift_right_arithmetic3A_1985 : i32 to vector<16xi32>
      %shift_right_arithmetic3A_1987 = arith.shrsi %bitcast3A_1984, %shift_right_arithmetic3A_1986 : vector<16xi32>
      %sub3A_1988 = arith.constant 127 : i32
      %sub3A_1989 = vector.broadcast %sub3A_1988 : i32 to vector<16xi32>
      %sub3A_1990 = arith.subi %shift_right_arithmetic3A_1987, %sub3A_1989 : vector<16xi32>
      %and3A_1991 = arith.constant 8388607 : i32
      %and3A_1992 = vector.broadcast %and3A_1991 : i32 to vector<16xi32>
      %and3A_1993 = arith.andi %bitcast3A_1984, %and3A_1992 : vector<16xi32>
      %or3A_1994 = arith.constant 1065353216 : i32
      %or3A_1995 = vector.broadcast %or3A_1994 : i32 to vector<16xi32>
      %or3A_1996 = arith.ori %and3A_1993, %or3A_1995 : vector<16xi32>
      %bitcast3A_1997 = vector.bitcast %or3A_1996 : vector<16xi32> to vector<16xf32>
      %mul3A_1998 = arith.constant 0.0439286269 : f32
      %mul3A_1999 = vector.broadcast %mul3A_1998 : f32 to vector<16xf32>
      %mul3A_2000 = arith.mulf %mul3A_1999, %bitcast3A_1997 : vector<16xf32>
      %add3A_2001 = arith.constant -0.409475595 : f32
      %add3A_2002 = vector.broadcast %add3A_2001 : f32 to vector<16xf32>
      %add3A_2003 = arith.addf %mul3A_2000, %add3A_2002 : vector<16xf32>
      %mul3A_2004 = arith.mulf %add3A_2003, %bitcast3A_1997 : vector<16xf32>
      %add3A_2005 = arith.constant 1.61017752 : f32
      %add3A_2006 = vector.broadcast %add3A_2005 : f32 to vector<16xf32>
      %add3A_2007 = arith.addf %mul3A_2004, %add3A_2006 : vector<16xf32>
      %mul3A_2008 = arith.mulf %add3A_2007, %bitcast3A_1997 : vector<16xf32>
      %add3A_2009 = arith.constant -3.52021885 : f32
      %add3A_2010 = vector.broadcast %add3A_2009 : f32 to vector<16xf32>
      %add3A_2011 = arith.addf %mul3A_2008, %add3A_2010 : vector<16xf32>
      %mul3A_2012 = arith.mulf %add3A_2011, %bitcast3A_1997 : vector<16xf32>
      %add3A_2013 = arith.constant 5.06975651 : f32
      %add3A_2014 = vector.broadcast %add3A_2013 : f32 to vector<16xf32>
      %add3A_2015 = arith.addf %mul3A_2012, %add3A_2014 : vector<16xf32>
      %mul3A_2016 = arith.mulf %add3A_2015, %bitcast3A_1997 : vector<16xf32>
      %add3A_2017 = arith.constant -2.79415369 : f32
      %add3A_2018 = vector.broadcast %add3A_2017 : f32 to vector<16xf32>
      %add3A_2019 = arith.addf %mul3A_2016, %add3A_2018 : vector<16xf32>
      %convert_element_type3A_2020 = arith.sitofp %sub3A_1990 : vector<16xi32> to vector<16xf32>
      %add3A_2021 = arith.addf %convert_element_type3A_2020, %add3A_2019 : vector<16xf32>
      %sub3A_2022 = arith.subf %add3A_1980, %add3A_2021 : vector<16xf32>
      scf.yield %add3A_1883, %add3A_1922, %sub3A_2022 : vector<16xf32>, vector<16xf32>, vector<16xf32>
    }
    %scan3A_24 = arith.constant 8 : i32
    %mul3A_25 = arith.constant 1.000000e-01 : f32
    %mul3A_26 = vector.broadcast %mul3A_25 : f32 to vector<16xf32>
    %mul3A_27 = arith.mulf %mul3A_26, %scan3A_23#0 : vector<16xf32>
    %mul3A_28 = arith.constant 0.899999976 : f32
    %mul3A_29 = vector.broadcast %mul3A_28 : f32 to vector<16xf32>
    %mul3A_30 = arith.mulf %mul3A_29, %scan3A_23#1 : vector<16xf32>
    %add3A_31 = arith.addf %mul3A_27, %mul3A_30 : vector<16xf32>
    %mul3A_32 = arith.constant 0.899999976 : f32
    %mul3A_33 = vector.broadcast %mul3A_32 : f32 to vector<16xf32>
    %mul3A_34 = arith.mulf %mul3A_33, %scan3A_23#2 : vector<16xf32>
    %add3A_35 = arith.addf %add3A_31, %mul3A_34 : vector<16xf32>
    %swap3A = arith.constant 0 : index
    %swap3A_36 = tpu.vector_load %arg7[%swap3A] {strides = array<i32>} : memref<16xf32, #tpu.memory_space<vmem>>, vector<16xf32>,
    tpu.vector_store %arg7[%swap3A], %add3A_35 {strides = array<i32>} : memref<16xf32, #tpu.memory_space<vmem>>, vector<16xf32>,
    "tpu.region"() ({
      %run_scoped3A = tpu.sem_alloc : memref<!tpu.dma_semaphore, #tpu.memory_space<semaphore_mem>>
      %dma_start3A_37 = arith.constant 0 : i32
      %dma_start3A_38 = tpu.memref_slice %arg4[%add3A, %dma_start3A_37] : memref<32x16xf32, #tpu.memory_space<hbm>> -> memref<1x16xf32, #tpu.memory_space<hbm>>
      %dma_start3A_39 = tpu.memref_squeeze %dma_start3A_38 : memref<1x16xf32, #tpu.memory_space<hbm>> -> memref<16xf32, #tpu.memory_space<hbm>>
      %dma_start3A_40 = arith.constant 0 : i32
      %dma_start3A_41 = tpu.memref_slice %arg4[%add3A, %dma_start3A_40] : memref<32x16xf32, #tpu.memory_space<hbm>> -> memref<1x16xf32, #tpu.memory_space<hbm>>
      %dma_start3A_42 = tpu.memref_squeeze %dma_start3A_41 : memref<1x16xf32, #tpu.memory_space<hbm>> -> memref<16xf32, #tpu.memory_space<hbm>>
      tpu.enqueue_dma source(%arg7 : memref<16xf32, #tpu.memory_space<vmem>>) target(%dma_start3A_42 : memref<16xf32, #tpu.memory_space<hbm>>) target_semaphore(%run_scoped3A : memref<!tpu.dma_semaphore, #tpu.memory_space<semaphore_mem>>)
      %dma_wait3A = arith.constant 0 : i32
      %dma_wait3A_43 = tpu.memref_slice %arg4[%add3A, %dma_wait3A] : memref<32x16xf32, #tpu.memory_space<hbm>> -> memref<1x16xf32, #tpu.memory_space<hbm>>
      %dma_wait3A_44 = tpu.memref_squeeze %dma_wait3A_43 : memref<1x16xf32, #tpu.memory_space<hbm>> -> memref<16xf32, #tpu.memory_space<hbm>>
      %dma_wait3A_45 = arith.constant 0 : i32
      %dma_wait3A_46 = tpu.memref_slice %arg4[%add3A, %dma_wait3A_45] : memref<32x16xf32, #tpu.memory_space<hbm>> -> memref<1x16xf32, #tpu.memory_space<hbm>>
      %dma_wait3A_47 = tpu.memref_squeeze %dma_wait3A_46 : memref<1x16xf32, #tpu.memory_space<hbm>> -> memref<16xf32, #tpu.memory_space<hbm>>
      tpu.wait_dma2 semaphore(%run_scoped3A : memref<!tpu.dma_semaphore, #tpu.memory_space<semaphore_mem>>) src(%arg7 : memref<16xf32, #tpu.memory_space<vmem>>) dst(%dma_wait3A_47 : memref<16xf32, #tpu.memory_space<hbm>>)
      tpu.yield
    }) : () -> ()
    return
  }
}

module attributes {stable_mosaic.version = 14 : i64} {
  func.func @_tc_body(%arg0: i32, %arg1: memref<1024x1000xf32, #tpu.memory_space<vmem>>, %arg2: memref<1024x1000xf32, #tpu.memory_space<vmem>>, %arg3: memref<1024x1xi32, #tpu.memory_space<vmem>>, %arg4: memref<1024x1xi32, #tpu.memory_space<vmem>>, %arg5: memref<1x1xf32, #tpu.memory_space<smem>>, %arg6: memref<1x1xf32, #tpu.memory_space<smem>>) attributes {dimension_semantics = [#tpu.dimension_semantics<arbitrary>], iteration_bounds = array<i64: 6>, scalar_prefetch = 0 : i64, scratch_operands = 1 : i64, tpu.core_type = #tpu.core_type<tc>, window_params = [{transform_indices = @transform_0, window_bounds = array<i64: 1024, 1000>}, {transform_indices = @transform_1, window_bounds = array<i64: 1024, 1000>}, {transform_indices = @transform_2, window_bounds = array<i64: 1024, 1>}, {transform_indices = @transform_3, window_bounds = array<i64: 1024, 1>}, {transform_indices = @transform_4, window_bounds = array<i64: 1, 1>}]} {
    %eq3A = arith.constant 0 : i32
    %eq3A_0 = arith.cmpi eq, %arg0, %eq3A : i32
    %convert_element_type3A = arith.extui %eq3A_0 : i1 to i32
    %cond3A = arith.constant 0 : i32
    %cond3A_1 = arith.cmpi ne, %convert_element_type3A, %cond3A : i32
    scf.if %cond3A_1 {
      %swap3A_151 = arith.constant 0.000000e+00 : f32
      %swap3A_152 = arith.constant 0 : index
      %swap3A_153 = arith.constant 0 : index
      %swap3A_154 = memref.load %arg6[%swap3A_152, %swap3A_153] : memref<1x1xf32, #tpu.memory_space<smem>>
      memref.store %swap3A_151, %arg6[%swap3A_152, %swap3A_153] : memref<1x1xf32, #tpu.memory_space<smem>>
    } else {
    }
    %get3A = arith.constant 0 : index
    %get3A_2 = arith.constant 0 : index
    %get3A_3 = vector.load %arg1[%get3A, %get3A_2] : memref<1024x1000xf32, #tpu.memory_space<vmem>>, vector<1024x1000xf32>
    %iota3A = tpu.iota {dimensions = array<i32: 1>} : vector<1024x1000xi32>
    %get3A_4 = arith.constant 0 : index
    %get3A_5 = arith.constant 0 : index
    %get3A_6 = vector.load %arg3[%get3A_4, %get3A_5] : memref<1024x1xi32, #tpu.memory_space<vmem>>, vector<1024x1xi32>
    %eq3A_7 = vector.broadcast %get3A_6 : vector<1024x1xi32> to vector<1024x1000xi32>
    %eq3A_8 = arith.cmpi eq, %iota3A, %eq3A_7 : vector<1024x1000xi32>
    %jit3A = arith.constant 0.000000e+00 : f32
    %broadcast_in_dim3A = vector.broadcast %jit3A : f32 to vector<1024x1000xf32>
    %select_n3A = arith.select %eq3A_8, %get3A_3, %broadcast_in_dim3A : vector<1024x1000xi1>, vector<1024x1000xf32>
    %reduce_sum3A = arith.constant dense<0.000000e+00> : vector<1024xf32>
    %reduce_sum3A_9 = vector.multi_reduction <add>, %select_n3A, %reduce_sum3A [1] : vector<1024x1000xf32> to vector<1024xf32>
    %broadcast_in_dim3A_10 = vector.shape_cast %reduce_sum3A_9 : vector<1024xf32> to vector<1024x1xf32>
    %jit3A_11 = arith.constant 9.99999996E-13 : f32
    %jit3A_12 = arith.constant 1.000000e+00 : f32
    %max3A = vector.broadcast %jit3A_11 : f32 to vector<1024x1xf32>
    %max3A_13 = arith.maximumf %max3A, %broadcast_in_dim3A_10 : vector<1024x1xf32>
    %min3A = vector.broadcast %jit3A_12 : f32 to vector<1024x1xf32>
    %min3A_14 = arith.minimumf %min3A, %max3A_13 : vector<1024x1xf32>
    %log3A = math.log %min3A_14 : vector<1024x1xf32>
    %sub3A = arith.constant 1.000000e+00 : f32
    %sub3A_15 = vector.broadcast %sub3A : f32 to vector<1024x1xf32>
    %sub3A_16 = arith.subf %sub3A_15, %min3A_14 : vector<1024x1xf32>
    %log3A_17 = math.log %sub3A_16 : vector<1024x1xf32>
    %sub3A_18 = arith.subf %log3A, %log3A_17 : vector<1024x1xf32>
    %reduce_sum3A_19 = vector.shape_cast %sub3A_18 : vector<1024x1xf32> to vector<1x1024x1xf32>
    %reduce_sum3A_20 = arith.constant dense<0.000000e+00> : vector<1xf32>
    %reduce_sum3A_21 = vector.multi_reduction <add>, %reduce_sum3A_19, %reduce_sum3A_20 [1, 2] : vector<1x1024x1xf32> to vector<1xf32>
    %reduce_sum3A_22 = vector.shape_cast %reduce_sum3A_21 : vector<1xf32> to vector<1x1x1xf32>
    %reduce_sum3A_23 = vector.extract %reduce_sum3A_22[0, 0, 0] : f32 from vector<1x1x1xf32>
    %mul3A = arith.constant 0.899999976 : f32
    %mul3A_24 = arith.mulf %mul3A, %reduce_sum3A_23 : f32
    %add3A = arith.constant 0.000000e+00 : f32
    %add3A_25 = arith.addf %add3A, %mul3A_24 : f32
    %slice3A = vector.extract_strided_slice %get3A_3 {offsets = [0, 0], sizes = [512, 1000], strides = [1, 1]} : vector<1024x1000xf32> to vector<512x1000xf32>
    %jit3A_26 = arith.constant 9.99999996E-13 : f32
    %jit3A_27 = arith.constant 1.000000e+00 : f32
    %max3A_28 = vector.broadcast %jit3A_26 : f32 to vector<512x1000xf32>
    %max3A_29 = arith.maximumf %max3A_28, %slice3A : vector<512x1000xf32>
    %min3A_30 = vector.broadcast %jit3A_27 : f32 to vector<512x1000xf32>
    %min3A_31 = arith.minimumf %min3A_30, %max3A_29 : vector<512x1000xf32>
    %slice3A_32 = vector.extract_strided_slice %get3A_3 {offsets = [512, 0], sizes = [512, 1000], strides = [1, 1]} : vector<1024x1000xf32> to vector<512x1000xf32>
    %jit3A_33 = arith.constant 9.99999996E-13 : f32
    %jit3A_34 = arith.constant 1.000000e+00 : f32
    %max3A_35 = vector.broadcast %jit3A_33 : f32 to vector<512x1000xf32>
    %max3A_36 = arith.maximumf %max3A_35, %slice3A_32 : vector<512x1000xf32>
    %min3A_37 = vector.broadcast %jit3A_34 : f32 to vector<512x1000xf32>
    %min3A_38 = arith.minimumf %min3A_37, %max3A_36 : vector<512x1000xf32>
    %mul3A_39 = arith.mulf %min3A_31, %min3A_38 : vector<512x1000xf32>
    %log3A_40 = math.log %mul3A_39 : vector<512x1000xf32>
    %reduce_sum3A_41 = vector.shape_cast %log3A_40 : vector<512x1000xf32> to vector<1x512x1000xf32>
    %reduce_sum3A_42 = arith.constant dense<0.000000e+00> : vector<1xf32>
    %reduce_sum3A_43 = vector.multi_reduction <add>, %reduce_sum3A_41, %reduce_sum3A_42 [1, 2] : vector<1x512x1000xf32> to vector<1xf32>
    %reduce_sum3A_44 = vector.shape_cast %reduce_sum3A_43 : vector<1xf32> to vector<1x1x1xf32>
    %reduce_sum3A_45 = vector.extract %reduce_sum3A_44[0, 0, 0] : f32 from vector<1x1x1xf32>
    %mul3A_46 = arith.constant 1.000000e-01 : f32
    %mul3A_47 = arith.mulf %mul3A_46, %reduce_sum3A_45 : f32
    %add3A_48 = arith.addf %add3A_25, %mul3A_47 : f32
    %sub3A_49 = arith.constant 1.000000e+00 : f32
    %sub3A_50 = vector.broadcast %sub3A_49 : f32 to vector<512x1000xf32>
    %sub3A_51 = arith.subf %sub3A_50, %min3A_31 : vector<512x1000xf32>
    %sub3A_52 = arith.constant 1.000000e+00 : f32
    %sub3A_53 = vector.broadcast %sub3A_52 : f32 to vector<512x1000xf32>
    %sub3A_54 = arith.subf %sub3A_53, %min3A_38 : vector<512x1000xf32>
    %mul3A_55 = arith.mulf %sub3A_51, %sub3A_54 : vector<512x1000xf32>
    %log3A_56 = math.log %mul3A_55 : vector<512x1000xf32>
    %reduce_sum3A_57 = vector.shape_cast %log3A_56 : vector<512x1000xf32> to vector<1x512x1000xf32>
    %reduce_sum3A_58 = arith.constant dense<0.000000e+00> : vector<1xf32>
    %reduce_sum3A_59 = vector.multi_reduction <add>, %reduce_sum3A_57, %reduce_sum3A_58 [1, 2] : vector<1x512x1000xf32> to vector<1xf32>
    %reduce_sum3A_60 = vector.shape_cast %reduce_sum3A_59 : vector<1xf32> to vector<1x1x1xf32>
    %reduce_sum3A_61 = vector.extract %reduce_sum3A_60[0, 0, 0] : f32 from vector<1x1x1xf32>
    %mul3A_62 = arith.constant 0.899999976 : f32
    %mul3A_63 = arith.mulf %mul3A_62, %reduce_sum3A_61 : f32
    %add3A_64 = arith.addf %add3A_48, %mul3A_63 : f32
    %get3A_65 = arith.constant 0 : index
    %get3A_66 = arith.constant 0 : index
    %get3A_67 = vector.load %arg2[%get3A_65, %get3A_66] : memref<1024x1000xf32, #tpu.memory_space<vmem>>, vector<1024x1000xf32>
    %iota3A_68 = tpu.iota {dimensions = array<i32: 1>} : vector<1024x1000xi32>
    %get3A_69 = arith.constant 0 : index
    %get3A_70 = arith.constant 0 : index
    %get3A_71 = vector.load %arg4[%get3A_69, %get3A_70] : memref<1024x1xi32, #tpu.memory_space<vmem>>, vector<1024x1xi32>
    %eq3A_72 = vector.broadcast %get3A_71 : vector<1024x1xi32> to vector<1024x1000xi32>
    %eq3A_73 = arith.cmpi eq, %iota3A_68, %eq3A_72 : vector<1024x1000xi32>
    %jit3A_74 = arith.constant 0.000000e+00 : f32
    %broadcast_in_dim3A_75 = vector.broadcast %jit3A_74 : f32 to vector<1024x1000xf32>
    %select_n3A_76 = arith.select %eq3A_73, %get3A_67, %broadcast_in_dim3A_75 : vector<1024x1000xi1>, vector<1024x1000xf32>
    %reduce_sum3A_77 = arith.constant dense<0.000000e+00> : vector<1024xf32>
    %reduce_sum3A_78 = vector.multi_reduction <add>, %select_n3A_76, %reduce_sum3A_77 [1] : vector<1024x1000xf32> to vector<1024xf32>
    %broadcast_in_dim3A_79 = vector.shape_cast %reduce_sum3A_78 : vector<1024xf32> to vector<1024x1xf32>
    %jit3A_80 = arith.constant 9.99999996E-13 : f32
    %jit3A_81 = arith.constant 1.000000e+00 : f32
    %max3A_82 = vector.broadcast %jit3A_80 : f32 to vector<1024x1xf32>
    %max3A_83 = arith.maximumf %max3A_82, %broadcast_in_dim3A_79 : vector<1024x1xf32>
    %min3A_84 = vector.broadcast %jit3A_81 : f32 to vector<1024x1xf32>
    %min3A_85 = arith.minimumf %min3A_84, %max3A_83 : vector<1024x1xf32>
    %log3A_86 = math.log %min3A_85 : vector<1024x1xf32>
    %sub3A_87 = arith.constant 1.000000e+00 : f32
    %sub3A_88 = vector.broadcast %sub3A_87 : f32 to vector<1024x1xf32>
    %sub3A_89 = arith.subf %sub3A_88, %min3A_85 : vector<1024x1xf32>
    %log3A_90 = math.log %sub3A_89 : vector<1024x1xf32>
    %sub3A_91 = arith.subf %log3A_86, %log3A_90 : vector<1024x1xf32>
    %reduce_sum3A_92 = vector.shape_cast %sub3A_91 : vector<1024x1xf32> to vector<1x1024x1xf32>
    %reduce_sum3A_93 = arith.constant dense<0.000000e+00> : vector<1xf32>
    %reduce_sum3A_94 = vector.multi_reduction <add>, %reduce_sum3A_92, %reduce_sum3A_93 [1, 2] : vector<1x1024x1xf32> to vector<1xf32>
    %reduce_sum3A_95 = vector.shape_cast %reduce_sum3A_94 : vector<1xf32> to vector<1x1x1xf32>
    %reduce_sum3A_96 = vector.extract %reduce_sum3A_95[0, 0, 0] : f32 from vector<1x1x1xf32>
    %mul3A_97 = arith.constant 0.899999976 : f32
    %mul3A_98 = arith.mulf %mul3A_97, %reduce_sum3A_96 : f32
    %add3A_99 = arith.addf %add3A_64, %mul3A_98 : f32
    %slice3A_100 = vector.extract_strided_slice %get3A_67 {offsets = [0, 0], sizes = [512, 1000], strides = [1, 1]} : vector<1024x1000xf32> to vector<512x1000xf32>
    %jit3A_101 = arith.constant 9.99999996E-13 : f32
    %jit3A_102 = arith.constant 1.000000e+00 : f32
    %max3A_103 = vector.broadcast %jit3A_101 : f32 to vector<512x1000xf32>
    %max3A_104 = arith.maximumf %max3A_103, %slice3A_100 : vector<512x1000xf32>
    %min3A_105 = vector.broadcast %jit3A_102 : f32 to vector<512x1000xf32>
    %min3A_106 = arith.minimumf %min3A_105, %max3A_104 : vector<512x1000xf32>
    %slice3A_107 = vector.extract_strided_slice %get3A_67 {offsets = [512, 0], sizes = [512, 1000], strides = [1, 1]} : vector<1024x1000xf32> to vector<512x1000xf32>
    %jit3A_108 = arith.constant 9.99999996E-13 : f32
    %jit3A_109 = arith.constant 1.000000e+00 : f32
    %max3A_110 = vector.broadcast %jit3A_108 : f32 to vector<512x1000xf32>
    %max3A_111 = arith.maximumf %max3A_110, %slice3A_107 : vector<512x1000xf32>
    %min3A_112 = vector.broadcast %jit3A_109 : f32 to vector<512x1000xf32>
    %min3A_113 = arith.minimumf %min3A_112, %max3A_111 : vector<512x1000xf32>
    %mul3A_114 = arith.mulf %min3A_106, %min3A_113 : vector<512x1000xf32>
    %log3A_115 = math.log %mul3A_114 : vector<512x1000xf32>
    %reduce_sum3A_116 = vector.shape_cast %log3A_115 : vector<512x1000xf32> to vector<1x512x1000xf32>
    %reduce_sum3A_117 = arith.constant dense<0.000000e+00> : vector<1xf32>
    %reduce_sum3A_118 = vector.multi_reduction <add>, %reduce_sum3A_116, %reduce_sum3A_117 [1, 2] : vector<1x512x1000xf32> to vector<1xf32>
    %reduce_sum3A_119 = vector.shape_cast %reduce_sum3A_118 : vector<1xf32> to vector<1x1x1xf32>
    %reduce_sum3A_120 = vector.extract %reduce_sum3A_119[0, 0, 0] : f32 from vector<1x1x1xf32>
    %mul3A_121 = arith.constant 1.000000e-01 : f32
    %mul3A_122 = arith.mulf %mul3A_121, %reduce_sum3A_120 : f32
    %add3A_123 = arith.addf %add3A_99, %mul3A_122 : f32
    %sub3A_124 = arith.constant 1.000000e+00 : f32
    %sub3A_125 = vector.broadcast %sub3A_124 : f32 to vector<512x1000xf32>
    %sub3A_126 = arith.subf %sub3A_125, %min3A_106 : vector<512x1000xf32>
    %sub3A_127 = arith.constant 1.000000e+00 : f32
    %sub3A_128 = vector.broadcast %sub3A_127 : f32 to vector<512x1000xf32>
    %sub3A_129 = arith.subf %sub3A_128, %min3A_113 : vector<512x1000xf32>
    %mul3A_130 = arith.mulf %sub3A_126, %sub3A_129 : vector<512x1000xf32>
    %log3A_131 = math.log %mul3A_130 : vector<512x1000xf32>
    %reduce_sum3A_132 = vector.shape_cast %log3A_131 : vector<512x1000xf32> to vector<1x512x1000xf32>
    %reduce_sum3A_133 = arith.constant dense<0.000000e+00> : vector<1xf32>
    %reduce_sum3A_134 = vector.multi_reduction <add>, %reduce_sum3A_132, %reduce_sum3A_133 [1, 2] : vector<1x512x1000xf32> to vector<1xf32>
    %reduce_sum3A_135 = vector.shape_cast %reduce_sum3A_134 : vector<1xf32> to vector<1x1x1xf32>
    %reduce_sum3A_136 = vector.extract %reduce_sum3A_135[0, 0, 0] : f32 from vector<1x1x1xf32>
    %mul3A_137 = arith.constant 0.899999976 : f32
    %mul3A_138 = arith.mulf %mul3A_137, %reduce_sum3A_136 : f32
    %add3A_139 = arith.addf %add3A_123, %mul3A_138 : f32
    %get3A_140 = arith.constant 0 : index
    %get3A_141 = arith.constant 0 : index
    %get3A_142 = memref.load %arg6[%get3A_140, %get3A_141] : memref<1x1xf32, #tpu.memory_space<smem>>
    %add3A_143 = arith.addf %get3A_142, %add3A_139 : f32
    %swap3A = arith.constant 0 : index
    %swap3A_144 = arith.constant 0 : index
    %swap3A_145 = memref.load %arg6[%swap3A, %swap3A_144] : memref<1x1xf32, #tpu.memory_space<smem>>
    memref.store %add3A_143, %arg6[%swap3A, %swap3A_144] : memref<1x1xf32, #tpu.memory_space<smem>>
    %eq3A_146 = arith.constant 5 : i32
    %eq3A_147 = arith.cmpi eq, %arg0, %eq3A_146 : i32
    %convert_element_type3A_148 = arith.extui %eq3A_147 : i1 to i32
    %cond3A_149 = arith.constant 0 : i32
    %cond3A_150 = arith.cmpi ne, %convert_element_type3A_148, %cond3A_149 : i32
    scf.if %cond3A_150 {
      %get3A_151 = arith.constant 0 : index
      %get3A_152 = arith.constant 0 : index
      %get3A_153 = memref.load %arg6[%get3A_151, %get3A_152] : memref<1x1xf32, #tpu.memory_space<smem>>
      %swap3A_154 = arith.constant 0 : index
      %swap3A_155 = arith.constant 0 : index
      %swap3A_156 = memref.load %arg5[%swap3A_154, %swap3A_155] : memref<1x1xf32, #tpu.memory_space<smem>>
      memref.store %get3A_153, %arg5[%swap3A_154, %swap3A_155] : memref<1x1xf32, #tpu.memory_space<smem>>
    } else {
    }
    return
  }
  func.func @transform_0(%arg0: i32) -> (i32, i32) {
    %mul3A = arith.constant 2 : i32
    %mul3A_0 = arith.muli %mul3A, %arg0 : i32
    %add3A = arith.constant 0 : i32
    %add3A_1 = arith.addi %mul3A_0, %add3A : i32
    %c0_i32 = arith.constant 0 : i32
    %c0_i32_2 = arith.constant 0 : i32
    return %add3A_1, %c0_i32 : i32, i32
  }
  func.func @transform_1(%arg0: i32) -> (i32, i32) {
    %mul3A = arith.constant 2 : i32
    %mul3A_0 = arith.muli %mul3A, %arg0 : i32
    %add3A = arith.constant 1 : i32
    %add3A_1 = arith.addi %mul3A_0, %add3A : i32
    %c0_i32 = arith.constant 0 : i32
    %c0_i32_2 = arith.constant 0 : i32
    return %add3A_1, %c0_i32 : i32, i32
  }
  func.func @transform_2(%arg0: i32) -> (i32, i32) {
    %mul3A = arith.constant 2 : i32
    %mul3A_0 = arith.muli %mul3A, %arg0 : i32
    %add3A = arith.constant 0 : i32
    %add3A_1 = arith.addi %mul3A_0, %add3A : i32
    %c0_i32 = arith.constant 0 : i32
    %c0_i32_2 = arith.constant 0 : i32
    return %add3A_1, %c0_i32 : i32, i32
  }
  func.func @transform_3(%arg0: i32) -> (i32, i32) {
    %mul3A = arith.constant 2 : i32
    %mul3A_0 = arith.muli %mul3A, %arg0 : i32
    %add3A = arith.constant 1 : i32
    %add3A_1 = arith.addi %mul3A_0, %add3A : i32
    %c0_i32 = arith.constant 0 : i32
    %c0_i32_2 = arith.constant 0 : i32
    return %add3A_1, %c0_i32 : i32, i32
  }
  func.func @transform_4(%arg0: i32) -> (i32, i32) {
    %c0_i32 = arith.constant 0 : i32
    %c0_i32_0 = arith.constant 0 : i32
    %c0_i32_1 = arith.constant 0 : i32
    return %c0_i32, %c0_i32_0 : i32, i32
  }
}

module attributes {stable_mosaic.version = 14 : i64} {
  func.func @_combine_body(%arg0: memref<1x1xf32, #tpu.memory_space<smem>>, %arg1: memref<32x16xf32, #tpu.memory_space<vmem>>, %arg2: memref<1x1xf32, #tpu.memory_space<smem>>) attributes {dimension_semantics = [], scalar_prefetch = 0 : i64, scratch_operands = 0 : i64, tpu.core_type = #tpu.core_type<tc>} {
    %get3A = arith.constant 0 : index
    %get3A_0 = arith.constant 0 : index
    %get3A_1 = memref.load %arg0[%get3A, %get3A_0] : memref<1x1xf32, #tpu.memory_space<smem>>
    %get3A_2 = arith.constant 0 : index
    %get3A_3 = arith.constant 0 : index
    %get3A_4 = vector.load %arg1[%get3A_2, %get3A_3] : memref<32x16xf32, #tpu.memory_space<vmem>>, vector<32x16xf32>
    %reduce_sum3A = vector.shape_cast %get3A_4 : vector<32x16xf32> to vector<1x32x16xf32>
    %reduce_sum3A_5 = arith.constant dense<0.000000e+00> : vector<1xf32>
    %reduce_sum3A_6 = vector.multi_reduction <add>, %reduce_sum3A, %reduce_sum3A_5 [1, 2] : vector<1x32x16xf32> to vector<1xf32>
    %reduce_sum3A_7 = vector.shape_cast %reduce_sum3A_6 : vector<1xf32> to vector<1x1x1xf32>
    %reduce_sum3A_8 = vector.extract %reduce_sum3A_7[0, 0, 0] : f32 from vector<1x1x1xf32>
    %mul3A = arith.constant 0.693147182 : f32
    %mul3A_9 = arith.mulf %mul3A, %reduce_sum3A_8 : f32
    %add3A = arith.addf %get3A_1, %mul3A_9 : f32
    %neg3A = arith.constant 0.000000e+00 : f32
    %neg3A_10 = arith.subf %neg3A, %add3A : f32
    %mul3A_11 = arith.constant 6.10351591E-8 : f32
    %mul3A_12 = arith.mulf %neg3A_10, %mul3A_11 : f32
    %swap3A = arith.constant 0 : index
    %swap3A_13 = arith.constant 0 : index
    %swap3A_14 = memref.load %arg2[%swap3A, %swap3A_13] : memref<1x1xf32, #tpu.memory_space<smem>>
    memref.store %mul3A_12, %arg2[%swap3A, %swap3A_13] : memref<1x1xf32, #tpu.memory_space<smem>>
    return
  }
}

</mosaic_0001>

<sc_bundles>
// kernel: kernel.5.cloned.1.call-start
scs
__scs_entry_jumppad:
0x0: {  	(pc) =	sbr.rel $0x88, $3  }
0x1: {  	(tag) =	ssettag $0x0;
	lr =	simm.s32 $0x1  }
0x2: {  	[smem:$0x3F9F] =	sst lr;
	_ =	strace $0xD0000000  }
0x3: {  	_ = 	snop  }
0x4: {  	_ = 	snop  }
0x5: {  	_ = 	snop  }
0x6: {  	_ = 	snop  }
0x7: {  	_ = 	snop  }
__scs_overlays_trampoline_lowered:
0x8: {  	[smem:$0x3FAE] =	sst s0  }
0x9: {  	[smem:$0x3FAF] =	sst s1  }
0xa: {  	[smem:$0x3FB0] =	sst s2  }
0xb: {  	[smem:$0x3FB1] =	sst s3  }
0xc: {  	[smem:$0x3FB2] =	sst s4  }
0xd: {  	[smem:$0x3FB3] =	sst s5  }
0xe: {  	[smem:$0x3FB4] =	sst s6  }
0xf: {  	[smem:$0x3FB5] =	sst s7  }
0x10: {  	[smem:$0x3FB6] =	sst s8  }
0x11: {  	[smem:$0x3FB7] =	sst s9;
	s0 =	simm.s32 @!p0 $0x0  }
0x12: {  	s1 =	sld [smem:$0x3F9D];
	s0 =	simm.s32 @p0 $0x1  }
0x13: {  	[smem:$0x3FB8] =	sst s0;
	s0 =	simm.s32 @!p1 $0x0  }
0x14: {  	s2 =	sld [smem:$0x3F9C];
	s0 =	simm.s32 @p1 $0x1  }
0x15: {  	[smem:$0x3FB9] =	sst s0;
	s0 =	simm.s32 @!p2 $0x0  }
0x16: {  	s3 =	sld [smem:$0x3FDB];
	s0 =	simm.s32 @p2 $0x1  }
0x17: {  	s4 =	simm.s32 $0x1BF5;
	[smem:$0x3FBB] =	sst s0  }
0x18: {  	s0 =	sld [smem:$0x3F9E];
	_ =	swait.ge [sflag:s4], $0x0  }
0x19: {  	s7 =	sld [smem:$0x3F9F]  }
0x1a: {  	s8 =	sadd.s32 $0xFFFFE003, lr  }
0x1b: {  	s9 =	sadd.s32 $0xFFFFFEF7, lr;
	s5 =	simm.s32 $0xFFFFFFFF;
	p2 =	slt.u32 s8, $0xFFFFF086  }
0x1c: {  	p1 =	slt.u32 s9, $0xF7A;
	s5 =	simm.s32 @!p2 $0x0  }
0x1d: {  	s5 =	simm.s32 @p1 $0x1;
	p0 =	seq.s32 s7, s2  }
0x1e: {  	s7 =	smul.u32 @!p0 $0xF7A, s2;
	p2 =	seq.s32 @!p0 s5, $0x0  }
0x1f: {  	s9 =	smul.u32 $0xF7A, s1;
	s8 =	simm.s32 @!p0 $0x1BF5;
	p2 =	por !p2, p0  }
0x20: {  	[sflag:s8] =	ssyncset.s32 @!p0 $0xFFFFF086;
	s6 =	sadd.s32 @!p0 s3, s7;
	s7 =	simm.s32 @!p0 $0x108  }
0x21: {  	s3 =	sadd.s32 s3, s9;
	s6 =	sadd.s32 @!p0 $0x88, s6;
	s7 =	simm.s32 @p2 $0x1082  }
0x22: {  	[simem:s7], [sflag:s8] =	dma.local @!p0 [hbm:s6], $0xF7A  }
0x23: {  	s9 =	sor.u32 $0xD0000000, s2;
	s6 =	simm.s32 $0x108;
	_ =	swait.ge @!p0 [sflag:s8], $0x0  }
0x24: {  	s3 =	sadd.s32 $0x88, s3;
	s6 =	simm.s32 @!p1 $0x1082;
	[sflag:s4] =	ssyncset.s32 $0xFFFFF086  }
0x25: {  	[simem:s6], [sflag:s4] =	dma.local [hbm:s3], $0xF7A  }
0x26: {  	[smem:$0x3F9F] =	sst s1;
	(tag) =	ssettag s2;
	_ =	strace s9  }
0x27: {  	s1 =	sld [smem:$0x3FAF]  }
0x28: {  	s2 =	sld [smem:$0x3FB0]  }
0x29: {  	s4 =	sld [smem:$0x3FB2]  }
0x2a: {  	p0 =	seq.s32 s5, $0x0;
	s5 =	sld [smem:$0x3FB3]  }
0x2b: {  	s6 =	sld [smem:$0x3FB4]  }
0x2c: {  	s7 =	sld [smem:$0x3FB5]  }
0x2d: {  	s3 =	simm.s32 $0x108;
	s8 =	sld [smem:$0x3FB6]  }
0x2e: {  	s3 =	simm.s32 @!p0 $0x1082;
	s9 =	sld [smem:$0x3FB7]  }
0x2f: {  	lr =	sadd.s32 s0, s3;
	s0 =	sld [smem:$0x3FAE]  }
0x30: {  	s3 =	sld [smem:$0x3FB1]  }
0x31: {  	[smem:$0x3FBA] =	sst s10  }
0x32: {  	s10 =	sld [smem:$0x3FB8];
	_ =	sdelay $0x3  }
0x33: {  	p0 =	seq.s32 s10, $0x1;
	s10 =	sld [smem:$0x3FBA];
	_ =	sdelay $0x3  }
0x34: {  	[smem:$0x3FBA] =	sst s10  }
0x35: {  	s10 =	sld [smem:$0x3FB9];
	_ =	sdelay $0x3  }
0x36: {  	p1 =	seq.s32 s10, $0x1;
	s10 =	sld [smem:$0x3FBA];
	_ =	sdelay $0x3  }
0x37: {  	[smem:$0x3FBA] =	sst s10  }
0x38: {  	s10 =	sld [smem:$0x3FBB]  }
0x39: {  	_ = 	snop;
	(pc) =	sbr.ind lr, $3  }
0x3a: {  	_ = 	snop  }
0x3b: {  	_ = 	snop  }
0x3c: {  	p2 =	seq.s32 s10, $0x1;
	s10 =	sld [smem:$0x3FBA]  }
0x3d: {  	_ =	shalt  }
0x3e: {  	_ =	shalt  }
0x3f: {  	_ =	shalt  }
0x40: {  	_ =	shalt  }
0x41: {  	_ =	shalt  }
0x42: {  	_ =	shalt  }
0x43: {  	_ =	shalt  }
0x44: {  	_ =	shalt  }
0x45: {  	_ =	shalt  }
0x46: {  	_ =	shalt  }
0x47: {  	_ =	shalt  }
0x48: {  	_ =	shalt  }
0x49: {  	_ =	shalt  }
0x4a: {  	_ =	shalt  }
0x4b: {  	_ =	shalt  }
0x4c: {  	_ =	shalt  }
0x4d: {  	_ =	shalt  }
0x4e: {  	_ =	shalt  }
0x4f: {  	_ =	shalt  }
0x50: {  	_ =	shalt  }
0x51: {  	_ =	shalt  }
0x52: {  	_ =	shalt  }
0x53: {  	_ =	shalt  }
0x54: {  	_ =	shalt  }
0x55: {  	_ =	shalt  }
0x56: {  	_ =	shalt  }
0x57: {  	_ =	shalt  }
0x58: {  	_ =	shalt  }
0x59: {  	_ =	shalt  }
0x5a: {  	_ =	shalt  }
0x5b: {  	_ =	shalt  }
0x5c: {  	_ =	shalt  }
0x5d: {  	_ =	shalt  }
0x5e: {  	_ =	shalt  }
0x5f: {  	_ =	shalt  }
0x60: {  	_ =	shalt  }
0x61: {  	_ =	shalt  }
0x62: {  	_ =	shalt  }
0x63: {  	_ =	shalt  }
0x64: {  	_ =	shalt  }
0x65: {  	_ =	shalt  }
0x66: {  	_ =	shalt  }
0x67: {  	_ =	shalt  }
0x68: {  	_ =	shalt  }
0x69: {  	_ =	shalt  }
0x6a: {  	_ =	shalt  }
0x6b: {  	_ =	shalt  }
0x6c: {  	_ =	shalt  }
0x6d: {  	_ =	shalt  }
0x6e: {  	_ =	shalt  }
0x6f: {  	_ =	shalt  }
0x70: {  	_ =	shalt  }
0x71: {  	_ =	shalt  }
0x72: {  	_ =	shalt  }
0x73: {  	_ =	shalt  }
0x74: {  	_ =	shalt  }
0x75: {  	_ =	shalt  }
0x76: {  	_ =	shalt  }
0x77: {  	_ =	shalt  }
0x78: {  	_ =	shalt  }
0x79: {  	_ =	shalt  }
0x7a: {  	_ =	shalt  }
0x7b: {  	_ =	shalt  }
0x7c: {  	_ =	shalt  }
0x7d: {  	_ =	shalt  }
0x7e: {  	_ =	shalt  }
0x7f: {  	_ =	shalt  }
0x80: {  	_ =	shalt  }
0x81: {  	_ =	shalt  }
0x82: {  	_ =	shalt  }
0x83: {  	_ =	shalt  }
0x84: {  	_ =	shalt  }
0x85: {  	_ =	shalt  }
0x86: {  	_ =	shalt  }
0x87: {  	_ =	shalt  }
.Lfunc_end0:
.L_simem_size_0:
called_computation_lowered:
.L_overlay_start_0:
0x88: {  	s2 =	sld [smem:$0x3FD9]  }
0x89: {  	s3 =	sld [smem:$0x3FFE];
	_ =	sdelay $0x1  }
0x8a: {  	s1 =	srdreg.scid  }
0x8b: {  	s0 =	sand.u32 $0x1, s1  }
0x8c: {  	s16 =	sshll.u32 s0, $0xA;
	s2 =	sadd.s32 s3, s2  }
0x8d: {  	s2 =	sadd.s32 s2, s16  }
0x8e: {  	[smem:$0x3FC6] =	sst s2  }
0x8f: {  	_ = 	snop  }
0x90: {  	(tm) =	ssettm $0x1  }
0x91: {  	s17 =	sld [smem:$0x3FFB];
	_ =	sdelay $0x3  }
0x92: {  	_ =	strace s17  }
0x93: {  	s2 =	sld [smem:$0x3FFC];
	_ =	sdelay $0x3  }
0x94: {  	_ =	strace s2  }
0x95: {  	s2 =	sld [smem:$0x3FFD];
	_ =	sdelay $0x3  }
0x96: {  	_ =	strace s2  }
0x97: {  	_ =	strace $0x8FFFFFFF  }
0x98: {  	s18 =	sld [smem:$0x3FDB];
	_ =	sdelay $0x1  }
0x99: {  	s19 =	simm.s32 $_scs_section_size  }
0x9a: {  	s4 =	simm.s32 $_size__tile_overlayer_lowered;
	s5 =	simm.s32 $_tile_overlayer_lowered  }
0x9b: {  	s22 =	simm.s32 $0x1BFF;
	s21 =	sshll.u32 s5, $0x1;
	s2 =	sadd.s32 s19, s18  }
0x9c: {  	s6 =	simm.s32 $0x0;
	s20 =	sshll.u32 s4, $0x1;
	s4 =	sadd.s32 s21, s2  }
0x9d: {  	[timem:s6], [sflag:s22] =	dma.local [hbm:s4], s20  }
0x9e: {  	_ =	swait.ge [sflag:s22], s20  }
0x9f: {  	s3 =	ssub.s32 $0x0, s20;
	[sflag:s22] =	ssyncset.done $0x0  }
0xa0: {  	[sflag:s22] =	ssyncadd.s32 s3;
	_ =	sdelay $0x1  }
0xa1: {  	s23 =	simm.s32 $0x1B8B  }
0xa2: {  	_ =	swait.ge [sflag:s23], $0x1  }
0xa3: {  	[sflag:s23] =	ssyncset.done $0x0  }
0xa4: {  	s25 =	simm.s32 $0x1B8E;
	s24 =	sld [smem:$0x3FFE];
	[sflag:s23] =	ssyncadd.s32 $0xFFFFFFFF  }
0xa5: {  	s26 =	simm.s32 $execute0_lowered;
	[smem:$0x3FD2] =	sst s25  }
0xa6: {  	s4 =	sshll.u32 s26, $0x1;
	_ =	strace $0x80000046;
	[dreg:$0x1] =	wrdreg $0xFFFFFFFF  }
0xa7: {  	s28 =	simm.s32 $_size_execute0_lowered;
	s2 =	sadd.s32 s2, s4;
	[dreg:$0x0] =	wrdreg $0x0  }
0xa8: {  	s4 =	sshll.u32 s28, $0x1;
	[dreg:$0x2] =	wrdreg s2  }
0xa9: {  	[dreg:$0x3] =	wrdreg s4  }
0xaa: {  	[dreg:$0x4] =	wrdreg $0xC0  }
0xab: {  	_ =	task [dreg:s6], $0x5FFFF  }
0xac: {  	[dreg:$0x1] =	wrdreg $0xFFFFFFFF  }
0xad: {  	[dreg:$0x0] =	wrdreg $0x60  }
0xae: {  	[dreg:$0x2] =	wrdreg s24  }
0xaf: {  	[dreg:$0x3] =	wrdreg $0x9  }
0xb0: {  	_ =	task.clear_ibuf [dreg:s6], $0x4FFFF;
	_ =	strace $0x90000046  }
0xb1: {  	s29 =	simm.s32 $0x9;
	_ =	strace $0x80000048  }
0xb2: {  	_ =	swait.ge [sflag:s29], $0x1  }
0xb3: {  	[sflag:s29] =	ssyncadd.s32 $0xFFFFFFFF  }
0xb4: {  	_ =	strace $0x90000048  }
0xb5: {  	_ =	sfence  }
0xb6: {  	s30 =	sld [smem:$0x0];
	_ =	sdelay $0x2  }
0xb7: {  	s31 =	sshll.u32 s1, $0xD;
	s1 =	sshrl.u32 s1, $0x2  }
0xb8: {  	s3 =	sand.u32 $0x4000, s31;
	s1 =	sadd.s32 s1, s30  }
0xb9: {  	s0 =	sor.u32 s3, s0;
	s1 =	sshll.u32 s1, $0x11  }
0xba: {  	s0 =	sor.u32 s1, s0  }
0xbb: {  	s0 =	sadd.s32 $0x8F2B, s0  }
0xbc: {  	[sflag:s0] =	ssyncadd.remote.s32 $0x1  }
0xbd: {  	_ =	sfence.sel $0xFFFF  }
0xbe: {  	[dreg:$0x0] =	wrdreg $0xFFFFFFFF;
	(pc) =	sbr.abs _section_cstart, $3  }
0xbf: {  	[dreg:$0x1] =	wrdreg $0xFFFFFFFF  }
0xc0: {  	_ =	task.clear_ibuf [dreg:s6], $0x2FFFF;
	_ =	strace $0x9FFFFFFF  }
0xc1: {  	(tm) =	ssettm $0x7FFFFFFF  }
tec
execute0_lowered:
.L_overlay_start_1:
0x0: {  	(tag) =	ssettag $0x1  }
0x1: {  	s5 =	rddreg [dreg:$0x0]  }
0x2: {  	s2 =	srdreg.scid;
	s0 =	rddreg [dreg:$0x1]  }
0x3: {  	s1 =	stileid.u32;
	s11 =	simm.s32 $0x3;
	s12 =	simm.s32 $0x2000  }
0x4: {  	s13 =	simm.s32 $0x1;
	s14 =	simm.s32 $0x2;
	s15 =	simm.s32 $0x4100  }
0x5: {  	s16 =	simm.s32 $0x0;
	s6 =	sand.u32 $0x1, s2;
	s2 =	simm.s32 $0x0  }
0x6: {  	s3 =	sshll.u32 s1, $0x8;
	s4 =	sshll.u32 s6, $0x7;
	[smem:$0x7FF] =	sst s2  }
0x7: {  	s6 =	ssub.s32 $0x2, s6;
	s7 =	sor.u32 s4, s3;
	_ =	strace $0x80000047  }
0x8: {  	s4 =	sadd.s32 $0x800, s5;
	s10 =	sshrl.u32 s6, $0x1;
	s3 =	sor.u32 $0x3000, s7  }
0x9: {  	s9 =	sshrl.u32 s7, $0x3;
	s10 =	ssub.s32 s6, s10;
	s8 =	sshrl.u32 s3, $0x3  }
0xa: {  	v0 =	vlaneseq.u32;
	s7 =	sor.u32 $0x3010, s7;
	s31 =	sshll.u32 s3, $0x7;
	s8 =	sadd.s32 s8, s5  }
0xb: {  	v0 =	vand.u32 $0x7, v0;
	s9 =	sadd.s32 s9, s5;
	s6 =	sadd.s32 s4, s31;
	s5 =	sadd.s32 $0x200800, s8  }
0xc: {  	vm0 =	vmmov $0xff;
	v0 =	vmul.u32 $0x80, v0;
	s8 =	sadd.s32 $0x201200, s9;
	s9 =	smax.u32 s10, $0x1;
	s10 =	simm.s32 $0x4000  }
.LBB2_1:
0xd: {  	[tilespmem:s10], [sflag:$0x3] =	stream.linear.gather [hbm4b:s5+s2], $0x90, $0x38;
	[tilespmem:$0x4180] =	vst v63  }
0xe: {  	_ =	swait.ge [sflag:s11], $0x90  }
0xf: {  	[sflag:s11] =	ssyncset.done $0x0  }
0x10: {  	s17 =	simm.s32 $0x0;
	[sflag:s11] =	ssyncadd.s32 $0xFFFFFF70  }
0x11: {  	v1 =	vimm.f32 $0.0e+00;
	v3 =	vimm.f32 $0.0e+00;
	v2 =	vimm.f32 $0.0e+00;
	[tilespmem:s2], [sflag:$0x1] =	stream.linear.gather [hbm4b:s6+s2], $0x2000, $0x38;
	[tilespmem:$0x4180] =	vst v63  }
.LBB2_2:
0x12: {  	s19 =	sshll.u32 s17, $0x4  }
0x13: {  	s18 =	sor.u32 $0x8, s19  }
0x14: {  	s20 =	sadd.s32 s3, s18  }
0x15: {  	s20 =	sshll.u32 s20, $0x7  }
0x16: {  	s21 =	simm.s32 $0x0;
	s20 =	sadd.s32 s4, s20  }
0x17: {  	[tilespmem:s12], [sflag:$0x2] =	stream.linear.gather [hbm4b:s20+s21], $0x2000, $0x38;
	[tilespmem:$0x4180] =	vst v63  }
0x18: {  	_ =	swait.ge [sflag:s13], $0x2000  }
0x19: {  	s28 =	sand.u32 $0x60, s21;
	s21 =	sand.u32 $0x1C00, s21;
	[sflag:s13] =	ssyncset.done $0x0  }
0x1a: {  	s20 =	sor.u32 s28, s21;
	[sflag:s13] =	ssyncadd.s32 $0xFFFFE000  }
0x1b: {  	v4 =	vld [tilespmem:s20+$0x0]  }
0x1c: {  	v5 =	vld [tilespmem:s20+$0x10];
	_ =	sdelay $0x4  }
0x1d: {  	v4 =	vmax.f32 v4, $9.999999960e-13;
	v5 =	vmax.f32 v5, $9.999999960e-13  }
0x1e: {  	v6 =	vsub.f32 $1.000000000e+00, v4;
	v7 =	vsub.f32 $1.000000000e+00, v5  }
0x1f: {  	v8 =	vmul.f32 v5, v4  }
0x20: {  	v4 =	vmul.f32 v7, v6  }
0x21: {  	v5 =	vand.u32 $0x7FFFFF, v8  }
0x22: {  	s29 =	simm.s32 $0x20;
	s30 =	simm.s32 $0x100;
	v5 =	vor.u32 $0x3F800000, v5;
	v6 =	vand.u32 $0x7FFFFF, v4  }
0x23: {  	s21 =	sand.u32 $0x1C00, s30;
	s20 =	sand.u32 $0x60, s29;
	v7 =	vmul.f32 $4.392862690e-02, v5;
	v6 =	vor.u32 $0x3F800000, v6  }
0x24: {  	s20 =	sor.u32 s20, s21;
	v9 =	vmul.f32 $4.392862690e-02, v6  }
0x25: {  	v10 =	vld [tilespmem:s20+$0x0];
	v7 =	vadd.f32 $-4.094755950e-01, v7  }
0x26: {  	v11 =	vld [tilespmem:s20+$0x10];
	v9 =	vadd.f32 $-4.094755950e-01, v9  }
0x27: {  	v7 =	vmul.f32 v5, v7  }
0x28: {  	v9 =	vmul.f32 v6, v9  }
0x29: {  	v7 =	vadd.f32 $1.610177520e+00, v7  }
0x2a: {  	v10 =	vmax.f32 v10, $9.999999960e-13;
	v9 =	vadd.f32 $1.610177520e+00, v9  }
0x2b: {  	v11 =	vmax.f32 v11, $9.999999960e-13;
	v8 =	vshra.s32 v8, $0x17;
	v7 =	vmul.f32 v5, v7  }
0x2c: {  	v12 =	vsub.f32 $1.000000000e+00, v10;
	v13 =	vsub.f32 $1.000000000e+00, v11;
	v9 =	vmul.f32 v6, v9  }
0x2d: {  	v10 =	vmul.f32 v11, v10;
	v8 =	vadd.s32 $0xFFFFFF81, v8;
	v11 =	vadd.f32 $-3.520218850e+00, v7  }
0x2e: {  	v7 =	vcvt.s32.f32 v8;
	v8 =	vmul.f32 v13, v12;
	v12 =	vadd.f32 $-3.520218850e+00, v9  }
0x2f: {  	v13 =	vshra.s32 v10, $0x17;
	v9 =	vand.u32 $0x7FFFFF, v10;
	v11 =	vmul.f32 v5, v11  }
0x30: {  	s31 =	simm.s32 $0x40;
	s20 =	simm.s32 $0x200;
	v10 =	vand.u32 $0x7FFFFF, v8;
	v9 =	vor.u32 $0x3F800000, v9;
	v16 =	vmul.f32 v6, v12  }
0x31: {  	s21 =	sand.u32 $0x60, s31;
	s22 =	sand.u32 $0x1C00, s20;
	v10 =	vor.u32 $0x3F800000, v10;
	v12 =	vmul.f32 $4.392862690e-02, v9;
	v11 =	vadd.f32 $5.069756510e+00, v11  }
0x32: {  	s22 =	sor.u32 s21, s22;
	s21 =	simm.s32 $0x60;
	v15 =	vadd.s32 $0xFFFFFF81, v13;
	v14 =	vmul.f32 $4.392862690e-02, v10;
	v13 =	vadd.f32 $5.069756510e+00, v16  }
.LBB2_3:
0x33: {  	p0 =	sne.s32 s21, $0x3C0;
	v16 =	vld [tilespmem:s22+$0x0];
	v12 =	vadd.f32 $-4.094755950e-01, v12;
	v15 =	vcvt.s32.f32 v15;
	v11 =	vmul.f32 v5, v11;
	v5 =	vmovc v9  }
0x34: {  	v17 =	vshra.s32 v4, $0x17;
	v4 =	vmovc v8;
	v9 =	vld [tilespmem:s22+$0x10];
	v14 =	vadd.f32 $-4.094755950e-01, v14;
	v13 =	vmul.f32 v6, v13;
	v6 =	vmovc v10  }
0x35: {  	v8 =	vmul.f32 v5, v12;
	v10 =	vadd.f32 $-2.794153690e+00, v11;
	v11 =	vadd.s32 $0xFFFFFF81, v17  }
0x36: {  	v12 =	vmul.f32 v6, v14;
	v13 =	vadd.f32 $-2.794153690e+00, v13;
	v11 =	vcvt.s32.f32 v11  }
0x37: {  	v8 =	vadd.f32 $1.610177520e+00, v8;
	v10 =	vadd.f32 v7, v10;
	v7 =	vmov v15  }
0x38: {  	v14 =	vmax.f32 v16, $9.999999960e-13;
	v12 =	vadd.f32 $1.610177520e+00, v12;
	v11 =	vadd.f32 v11, v13  }
0x39: {  	v9 =	vmax.f32 v9, $9.999999960e-13;
	v13 =	vsub.f32 $1.000000000e+00, v14;
	v8 =	vmul.f32 v5, v8  }
0x3a: {  	v15 =	vsub.f32 $1.000000000e+00, v9;
	v12 =	vmul.f32 v6, v12;
	v3 =	vadd.f32 v11, v3  }
0x3b: {  	v2 =	vadd.f32 v10, v2;
	v9 =	vmul.f32 v9, v14;
	v11 =	vadd.f32 $-3.520218850e+00, v8  }
.Ltmp0:
0x3c: {  	v8 =	vmul.f32 v15, v13;
	v10 =	vadd.f32 $-3.520218850e+00, v12;
	(pc) =	sbr.rel @p0 .LBB2_3-.Ltmp0, $4  }
0x3d: {  	v13 =	vshra.s32 v9, $0x17;
	v9 =	vand.u32 $0x7FFFFF, v9;
	v11 =	vmul.f32 v5, v11  }
0x3e: {  	s20 =	sadd.s32 $0x100, s20;
	v9 =	vor.u32 $0x3F800000, v9;
	v14 =	vand.u32 $0x7FFFFF, v8;
	v16 =	vmul.f32 v6, v10  }
0x3f: {  	s22 =	sand.u32 $0x60, s21;
	s23 =	sand.u32 $0x1C00, s20;
	v12 =	vmul.f32 $4.392862690e-02, v9;
	v10 =	vor.u32 $0x3F800000, v14;
	v11 =	vadd.f32 $5.069756510e+00, v11  }
0x40: {  	s21 =	sadd.s32 $0x20, s21;
	s22 =	sor.u32 s22, s23;
	v15 =	vadd.s32 $0xFFFFFF81, v13;
	v14 =	vmul.f32 $4.392862690e-02, v10;
	v13 =	vadd.f32 $5.069756510e+00, v16  }
0x41: {  	v16 =	vld [tilespmem:s22+$0x0]  }
0x42: {  	v12 =	vadd.f32 $-4.094755950e-01, v12;
	v17 =	vld [tilespmem:s22+$0x10]  }
0x43: {  	v15 =	vcvt.s32.f32 v15;
	v5 =	vmul.f32 v5, v11;
	v11 =	vadd.f32 $-4.094755950e-01, v14  }
0x44: {  	v4 =	vshra.s32 v4, $0x17;
	v6 =	vmul.f32 v6, v13;
	v12 =	vmul.f32 v9, v12  }
0x45: {  	v4 =	vadd.s32 $0xFFFFFF81, v4;
	v5 =	vadd.f32 $-2.794153690e+00, v5;
	v11 =	vmul.f32 v10, v11  }
0x46: {  	v4 =	vcvt.s32.f32 v4;
	v6 =	vadd.f32 $-2.794153690e+00, v6;
	v12 =	vadd.f32 $1.610177520e+00, v12  }
0x47: {  	v13 =	vmax.f32 v16, $9.999999960e-13;
	v11 =	vadd.f32 $1.610177520e+00, v11;
	v14 =	vmax.f32 v17, $9.999999960e-13  }
0x48: {  	v16 =	vsub.f32 $1.000000000e+00, v13;
	v12 =	vmul.f32 v9, v12;
	v17 =	vsub.f32 $1.000000000e+00, v14  }
0x49: {  	v4 =	vadd.f32 v4, v6;
	v6 =	vmul.f32 v10, v11;
	v11 =	vmul.f32 v14, v13  }
0x4a: {  	v5 =	vadd.f32 v7, v5;
	v7 =	vadd.f32 $-3.520218850e+00, v12;
	v12 =	vmul.f32 v17, v16  }
0x4b: {  	v3 =	vadd.f32 v4, v3;
	v4 =	vadd.f32 $-3.520218850e+00, v6;
	v6 =	vand.u32 $0x7FFFFF, v11  }
0x4c: {  	v14 =	vld [tilespmem:$0x1C58];
	v7 =	vmul.f32 v9, v7;
	v6 =	vor.u32 $0x3F800000, v6;
	v13 =	vand.u32 $0x7FFFFF, v12  }
0x4d: {  	v4 =	vmul.f32 v10, v4;
	v16 =	vmul.f32 $4.392862690e-02, v6;
	v13 =	vor.u32 $0x3F800000, v13  }
0x4e: {  	v2 =	vadd.f32 v5, v2;
	v5 =	vadd.f32 $5.069756510e+00, v7;
	v7 =	vmul.f32 $4.392862690e-02, v13  }
0x4f: {  	v8 =	vshra.s32 v8, $0x17;
	v4 =	vadd.f32 $5.069756510e+00, v4;
	v16 =	vadd.f32 $-4.094755950e-01, v16  }
0x50: {  	v8 =	vadd.s32 $0xFFFFFF81, v8;
	v5 =	vmul.f32 v9, v5;
	v7 =	vadd.f32 $-4.094755950e-01, v7  }
0x51: {  	v4 =	vmul.f32 v10, v4;
	v9 =	vmul.f32 v6, v16;
	v10 =	vmax.f32 v14, $9.999999960e-13  }
0x52: {  	v8 =	vcvt.s32.f32 v8;
	v7 =	vmul.f32 v13, v7;
	v14 =	vsel vm0, $0x3F800000, v10  }
0x53: {  	v10 =	vsub.f32 $1.000000000e+00, v10;
	v9 =	vadd.f32 $1.610177520e+00, v9;
	v16 =	vand.u32 $0x7FFFFF, v14  }
0x54: {  	v11 =	vshra.s32 v11, $0x17;
	v7 =	vadd.f32 $1.610177520e+00, v7;
	v16 =	vor.u32 $0x3F800000, v16  }
0x55: {  	v10 =	vsel vm0, $0x3F800000, v10;
	v9 =	vmul.f32 v6, v9;
	v17 =	vmul.f32 $4.392862690e-02, v16  }
0x56: {  	v4 =	vadd.f32 $-2.794153690e+00, v4;
	v18 =	vand.u32 $0x7FFFFF, v10;
	v7 =	vmul.f32 v13, v7  }
0x57: {  	v18 =	vor.u32 $0x3F800000, v18;
	v9 =	vadd.f32 $-3.520218850e+00, v9;
	v17 =	vadd.f32 $-4.094755950e-01, v17  }
0x58: {  	v4 =	vadd.f32 v8, v4;
	v8 =	vmul.f32 $4.392862690e-02, v18;
	v7 =	vadd.f32 $-3.520218850e+00, v7  }
0x59: {  	s20 =	simm.s32 $0x0;
	v11 =	vadd.s32 $0xFFFFFF81, v11;
	v9 =	vmul.f32 v6, v9;
	v17 =	vmul.f32 v16, v17  }
0x5a: {  	s21 =	sand.u32 $0x60, s20;
	s20 =	sand.u32 $0x1C00, s20;
	v5 =	vadd.f32 $-2.794153690e+00, v5;
	v8 =	vadd.f32 $-4.094755950e-01, v8;
	v7 =	vmul.f32 v13, v7  }
0x5b: {  	s20 =	sor.u32 s21, s20;
	v11 =	vcvt.s32.f32 v11;
	v9 =	vadd.f32 $5.069756510e+00, v9;
	v17 =	vadd.f32 $1.610177520e+00, v17  }
0x5c: {  	v5 =	vadd.f32 v15, v5;
	v15 =	vld [tilespmem:s20+$0x80];
	v8 =	vmul.f32 v18, v8;
	v7 =	vadd.f32 $5.069756510e+00, v7  }
0x5d: {  	v19 =	vadd.f32 v4, v3;
	v3 =	vmul.f32 v6, v9;
	v4 =	vmul.f32 v16, v17;
	v6 =	vld [tilespmem:s20+$0x90]  }
0x5e: {  	v2 =	vadd.f32 v5, v2;
	v5 =	vmul.f32 v13, v7;
	v7 =	vadd.f32 $1.610177520e+00, v8  }
0x5f: {  	v8 =	vshra.s32 v12, $0x17;
	v3 =	vadd.f32 $-2.794153690e+00, v3;
	v4 =	vadd.f32 $-3.520218850e+00, v4  }
0x60: {  	v8 =	vadd.s32 $0xFFFFFF81, v8;
	v5 =	vadd.f32 $-2.794153690e+00, v5;
	v7 =	vmul.f32 v18, v7  }
0x61: {  	v8 =	vcvt.s32.f32 v8;
	v9 =	vadd.f32 v11, v3;
	v3 =	vmul.f32 v16, v4  }
0x62: {  	v4 =	vadd.f32 $-3.520218850e+00, v7;
	v7 =	vmax.f32 v15, $9.999999960e-13;
	v6 =	vmax.f32 v6, $9.999999960e-13  }
0x63: {  	v11 =	vsub.f32 $1.000000000e+00, v7;
	v12 =	vsub.f32 $1.000000000e+00, v6  }
0x64: {  	v5 =	vadd.f32 v8, v5;
	v8 =	vadd.f32 $5.069756510e+00, v3;
	v7 =	vmul.f32 v6, v7  }
0x65: {  	v6 =	vshra.s32 v14, $0x17;
	v4 =	vmul.f32 v18, v4;
	v3 =	vmul.f32 v12, v11  }
0x66: {  	v11 =	vadd.s32 $0xFFFFFF81, v6;
	v6 =	vmul.f32 v16, v8;
	v8 =	vand.u32 $0x7FFFFF, v7  }
0x67: {  	s28 =	simm.s32 $0x20;
	s29 =	simm.s32 $0x100;
	v12 =	vadd.f32 $5.069756510e+00, v4;
	v4 =	vor.u32 $0x3F800000, v8;
	v8 =	vand.u32 $0x7FFFFF, v3  }
0x68: {  	s21 =	sand.u32 $0x1C00, s29;
	s20 =	sand.u32 $0x60, s28;
	v13 =	vadd.f32 $-2.794153690e+00, v6;
	v14 =	vmul.f32 $4.392862690e-02, v4;
	v6 =	vor.u32 $0x3F800000, v8  }
0x69: {  	s20 =	sor.u32 s20, s21;
	v8 =	vshra.s32 v10, $0x17;
	v10 =	vmul.f32 v18, v12;
	v12 =	vmul.f32 $4.392862690e-02, v6  }
0x6a: {  	v15 =	vld [tilespmem:s20+$0x80];
	v11 =	vcvt.s32.f32 v11;
	v8 =	vadd.s32 $0xFFFFFF81, v8;
	v14 =	vadd.f32 $-4.094755950e-01, v14  }
0x6b: {  	v16 =	vld [tilespmem:s20+$0x90];
	v10 =	vadd.f32 $-2.794153690e+00, v10;
	v8 =	vcvt.s32.f32 v8;
	v12 =	vadd.f32 $-4.094755950e-01, v12  }
0x6c: {  	v2 =	vadd.f32 v9, v2;
	v9 =	vadd.f32 v11, v13;
	v11 =	vmul.f32 v4, v14  }
0x6d: {  	v5 =	vadd.f32 v5, v19;
	v8 =	vadd.f32 v8, v10;
	v10 =	vmul.f32 v6, v12  }
0x6e: {  	v2 =	vadd.f32 v9, v2;
	v9 =	vadd.f32 $1.610177520e+00, v11  }
0x6f: {  	v7 =	vshra.s32 v7, $0x17;
	v5 =	vadd.f32 v8, v5;
	v8 =	vadd.f32 $1.610177520e+00, v10  }
0x70: {  	v11 =	vmax.f32 v16, $9.999999960e-13;
	v10 =	vmax.f32 v15, $9.999999960e-13;
	v9 =	vmul.f32 v4, v9  }
0x71: {  	v13 =	vsub.f32 $1.000000000e+00, v11;
	v12 =	vsub.f32 $1.000000000e+00, v10;
	v14 =	vmul.f32 v6, v8  }
0x72: {  	v7 =	vadd.s32 $0xFFFFFF81, v7;
	v10 =	vmul.f32 v11, v10;
	v9 =	vadd.f32 $-3.520218850e+00, v9  }
0x73: {  	v7 =	vcvt.s32.f32 v7;
	v8 =	vmul.f32 v13, v12;
	v11 =	vadd.f32 $-3.520218850e+00, v14  }
0x74: {  	v13 =	vshra.s32 v10, $0x17;
	v10 =	vand.u32 $0x7FFFFF, v10;
	v14 =	vmul.f32 v4, v9  }
0x75: {  	s30 =	simm.s32 $0x40;
	s20 =	simm.s32 $0x200;
	v9 =	vor.u32 $0x3F800000, v10;
	v10 =	vand.u32 $0x7FFFFF, v8;
	v16 =	vmul.f32 v6, v11  }
0x76: {  	s21 =	sand.u32 $0x60, s30;
	s31 =	sand.u32 $0x1C00, s20;
	v12 =	vmul.f32 $4.392862690e-02, v9;
	v10 =	vor.u32 $0x3F800000, v10;
	v11 =	vadd.f32 $5.069756510e+00, v14  }
0x77: {  	s22 =	sor.u32 s21, s31;
	s21 =	simm.s32 $0x60;
	v15 =	vadd.s32 $0xFFFFFF81, v13;
	v14 =	vmul.f32 $4.392862690e-02, v10;
	v13 =	vadd.f32 $5.069756510e+00, v16  }
.LBB2_5:
0x78: {  	p0 =	sne.s32 s21, $0x3C0;
	v16 =	vld [tilespmem:s22+$0x80];
	v12 =	vadd.f32 $-4.094755950e-01, v12;
	v15 =	vcvt.s32.f32 v15;
	v11 =	vmul.f32 v4, v11;
	v4 =	vmovc v9  }
0x79: {  	v17 =	vshra.s32 v3, $0x17;
	v3 =	vmovc v8;
	v9 =	vld [tilespmem:s22+$0x90];
	v14 =	vadd.f32 $-4.094755950e-01, v14;
	v13 =	vmul.f32 v6, v13;
	v6 =	vmovc v10  }
0x7a: {  	v8 =	vmul.f32 v4, v12;
	v10 =	vadd.f32 $-2.794153690e+00, v11;
	v11 =	vadd.s32 $0xFFFFFF81, v17  }
0x7b: {  	v12 =	vmul.f32 v6, v14;
	v13 =	vadd.f32 $-2.794153690e+00, v13;
	v11 =	vcvt.s32.f32 v11  }
0x7c: {  	v8 =	vadd.f32 $1.610177520e+00, v8;
	v10 =	vadd.f32 v7, v10;
	v7 =	vmov v15  }
0x7d: {  	v14 =	vmax.f32 v16, $9.999999960e-13;
	v12 =	vadd.f32 $1.610177520e+00, v12;
	v11 =	vadd.f32 v11, v13  }
0x7e: {  	v9 =	vmax.f32 v9, $9.999999960e-13;
	v13 =	vsub.f32 $1.000000000e+00, v14;
	v8 =	vmul.f32 v4, v8  }
0x7f: {  	v15 =	vsub.f32 $1.000000000e+00, v9;
	v12 =	vmul.f32 v6, v12;
	v5 =	vadd.f32 v11, v5  }
0x80: {  	v2 =	vadd.f32 v10, v2;
	v9 =	vmul.f32 v9, v14;
	v11 =	vadd.f32 $-3.520218850e+00, v8  }
.Ltmp1:
0x81: {  	v8 =	vmul.f32 v15, v13;
	v10 =	vadd.f32 $-3.520218850e+00, v12;
	(pc) =	sbr.rel @p0 .LBB2_5-.Ltmp1, $4  }
0x82: {  	v13 =	vshra.s32 v9, $0x17;
	v9 =	vand.u32 $0x7FFFFF, v9;
	v11 =	vmul.f32 v4, v11  }
0x83: {  	s20 =	sadd.s32 $0x100, s20;
	v9 =	vor.u32 $0x3F800000, v9;
	v14 =	vand.u32 $0x7FFFFF, v8;
	v16 =	vmul.f32 v6, v10  }
0x84: {  	s22 =	sand.u32 $0x60, s21;
	s23 =	sand.u32 $0x1C00, s20;
	v12 =	vmul.f32 $4.392862690e-02, v9;
	v10 =	vor.u32 $0x3F800000, v14;
	v11 =	vadd.f32 $5.069756510e+00, v11  }
0x85: {  	s21 =	sadd.s32 $0x20, s21;
	s22 =	sor.u32 s22, s23;
	v15 =	vadd.s32 $0xFFFFFF81, v13;
	v14 =	vmul.f32 $4.392862690e-02, v10;
	v13 =	vadd.f32 $5.069756510e+00, v16  }
0x86: {  	v16 =	vld [tilespmem:s22+$0x80]  }
0x87: {  	v12 =	vadd.f32 $-4.094755950e-01, v12;
	v17 =	vld [tilespmem:s22+$0x90]  }
0x88: {  	v15 =	vcvt.s32.f32 v15;
	v4 =	vmul.f32 v4, v11;
	v11 =	vadd.f32 $-4.094755950e-01, v14  }
0x89: {  	v3 =	vshra.s32 v3, $0x17;
	v6 =	vmul.f32 v6, v13;
	v12 =	vmul.f32 v9, v12  }
0x8a: {  	v3 =	vadd.s32 $0xFFFFFF81, v3;
	v4 =	vadd.f32 $-2.794153690e+00, v4;
	v11 =	vmul.f32 v10, v11  }
0x8b: {  	v3 =	vcvt.s32.f32 v3;
	v6 =	vadd.f32 $-2.794153690e+00, v6;
	v12 =	vadd.f32 $1.610177520e+00, v12  }
0x8c: {  	v13 =	vmax.f32 v16, $9.999999960e-13;
	v11 =	vadd.f32 $1.610177520e+00, v11;
	v14 =	vmax.f32 v17, $9.999999960e-13  }
0x8d: {  	v16 =	vsub.f32 $1.000000000e+00, v13;
	v12 =	vmul.f32 v9, v12;
	v17 =	vsub.f32 $1.000000000e+00, v14  }
0x8e: {  	v3 =	vadd.f32 v3, v6;
	v6 =	vmul.f32 v10, v11;
	v11 =	vmul.f32 v14, v13  }
0x8f: {  	v4 =	vadd.f32 v7, v4;
	v7 =	vadd.f32 $-3.520218850e+00, v12;
	v12 =	vmul.f32 v17, v16  }
0x90: {  	v3 =	vadd.f32 v3, v5;
	v5 =	vadd.f32 $-3.520218850e+00, v6;
	v6 =	vand.u32 $0x7FFFFF, v11  }
0x91: {  	v14 =	vld [tilespmem:$0x1CD8];
	v7 =	vmul.f32 v9, v7;
	v6 =	vor.u32 $0x3F800000, v6;
	v13 =	vand.u32 $0x7FFFFF, v12  }
0x92: {  	v5 =	vmul.f32 v10, v5;
	v16 =	vmul.f32 $4.392862690e-02, v6;
	v13 =	vor.u32 $0x3F800000, v13  }
0x93: {  	v2 =	vadd.f32 v4, v2;
	v4 =	vadd.f32 $5.069756510e+00, v7;
	v7 =	vmul.f32 $4.392862690e-02, v13  }
0x94: {  	v8 =	vshra.s32 v8, $0x17;
	v5 =	vadd.f32 $5.069756510e+00, v5;
	v16 =	vadd.f32 $-4.094755950e-01, v16  }
0x95: {  	v8 =	vadd.s32 $0xFFFFFF81, v8;
	v4 =	vmul.f32 v9, v4;
	v7 =	vadd.f32 $-4.094755950e-01, v7  }
0x96: {  	v5 =	vmul.f32 v10, v5;
	v9 =	vmul.f32 v6, v16;
	v10 =	vmax.f32 v14, $9.999999960e-13  }
0x97: {  	v8 =	vcvt.s32.f32 v8;
	v7 =	vmul.f32 v13, v7;
	v14 =	vsel vm0, $0x3F800000, v10  }
0x98: {  	v10 =	vsub.f32 $1.000000000e+00, v10;
	v9 =	vadd.f32 $1.610177520e+00, v9;
	v16 =	vand.u32 $0x7FFFFF, v14  }
0x99: {  	v11 =	vshra.s32 v11, $0x17;
	v7 =	vadd.f32 $1.610177520e+00, v7;
	v16 =	vor.u32 $0x3F800000, v16  }
0x9a: {  	v10 =	vsel vm0, $0x3F800000, v10;
	v9 =	vmul.f32 v6, v9;
	v17 =	vmul.f32 $4.392862690e-02, v16  }
0x9b: {  	v5 =	vadd.f32 $-2.794153690e+00, v5;
	v18 =	vand.u32 $0x7FFFFF, v10;
	v7 =	vmul.f32 v13, v7  }
0x9c: {  	v18 =	vor.u32 $0x3F800000, v18;
	v9 =	vadd.f32 $-3.520218850e+00, v9;
	v17 =	vadd.f32 $-4.094755950e-01, v17  }
0x9d: {  	v5 =	vadd.f32 v8, v5;
	v8 =	vmul.f32 $4.392862690e-02, v18;
	v7 =	vadd.f32 $-3.520218850e+00, v7  }
0x9e: {  	s20 =	simm.s32 $0x0;
	v11 =	vadd.s32 $0xFFFFFF81, v11;
	v9 =	vmul.f32 v6, v9;
	v17 =	vmul.f32 v16, v17  }
0x9f: {  	s21 =	sand.u32 $0x60, s20;
	s20 =	sand.u32 $0x1C00, s20;
	v4 =	vadd.f32 $-2.794153690e+00, v4;
	v8 =	vadd.f32 $-4.094755950e-01, v8;
	v7 =	vmul.f32 v13, v7  }
0xa0: {  	s20 =	sor.u32 s21, s20;
	v11 =	vcvt.s32.f32 v11;
	v9 =	vadd.f32 $5.069756510e+00, v9;
	v17 =	vadd.f32 $1.610177520e+00, v17  }
0xa1: {  	v4 =	vadd.f32 v15, v4;
	v15 =	vld [tilespmem:s20+$0x100];
	v8 =	vmul.f32 v18, v8;
	v7 =	vadd.f32 $5.069756510e+00, v7  }
0xa2: {  	v5 =	vadd.f32 v5, v3;
	v3 =	vmul.f32 v6, v9;
	v6 =	vmul.f32 v16, v17;
	v9 =	vld [tilespmem:s20+$0x110]  }
0xa3: {  	v2 =	vadd.f32 v4, v2;
	v4 =	vmul.f32 v13, v7;
	v7 =	vadd.f32 $1.610177520e+00, v8  }
0xa4: {  	v8 =	vshra.s32 v12, $0x17;
	v3 =	vadd.f32 $-2.794153690e+00, v3;
	v6 =	vadd.f32 $-3.520218850e+00, v6  }
0xa5: {  	v8 =	vadd.s32 $0xFFFFFF81, v8;
	v4 =	vadd.f32 $-2.794153690e+00, v4;
	v7 =	vmul.f32 v18, v7  }
0xa6: {  	v8 =	vcvt.s32.f32 v8;
	v11 =	vadd.f32 v11, v3;
	v3 =	vmul.f32 v16, v6  }
0xa7: {  	v6 =	vadd.f32 $-3.520218850e+00, v7;
	v7 =	vmax.f32 v15, $9.999999960e-13;
	v9 =	vmax.f32 v9, $9.999999960e-13  }
0xa8: {  	v12 =	vsub.f32 $1.000000000e+00, v7;
	v13 =	vsub.f32 $1.000000000e+00, v9  }
0xa9: {  	v8 =	vadd.f32 v8, v4;
	v4 =	vadd.f32 $5.069756510e+00, v3;
	v7 =	vmul.f32 v9, v7  }
0xaa: {  	v10 =	vshra.s32 v10, $0x17;
	v6 =	vmul.f32 v18, v6;
	v3 =	vmul.f32 v13, v12  }
0xab: {  	v10 =	vadd.s32 $0xFFFFFF81, v10;
	v12 =	vmul.f32 v16, v4;
	v4 =	vand.u32 $0x7FFFFF, v7  }
0xac: {  	s28 =	simm.s32 $0x20;
	s29 =	simm.s32 $0x100;
	v13 =	vadd.f32 $5.069756510e+00, v6;
	v4 =	vor.u32 $0x3F800000, v4;
	v6 =	vand.u32 $0x7FFFFF, v3  }
0xad: {  	s21 =	sand.u32 $0x1C00, s29;
	s20 =	sand.u32 $0x60, s28;
	v9 =	vshra.s32 v14, $0x17;
	v14 =	vmul.f32 $4.392862690e-02, v4;
	v6 =	vor.u32 $0x3F800000, v6  }
0xae: {  	s20 =	sor.u32 s20, s21;
	v9 =	vadd.s32 $0xFFFFFF81, v9;
	v13 =	vmul.f32 v18, v13;
	v15 =	vmul.f32 $4.392862690e-02, v6  }
0xaf: {  	v17 =	vld [tilespmem:s20+$0x110];
	v9 =	vcvt.s32.f32 v9;
	v12 =	vadd.f32 $-2.794153690e+00, v12;
	v14 =	vadd.f32 $-4.094755950e-01, v14  }
0xb0: {  	v10 =	vcvt.s32.f32 v10;
	v16 =	vld [tilespmem:s20+$0x100];
	v13 =	vadd.f32 $-2.794153690e+00, v13;
	v15 =	vadd.f32 $-4.094755950e-01, v15  }
0xb1: {  	v2 =	vadd.f32 v11, v2;
	v9 =	vadd.f32 v9, v12;
	v11 =	vmul.f32 v4, v14  }
0xb2: {  	v5 =	vadd.f32 v8, v5;
	v8 =	vadd.f32 v10, v13;
	v10 =	vmul.f32 v6, v15  }
0xb3: {  	v2 =	vadd.f32 v9, v2;
	v9 =	vadd.f32 $1.610177520e+00, v11  }
0xb4: {  	v7 =	vshra.s32 v7, $0x17;
	v5 =	vadd.f32 v8, v5;
	v8 =	vadd.f32 $1.610177520e+00, v10  }
0xb5: {  	v11 =	vmax.f32 v17, $9.999999960e-13;
	v10 =	vmax.f32 v16, $9.999999960e-13;
	v9 =	vmul.f32 v4, v9  }
0xb6: {  	v13 =	vsub.f32 $1.000000000e+00, v11;
	v12 =	vsub.f32 $1.000000000e+00, v10;
	v14 =	vmul.f32 v6, v8  }
0xb7: {  	v7 =	vadd.s32 $0xFFFFFF81, v7;
	v10 =	vmul.f32 v11, v10;
	v9 =	vadd.f32 $-3.520218850e+00, v9  }
0xb8: {  	v7 =	vcvt.s32.f32 v7;
	v8 =	vmul.f32 v13, v12;
	v11 =	vadd.f32 $-3.520218850e+00, v14  }
0xb9: {  	v13 =	vshra.s32 v10, $0x17;
	v10 =	vand.u32 $0x7FFFFF, v10;
	v14 =	vmul.f32 v4, v9  }
0xba: {  	s30 =	simm.s32 $0x40;
	s20 =	simm.s32 $0x200;
	v9 =	vor.u32 $0x3F800000, v10;
	v10 =	vand.u32 $0x7FFFFF, v8;
	v16 =	vmul.f32 v6, v11  }
0xbb: {  	s21 =	sand.u32 $0x60, s30;
	s31 =	sand.u32 $0x1C00, s20;
	v12 =	vmul.f32 $4.392862690e-02, v9;
	v10 =	vor.u32 $0x3F800000, v10;
	v11 =	vadd.f32 $5.069756510e+00, v14  }
0xbc: {  	s22 =	sor.u32 s21, s31;
	s21 =	simm.s32 $0x60;
	v15 =	vadd.s32 $0xFFFFFF81, v13;
	v14 =	vmul.f32 $4.392862690e-02, v10;
	v13 =	vadd.f32 $5.069756510e+00, v16  }
.LBB2_7:
0xbd: {  	p0 =	sne.s32 s21, $0x3C0;
	v16 =	vld [tilespmem:s22+$0x100];
	v12 =	vadd.f32 $-4.094755950e-01, v12;
	v15 =	vcvt.s32.f32 v15;
	v11 =	vmul.f32 v4, v11;
	v4 =	vmovc v9  }
0xbe: {  	v17 =	vshra.s32 v3, $0x17;
	v3 =	vmovc v8;
	v9 =	vld [tilespmem:s22+$0x110];
	v14 =	vadd.f32 $-4.094755950e-01, v14;
	v13 =	vmul.f32 v6, v13;
	v6 =	vmovc v10  }
0xbf: {  	v8 =	vmul.f32 v4, v12;
	v10 =	vadd.f32 $-2.794153690e+00, v11;
	v11 =	vadd.s32 $0xFFFFFF81, v17  }
0xc0: {  	v12 =	vmul.f32 v6, v14;
	v13 =	vadd.f32 $-2.794153690e+00, v13;
	v11 =	vcvt.s32.f32 v11  }
0xc1: {  	v8 =	vadd.f32 $1.610177520e+00, v8;
	v10 =	vadd.f32 v7, v10;
	v7 =	vmov v15  }
0xc2: {  	v14 =	vmax.f32 v16, $9.999999960e-13;
	v12 =	vadd.f32 $1.610177520e+00, v12;
	v11 =	vadd.f32 v11, v13  }
0xc3: {  	v9 =	vmax.f32 v9, $9.999999960e-13;
	v13 =	vsub.f32 $1.000000000e+00, v14;
	v8 =	vmul.f32 v4, v8  }
0xc4: {  	v15 =	vsub.f32 $1.000000000e+00, v9;
	v12 =	vmul.f32 v6, v12;
	v5 =	vadd.f32 v11, v5  }
0xc5: {  	v2 =	vadd.f32 v10, v2;
	v9 =	vmul.f32 v9, v14;
	v11 =	vadd.f32 $-3.520218850e+00, v8  }
.Ltmp2:
0xc6: {  	v8 =	vmul.f32 v15, v13;
	v10 =	vadd.f32 $-3.520218850e+00, v12;
	(pc) =	sbr.rel @p0 .LBB2_7-.Ltmp2, $4  }
0xc7: {  	v13 =	vshra.s32 v9, $0x17;
	v9 =	vand.u32 $0x7FFFFF, v9;
	v11 =	vmul.f32 v4, v11  }
0xc8: {  	s20 =	sadd.s32 $0x100, s20;
	v9 =	vor.u32 $0x3F800000, v9;
	v14 =	vand.u32 $0x7FFFFF, v8;
	v16 =	vmul.f32 v6, v10  }
0xc9: {  	s22 =	sand.u32 $0x60, s21;
	s23 =	sand.u32 $0x1C00, s20;
	v12 =	vmul.f32 $4.392862690e-02, v9;
	v10 =	vor.u32 $0x3F800000, v14;
	v11 =	vadd.f32 $5.069756510e+00, v11  }
0xca: {  	s21 =	sadd.s32 $0x20, s21;
	s22 =	sor.u32 s22, s23;
	v15 =	vadd.s32 $0xFFFFFF81, v13;
	v14 =	vmul.f32 $4.392862690e-02, v10;
	v13 =	vadd.f32 $5.069756510e+00, v16  }
0xcb: {  	v16 =	vld [tilespmem:s22+$0x100]  }
0xcc: {  	v12 =	vadd.f32 $-4.094755950e-01, v12;
	v17 =	vld [tilespmem:s22+$0x110]  }
0xcd: {  	v15 =	vcvt.s32.f32 v15;
	v4 =	vmul.f32 v4, v11;
	v11 =	vadd.f32 $-4.094755950e-01, v14  }
0xce: {  	v3 =	vshra.s32 v3, $0x17;
	v6 =	vmul.f32 v6, v13;
	v12 =	vmul.f32 v9, v12  }
0xcf: {  	v3 =	vadd.s32 $0xFFFFFF81, v3;
	v4 =	vadd.f32 $-2.794153690e+00, v4;
	v11 =	vmul.f32 v10, v11  }
0xd0: {  	v3 =	vcvt.s32.f32 v3;
	v6 =	vadd.f32 $-2.794153690e+00, v6;
	v12 =	vadd.f32 $1.610177520e+00, v12  }
0xd1: {  	v13 =	vmax.f32 v16, $9.999999960e-13;
	v11 =	vadd.f32 $1.610177520e+00, v11;
	v14 =	vmax.f32 v17, $9.999999960e-13  }
0xd2: {  	v16 =	vsub.f32 $1.000000000e+00, v13;
	v12 =	vmul.f32 v9, v12;
	v17 =	vsub.f32 $1.000000000e+00, v14  }
0xd3: {  	v3 =	vadd.f32 v3, v6;
	v6 =	vmul.f32 v10, v11;
	v11 =	vmul.f32 v14, v13  }
0xd4: {  	v4 =	vadd.f32 v7, v4;
	v7 =	vadd.f32 $-3.520218850e+00, v12;
	v12 =	vmul.f32 v17, v16  }
0xd5: {  	v3 =	vadd.f32 v3, v5;
	v5 =	vadd.f32 $-3.520218850e+00, v6;
	v6 =	vand.u32 $0x7FFFFF, v11  }
0xd6: {  	v14 =	vld [tilespmem:$0x1D58];
	v7 =	vmul.f32 v9, v7;
	v6 =	vor.u32 $0x3F800000, v6;
	v13 =	vand.u32 $0x7FFFFF, v12  }
0xd7: {  	v5 =	vmul.f32 v10, v5;
	v16 =	vmul.f32 $4.392862690e-02, v6;
	v13 =	vor.u32 $0x3F800000, v13  }
0xd8: {  	v2 =	vadd.f32 v4, v2;
	v4 =	vadd.f32 $5.069756510e+00, v7;
	v7 =	vmul.f32 $4.392862690e-02, v13  }
0xd9: {  	v8 =	vshra.s32 v8, $0x17;
	v5 =	vadd.f32 $5.069756510e+00, v5;
	v16 =	vadd.f32 $-4.094755950e-01, v16  }
0xda: {  	v8 =	vadd.s32 $0xFFFFFF81, v8;
	v4 =	vmul.f32 v9, v4;
	v7 =	vadd.f32 $-4.094755950e-01, v7  }
0xdb: {  	v5 =	vmul.f32 v10, v5;
	v9 =	vmul.f32 v6, v16;
	v10 =	vmax.f32 v14, $9.999999960e-13  }
0xdc: {  	v8 =	vcvt.s32.f32 v8;
	v7 =	vmul.f32 v13, v7;
	v14 =	vsel vm0, $0x3F800000, v10  }
0xdd: {  	v10 =	vsub.f32 $1.000000000e+00, v10;
	v9 =	vadd.f32 $1.610177520e+00, v9;
	v16 =	vand.u32 $0x7FFFFF, v14  }
0xde: {  	v11 =	vshra.s32 v11, $0x17;
	v7 =	vadd.f32 $1.610177520e+00, v7;
	v16 =	vor.u32 $0x3F800000, v16  }
0xdf: {  	v10 =	vsel vm0, $0x3F800000, v10;
	v9 =	vmul.f32 v6, v9;
	v17 =	vmul.f32 $4.392862690e-02, v16  }
0xe0: {  	v5 =	vadd.f32 $-2.794153690e+00, v5;
	v18 =	vand.u32 $0x7FFFFF, v10;
	v7 =	vmul.f32 v13, v7  }
0xe1: {  	v18 =	vor.u32 $0x3F800000, v18;
	v9 =	vadd.f32 $-3.520218850e+00, v9;
	v17 =	vadd.f32 $-4.094755950e-01, v17  }
0xe2: {  	v5 =	vadd.f32 v8, v5;
	v8 =	vmul.f32 $4.392862690e-02, v18;
	v7 =	vadd.f32 $-3.520218850e+00, v7  }
0xe3: {  	s20 =	simm.s32 $0x0;
	v11 =	vadd.s32 $0xFFFFFF81, v11;
	v9 =	vmul.f32 v6, v9;
	v17 =	vmul.f32 v16, v17  }
0xe4: {  	s21 =	sand.u32 $0x60, s20;
	s20 =	sand.u32 $0x1C00, s20;
	v4 =	vadd.f32 $-2.794153690e+00, v4;
	v8 =	vadd.f32 $-4.094755950e-01, v8;
	v7 =	vmul.f32 v13, v7  }
0xe5: {  	s20 =	sor.u32 s21, s20;
	v11 =	vcvt.s32.f32 v11;
	v9 =	vadd.f32 $5.069756510e+00, v9;
	v17 =	vadd.f32 $1.610177520e+00, v17  }
0xe6: {  	v4 =	vadd.f32 v15, v4;
	v15 =	vld [tilespmem:s20+$0x180];
	v8 =	vmul.f32 v18, v8;
	v7 =	vadd.f32 $5.069756510e+00, v7  }
0xe7: {  	v5 =	vadd.f32 v5, v3;
	v3 =	vmul.f32 v6, v9;
	v6 =	vmul.f32 v16, v17;
	v9 =	vld [tilespmem:s20+$0x190]  }
0xe8: {  	v2 =	vadd.f32 v4, v2;
	v4 =	vmul.f32 v13, v7;
	v7 =	vadd.f32 $1.610177520e+00, v8  }
0xe9: {  	v8 =	vshra.s32 v12, $0x17;
	v3 =	vadd.f32 $-2.794153690e+00, v3;
	v6 =	vadd.f32 $-3.520218850e+00, v6  }
0xea: {  	v8 =	vadd.s32 $0xFFFFFF81, v8;
	v4 =	vadd.f32 $-2.794153690e+00, v4;
	v7 =	vmul.f32 v18, v7  }
0xeb: {  	v8 =	vcvt.s32.f32 v8;
	v11 =	vadd.f32 v11, v3;
	v3 =	vmul.f32 v16, v6  }
0xec: {  	v6 =	vadd.f32 $-3.520218850e+00, v7;
	v7 =	vmax.f32 v15, $9.999999960e-13;
	v9 =	vmax.f32 v9, $9.999999960e-13  }
0xed: {  	v12 =	vsub.f32 $1.000000000e+00, v7;
	v13 =	vsub.f32 $1.000000000e+00, v9  }
0xee: {  	v8 =	vadd.f32 v8, v4;
	v4 =	vadd.f32 $5.069756510e+00, v3;
	v7 =	vmul.f32 v9, v7  }
0xef: {  	v10 =	vshra.s32 v10, $0x17;
	v6 =	vmul.f32 v18, v6;
	v3 =	vmul.f32 v13, v12  }
0xf0: {  	v10 =	vadd.s32 $0xFFFFFF81, v10;
	v12 =	vmul.f32 v16, v4;
	v4 =	vand.u32 $0x7FFFFF, v7  }
0xf1: {  	s28 =	simm.s32 $0x20;
	s29 =	simm.s32 $0x100;
	v13 =	vadd.f32 $5.069756510e+00, v6;
	v4 =	vor.u32 $0x3F800000, v4;
	v6 =	vand.u32 $0x7FFFFF, v3  }
0xf2: {  	s21 =	sand.u32 $0x1C00, s29;
	s20 =	sand.u32 $0x60, s28;
	v9 =	vshra.s32 v14, $0x17;
	v14 =	vmul.f32 $4.392862690e-02, v4;
	v6 =	vor.u32 $0x3F800000, v6  }
0xf3: {  	s20 =	sor.u32 s20, s21;
	v9 =	vadd.s32 $0xFFFFFF81, v9;
	v13 =	vmul.f32 v18, v13;
	v15 =	vmul.f32 $4.392862690e-02, v6  }
0xf4: {  	v17 =	vld [tilespmem:s20+$0x190];
	v9 =	vcvt.s32.f32 v9;
	v12 =	vadd.f32 $-2.794153690e+00, v12;
	v14 =	vadd.f32 $-4.094755950e-01, v14  }
0xf5: {  	v10 =	vcvt.s32.f32 v10;
	v16 =	vld [tilespmem:s20+$0x180];
	v13 =	vadd.f32 $-2.794153690e+00, v13;
	v15 =	vadd.f32 $-4.094755950e-01, v15  }
0xf6: {  	v2 =	vadd.f32 v11, v2;
	v9 =	vadd.f32 v9, v12;
	v11 =	vmul.f32 v4, v14  }
0xf7: {  	v5 =	vadd.f32 v8, v5;
	v8 =	vadd.f32 v10, v13;
	v10 =	vmul.f32 v6, v15  }
0xf8: {  	v2 =	vadd.f32 v9, v2;
	v9 =	vadd.f32 $1.610177520e+00, v11  }
0xf9: {  	v7 =	vshra.s32 v7, $0x17;
	v5 =	vadd.f32 v8, v5;
	v8 =	vadd.f32 $1.610177520e+00, v10  }
0xfa: {  	v11 =	vmax.f32 v17, $9.999999960e-13;
	v10 =	vmax.f32 v16, $9.999999960e-13;
	v9 =	vmul.f32 v4, v9  }
0xfb: {  	v13 =	vsub.f32 $1.000000000e+00, v11;
	v12 =	vsub.f32 $1.000000000e+00, v10;
	v14 =	vmul.f32 v6, v8  }
0xfc: {  	v7 =	vadd.s32 $0xFFFFFF81, v7;
	v10 =	vmul.f32 v11, v10;
	v9 =	vadd.f32 $-3.520218850e+00, v9  }
0xfd: {  	v7 =	vcvt.s32.f32 v7;
	v8 =	vmul.f32 v13, v12;
	v11 =	vadd.f32 $-3.520218850e+00, v14  }
0xfe: {  	v13 =	vshra.s32 v10, $0x17;
	v10 =	vand.u32 $0x7FFFFF, v10;
	v14 =	vmul.f32 v4, v9  }
0xff: {  	s30 =	simm.s32 $0x40;
	s20 =	simm.s32 $0x200;
	v9 =	vor.u32 $0x3F800000, v10;
	v10 =	vand.u32 $0x7FFFFF, v8;
	v16 =	vmul.f32 v6, v11  }
0x100: {  	s21 =	sand.u32 $0x60, s30;
	s31 =	sand.u32 $0x1C00, s20;
	v12 =	vmul.f32 $4.392862690e-02, v9;
	v10 =	vor.u32 $0x3F800000, v10;
	v11 =	vadd.f32 $5.069756510e+00, v14  }
0x101: {  	s22 =	sor.u32 s21, s31;
	s21 =	simm.s32 $0x60;
	v15 =	vadd.s32 $0xFFFFFF81, v13;
	v14 =	vmul.f32 $4.392862690e-02, v10;
	v13 =	vadd.f32 $5.069756510e+00, v16  }
.LBB2_9:
0x102: {  	p0 =	sne.s32 s21, $0x3C0;
	v16 =	vld [tilespmem:s22+$0x180];
	v12 =	vadd.f32 $-4.094755950e-01, v12;
	v15 =	vcvt.s32.f32 v15;
	v11 =	vmul.f32 v4, v11;
	v4 =	vmovc v9  }
0x103: {  	v17 =	vshra.s32 v3, $0x17;
	v3 =	vmovc v8;
	v9 =	vld [tilespmem:s22+$0x190];
	v14 =	vadd.f32 $-4.094755950e-01, v14;
	v13 =	vmul.f32 v6, v13;
	v6 =	vmovc v10  }
0x104: {  	v8 =	vmul.f32 v4, v12;
	v10 =	vadd.f32 $-2.794153690e+00, v11;
	v11 =	vadd.s32 $0xFFFFFF81, v17  }
0x105: {  	v12 =	vmul.f32 v6, v14;
	v13 =	vadd.f32 $-2.794153690e+00, v13;
	v11 =	vcvt.s32.f32 v11  }
0x106: {  	v8 =	vadd.f32 $1.610177520e+00, v8;
	v10 =	vadd.f32 v7, v10;
	v7 =	vmov v15  }
0x107: {  	v14 =	vmax.f32 v16, $9.999999960e-13;
	v12 =	vadd.f32 $1.610177520e+00, v12;
	v11 =	vadd.f32 v11, v13  }
0x108: {  	v9 =	vmax.f32 v9, $9.999999960e-13;
	v13 =	vsub.f32 $1.000000000e+00, v14;
	v8 =	vmul.f32 v4, v8  }
0x109: {  	v15 =	vsub.f32 $1.000000000e+00, v9;
	v12 =	vmul.f32 v6, v12;
	v5 =	vadd.f32 v11, v5  }
0x10a: {  	v2 =	vadd.f32 v10, v2;
	v9 =	vmul.f32 v9, v14;
	v11 =	vadd.f32 $-3.520218850e+00, v8  }
.Ltmp3:
0x10b: {  	v8 =	vmul.f32 v15, v13;
	v10 =	vadd.f32 $-3.520218850e+00, v12;
	(pc) =	sbr.rel @p0 .LBB2_9-.Ltmp3, $4  }
0x10c: {  	v13 =	vshra.s32 v9, $0x17;
	v9 =	vand.u32 $0x7FFFFF, v9;
	v11 =	vmul.f32 v4, v11  }
0x10d: {  	s20 =	sadd.s32 $0x100, s20;
	v9 =	vor.u32 $0x3F800000, v9;
	v14 =	vand.u32 $0x7FFFFF, v8;
	v16 =	vmul.f32 v6, v10  }
0x10e: {  	s22 =	sand.u32 $0x60, s21;
	s23 =	sand.u32 $0x1C00, s20;
	v12 =	vmul.f32 $4.392862690e-02, v9;
	v10 =	vor.u32 $0x3F800000, v14;
	v11 =	vadd.f32 $5.069756510e+00, v11  }
0x10f: {  	s21 =	sadd.s32 $0x20, s21;
	s22 =	sor.u32 s22, s23;
	v15 =	vadd.s32 $0xFFFFFF81, v13;
	v14 =	vmul.f32 $4.392862690e-02, v10;
	v13 =	vadd.f32 $5.069756510e+00, v16  }
0x110: {  	v16 =	vld [tilespmem:s22+$0x180]  }
0x111: {  	v12 =	vadd.f32 $-4.094755950e-01, v12;
	v17 =	vld [tilespmem:s22+$0x190]  }
0x112: {  	v15 =	vcvt.s32.f32 v15;
	v4 =	vmul.f32 v4, v11;
	v11 =	vadd.f32 $-4.094755950e-01, v14  }
0x113: {  	v3 =	vshra.s32 v3, $0x17;
	v6 =	vmul.f32 v6, v13;
	v12 =	vmul.f32 v9, v12  }
0x114: {  	v3 =	vadd.s32 $0xFFFFFF81, v3;
	v4 =	vadd.f32 $-2.794153690e+00, v4;
	v11 =	vmul.f32 v10, v11  }
0x115: {  	v3 =	vcvt.s32.f32 v3;
	v6 =	vadd.f32 $-2.794153690e+00, v6;
	v12 =	vadd.f32 $1.610177520e+00, v12  }
0x116: {  	v13 =	vmax.f32 v16, $9.999999960e-13;
	v11 =	vadd.f32 $1.610177520e+00, v11;
	v14 =	vmax.f32 v17, $9.999999960e-13  }
0x117: {  	v16 =	vsub.f32 $1.000000000e+00, v13;
	v12 =	vmul.f32 v9, v12;
	v17 =	vsub.f32 $1.000000000e+00, v14  }
0x118: {  	v3 =	vadd.f32 v3, v6;
	v6 =	vmul.f32 v10, v11;
	v11 =	vmul.f32 v14, v13  }
0x119: {  	v4 =	vadd.f32 v7, v4;
	v7 =	vadd.f32 $-3.520218850e+00, v12;
	v12 =	vmul.f32 v17, v16  }
0x11a: {  	v3 =	vadd.f32 v3, v5;
	v5 =	vadd.f32 $-3.520218850e+00, v6;
	v6 =	vand.u32 $0x7FFFFF, v11  }
0x11b: {  	v14 =	vld [tilespmem:$0x1DD8];
	v7 =	vmul.f32 v9, v7;
	v6 =	vor.u32 $0x3F800000, v6;
	v13 =	vand.u32 $0x7FFFFF, v12  }
0x11c: {  	v5 =	vmul.f32 v10, v5;
	v16 =	vmul.f32 $4.392862690e-02, v6;
	v13 =	vor.u32 $0x3F800000, v13  }
0x11d: {  	v2 =	vadd.f32 v4, v2;
	v4 =	vadd.f32 $5.069756510e+00, v7;
	v7 =	vmul.f32 $4.392862690e-02, v13  }
0x11e: {  	v8 =	vshra.s32 v8, $0x17;
	v5 =	vadd.f32 $5.069756510e+00, v5;
	v16 =	vadd.f32 $-4.094755950e-01, v16  }
0x11f: {  	v8 =	vadd.s32 $0xFFFFFF81, v8;
	v4 =	vmul.f32 v9, v4;
	v7 =	vadd.f32 $-4.094755950e-01, v7  }
0x120: {  	v5 =	vmul.f32 v10, v5;
	v9 =	vmul.f32 v6, v16;
	v10 =	vmax.f32 v14, $9.999999960e-13  }
0x121: {  	v8 =	vcvt.s32.f32 v8;
	v7 =	vmul.f32 v13, v7;
	v14 =	vsel vm0, $0x3F800000, v10  }
0x122: {  	v10 =	vsub.f32 $1.000000000e+00, v10;
	v9 =	vadd.f32 $1.610177520e+00, v9;
	v16 =	vand.u32 $0x7FFFFF, v14  }
0x123: {  	v11 =	vshra.s32 v11, $0x17;
	v7 =	vadd.f32 $1.610177520e+00, v7;
	v16 =	vor.u32 $0x3F800000, v16  }
0x124: {  	v10 =	vsel vm0, $0x3F800000, v10;
	v9 =	vmul.f32 v6, v9;
	v17 =	vmul.f32 $4.392862690e-02, v16  }
0x125: {  	v5 =	vadd.f32 $-2.794153690e+00, v5;
	v18 =	vand.u32 $0x7FFFFF, v10;
	v7 =	vmul.f32 v13, v7  }
0x126: {  	v18 =	vor.u32 $0x3F800000, v18;
	v9 =	vadd.f32 $-3.520218850e+00, v9;
	v17 =	vadd.f32 $-4.094755950e-01, v17  }
0x127: {  	v5 =	vadd.f32 v8, v5;
	v8 =	vmul.f32 $4.392862690e-02, v18;
	v7 =	vadd.f32 $-3.520218850e+00, v7  }
0x128: {  	s20 =	simm.s32 $0x0;
	v11 =	vadd.s32 $0xFFFFFF81, v11;
	v9 =	vmul.f32 v6, v9;
	v17 =	vmul.f32 v16, v17  }
0x129: {  	s21 =	sand.u32 $0x60, s20;
	s20 =	sand.u32 $0x1C00, s20;
	v4 =	vadd.f32 $-2.794153690e+00, v4;
	v8 =	vadd.f32 $-4.094755950e-01, v8;
	v7 =	vmul.f32 v13, v7  }
0x12a: {  	s20 =	sor.u32 s21, s20;
	v11 =	vcvt.s32.f32 v11;
	v9 =	vadd.f32 $5.069756510e+00, v9;
	v17 =	vadd.f32 $1.610177520e+00, v17  }
0x12b: {  	v4 =	vadd.f32 v15, v4;
	v15 =	vld [tilespmem:s20+$0x200];
	v8 =	vmul.f32 v18, v8;
	v7 =	vadd.f32 $5.069756510e+00, v7  }
0x12c: {  	v5 =	vadd.f32 v5, v3;
	v3 =	vmul.f32 v6, v9;
	v6 =	vmul.f32 v16, v17;
	v9 =	vld [tilespmem:s20+$0x210]  }
0x12d: {  	v2 =	vadd.f32 v4, v2;
	v4 =	vmul.f32 v13, v7;
	v7 =	vadd.f32 $1.610177520e+00, v8  }
0x12e: {  	v8 =	vshra.s32 v12, $0x17;
	v3 =	vadd.f32 $-2.794153690e+00, v3;
	v6 =	vadd.f32 $-3.520218850e+00, v6  }
0x12f: {  	v8 =	vadd.s32 $0xFFFFFF81, v8;
	v4 =	vadd.f32 $-2.794153690e+00, v4;
	v7 =	vmul.f32 v18, v7  }
0x130: {  	v8 =	vcvt.s32.f32 v8;
	v11 =	vadd.f32 v11, v3;
	v3 =	vmul.f32 v16, v6  }
0x131: {  	v6 =	vadd.f32 $-3.520218850e+00, v7;
	v7 =	vmax.f32 v15, $9.999999960e-13;
	v9 =	vmax.f32 v9, $9.999999960e-13  }
0x132: {  	v12 =	vsub.f32 $1.000000000e+00, v7;
	v13 =	vsub.f32 $1.000000000e+00, v9  }
0x133: {  	v8 =	vadd.f32 v8, v4;
	v4 =	vadd.f32 $5.069756510e+00, v3;
	v7 =	vmul.f32 v9, v7  }
0x134: {  	v10 =	vshra.s32 v10, $0x17;
	v6 =	vmul.f32 v18, v6;
	v3 =	vmul.f32 v13, v12  }
0x135: {  	v10 =	vadd.s32 $0xFFFFFF81, v10;
	v12 =	vmul.f32 v16, v4;
	v4 =	vand.u32 $0x7FFFFF, v7  }
0x136: {  	s28 =	simm.s32 $0x20;
	s29 =	simm.s32 $0x100;
	v13 =	vadd.f32 $5.069756510e+00, v6;
	v4 =	vor.u32 $0x3F800000, v4;
	v6 =	vand.u32 $0x7FFFFF, v3  }
0x137: {  	s21 =	sand.u32 $0x1C00, s29;
	s20 =	sand.u32 $0x60, s28;
	v9 =	vshra.s32 v14, $0x17;
	v14 =	vmul.f32 $4.392862690e-02, v4;
	v6 =	vor.u32 $0x3F800000, v6  }
0x138: {  	s20 =	sor.u32 s20, s21;
	v9 =	vadd.s32 $0xFFFFFF81, v9;
	v13 =	vmul.f32 v18, v13;
	v15 =	vmul.f32 $4.392862690e-02, v6  }
0x139: {  	v17 =	vld [tilespmem:s20+$0x210];
	v9 =	vcvt.s32.f32 v9;
	v12 =	vadd.f32 $-2.794153690e+00, v12;
	v14 =	vadd.f32 $-4.094755950e-01, v14  }
0x13a: {  	v10 =	vcvt.s32.f32 v10;
	v16 =	vld [tilespmem:s20+$0x200];
	v13 =	vadd.f32 $-2.794153690e+00, v13;
	v15 =	vadd.f32 $-4.094755950e-01, v15  }
0x13b: {  	v2 =	vadd.f32 v11, v2;
	v9 =	vadd.f32 v9, v12;
	v11 =	vmul.f32 v4, v14  }
0x13c: {  	v5 =	vadd.f32 v8, v5;
	v8 =	vadd.f32 v10, v13;
	v10 =	vmul.f32 v6, v15  }
0x13d: {  	v2 =	vadd.f32 v9, v2;
	v9 =	vadd.f32 $1.610177520e+00, v11  }
0x13e: {  	v7 =	vshra.s32 v7, $0x17;
	v5 =	vadd.f32 v8, v5;
	v8 =	vadd.f32 $1.610177520e+00, v10  }
0x13f: {  	v11 =	vmax.f32 v17, $9.999999960e-13;
	v10 =	vmax.f32 v16, $9.999999960e-13;
	v9 =	vmul.f32 v4, v9  }
0x140: {  	v13 =	vsub.f32 $1.000000000e+00, v11;
	v12 =	vsub.f32 $1.000000000e+00, v10;
	v14 =	vmul.f32 v6, v8  }
0x141: {  	v7 =	vadd.s32 $0xFFFFFF81, v7;
	v10 =	vmul.f32 v11, v10;
	v9 =	vadd.f32 $-3.520218850e+00, v9  }
0x142: {  	v7 =	vcvt.s32.f32 v7;
	v8 =	vmul.f32 v13, v12;
	v11 =	vadd.f32 $-3.520218850e+00, v14  }
0x143: {  	v13 =	vshra.s32 v10, $0x17;
	v10 =	vand.u32 $0x7FFFFF, v10;
	v14 =	vmul.f32 v4, v9  }
0x144: {  	s30 =	simm.s32 $0x40;
	s20 =	simm.s32 $0x200;
	v9 =	vor.u32 $0x3F800000, v10;
	v10 =	vand.u32 $0x7FFFFF, v8;
	v16 =	vmul.f32 v6, v11  }
0x145: {  	s21 =	sand.u32 $0x60, s30;
	s31 =	sand.u32 $0x1C00, s20;
	v12 =	vmul.f32 $4.392862690e-02, v9;
	v10 =	vor.u32 $0x3F800000, v10;
	v11 =	vadd.f32 $5.069756510e+00, v14  }
0x146: {  	s22 =	sor.u32 s21, s31;
	s21 =	simm.s32 $0x60;
	v15 =	vadd.s32 $0xFFFFFF81, v13;
	v14 =	vmul.f32 $4.392862690e-02, v10;
	v13 =	vadd.f32 $5.069756510e+00, v16  }
.LBB2_11:
0x147: {  	p0 =	sne.s32 s21, $0x3C0;
	v16 =	vld [tilespmem:s22+$0x200];
	v12 =	vadd.f32 $-4.094755950e-01, v12;
	v15 =	vcvt.s32.f32 v15;
	v11 =	vmul.f32 v4, v11;
	v4 =	vmovc v9  }
0x148: {  	v17 =	vshra.s32 v3, $0x17;
	v3 =	vmovc v8;
	v9 =	vld [tilespmem:s22+$0x210];
	v14 =	vadd.f32 $-4.094755950e-01, v14;
	v13 =	vmul.f32 v6, v13;
	v6 =	vmovc v10  }
0x149: {  	v8 =	vmul.f32 v4, v12;
	v10 =	vadd.f32 $-2.794153690e+00, v11;
	v11 =	vadd.s32 $0xFFFFFF81, v17  }
0x14a: {  	v12 =	vmul.f32 v6, v14;
	v13 =	vadd.f32 $-2.794153690e+00, v13;
	v11 =	vcvt.s32.f32 v11  }
0x14b: {  	v8 =	vadd.f32 $1.610177520e+00, v8;
	v10 =	vadd.f32 v7, v10;
	v7 =	vmov v15  }
0x14c: {  	v14 =	vmax.f32 v16, $9.999999960e-13;
	v12 =	vadd.f32 $1.610177520e+00, v12;
	v11 =	vadd.f32 v11, v13  }
0x14d: {  	v9 =	vmax.f32 v9, $9.999999960e-13;
	v13 =	vsub.f32 $1.000000000e+00, v14;
	v8 =	vmul.f32 v4, v8  }
0x14e: {  	v15 =	vsub.f32 $1.000000000e+00, v9;
	v12 =	vmul.f32 v6, v12;
	v5 =	vadd.f32 v11, v5  }
0x14f: {  	v2 =	vadd.f32 v10, v2;
	v9 =	vmul.f32 v9, v14;
	v11 =	vadd.f32 $-3.520218850e+00, v8  }
.Ltmp4:
0x150: {  	v8 =	vmul.f32 v15, v13;
	v10 =	vadd.f32 $-3.520218850e+00, v12;
	(pc) =	sbr.rel @p0 .LBB2_11-.Ltmp4, $4  }
0x151: {  	v13 =	vshra.s32 v9, $0x17;
	v9 =	vand.u32 $0x7FFFFF, v9;
	v11 =	vmul.f32 v4, v11  }
0x152: {  	s20 =	sadd.s32 $0x100, s20;
	v9 =	vor.u32 $0x3F800000, v9;
	v14 =	vand.u32 $0x7FFFFF, v8;
	v16 =	vmul.f32 v6, v10  }
0x153: {  	s22 =	sand.u32 $0x60, s21;
	s23 =	sand.u32 $0x1C00, s20;
	v12 =	vmul.f32 $4.392862690e-02, v9;
	v10 =	vor.u32 $0x3F800000, v14;
	v11 =	vadd.f32 $5.069756510e+00, v11  }
0x154: {  	s21 =	sadd.s32 $0x20, s21;
	s22 =	sor.u32 s22, s23;
	v15 =	vadd.s32 $0xFFFFFF81, v13;
	v14 =	vmul.f32 $4.392862690e-02, v10;
	v13 =	vadd.f32 $5.069756510e+00, v16  }
0x155: {  	v16 =	vld [tilespmem:s22+$0x200]  }
0x156: {  	v12 =	vadd.f32 $-4.094755950e-01, v12;
	v17 =	vld [tilespmem:s22+$0x210]  }
0x157: {  	v15 =	vcvt.s32.f32 v15;
	v4 =	vmul.f32 v4, v11;
	v11 =	vadd.f32 $-4.094755950e-01, v14  }
0x158: {  	v3 =	vshra.s32 v3, $0x17;
	v6 =	vmul.f32 v6, v13;
	v12 =	vmul.f32 v9, v12  }
0x159: {  	v3 =	vadd.s32 $0xFFFFFF81, v3;
	v4 =	vadd.f32 $-2.794153690e+00, v4;
	v11 =	vmul.f32 v10, v11  }
0x15a: {  	v3 =	vcvt.s32.f32 v3;
	v6 =	vadd.f32 $-2.794153690e+00, v6;
	v12 =	vadd.f32 $1.610177520e+00, v12  }
0x15b: {  	v13 =	vmax.f32 v16, $9.999999960e-13;
	v11 =	vadd.f32 $1.610177520e+00, v11;
	v14 =	vmax.f32 v17, $9.999999960e-13  }
0x15c: {  	v16 =	vsub.f32 $1.000000000e+00, v13;
	v12 =	vmul.f32 v9, v12;
	v17 =	vsub.f32 $1.000000000e+00, v14  }
0x15d: {  	v3 =	vadd.f32 v3, v6;
	v6 =	vmul.f32 v10, v11;
	v11 =	vmul.f32 v14, v13  }
0x15e: {  	v4 =	vadd.f32 v7, v4;
	v7 =	vadd.f32 $-3.520218850e+00, v12;
	v12 =	vmul.f32 v17, v16  }
0x15f: {  	v3 =	vadd.f32 v3, v5;
	v5 =	vadd.f32 $-3.520218850e+00, v6;
	v6 =	vand.u32 $0x7FFFFF, v11  }
0x160: {  	v14 =	vld [tilespmem:$0x1E58];
	v7 =	vmul.f32 v9, v7;
	v6 =	vor.u32 $0x3F800000, v6;
	v13 =	vand.u32 $0x7FFFFF, v12  }
0x161: {  	v5 =	vmul.f32 v10, v5;
	v16 =	vmul.f32 $4.392862690e-02, v6;
	v13 =	vor.u32 $0x3F800000, v13  }
0x162: {  	v2 =	vadd.f32 v4, v2;
	v4 =	vadd.f32 $5.069756510e+00, v7;
	v7 =	vmul.f32 $4.392862690e-02, v13  }
0x163: {  	v8 =	vshra.s32 v8, $0x17;
	v5 =	vadd.f32 $5.069756510e+00, v5;
	v16 =	vadd.f32 $-4.094755950e-01, v16  }
0x164: {  	v8 =	vadd.s32 $0xFFFFFF81, v8;
	v4 =	vmul.f32 v9, v4;
	v7 =	vadd.f32 $-4.094755950e-01, v7  }
0x165: {  	v5 =	vmul.f32 v10, v5;
	v9 =	vmul.f32 v6, v16;
	v10 =	vmax.f32 v14, $9.999999960e-13  }
0x166: {  	v8 =	vcvt.s32.f32 v8;
	v7 =	vmul.f32 v13, v7;
	v14 =	vsel vm0, $0x3F800000, v10  }
0x167: {  	v10 =	vsub.f32 $1.000000000e+00, v10;
	v9 =	vadd.f32 $1.610177520e+00, v9;
	v16 =	vand.u32 $0x7FFFFF, v14  }
0x168: {  	v11 =	vshra.s32 v11, $0x17;
	v7 =	vadd.f32 $1.610177520e+00, v7;
	v16 =	vor.u32 $0x3F800000, v16  }
0x169: {  	v10 =	vsel vm0, $0x3F800000, v10;
	v9 =	vmul.f32 v6, v9;
	v17 =	vmul.f32 $4.392862690e-02, v16  }
0x16a: {  	v5 =	vadd.f32 $-2.794153690e+00, v5;
	v18 =	vand.u32 $0x7FFFFF, v10;
	v7 =	vmul.f32 v13, v7  }
0x16b: {  	v18 =	vor.u32 $0x3F800000, v18;
	v9 =	vadd.f32 $-3.520218850e+00, v9;
	v17 =	vadd.f32 $-4.094755950e-01, v17  }
0x16c: {  	v5 =	vadd.f32 v8, v5;
	v8 =	vmul.f32 $4.392862690e-02, v18;
	v7 =	vadd.f32 $-3.520218850e+00, v7  }
0x16d: {  	s20 =	simm.s32 $0x0;
	v11 =	vadd.s32 $0xFFFFFF81, v11;
	v9 =	vmul.f32 v6, v9;
	v17 =	vmul.f32 v16, v17  }
0x16e: {  	s21 =	sand.u32 $0x60, s20;
	s20 =	sand.u32 $0x1C00, s20;
	v4 =	vadd.f32 $-2.794153690e+00, v4;
	v8 =	vadd.f32 $-4.094755950e-01, v8;
	v7 =	vmul.f32 v13, v7  }
0x16f: {  	s20 =	sor.u32 s21, s20;
	v11 =	vcvt.s32.f32 v11;
	v9 =	vadd.f32 $5.069756510e+00, v9;
	v17 =	vadd.f32 $1.610177520e+00, v17  }
0x170: {  	v4 =	vadd.f32 v15, v4;
	v15 =	vld [tilespmem:s20+$0x280];
	v8 =	vmul.f32 v18, v8;
	v7 =	vadd.f32 $5.069756510e+00, v7  }
0x171: {  	v5 =	vadd.f32 v5, v3;
	v3 =	vmul.f32 v6, v9;
	v6 =	vmul.f32 v16, v17;
	v9 =	vld [tilespmem:s20+$0x290]  }
0x172: {  	v2 =	vadd.f32 v4, v2;
	v4 =	vmul.f32 v13, v7;
	v7 =	vadd.f32 $1.610177520e+00, v8  }
0x173: {  	v8 =	vshra.s32 v12, $0x17;
	v3 =	vadd.f32 $-2.794153690e+00, v3;
	v6 =	vadd.f32 $-3.520218850e+00, v6  }
0x174: {  	v8 =	vadd.s32 $0xFFFFFF81, v8;
	v4 =	vadd.f32 $-2.794153690e+00, v4;
	v7 =	vmul.f32 v18, v7  }
0x175: {  	v8 =	vcvt.s32.f32 v8;
	v11 =	vadd.f32 v11, v3;
	v3 =	vmul.f32 v16, v6  }
0x176: {  	v6 =	vadd.f32 $-3.520218850e+00, v7;
	v7 =	vmax.f32 v15, $9.999999960e-13;
	v9 =	vmax.f32 v9, $9.999999960e-13  }
0x177: {  	v12 =	vsub.f32 $1.000000000e+00, v7;
	v13 =	vsub.f32 $1.000000000e+00, v9  }
0x178: {  	v8 =	vadd.f32 v8, v4;
	v4 =	vadd.f32 $5.069756510e+00, v3;
	v7 =	vmul.f32 v9, v7  }
0x179: {  	v10 =	vshra.s32 v10, $0x17;
	v6 =	vmul.f32 v18, v6;
	v3 =	vmul.f32 v13, v12  }
0x17a: {  	v10 =	vadd.s32 $0xFFFFFF81, v10;
	v12 =	vmul.f32 v16, v4;
	v4 =	vand.u32 $0x7FFFFF, v7  }
0x17b: {  	s28 =	simm.s32 $0x20;
	s29 =	simm.s32 $0x100;
	v13 =	vadd.f32 $5.069756510e+00, v6;
	v4 =	vor.u32 $0x3F800000, v4;
	v6 =	vand.u32 $0x7FFFFF, v3  }
0x17c: {  	s21 =	sand.u32 $0x1C00, s29;
	s20 =	sand.u32 $0x60, s28;
	v9 =	vshra.s32 v14, $0x17;
	v14 =	vmul.f32 $4.392862690e-02, v4;
	v6 =	vor.u32 $0x3F800000, v6  }
0x17d: {  	s20 =	sor.u32 s20, s21;
	v9 =	vadd.s32 $0xFFFFFF81, v9;
	v13 =	vmul.f32 v18, v13;
	v15 =	vmul.f32 $4.392862690e-02, v6  }
0x17e: {  	v17 =	vld [tilespmem:s20+$0x290];
	v9 =	vcvt.s32.f32 v9;
	v12 =	vadd.f32 $-2.794153690e+00, v12;
	v14 =	vadd.f32 $-4.094755950e-01, v14  }
0x17f: {  	v10 =	vcvt.s32.f32 v10;
	v16 =	vld [tilespmem:s20+$0x280];
	v13 =	vadd.f32 $-2.794153690e+00, v13;
	v15 =	vadd.f32 $-4.094755950e-01, v15  }
0x180: {  	v2 =	vadd.f32 v11, v2;
	v9 =	vadd.f32 v9, v12;
	v11 =	vmul.f32 v4, v14  }
0x181: {  	v5 =	vadd.f32 v8, v5;
	v8 =	vadd.f32 v10, v13;
	v10 =	vmul.f32 v6, v15  }
0x182: {  	v2 =	vadd.f32 v9, v2;
	v9 =	vadd.f32 $1.610177520e+00, v11  }
0x183: {  	v7 =	vshra.s32 v7, $0x17;
	v5 =	vadd.f32 v8, v5;
	v8 =	vadd.f32 $1.610177520e+00, v10  }
0x184: {  	v11 =	vmax.f32 v17, $9.999999960e-13;
	v10 =	vmax.f32 v16, $9.999999960e-13;
	v9 =	vmul.f32 v4, v9  }
0x185: {  	v13 =	vsub.f32 $1.000000000e+00, v11;
	v12 =	vsub.f32 $1.000000000e+00, v10;
	v14 =	vmul.f32 v6, v8  }
0x186: {  	v7 =	vadd.s32 $0xFFFFFF81, v7;
	v10 =	vmul.f32 v11, v10;
	v9 =	vadd.f32 $-3.520218850e+00, v9  }
0x187: {  	v7 =	vcvt.s32.f32 v7;
	v8 =	vmul.f32 v13, v12;
	v11 =	vadd.f32 $-3.520218850e+00, v14  }
0x188: {  	v13 =	vshra.s32 v10, $0x17;
	v10 =	vand.u32 $0x7FFFFF, v10;
	v14 =	vmul.f32 v4, v9  }
0x189: {  	s30 =	simm.s32 $0x40;
	s20 =	simm.s32 $0x200;
	v9 =	vor.u32 $0x3F800000, v10;
	v10 =	vand.u32 $0x7FFFFF, v8;
	v16 =	vmul.f32 v6, v11  }
0x18a: {  	s21 =	sand.u32 $0x60, s30;
	s31 =	sand.u32 $0x1C00, s20;
	v12 =	vmul.f32 $4.392862690e-02, v9;
	v10 =	vor.u32 $0x3F800000, v10;
	v11 =	vadd.f32 $5.069756510e+00, v14  }
0x18b: {  	s22 =	sor.u32 s21, s31;
	s21 =	simm.s32 $0x60;
	v15 =	vadd.s32 $0xFFFFFF81, v13;
	v14 =	vmul.f32 $4.392862690e-02, v10;
	v13 =	vadd.f32 $5.069756510e+00, v16  }
.LBB2_13:
0x18c: {  	p0 =	sne.s32 s21, $0x3C0;
	v16 =	vld [tilespmem:s22+$0x280];
	v12 =	vadd.f32 $-4.094755950e-01, v12;
	v15 =	vcvt.s32.f32 v15;
	v11 =	vmul.f32 v4, v11;
	v4 =	vmovc v9  }
0x18d: {  	v17 =	vshra.s32 v3, $0x17;
	v3 =	vmovc v8;
	v9 =	vld [tilespmem:s22+$0x290];
	v14 =	vadd.f32 $-4.094755950e-01, v14;
	v13 =	vmul.f32 v6, v13;
	v6 =	vmovc v10  }
0x18e: {  	v8 =	vmul.f32 v4, v12;
	v10 =	vadd.f32 $-2.794153690e+00, v11;
	v11 =	vadd.s32 $0xFFFFFF81, v17  }
0x18f: {  	v12 =	vmul.f32 v6, v14;
	v13 =	vadd.f32 $-2.794153690e+00, v13;
	v11 =	vcvt.s32.f32 v11  }
0x190: {  	v8 =	vadd.f32 $1.610177520e+00, v8;
	v10 =	vadd.f32 v7, v10;
	v7 =	vmov v15  }
0x191: {  	v14 =	vmax.f32 v16, $9.999999960e-13;
	v12 =	vadd.f32 $1.610177520e+00, v12;
	v11 =	vadd.f32 v11, v13  }
0x192: {  	v9 =	vmax.f32 v9, $9.999999960e-13;
	v13 =	vsub.f32 $1.000000000e+00, v14;
	v8 =	vmul.f32 v4, v8  }
0x193: {  	v15 =	vsub.f32 $1.000000000e+00, v9;
	v12 =	vmul.f32 v6, v12;
	v5 =	vadd.f32 v11, v5  }
0x194: {  	v2 =	vadd.f32 v10, v2;
	v9 =	vmul.f32 v9, v14;
	v11 =	vadd.f32 $-3.520218850e+00, v8  }
.Ltmp5:
0x195: {  	v8 =	vmul.f32 v15, v13;
	v10 =	vadd.f32 $-3.520218850e+00, v12;
	(pc) =	sbr.rel @p0 .LBB2_13-.Ltmp5, $4  }
0x196: {  	v13 =	vshra.s32 v9, $0x17;
	v9 =	vand.u32 $0x7FFFFF, v9;
	v11 =	vmul.f32 v4, v11  }
0x197: {  	s20 =	sadd.s32 $0x100, s20;
	v9 =	vor.u32 $0x3F800000, v9;
	v14 =	vand.u32 $0x7FFFFF, v8;
	v16 =	vmul.f32 v6, v10  }
0x198: {  	s22 =	sand.u32 $0x60, s21;
	s23 =	sand.u32 $0x1C00, s20;
	v12 =	vmul.f32 $4.392862690e-02, v9;
	v10 =	vor.u32 $0x3F800000, v14;
	v11 =	vadd.f32 $5.069756510e+00, v11  }
0x199: {  	s21 =	sadd.s32 $0x20, s21;
	s22 =	sor.u32 s22, s23;
	v15 =	vadd.s32 $0xFFFFFF81, v13;
	v14 =	vmul.f32 $4.392862690e-02, v10;
	v13 =	vadd.f32 $5.069756510e+00, v16  }
0x19a: {  	v16 =	vld [tilespmem:s22+$0x280]  }
0x19b: {  	v12 =	vadd.f32 $-4.094755950e-01, v12;
	v17 =	vld [tilespmem:s22+$0x290]  }
0x19c: {  	v15 =	vcvt.s32.f32 v15;
	v4 =	vmul.f32 v4, v11;
	v11 =	vadd.f32 $-4.094755950e-01, v14  }
0x19d: {  	v3 =	vshra.s32 v3, $0x17;
	v6 =	vmul.f32 v6, v13;
	v12 =	vmul.f32 v9, v12  }
0x19e: {  	v3 =	vadd.s32 $0xFFFFFF81, v3;
	v4 =	vadd.f32 $-2.794153690e+00, v4;
	v11 =	vmul.f32 v10, v11  }
0x19f: {  	v3 =	vcvt.s32.f32 v3;
	v6 =	vadd.f32 $-2.794153690e+00, v6;
	v12 =	vadd.f32 $1.610177520e+00, v12  }
0x1a0: {  	v13 =	vmax.f32 v16, $9.999999960e-13;
	v11 =	vadd.f32 $1.610177520e+00, v11;
	v14 =	vmax.f32 v17, $9.999999960e-13  }
0x1a1: {  	v16 =	vsub.f32 $1.000000000e+00, v13;
	v12 =	vmul.f32 v9, v12;
	v17 =	vsub.f32 $1.000000000e+00, v14  }
0x1a2: {  	v3 =	vadd.f32 v3, v6;
	v6 =	vmul.f32 v10, v11;
	v11 =	vmul.f32 v14, v13  }
0x1a3: {  	v4 =	vadd.f32 v7, v4;
	v7 =	vadd.f32 $-3.520218850e+00, v12;
	v12 =	vmul.f32 v17, v16  }
0x1a4: {  	v3 =	vadd.f32 v3, v5;
	v5 =	vadd.f32 $-3.520218850e+00, v6;
	v6 =	vand.u32 $0x7FFFFF, v11  }
0x1a5: {  	v14 =	vld [tilespmem:$0x1ED8];
	v7 =	vmul.f32 v9, v7;
	v6 =	vor.u32 $0x3F800000, v6;
	v13 =	vand.u32 $0x7FFFFF, v12  }
0x1a6: {  	v5 =	vmul.f32 v10, v5;
	v60 =	vmul.f32 $4.392862690e-02, v6;
	v13 =	vor.u32 $0x3F800000, v13  }
0x1a7: {  	v2 =	vadd.f32 v4, v2;
	v4 =	vadd.f32 $5.069756510e+00, v7;
	v7 =	vmul.f32 $4.392862690e-02, v13  }
0x1a8: {  	v8 =	vshra.s32 v8, $0x17;
	v5 =	vadd.f32 $5.069756510e+00, v5;
	v16 =	vadd.f32 $-4.094755950e-01, v60  }
0x1a9: {  	v8 =	vadd.s32 $0xFFFFFF81, v8;
	v4 =	vmul.f32 v9, v4;
	v7 =	vadd.f32 $-4.094755950e-01, v7  }
0x1aa: {  	v5 =	vmul.f32 v10, v5;
	v9 =	vmul.f32 v6, v16;
	v10 =	vmax.f32 v14, $9.999999960e-13  }
0x1ab: {  	v8 =	vcvt.s32.f32 v8;
	v7 =	vmul.f32 v13, v7;
	v14 =	vsel vm0, $0x3F800000, v10  }
0x1ac: {  	v10 =	vsub.f32 $1.000000000e+00, v10;
	v9 =	vadd.f32 $1.610177520e+00, v9;
	v61 =	vand.u32 $0x7FFFFF, v14  }
0x1ad: {  	v11 =	vshra.s32 v11, $0x17;
	v7 =	vadd.f32 $1.610177520e+00, v7;
	v16 =	vor.u32 $0x3F800000, v61  }
0x1ae: {  	v10 =	vsel vm0, $0x3F800000, v10;
	v9 =	vmul.f32 v6, v9;
	v62 =	vmul.f32 $4.392862690e-02, v16  }
0x1af: {  	v5 =	vadd.f32 $-2.794153690e+00, v5;
	v18 =	vand.u32 $0x7FFFFF, v10;
	v7 =	vmul.f32 v13, v7  }
0x1b0: {  	s20 =	simm.s32 $0x0;
	v18 =	vor.u32 $0x3F800000, v18;
	v9 =	vadd.f32 $-3.520218850e+00, v9;
	v17 =	vadd.f32 $-4.094755950e-01, v62  }
0x1b1: {  	s20 =	sand.u32 $0x3, s20;
	v5 =	vadd.f32 v8, v5;
	v8 =	vmul.f32 $4.392862690e-02, v18;
	v7 =	vadd.f32 $-3.520218850e+00, v7  }
0x1b2: {  	s20 =	sshll.u32 s20, $0x5;
	v11 =	vadd.s32 $0xFFFFFF81, v11;
	v9 =	vmul.f32 v6, v9;
	v17 =	vmul.f32 v16, v17  }
0x1b3: {  	s20 =	sadd.s32 $0x0, s20;
	v4 =	vadd.f32 $-2.794153690e+00, v4;
	v8 =	vadd.f32 $-4.094755950e-01, v8;
	v7 =	vmul.f32 v13, v7  }
0x1b4: {  	s21 =	sor.u32 $0x300, s20;
	v11 =	vcvt.s32.f32 v11;
	v9 =	vadd.f32 $5.069756510e+00, v9;
	v17 =	vadd.f32 $1.610177520e+00, v17  }
0x1b5: {  	s20 =	sor.u32 $0x310, s20;
	v4 =	vadd.f32 v15, v4;
	v15 =	vld [tilespmem:s21+$0x0];
	v8 =	vmul.f32 v18, v8;
	v7 =	vadd.f32 $5.069756510e+00, v7  }
0x1b6: {  	v19 =	vadd.f32 v5, v3;
	v3 =	vmul.f32 v6, v9;
	v5 =	vmul.f32 v16, v17;
	v6 =	vld [tilespmem:s20+$0x0]  }
0x1b7: {  	v2 =	vadd.f32 v4, v2;
	v4 =	vmul.f32 v13, v7;
	v7 =	vadd.f32 $1.610177520e+00, v8  }
0x1b8: {  	v8 =	vshra.s32 v12, $0x17;
	v3 =	vadd.f32 $-2.794153690e+00, v3;
	v5 =	vadd.f32 $-3.520218850e+00, v5  }
0x1b9: {  	v8 =	vadd.s32 $0xFFFFFF81, v8;
	v4 =	vadd.f32 $-2.794153690e+00, v4;
	v7 =	vmul.f32 v18, v7  }
0x1ba: {  	v8 =	vcvt.s32.f32 v8;
	v9 =	vadd.f32 v11, v3;
	v3 =	vmul.f32 v16, v5  }
0x1bb: {  	v5 =	vadd.f32 $-3.520218850e+00, v7;
	v7 =	vmax.f32 v15, $9.999999960e-13;
	v6 =	vmax.f32 v6, $9.999999960e-13  }
0x1bc: {  	v11 =	vsub.f32 $1.000000000e+00, v7;
	v12 =	vsub.f32 $1.000000000e+00, v6  }
0x1bd: {  	v8 =	vadd.f32 v8, v4;
	v4 =	vadd.f32 $5.069756510e+00, v3;
	v7 =	vmul.f32 v6, v7  }
0x1be: {  	s29 =	simm.s32 $0x1;
	v10 =	vshra.s32 v10, $0x17;
	v5 =	vmul.f32 v18, v5;
	v3 =	vmul.f32 v12, v11  }
0x1bf: {  	v10 =	vadd.s32 $0xFFFFFF81, v10;
	s20 =	sand.u32 $0x3, s29;
	v11 =	vmul.f32 v16, v4;
	v4 =	vand.u32 $0x7FFFFF, v7  }
0x1c0: {  	s20 =	sshll.u32 s20, $0x5;
	v12 =	vadd.f32 $5.069756510e+00, v5;
	v4 =	vor.u32 $0x3F800000, v4;
	v5 =	vand.u32 $0x7FFFFF, v3  }
0x1c1: {  	s20 =	sadd.s32 $0x100, s20;
	v6 =	vshra.s32 v14, $0x17;
	v13 =	vmul.f32 $4.392862690e-02, v4;
	v5 =	vor.u32 $0x3F800000, v5  }
0x1c2: {  	s30 =	sor.u32 $0x300, s20;
	s20 =	sor.u32 $0x310, s20;
	v6 =	vadd.s32 $0xFFFFFF81, v6;
	v12 =	vmul.f32 v18, v12;
	v14 =	vmul.f32 $4.392862690e-02, v5  }
0x1c3: {  	v63 =	vld [tilespmem:s20+$0x0];
	v6 =	vcvt.s32.f32 v6;
	v11 =	vadd.f32 $-2.794153690e+00, v11;
	v13 =	vadd.f32 $-4.094755950e-01, v13  }
0x1c4: {  	v10 =	vcvt.s32.f32 v10;
	v15 =	vld [tilespmem:s30+$0x0];
	v12 =	vadd.f32 $-2.794153690e+00, v12;
	v14 =	vadd.f32 $-4.094755950e-01, v14  }
0x1c5: {  	v2 =	vadd.f32 v9, v2;
	v6 =	vadd.f32 v6, v11;
	v9 =	vmul.f32 v4, v13  }
0x1c6: {  	v8 =	vadd.f32 v8, v19;
	v10 =	vadd.f32 v10, v12;
	v11 =	vmul.f32 v5, v14  }
0x1c7: {  	v2 =	vadd.f32 v6, v2;
	v9 =	vadd.f32 $1.610177520e+00, v9  }
0x1c8: {  	v7 =	vshra.s32 v7, $0x17;
	v6 =	vadd.f32 v10, v8;
	v8 =	vadd.f32 $1.610177520e+00, v11  }
0x1c9: {  	v10 =	vmax.f32 v15, $9.999999960e-13;
	v11 =	vmax.f32 v63, $9.999999960e-13;
	v9 =	vmul.f32 v4, v9  }
0x1ca: {  	v12 =	vsub.f32 $1.000000000e+00, v10;
	v13 =	vsub.f32 $1.000000000e+00, v11;
	v14 =	vmul.f32 v5, v8  }
0x1cb: {  	v7 =	vadd.s32 $0xFFFFFF81, v7;
	v11 =	vmul.f32 v11, v10;
	v9 =	vadd.f32 $-3.520218850e+00, v9  }
0x1cc: {  	s20 =	simm.s32 $0x2;
	v7 =	vcvt.s32.f32 v7;
	v8 =	vmul.f32 v13, v12;
	v12 =	vadd.f32 $-3.520218850e+00, v14  }
0x1cd: {  	s31 =	sand.u32 $0x3, s20;
	v10 =	vshra.s32 v11, $0x17;
	v13 =	vand.u32 $0x7FFFFF, v11;
	v11 =	vmul.f32 v4, v9  }
0x1ce: {  	s22 =	simm.s32 $0x200;
	s21 =	simm.s32 $0x60;
	s23 =	sshll.u32 s31, $0x5;
	v9 =	vor.u32 $0x3F800000, v13;
	v13 =	vand.u32 $0x7FFFFF, v8;
	v12 =	vmul.f32 v5, v12  }
.LBB2_15:
0x1cf: {  	p0 =	sne.s32 s21, $0x3C0;
	s23 =	sadd.s32 s23, s22;
	v14 =	vmul.f32 $4.392862690e-02, v9;
	v13 =	vor.u32 $0x3F800000, v13;
	v11 =	vadd.f32 $5.069756510e+00, v11  }
0x1d0: {  	v10 =	vadd.s32 $0xFFFFFF81, v10;
	s24 =	sor.u32 $0x300, s23;
	v15 =	vmul.f32 $4.392862690e-02, v13;
	v12 =	vadd.f32 $5.069756510e+00, v12  }
0x1d1: {  	s23 =	sor.u32 $0x310, s23;
	v10 =	vcvt.s32.f32 v10;
	v16 =	vld [tilespmem:s24+$0x0];
	v14 =	vadd.f32 $-4.094755950e-01, v14;
	v11 =	vmul.f32 v4, v11;
	v4 =	vmovc v9  }
0x1d2: {  	v17 =	vshra.s32 v3, $0x17;
	v3 =	vmovc v8;
	v9 =	vld [tilespmem:s23+$0x0];
	v15 =	vadd.f32 $-4.094755950e-01, v15;
	v12 =	vmul.f32 v5, v12;
	v5 =	vmovc v13  }
0x1d3: {  	v13 =	vadd.s32 $0xFFFFFF81, v17;
	v8 =	vmul.f32 v4, v14;
	v11 =	vadd.f32 $-2.794153690e+00, v11  }
0x1d4: {  	v13 =	vcvt.s32.f32 v13;
	v14 =	vmul.f32 v5, v15;
	v12 =	vadd.f32 $-2.794153690e+00, v12  }
0x1d5: {  	v8 =	vadd.f32 $1.610177520e+00, v8;
	v11 =	vadd.f32 v7, v11;
	v7 =	vmov v10  }
0x1d6: {  	v10 =	vmax.f32 v16, $9.999999960e-13;
	v14 =	vadd.f32 $1.610177520e+00, v14;
	v12 =	vadd.f32 v13, v12  }
0x1d7: {  	v9 =	vmax.f32 v9, $9.999999960e-13;
	v13 =	vsub.f32 $1.000000000e+00, v10;
	v8 =	vmul.f32 v4, v8  }
.Ltmp6:
0x1d8: {  	v15 =	vsub.f32 $1.000000000e+00, v9;
	v14 =	vmul.f32 v5, v14;
	v6 =	vadd.f32 v12, v6;
	(pc) =	sbr.rel @p0 .LBB2_15-.Ltmp6, $4  }
0x1d9: {  	v2 =	vadd.f32 v11, v2;
	v9 =	vmul.f32 v9, v10;
	v12 =	vadd.f32 $-3.520218850e+00, v8  }
0x1da: {  	s20 =	sadd.s32 $0x1, s20;
	v8 =	vmul.f32 v15, v13;
	v14 =	vadd.f32 $-3.520218850e+00, v14  }
0x1db: {  	s23 =	sand.u32 $0x3, s20;
	v10 =	vshra.s32 v9, $0x17;
	v9 =	vand.u32 $0x7FFFFF, v9;
	v11 =	vmul.f32 v4, v12  }
0x1dc: {  	s21 =	sadd.s32 $0x20, s21;
	s22 =	sadd.s32 $0x100, s22;
	s23 =	sshll.u32 s23, $0x5;
	v9 =	vor.u32 $0x3F800000, v9;
	v13 =	vand.u32 $0x7FFFFF, v8;
	v12 =	vmul.f32 v5, v14  }
0x1dd: {  	s20 =	sadd.s32 s23, s22  }
0x1de: {  	v14 =	vmul.f32 $4.392862690e-02, v9;
	v13 =	vor.u32 $0x3F800000, v13;
	s21 =	sor.u32 $0x300, s20  }
0x1df: {  	v11 =	vadd.f32 $5.069756510e+00, v11;
	v15 =	vmul.f32 $4.392862690e-02, v13;
	s20 =	sor.u32 $0x310, s20;
	v16 =	vld [tilespmem:s21+$0x0]  }
0x1e0: {  	v10 =	vadd.s32 $0xFFFFFF81, v10;
	v12 =	vadd.f32 $5.069756510e+00, v12;
	v14 =	vadd.f32 $-4.094755950e-01, v14;
	v17 =	vld [tilespmem:s20+$0x0]  }
0x1e1: {  	v3 =	vshra.s32 v3, $0x17;
	v4 =	vmul.f32 v4, v11;
	v11 =	vadd.f32 $-4.094755950e-01, v15  }
0x1e2: {  	v8 =	vshra.s32 v8, $0x17;
	v5 =	vmul.f32 v5, v12;
	v12 =	vmul.f32 v9, v14  }
0x1e3: {  	v3 =	vadd.s32 $0xFFFFFF81, v3;
	v4 =	vadd.f32 $-2.794153690e+00, v4;
	v11 =	vmul.f32 v13, v11  }
0x1e4: {  	v3 =	vcvt.s32.f32 v3;
	v5 =	vadd.f32 $-2.794153690e+00, v5;
	v12 =	vadd.f32 $1.610177520e+00, v12  }
0x1e5: {  	v14 =	vmax.f32 v16, $9.999999960e-13;
	v11 =	vadd.f32 $1.610177520e+00, v11;
	v15 =	vmax.f32 v17, $9.999999960e-13  }
0x1e6: {  	v16 =	vsub.f32 $1.000000000e+00, v14;
	v12 =	vmul.f32 v9, v12;
	v17 =	vsub.f32 $1.000000000e+00, v15  }
0x1e7: {  	v3 =	vadd.f32 v3, v5;
	v5 =	vmul.f32 v13, v11;
	v11 =	vmul.f32 v15, v14  }
0x1e8: {  	v4 =	vadd.f32 v7, v4;
	v7 =	vadd.f32 $-3.520218850e+00, v12;
	v12 =	vmul.f32 v17, v16  }
0x1e9: {  	v3 =	vadd.f32 v3, v6;
	v5 =	vadd.f32 $-3.520218850e+00, v5;
	v6 =	vand.u32 $0x7FFFFF, v11  }
0x1ea: {  	v15 =	vld [tilespmem:$0x1F58];
	v7 =	vmul.f32 v9, v7;
	v6 =	vor.u32 $0x3F800000, v6;
	v14 =	vand.u32 $0x7FFFFF, v12  }
0x1eb: {  	v5 =	vmul.f32 v13, v5;
	v16 =	vmul.f32 $4.392862690e-02, v6;
	v14 =	vor.u32 $0x3F800000, v14  }
0x1ec: {  	v2 =	vadd.f32 v4, v2;
	v4 =	vadd.f32 $5.069756510e+00, v7;
	v7 =	vmul.f32 $4.392862690e-02, v14  }
0x1ed: {  	v10 =	vcvt.s32.f32 v10;
	v5 =	vadd.f32 $5.069756510e+00, v5;
	v16 =	vadd.f32 $-4.094755950e-01, v16  }
0x1ee: {  	v8 =	vadd.s32 $0xFFFFFF81, v8;
	v4 =	vmul.f32 v9, v4;
	v7 =	vadd.f32 $-4.094755950e-01, v7  }
0x1ef: {  	v5 =	vmul.f32 v13, v5;
	v9 =	vmul.f32 v6, v16;
	v13 =	vmax.f32 v15, $9.999999960e-13  }
0x1f0: {  	v8 =	vcvt.s32.f32 v8;
	v7 =	vmul.f32 v14, v7;
	v15 =	vsel vm0, $0x3F800000, v13  }
0x1f1: {  	v13 =	vsub.f32 $1.000000000e+00, v13;
	v9 =	vadd.f32 $1.610177520e+00, v9;
	v16 =	vand.u32 $0x7FFFFF, v15  }
0x1f2: {  	v11 =	vshra.s32 v11, $0x17;
	v7 =	vadd.f32 $1.610177520e+00, v7;
	v16 =	vor.u32 $0x3F800000, v16  }
0x1f3: {  	v13 =	vsel vm0, $0x3F800000, v13;
	v9 =	vmul.f32 v6, v9;
	v17 =	vmul.f32 $4.392862690e-02, v16  }
0x1f4: {  	v5 =	vadd.f32 $-2.794153690e+00, v5;
	v18 =	vand.u32 $0x7FFFFF, v13;
	v7 =	vmul.f32 v14, v7  }
0x1f5: {  	v18 =	vor.u32 $0x3F800000, v18;
	v9 =	vadd.f32 $-3.520218850e+00, v9;
	v17 =	vadd.f32 $-4.094755950e-01, v17  }
0x1f6: {  	v5 =	vadd.f32 v8, v5;
	v8 =	vmul.f32 $4.392862690e-02, v18;
	v7 =	vadd.f32 $-3.520218850e+00, v7  }
0x1f7: {  	s26 =	simm.s32 $0x0;
	v11 =	vadd.s32 $0xFFFFFF81, v11;
	v9 =	vmul.f32 v6, v9;
	v17 =	vmul.f32 v16, v17  }
0x1f8: {  	s20 =	sor.u32 s26, s26;
	v4 =	vadd.f32 $-2.794153690e+00, v4;
	v8 =	vadd.f32 $-4.094755950e-01, v8;
	v7 =	vmul.f32 v14, v7  }
0x1f9: {  	s28 =	sor.u32 $0x380, s20;
	v11 =	vcvt.s32.f32 v11;
	v9 =	vadd.f32 $5.069756510e+00, v9;
	v17 =	vadd.f32 $1.610177520e+00, v17  }
0x1fa: {  	s20 =	sor.u32 $0x390, s20;
	v4 =	vadd.f32 v10, v4;
	v10 =	vld [tilespmem:s28+$0x0];
	v8 =	vmul.f32 v18, v8;
	v7 =	vadd.f32 $5.069756510e+00, v7  }
0x1fb: {  	v19 =	vadd.f32 v5, v3;
	v3 =	vmul.f32 v6, v9;
	v5 =	vmul.f32 v16, v17;
	v6 =	vld [tilespmem:s20+$0x0]  }
0x1fc: {  	v4 =	vadd.f32 v4, v2;
	v2 =	vmul.f32 v14, v7;
	v7 =	vadd.f32 $1.610177520e+00, v8  }
0x1fd: {  	v8 =	vshra.s32 v12, $0x17;
	v3 =	vadd.f32 $-2.794153690e+00, v3;
	v5 =	vadd.f32 $-3.520218850e+00, v5  }
0x1fe: {  	v8 =	vadd.s32 $0xFFFFFF81, v8;
	v7 =	vmul.f32 v18, v7  }
0x1ff: {  	v2 =	vadd.f32 $-2.794153690e+00, v2;
	v9 =	vadd.f32 v11, v3;
	v3 =	vmul.f32 v16, v5  }
0x200: {  	v5 =	vadd.f32 $-3.520218850e+00, v7;
	v7 =	vmax.f32 v10, $9.999999960e-13;
	v6 =	vmax.f32 v6, $9.999999960e-13  }
0x201: {  	v8 =	vcvt.s32.f32 v8;
	v10 =	vsub.f32 $1.000000000e+00, v7;
	v11 =	vsub.f32 $1.000000000e+00, v6  }
0x202: {  	v13 =	vshra.s32 v13, $0x17;
	v3 =	vadd.f32 $5.069756510e+00, v3;
	v7 =	vmul.f32 v6, v7  }
0x203: {  	v8 =	vadd.f32 v8, v2;
	v5 =	vmul.f32 v18, v5;
	v2 =	vmul.f32 v11, v10  }
0x204: {  	v13 =	vadd.s32 $0xFFFFFF81, v13;
	v10 =	vmul.f32 v16, v3;
	v3 =	vand.u32 $0x7FFFFF, v7  }
0x205: {  	s29 =	simm.s32 $0x20;
	s30 =	simm.s32 $0x100;
	v11 =	vadd.f32 $5.069756510e+00, v5;
	v3 =	vor.u32 $0x3F800000, v3;
	v5 =	vand.u32 $0x7FFFFF, v2  }
0x206: {  	s20 =	sor.u32 s29, s30;
	v6 =	vshra.s32 v15, $0x17;
	v12 =	vmul.f32 $4.392862690e-02, v3;
	v5 =	vor.u32 $0x3F800000, v5  }
0x207: {  	s21 =	sor.u32 $0x380, s20;
	v6 =	vadd.s32 $0xFFFFFF81, v6;
	v11 =	vmul.f32 v18, v11;
	v14 =	vmul.f32 $4.392862690e-02, v5  }
0x208: {  	s20 =	sor.u32 $0x390, s20;
	v15 =	vld [tilespmem:s21+$0x0];
	v6 =	vcvt.s32.f32 v6;
	v10 =	vadd.f32 $-2.794153690e+00, v10;
	v12 =	vadd.f32 $-4.094755950e-01, v12  }
0x209: {  	v13 =	vcvt.s32.f32 v13;
	v16 =	vld [tilespmem:s20+$0x0];
	v11 =	vadd.f32 $-2.794153690e+00, v11;
	v14 =	vadd.f32 $-4.094755950e-01, v14  }
0x20a: {  	v4 =	vadd.f32 v9, v4;
	v6 =	vadd.f32 v6, v10;
	v9 =	vmul.f32 v3, v12  }
0x20b: {  	v8 =	vadd.f32 v8, v19;
	v10 =	vadd.f32 v13, v11;
	v11 =	vmul.f32 v5, v14  }
0x20c: {  	v4 =	vadd.f32 v6, v4;
	v9 =	vadd.f32 $1.610177520e+00, v9  }
0x20d: {  	v7 =	vshra.s32 v7, $0x17;
	v6 =	vadd.f32 v10, v8;
	v8 =	vadd.f32 $1.610177520e+00, v11  }
0x20e: {  	v10 =	vmax.f32 v15, $9.999999960e-13;
	v11 =	vmax.f32 v16, $9.999999960e-13;
	v9 =	vmul.f32 v3, v9  }
0x20f: {  	v12 =	vsub.f32 $1.000000000e+00, v10;
	v13 =	vsub.f32 $1.000000000e+00, v11;
	v14 =	vmul.f32 v5, v8  }
0x210: {  	v7 =	vadd.s32 $0xFFFFFF81, v7;
	v10 =	vmul.f32 v11, v10;
	v9 =	vadd.f32 $-3.520218850e+00, v9  }
0x211: {  	v7 =	vcvt.s32.f32 v7;
	v8 =	vmul.f32 v13, v12;
	v11 =	vadd.f32 $-3.520218850e+00, v14  }
0x212: {  	v14 =	vshra.s32 v10, $0x17;
	v10 =	vand.u32 $0x7FFFFF, v10;
	v12 =	vmul.f32 v3, v9  }
0x213: {  	s31 =	simm.s32 $0x40;
	s20 =	simm.s32 $0x200;
	v9 =	vor.u32 $0x3F800000, v10;
	v10 =	vand.u32 $0x7FFFFF, v8;
	v16 =	vmul.f32 v5, v11  }
0x214: {  	s22 =	sor.u32 s31, s20;
	v13 =	vmul.f32 $4.392862690e-02, v9;
	v10 =	vor.u32 $0x3F800000, v10;
	v12 =	vadd.f32 $5.069756510e+00, v12  }
0x215: {  	s21 =	simm.s32 $0x60;
	s23 =	sor.u32 $0x380, s22;
	v11 =	vadd.s32 $0xFFFFFF81, v14;
	v15 =	vmul.f32 $4.392862690e-02, v10;
	v14 =	vadd.f32 $5.069756510e+00, v16  }
.LBB2_17:
0x216: {  	p0 =	sne.s32 s21, $0x3C0;
	v16 =	vld [tilespmem:s23+$0x0];
	s22 =	sor.u32 $0x390, s22;
	v13 =	vadd.f32 $-4.094755950e-01, v13;
	v11 =	vcvt.s32.f32 v11;
	v12 =	vmul.f32 v3, v12;
	v3 =	vmovc v9  }
0x217: {  	v17 =	vshra.s32 v2, $0x17;
	v2 =	vmovc v8;
	v9 =	vld [tilespmem:s22+$0x0];
	v15 =	vadd.f32 $-4.094755950e-01, v15;
	v14 =	vmul.f32 v5, v14;
	v5 =	vmovc v10  }
0x218: {  	v8 =	vmul.f32 v3, v13;
	v10 =	vadd.f32 $-2.794153690e+00, v12;
	v12 =	vadd.s32 $0xFFFFFF81, v17  }
0x219: {  	v13 =	vmul.f32 v5, v15;
	v14 =	vadd.f32 $-2.794153690e+00, v14;
	v12 =	vcvt.s32.f32 v12  }
0x21a: {  	v8 =	vadd.f32 $1.610177520e+00, v8;
	v10 =	vadd.f32 v7, v10;
	v7 =	vmov v11  }
0x21b: {  	v11 =	vmax.f32 v16, $9.999999960e-13;
	v13 =	vadd.f32 $1.610177520e+00, v13;
	v12 =	vadd.f32 v12, v14  }
0x21c: {  	v9 =	vmax.f32 v9, $9.999999960e-13;
	v14 =	vsub.f32 $1.000000000e+00, v11;
	v8 =	vmul.f32 v3, v8  }
0x21d: {  	v15 =	vsub.f32 $1.000000000e+00, v9;
	v13 =	vmul.f32 v5, v13;
	v6 =	vadd.f32 v12, v6  }
0x21e: {  	v4 =	vadd.f32 v10, v4;
	v9 =	vmul.f32 v9, v11;
	v11 =	vadd.f32 $-3.520218850e+00, v8  }
.Ltmp7:
0x21f: {  	v8 =	vmul.f32 v15, v14;
	v10 =	vadd.f32 $-3.520218850e+00, v13;
	(pc) =	sbr.rel @p0 .LBB2_17-.Ltmp7, $4  }
0x220: {  	v14 =	vshra.s32 v9, $0x17;
	v9 =	vand.u32 $0x7FFFFF, v9;
	v11 =	vmul.f32 v3, v11  }
0x221: {  	s20 =	sadd.s32 $0x100, s20;
	v9 =	vor.u32 $0x3F800000, v9;
	v12 =	vand.u32 $0x7FFFFF, v8;
	v16 =	vmul.f32 v5, v10  }
0x222: {  	s22 =	sor.u32 s21, s20;
	v13 =	vmul.f32 $4.392862690e-02, v9;
	v10 =	vor.u32 $0x3F800000, v12;
	v12 =	vadd.f32 $5.069756510e+00, v11  }
0x223: {  	s21 =	sadd.s32 $0x20, s21;
	s23 =	sor.u32 $0x380, s22;
	v11 =	vadd.s32 $0xFFFFFF81, v14;
	v15 =	vmul.f32 $4.392862690e-02, v10;
	v14 =	vadd.f32 $5.069756510e+00, v16  }
0x224: {  	v16 =	vld [tilespmem:s23+$0x0];
	s20 =	sor.u32 $0x390, s22  }
0x225: {  	v13 =	vadd.f32 $-4.094755950e-01, v13;
	v3 =	vmul.f32 v3, v12;
	v17 =	vld [tilespmem:s20+$0x0]  }
0x226: {  	v2 =	vshra.s32 v2, $0x17;
	v11 =	vcvt.s32.f32 v11;
	v5 =	vmul.f32 v5, v14  }
0x227: {  	v15 =	vadd.f32 $-4.094755950e-01, v15;
	v2 =	vadd.s32 $0xFFFFFF81, v2;
	v12 =	vmul.f32 v9, v13  }
0x228: {  	v8 =	vshra.s32 v8, $0x17;
	v2 =	vcvt.s32.f32 v2;
	v5 =	vadd.f32 $-2.794153690e+00, v5  }
0x229: {  	v3 =	vadd.f32 $-2.794153690e+00, v3;
	v13 =	vmul.f32 v10, v15;
	v12 =	vadd.f32 $1.610177520e+00, v12  }
0x22a: {  	v14 =	vmax.f32 v16, $9.999999960e-13;
	v2 =	vadd.f32 v2, v5;
	v5 =	vmax.f32 v17, $9.999999960e-13  }
0x22b: {  	v8 =	vadd.s32 $0xFFFFFF81, v8;
	v15 =	vsub.f32 $1.000000000e+00, v14;
	v16 =	vsub.f32 $1.000000000e+00, v5  }
0x22c: {  	v3 =	vadd.f32 v7, v3;
	v13 =	vadd.f32 $1.610177520e+00, v13;
	v5 =	vmul.f32 v5, v14  }
0x22d: {  	s25 =	sand.u32 $0x3FFFFFF0, s19;
	v7 =	vmul.f32 v9, v12;
	v2 =	vadd.f32 v2, v6;
	v6 =	vmul.f32 v16, v15  }
0x22e: {  	v3 =	vadd.f32 v3, v4;
	v12 =	vmul.f32 v10, v13;
	v13 =	vld [tilespmem:s25+$0x4000];
	v4 =	vand.u32 $0x7FFFFF, v5  }
0x22f: {  	v7 =	vadd.f32 $-3.520218850e+00, v7;
	v4 =	vor.u32 $0x3F800000, v4;
	v14 =	vand.u32 $0x7FFFFF, v6  }
0x230: {  	v12 =	vadd.f32 $-3.520218850e+00, v12;
	v15 =	vmul.f32 $4.392862690e-02, v4;
	v14 =	vor.u32 $0x3F800000, v14  }
0x231: {  	v8 =	vcvt.s32.f32 v8;
	v5 =	vshra.s32 v5, $0x17;
	v16 =	vmul.f32 $4.392862690e-02, v14  }
0x232: {  	v7 =	vmul.f32 v9, v7;
	v12 =	vmul.f32 v10, v12;
	v15 =	vadd.f32 $-4.094755950e-01, v15  }
0x233: {  	v17 =	vshll.u32 v13, $0x3;
	v13 =	vand.u32 $0x7F, v13;
	v16 =	vadd.f32 $-4.094755950e-01, v16  }
0x234: {  	v18 =	vld [tilespmem:$0x1FD8];
	v12 =	vadd.f32 $5.069756510e+00, v12;
	v17 =	vand.u32 $0xFFFFFC00, v17;
	v15 =	vmul.f32 v4, v15  }
0x235: {  	v7 =	vadd.f32 $5.069756510e+00, v7;
	v13 =	vor.u32 v17, v13;
	v16 =	vmul.f32 v14, v16  }
0x236: {  	v10 =	vmul.f32 v10, v12;
	v13 =	vor.u32 v0, v13;
	v12 =	vadd.f32 $1.610177520e+00, v15  }
0x237: {  	v5 =	vadd.s32 $0xFFFFFF81, v5;
	v7 =	vmul.f32 v9, v7;
	v9 =	vadd.f32 $1.610177520e+00, v16  }
0x238: {  	v5 =	vcvt.s32.f32 v5;
	v10 =	vadd.f32 $-2.794153690e+00, v10;
	v12 =	vmul.f32 v4, v12  }
0x239: {  	v7 =	vadd.f32 $-2.794153690e+00, v7;
	v15 =	vmax.f32 v18, $9.999999960e-13;
	v9 =	vmul.f32 v14, v9  }
0x23a: {  	v8 =	vadd.f32 v8, v10;
	v10 =	vadd.f32 $-3.520218850e+00, v12;
	v12 =	vsel vm0, $0x3F800000, v15  }
0x23b: {  	v7 =	vadd.f32 v11, v7;
	v13 =	vld.idx.msk [tilespmem:v13+s2+$0x0], $0xffff;
	v11 =	vand.u32 $0x7FFFFF, v12;
	v9 =	vadd.f32 $-3.520218850e+00, v9  }
0x23c: {  	v2 =	vadd.f32 v8, v2;
	v8 =	vmul.f32 v4, v10;
	v10 =	vor.u32 $0x3F800000, v11  }
0x23d: {  	v11 =	vsub.f32 $1.000000000e+00, v15;
	v15 =	vmul.f32 $4.392862690e-02, v10;
	v9 =	vmul.f32 v14, v9  }
0x23e: {  	v6 =	vshra.s32 v6, $0x17;
	v3 =	vadd.f32 v7, v3;
	v7 =	vadd.f32 $5.069756510e+00, v8  }
0x23f: {  	v8 =	vadd.f32 $5.069756510e+00, v9;
	v9 =	vsel vm0, $0x3F800000, v11;
	v11 =	vadd.f32 $-4.094755950e-01, v15  }
0x240: {  	v13 =	vmax.f32 v13, $9.999999960e-13;
	v4 =	vmul.f32 v4, v7;
	v7 =	vand.u32 $0x7FFFFF, v9  }
0x241: {  	v13 =	vnsel vm0, $0x3F000000, v13;
	v11 =	vmul.f32 v10, v11;
	v7 =	vor.u32 $0x3F800000, v7  }
0x242: {  	v16 =	vand.u32 $0x7FFFFF, v13;
	v17 =	vsub.f32 $1.000000000e+00, v13;
	v15 =	vmul.f32 $4.392862690e-02, v7  }
0x243: {  	v8 =	vmul.f32 v14, v8;
	v14 =	vor.u32 $0x3F800000, v16;
	v11 =	vadd.f32 $1.610177520e+00, v11  }
0x244: {  	v6 =	vadd.s32 $0xFFFFFF81, v6;
	v16 =	vmul.f32 $4.392862690e-02, v14;
	v15 =	vadd.f32 $-4.094755950e-01, v15  }
0x245: {  	p0 =	seq.s32 s17, $0x7;
	v6 =	vcvt.s32.f32 v6;
	v62 =	vand.u32 $0x7FFFFF, v17;
	v11 =	vmul.f32 v10, v11  }
0x246: {  	s19 =	sadd.s32 @!p0 s19, s7;
	v8 =	vadd.f32 $-2.794153690e+00, v8;
	v16 =	vadd.f32 $-4.094755950e-01, v16;
	v15 =	vmul.f32 v7, v15  }
0x247: {  	s19 =	sshll.u32 @!p0 s19, $0x7;
	v4 =	vadd.f32 $-2.794153690e+00, v4;
	v18 =	vor.u32 $0x3F800000, v62;
	v11 =	vadd.f32 $-3.520218850e+00, v11  }
0x248: {  	s20 =	simm.s32 @!p0 $0x0;
	s19 =	sadd.s32 @!p0 s4, s19;
	v6 =	vadd.f32 v6, v8;
	v16 =	vmul.f32 v14, v16;
	v15 =	vadd.f32 $1.610177520e+00, v15  }
0x249: {  	[tilespmem:s20], [sflag:$0x1] =	stream.linear.gather @!p0 [hbm4b:s19+s20], $0x2000, $0x38;
	v4 =	vadd.f32 v5, v4;
	v5 =	vmul.f32 v10, v11;
	v11 =	vmul.f32 $4.392862690e-02, v18;
	[tilespmem:$0x4180] =	vst v63  }
0x24a: {  	s26 =	simm.s32 $0x0;
	_ =	swait.ge [sflag:s14], $0x2000;
	v8 =	vmul.f32 v7, v15;
	v15 =	vadd.f32 $1.610177520e+00, v16;
	v16 =	vadd.f32 v6, v2  }
0x24b: {  	s28 =	sand.u32 $0x60, s26;
	s19 =	sand.u32 $0x1C00, s26;
	[sflag:s14] =	ssyncset.done $0x0;
	v5 =	vadd.f32 $5.069756510e+00, v5;
	v11 =	vadd.f32 $-4.094755950e-01, v11  }
0x24c: {  	s19 =	sor.u32 s28, s19;
	[sflag:s14] =	ssyncadd.s32 $0xFFFFE000;
	v2 =	vadd.f32 $-3.520218850e+00, v8;
	v6 =	vmul.f32 v14, v15;
	v8 =	vshra.s32 v12, $0x17  }
0x24d: {  	v12 =	vld [tilespmem:s19+$0x2010];
	v15 =	vadd.f32 v4, v3;
	v4 =	vshra.s32 v9, $0x17;
	v5 =	vmul.f32 v10, v5  }
0x24e: {  	v10 =	vmul.f32 v18, v11;
	v11 =	vld [tilespmem:s19+$0x2000];
	v8 =	vadd.s32 $0xFFFFFF81, v8;
	v2 =	vmul.f32 v7, v2  }
0x24f: {  	v6 =	vadd.f32 $-3.520218850e+00, v6;
	v8 =	vcvt.s32.f32 v8;
	v5 =	vadd.f32 $-2.794153690e+00, v5  }
0x250: {  	v4 =	vadd.s32 $0xFFFFFF81, v4;
	v10 =	vadd.f32 $1.610177520e+00, v10;
	v2 =	vadd.f32 $5.069756510e+00, v2  }
0x251: {  	v9 =	vcvt.s32.f32 v4;
	v3 =	vmul.f32 v14, v6;
	v5 =	vadd.f32 v8, v5  }
0x252: {  	v6 =	vmul.f32 v18, v10;
	v8 =	vmax.f32 v12, $9.999999960e-13;
	v2 =	vmul.f32 v7, v2  }
0x253: {  	v3 =	vadd.f32 $5.069756510e+00, v3;
	v7 =	vmax.f32 v11, $9.999999960e-13;
	v10 =	vsub.f32 $1.000000000e+00, v8  }
0x254: {  	v6 =	vadd.f32 $-3.520218850e+00, v6;
	v4 =	vsub.f32 $1.000000000e+00, v7;
	v7 =	vmul.f32 v8, v7  }
0x255: {  	v8 =	vshra.s32 v13, $0x17;
	v11 =	vadd.f32 $-2.794153690e+00, v2;
	v2 =	vmul.f32 v14, v3  }
0x256: {  	v8 =	vadd.s32 $0xFFFFFF81, v8;
	v6 =	vmul.f32 v18, v6;
	v3 =	vmul.f32 v10, v4  }
0x257: {  	v4 =	vand.u32 $0x7FFFFF, v7;
	v8 =	vcvt.s32.f32 v8  }
0x258: {  	s29 =	simm.s32 $0x20;
	s30 =	simm.s32 $0x100;
	v4 =	vor.u32 $0x3F800000, v4;
	v10 =	vadd.f32 $5.069756510e+00, v6;
	v6 =	vand.u32 $0x7FFFFF, v3  }
0x259: {  	s20 =	sand.u32 $0x1C00, s30;
	s19 =	sand.u32 $0x60, s29;
	v2 =	vadd.f32 $-2.794153690e+00, v2;
	v12 =	vmul.f32 $4.392862690e-02, v4;
	v6 =	vor.u32 $0x3F800000, v6  }
0x25a: {  	s19 =	sor.u32 s19, s20;
	v13 =	vshra.s32 v17, $0x17;
	v10 =	vmul.f32 v18, v10;
	v14 =	vmul.f32 $4.392862690e-02, v6  }
0x25b: {  	v63 =	vld [tilespmem:s19+$0x2010];
	v8 =	vadd.f32 v8, v2;
	v2 =	vadd.s32 $0xFFFFFF81, v13;
	v12 =	vadd.f32 $-4.094755950e-01, v12  }
0x25c: {  	v13 =	vld [tilespmem:s19+$0x2000];
	v17 =	vcvt.s32.f32 v2;
	v10 =	vadd.f32 $-2.794153690e+00, v10;
	v14 =	vadd.f32 $-4.094755950e-01, v14  }
0x25d: {  	v2 =	vadd.f32 v5, v15;
	v5 =	vadd.f32 v9, v11;
	v9 =	vmul.f32 v4, v12  }
0x25e: {  	v1 =	vadd.f32 v8, v1;
	v8 =	vadd.f32 v17, v10;
	v10 =	vmul.f32 v6, v14  }
0x25f: {  	v7 =	vshra.s32 v7, $0x17;
	v9 =	vadd.f32 $1.610177520e+00, v9  }
0x260: {  	v7 =	vadd.s32 $0xFFFFFF81, v7;
	v1 =	vsub.f32 v1, v8;
	v8 =	vadd.f32 $1.610177520e+00, v10  }
0x261: {  	v11 =	vmax.f32 v63, $9.999999960e-13;
	v10 =	vmax.f32 v13, $9.999999960e-13;
	v9 =	vmul.f32 v4, v9  }
0x262: {  	v13 =	vsub.f32 $1.000000000e+00, v11;
	v12 =	vsub.f32 $1.000000000e+00, v10;
	v14 =	vmul.f32 v6, v8  }
0x263: {  	v7 =	vcvt.s32.f32 v7;
	v10 =	vmul.f32 v11, v10;
	v9 =	vadd.f32 $-3.520218850e+00, v9  }
0x264: {  	v5 =	vadd.f32 v5, v16;
	v8 =	vmul.f32 v13, v12;
	v11 =	vadd.f32 $-3.520218850e+00, v14  }
0x265: {  	v13 =	vshra.s32 v10, $0x17;
	v10 =	vand.u32 $0x7FFFFF, v10;
	v14 =	vmul.f32 v4, v9  }
0x266: {  	s31 =	simm.s32 $0x40;
	s19 =	simm.s32 $0x200;
	v9 =	vor.u32 $0x3F800000, v10;
	v10 =	vand.u32 $0x7FFFFF, v8;
	v16 =	vmul.f32 v6, v11  }
0x267: {  	s20 =	sand.u32 $0x60, s31;
	s21 =	sand.u32 $0x1C00, s19;
	v12 =	vmul.f32 $4.392862690e-02, v9;
	v10 =	vor.u32 $0x3F800000, v10;
	v11 =	vadd.f32 $5.069756510e+00, v14  }
0x268: {  	s21 =	sor.u32 s20, s21;
	s20 =	simm.s32 $0x60;
	v15 =	vadd.s32 $0xFFFFFF81, v13;
	v14 =	vmul.f32 $4.392862690e-02, v10;
	v13 =	vadd.f32 $5.069756510e+00, v16  }
.LBB2_19:
0x269: {  	p0 =	sne.s32 s20, $0x3C0;
	v16 =	vld [tilespmem:s21+$0x2000];
	v12 =	vadd.f32 $-4.094755950e-01, v12;
	v15 =	vcvt.s32.f32 v15;
	v11 =	vmul.f32 v4, v11;
	v4 =	vmovc v9  }
0x26a: {  	v17 =	vshra.s32 v3, $0x17;
	v3 =	vmovc v8;
	v9 =	vld [tilespmem:s21+$0x2010];
	v14 =	vadd.f32 $-4.094755950e-01, v14;
	v13 =	vmul.f32 v6, v13;
	v6 =	vmovc v10  }
0x26b: {  	v8 =	vmul.f32 v4, v12;
	v10 =	vadd.f32 $-2.794153690e+00, v11;
	v11 =	vadd.s32 $0xFFFFFF81, v17  }
0x26c: {  	v12 =	vmul.f32 v6, v14;
	v13 =	vadd.f32 $-2.794153690e+00, v13;
	v11 =	vcvt.s32.f32 v11  }
0x26d: {  	v8 =	vadd.f32 $1.610177520e+00, v8;
	v10 =	vadd.f32 v7, v10;
	v7 =	vmov v15  }
0x26e: {  	v14 =	vmax.f32 v16, $9.999999960e-13;
	v12 =	vadd.f32 $1.610177520e+00, v12;
	v11 =	vadd.f32 v11, v13  }
0x26f: {  	v9 =	vmax.f32 v9, $9.999999960e-13;
	v13 =	vsub.f32 $1.000000000e+00, v14;
	v8 =	vmul.f32 v4, v8  }
0x270: {  	v15 =	vsub.f32 $1.000000000e+00, v9;
	v12 =	vmul.f32 v6, v12;
	v5 =	vadd.f32 v11, v5  }
0x271: {  	v2 =	vadd.f32 v10, v2;
	v9 =	vmul.f32 v9, v14;
	v11 =	vadd.f32 $-3.520218850e+00, v8  }
.Ltmp8:
0x272: {  	v8 =	vmul.f32 v15, v13;
	v10 =	vadd.f32 $-3.520218850e+00, v12;
	(pc) =	sbr.rel @p0 .LBB2_19-.Ltmp8, $4  }
0x273: {  	v13 =	vshra.s32 v9, $0x17;
	v9 =	vand.u32 $0x7FFFFF, v9;
	v11 =	vmul.f32 v4, v11  }
0x274: {  	s19 =	sadd.s32 $0x100, s19;
	v9 =	vor.u32 $0x3F800000, v9;
	v14 =	vand.u32 $0x7FFFFF, v8;
	v16 =	vmul.f32 v6, v10  }
0x275: {  	s21 =	sand.u32 $0x60, s20;
	s22 =	sand.u32 $0x1C00, s19;
	v12 =	vmul.f32 $4.392862690e-02, v9;
	v10 =	vor.u32 $0x3F800000, v14;
	v11 =	vadd.f32 $5.069756510e+00, v11  }
0x276: {  	s20 =	sadd.s32 $0x20, s20;
	s21 =	sor.u32 s21, s22;
	v15 =	vadd.s32 $0xFFFFFF81, v13;
	v14 =	vmul.f32 $4.392862690e-02, v10;
	v13 =	vadd.f32 $5.069756510e+00, v16  }
0x277: {  	v16 =	vld [tilespmem:s21+$0x2000]  }
0x278: {  	v12 =	vadd.f32 $-4.094755950e-01, v12;
	v17 =	vld [tilespmem:s21+$0x2010]  }
0x279: {  	v15 =	vcvt.s32.f32 v15;
	v4 =	vmul.f32 v4, v11;
	v11 =	vadd.f32 $-4.094755950e-01, v14  }
0x27a: {  	v3 =	vshra.s32 v3, $0x17;
	v6 =	vmul.f32 v6, v13;
	v12 =	vmul.f32 v9, v12  }
0x27b: {  	v3 =	vadd.s32 $0xFFFFFF81, v3;
	v4 =	vadd.f32 $-2.794153690e+00, v4;
	v11 =	vmul.f32 v10, v11  }
0x27c: {  	v3 =	vcvt.s32.f32 v3;
	v6 =	vadd.f32 $-2.794153690e+00, v6;
	v12 =	vadd.f32 $1.610177520e+00, v12  }
0x27d: {  	v13 =	vmax.f32 v16, $9.999999960e-13;
	v11 =	vadd.f32 $1.610177520e+00, v11;
	v14 =	vmax.f32 v17, $9.999999960e-13  }
0x27e: {  	v16 =	vsub.f32 $1.000000000e+00, v13;
	v12 =	vmul.f32 v9, v12;
	v17 =	vsub.f32 $1.000000000e+00, v14  }
0x27f: {  	v3 =	vadd.f32 v3, v6;
	v6 =	vmul.f32 v10, v11;
	v11 =	vmul.f32 v14, v13  }
0x280: {  	v4 =	vadd.f32 v7, v4;
	v7 =	vadd.f32 $-3.520218850e+00, v12;
	v12 =	vmul.f32 v17, v16  }
0x281: {  	v3 =	vadd.f32 v3, v5;
	v5 =	vadd.f32 $-3.520218850e+00, v6;
	v6 =	vand.u32 $0x7FFFFF, v11  }
0x282: {  	v14 =	vld [tilespmem:$0x3C58];
	v7 =	vmul.f32 v9, v7;
	v6 =	vor.u32 $0x3F800000, v6;
	v13 =	vand.u32 $0x7FFFFF, v12  }
0x283: {  	v5 =	vmul.f32 v10, v5;
	v16 =	vmul.f32 $4.392862690e-02, v6;
	v13 =	vor.u32 $0x3F800000, v13  }
0x284: {  	v2 =	vadd.f32 v4, v2;
	v4 =	vadd.f32 $5.069756510e+00, v7;
	v7 =	vmul.f32 $4.392862690e-02, v13  }
0x285: {  	v8 =	vshra.s32 v8, $0x17;
	v5 =	vadd.f32 $5.069756510e+00, v5;
	v16 =	vadd.f32 $-4.094755950e-01, v16  }
0x286: {  	v8 =	vadd.s32 $0xFFFFFF81, v8;
	v4 =	vmul.f32 v9, v4;
	v7 =	vadd.f32 $-4.094755950e-01, v7  }
0x287: {  	v5 =	vmul.f32 v10, v5;
	v9 =	vmul.f32 v6, v16;
	v10 =	vmax.f32 v14, $9.999999960e-13  }
0x288: {  	v8 =	vcvt.s32.f32 v8;
	v7 =	vmul.f32 v13, v7;
	v14 =	vsel vm0, $0x3F800000, v10  }
0x289: {  	v10 =	vsub.f32 $1.000000000e+00, v10;
	v9 =	vadd.f32 $1.610177520e+00, v9;
	v16 =	vand.u32 $0x7FFFFF, v14  }
0x28a: {  	v11 =	vshra.s32 v11, $0x17;
	v7 =	vadd.f32 $1.610177520e+00, v7;
	v16 =	vor.u32 $0x3F800000, v16  }
0x28b: {  	v10 =	vsel vm0, $0x3F800000, v10;
	v9 =	vmul.f32 v6, v9;
	v17 =	vmul.f32 $4.392862690e-02, v16  }
0x28c: {  	v5 =	vadd.f32 $-2.794153690e+00, v5;
	v18 =	vand.u32 $0x7FFFFF, v10;
	v7 =	vmul.f32 v13, v7  }
0x28d: {  	v18 =	vor.u32 $0x3F800000, v18;
	v9 =	vadd.f32 $-3.520218850e+00, v9;
	v17 =	vadd.f32 $-4.094755950e-01, v17  }
0x28e: {  	v5 =	vadd.f32 v8, v5;
	v8 =	vmul.f32 $4.392862690e-02, v18;
	v7 =	vadd.f32 $-3.520218850e+00, v7  }
0x28f: {  	s19 =	simm.s32 $0x0;
	v11 =	vadd.s32 $0xFFFFFF81, v11;
	v9 =	vmul.f32 v6, v9;
	v17 =	vmul.f32 v16, v17  }
0x290: {  	s20 =	sand.u32 $0x60, s19;
	s19 =	sand.u32 $0x1C00, s19;
	v4 =	vadd.f32 $-2.794153690e+00, v4;
	v8 =	vadd.f32 $-4.094755950e-01, v8;
	v7 =	vmul.f32 v13, v7  }
0x291: {  	s19 =	sor.u32 s20, s19;
	v11 =	vcvt.s32.f32 v11;
	v9 =	vadd.f32 $5.069756510e+00, v9;
	v17 =	vadd.f32 $1.610177520e+00, v17  }
0x292: {  	v4 =	vadd.f32 v15, v4;
	v15 =	vld [tilespmem:s19+$0x2080];
	v8 =	vmul.f32 v18, v8;
	v7 =	vadd.f32 $5.069756510e+00, v7  }
0x293: {  	v5 =	vadd.f32 v5, v3;
	v3 =	vmul.f32 v6, v9;
	v6 =	vmul.f32 v16, v17;
	v9 =	vld [tilespmem:s19+$0x2090]  }
0x294: {  	v2 =	vadd.f32 v4, v2;
	v4 =	vmul.f32 v13, v7;
	v7 =	vadd.f32 $1.610177520e+00, v8  }
0x295: {  	v8 =	vshra.s32 v12, $0x17;
	v3 =	vadd.f32 $-2.794153690e+00, v3;
	v6 =	vadd.f32 $-3.520218850e+00, v6  }
0x296: {  	v8 =	vadd.s32 $0xFFFFFF81, v8;
	v4 =	vadd.f32 $-2.794153690e+00, v4;
	v7 =	vmul.f32 v18, v7  }
0x297: {  	v8 =	vcvt.s32.f32 v8;
	v11 =	vadd.f32 v11, v3;
	v3 =	vmul.f32 v16, v6  }
0x298: {  	v6 =	vadd.f32 $-3.520218850e+00, v7;
	v7 =	vmax.f32 v15, $9.999999960e-13;
	v9 =	vmax.f32 v9, $9.999999960e-13  }
0x299: {  	v12 =	vsub.f32 $1.000000000e+00, v7;
	v13 =	vsub.f32 $1.000000000e+00, v9  }
0x29a: {  	v8 =	vadd.f32 v8, v4;
	v4 =	vadd.f32 $5.069756510e+00, v3;
	v7 =	vmul.f32 v9, v7  }
0x29b: {  	v10 =	vshra.s32 v10, $0x17;
	v6 =	vmul.f32 v18, v6;
	v3 =	vmul.f32 v13, v12  }
0x29c: {  	v10 =	vadd.s32 $0xFFFFFF81, v10;
	v12 =	vmul.f32 v16, v4;
	v4 =	vand.u32 $0x7FFFFF, v7  }
0x29d: {  	s28 =	simm.s32 $0x20;
	s29 =	simm.s32 $0x100;
	v13 =	vadd.f32 $5.069756510e+00, v6;
	v4 =	vor.u32 $0x3F800000, v4;
	v6 =	vand.u32 $0x7FFFFF, v3  }
0x29e: {  	s20 =	sand.u32 $0x1C00, s29;
	s19 =	sand.u32 $0x60, s28;
	v9 =	vshra.s32 v14, $0x17;
	v14 =	vmul.f32 $4.392862690e-02, v4;
	v6 =	vor.u32 $0x3F800000, v6  }
0x29f: {  	s19 =	sor.u32 s19, s20;
	v9 =	vadd.s32 $0xFFFFFF81, v9;
	v13 =	vmul.f32 v18, v13;
	v15 =	vmul.f32 $4.392862690e-02, v6  }
0x2a0: {  	v17 =	vld [tilespmem:s19+$0x2090];
	v9 =	vcvt.s32.f32 v9;
	v12 =	vadd.f32 $-2.794153690e+00, v12;
	v14 =	vadd.f32 $-4.094755950e-01, v14  }
0x2a1: {  	v10 =	vcvt.s32.f32 v10;
	v16 =	vld [tilespmem:s19+$0x2080];
	v13 =	vadd.f32 $-2.794153690e+00, v13;
	v15 =	vadd.f32 $-4.094755950e-01, v15  }
0x2a2: {  	v2 =	vadd.f32 v11, v2;
	v9 =	vadd.f32 v9, v12;
	v11 =	vmul.f32 v4, v14  }
0x2a3: {  	v5 =	vadd.f32 v8, v5;
	v8 =	vadd.f32 v10, v13;
	v10 =	vmul.f32 v6, v15  }
0x2a4: {  	v2 =	vadd.f32 v9, v2;
	v9 =	vadd.f32 $1.610177520e+00, v11  }
0x2a5: {  	v7 =	vshra.s32 v7, $0x17;
	v5 =	vadd.f32 v8, v5;
	v8 =	vadd.f32 $1.610177520e+00, v10  }
0x2a6: {  	v11 =	vmax.f32 v17, $9.999999960e-13;
	v10 =	vmax.f32 v16, $9.999999960e-13;
	v9 =	vmul.f32 v4, v9  }
0x2a7: {  	v13 =	vsub.f32 $1.000000000e+00, v11;
	v12 =	vsub.f32 $1.000000000e+00, v10;
	v14 =	vmul.f32 v6, v8  }
0x2a8: {  	v7 =	vadd.s32 $0xFFFFFF81, v7;
	v10 =	vmul.f32 v11, v10;
	v9 =	vadd.f32 $-3.520218850e+00, v9  }
0x2a9: {  	v7 =	vcvt.s32.f32 v7;
	v8 =	vmul.f32 v13, v12;
	v11 =	vadd.f32 $-3.520218850e+00, v14  }
0x2aa: {  	v13 =	vshra.s32 v10, $0x17;
	v10 =	vand.u32 $0x7FFFFF, v10;
	v14 =	vmul.f32 v4, v9  }
0x2ab: {  	s30 =	simm.s32 $0x40;
	s19 =	simm.s32 $0x200;
	v9 =	vor.u32 $0x3F800000, v10;
	v10 =	vand.u32 $0x7FFFFF, v8;
	v16 =	vmul.f32 v6, v11  }
0x2ac: {  	s20 =	sand.u32 $0x60, s30;
	s31 =	sand.u32 $0x1C00, s19;
	v12 =	vmul.f32 $4.392862690e-02, v9;
	v10 =	vor.u32 $0x3F800000, v10;
	v11 =	vadd.f32 $5.069756510e+00, v14  }
0x2ad: {  	s21 =	sor.u32 s20, s31;
	s20 =	simm.s32 $0x60;
	v15 =	vadd.s32 $0xFFFFFF81, v13;
	v14 =	vmul.f32 $4.392862690e-02, v10;
	v13 =	vadd.f32 $5.069756510e+00, v16  }
.LBB2_21:
0x2ae: {  	p0 =	sne.s32 s20, $0x3C0;
	v16 =	vld [tilespmem:s21+$0x2080];
	v12 =	vadd.f32 $-4.094755950e-01, v12;
	v15 =	vcvt.s32.f32 v15;
	v11 =	vmul.f32 v4, v11;
	v4 =	vmovc v9  }
0x2af: {  	v17 =	vshra.s32 v3, $0x17;
	v3 =	vmovc v8;
	v9 =	vld [tilespmem:s21+$0x2090];
	v14 =	vadd.f32 $-4.094755950e-01, v14;
	v13 =	vmul.f32 v6, v13;
	v6 =	vmovc v10  }
0x2b0: {  	v8 =	vmul.f32 v4, v12;
	v10 =	vadd.f32 $-2.794153690e+00, v11;
	v11 =	vadd.s32 $0xFFFFFF81, v17  }
0x2b1: {  	v12 =	vmul.f32 v6, v14;
	v13 =	vadd.f32 $-2.794153690e+00, v13;
	v11 =	vcvt.s32.f32 v11  }
0x2b2: {  	v8 =	vadd.f32 $1.610177520e+00, v8;
	v10 =	vadd.f32 v7, v10;
	v7 =	vmov v15  }
0x2b3: {  	v14 =	vmax.f32 v16, $9.999999960e-13;
	v12 =	vadd.f32 $1.610177520e+00, v12;
	v11 =	vadd.f32 v11, v13  }
0x2b4: {  	v9 =	vmax.f32 v9, $9.999999960e-13;
	v13 =	vsub.f32 $1.000000000e+00, v14;
	v8 =	vmul.f32 v4, v8  }
0x2b5: {  	v15 =	vsub.f32 $1.000000000e+00, v9;
	v12 =	vmul.f32 v6, v12;
	v5 =	vadd.f32 v11, v5  }
0x2b6: {  	v2 =	vadd.f32 v10, v2;
	v9 =	vmul.f32 v9, v14;
	v11 =	vadd.f32 $-3.520218850e+00, v8  }
.Ltmp9:
0x2b7: {  	v8 =	vmul.f32 v15, v13;
	v10 =	vadd.f32 $-3.520218850e+00, v12;
	(pc) =	sbr.rel @p0 .LBB2_21-.Ltmp9, $4  }
0x2b8: {  	v13 =	vshra.s32 v9, $0x17;
	v9 =	vand.u32 $0x7FFFFF, v9;
	v11 =	vmul.f32 v4, v11  }
0x2b9: {  	s19 =	sadd.s32 $0x100, s19;
	v9 =	vor.u32 $0x3F800000, v9;
	v14 =	vand.u32 $0x7FFFFF, v8;
	v16 =	vmul.f32 v6, v10  }
0x2ba: {  	s21 =	sand.u32 $0x60, s20;
	s22 =	sand.u32 $0x1C00, s19;
	v12 =	vmul.f32 $4.392862690e-02, v9;
	v10 =	vor.u32 $0x3F800000, v14;
	v11 =	vadd.f32 $5.069756510e+00, v11  }
0x2bb: {  	s20 =	sadd.s32 $0x20, s20;
	s21 =	sor.u32 s21, s22;
	v15 =	vadd.s32 $0xFFFFFF81, v13;
	v14 =	vmul.f32 $4.392862690e-02, v10;
	v13 =	vadd.f32 $5.069756510e+00, v16  }
0x2bc: {  	v16 =	vld [tilespmem:s21+$0x2080]  }
0x2bd: {  	v12 =	vadd.f32 $-4.094755950e-01, v12;
	v17 =	vld [tilespmem:s21+$0x2090]  }
0x2be: {  	v15 =	vcvt.s32.f32 v15;
	v4 =	vmul.f32 v4, v11;
	v11 =	vadd.f32 $-4.094755950e-01, v14  }
0x2bf: {  	v3 =	vshra.s32 v3, $0x17;
	v6 =	vmul.f32 v6, v13;
	v12 =	vmul.f32 v9, v12  }
0x2c0: {  	v3 =	vadd.s32 $0xFFFFFF81, v3;
	v4 =	vadd.f32 $-2.794153690e+00, v4;
	v11 =	vmul.f32 v10, v11  }
0x2c1: {  	v3 =	vcvt.s32.f32 v3;
	v6 =	vadd.f32 $-2.794153690e+00, v6;
	v12 =	vadd.f32 $1.610177520e+00, v12  }
0x2c2: {  	v13 =	vmax.f32 v16, $9.999999960e-13;
	v11 =	vadd.f32 $1.610177520e+00, v11;
	v14 =	vmax.f32 v17, $9.999999960e-13  }
0x2c3: {  	v16 =	vsub.f32 $1.000000000e+00, v13;
	v12 =	vmul.f32 v9, v12;
	v17 =	vsub.f32 $1.000000000e+00, v14  }
0x2c4: {  	v3 =	vadd.f32 v3, v6;
	v6 =	vmul.f32 v10, v11;
	v11 =	vmul.f32 v14, v13  }
0x2c5: {  	v4 =	vadd.f32 v7, v4;
	v7 =	vadd.f32 $-3.520218850e+00, v12;
	v12 =	vmul.f32 v17, v16  }
0x2c6: {  	v3 =	vadd.f32 v3, v5;
	v5 =	vadd.f32 $-3.520218850e+00, v6;
	v6 =	vand.u32 $0x7FFFFF, v11  }
0x2c7: {  	v14 =	vld [tilespmem:$0x3CD8];
	v7 =	vmul.f32 v9, v7;
	v6 =	vor.u32 $0x3F800000, v6;
	v13 =	vand.u32 $0x7FFFFF, v12  }
0x2c8: {  	v5 =	vmul.f32 v10, v5;
	v16 =	vmul.f32 $4.392862690e-02, v6;
	v13 =	vor.u32 $0x3F800000, v13  }
0x2c9: {  	v2 =	vadd.f32 v4, v2;
	v4 =	vadd.f32 $5.069756510e+00, v7;
	v7 =	vmul.f32 $4.392862690e-02, v13  }
0x2ca: {  	v8 =	vshra.s32 v8, $0x17;
	v5 =	vadd.f32 $5.069756510e+00, v5;
	v16 =	vadd.f32 $-4.094755950e-01, v16  }
0x2cb: {  	v8 =	vadd.s32 $0xFFFFFF81, v8;
	v4 =	vmul.f32 v9, v4;
	v7 =	vadd.f32 $-4.094755950e-01, v7  }
0x2cc: {  	v5 =	vmul.f32 v10, v5;
	v9 =	vmul.f32 v6, v16;
	v10 =	vmax.f32 v14, $9.999999960e-13  }
0x2cd: {  	v8 =	vcvt.s32.f32 v8;
	v7 =	vmul.f32 v13, v7;
	v14 =	vsel vm0, $0x3F800000, v10  }
0x2ce: {  	v10 =	vsub.f32 $1.000000000e+00, v10;
	v9 =	vadd.f32 $1.610177520e+00, v9;
	v16 =	vand.u32 $0x7FFFFF, v14  }
0x2cf: {  	v11 =	vshra.s32 v11, $0x17;
	v7 =	vadd.f32 $1.610177520e+00, v7;
	v16 =	vor.u32 $0x3F800000, v16  }
0x2d0: {  	v10 =	vsel vm0, $0x3F800000, v10;
	v9 =	vmul.f32 v6, v9;
	v17 =	vmul.f32 $4.392862690e-02, v16  }
0x2d1: {  	v5 =	vadd.f32 $-2.794153690e+00, v5;
	v18 =	vand.u32 $0x7FFFFF, v10;
	v7 =	vmul.f32 v13, v7  }
0x2d2: {  	v18 =	vor.u32 $0x3F800000, v18;
	v9 =	vadd.f32 $-3.520218850e+00, v9;
	v17 =	vadd.f32 $-4.094755950e-01, v17  }
0x2d3: {  	v5 =	vadd.f32 v8, v5;
	v8 =	vmul.f32 $4.392862690e-02, v18;
	v7 =	vadd.f32 $-3.520218850e+00, v7  }
0x2d4: {  	s19 =	simm.s32 $0x0;
	v11 =	vadd.s32 $0xFFFFFF81, v11;
	v9 =	vmul.f32 v6, v9;
	v17 =	vmul.f32 v16, v17  }
0x2d5: {  	s20 =	sand.u32 $0x60, s19;
	s19 =	sand.u32 $0x1C00, s19;
	v4 =	vadd.f32 $-2.794153690e+00, v4;
	v8 =	vadd.f32 $-4.094755950e-01, v8;
	v7 =	vmul.f32 v13, v7  }
0x2d6: {  	s19 =	sor.u32 s20, s19;
	v11 =	vcvt.s32.f32 v11;
	v9 =	vadd.f32 $5.069756510e+00, v9;
	v17 =	vadd.f32 $1.610177520e+00, v17  }
0x2d7: {  	v4 =	vadd.f32 v15, v4;
	v15 =	vld [tilespmem:s19+$0x2100];
	v8 =	vmul.f32 v18, v8;
	v7 =	vadd.f32 $5.069756510e+00, v7  }
0x2d8: {  	v5 =	vadd.f32 v5, v3;
	v3 =	vmul.f32 v6, v9;
	v6 =	vmul.f32 v16, v17;
	v9 =	vld [tilespmem:s19+$0x2110]  }
0x2d9: {  	v2 =	vadd.f32 v4, v2;
	v4 =	vmul.f32 v13, v7;
	v7 =	vadd.f32 $1.610177520e+00, v8  }
0x2da: {  	v8 =	vshra.s32 v12, $0x17;
	v3 =	vadd.f32 $-2.794153690e+00, v3;
	v6 =	vadd.f32 $-3.520218850e+00, v6  }
0x2db: {  	v8 =	vadd.s32 $0xFFFFFF81, v8;
	v4 =	vadd.f32 $-2.794153690e+00, v4;
	v7 =	vmul.f32 v18, v7  }
0x2dc: {  	v8 =	vcvt.s32.f32 v8;
	v11 =	vadd.f32 v11, v3;
	v3 =	vmul.f32 v16, v6  }
0x2dd: {  	v6 =	vadd.f32 $-3.520218850e+00, v7;
	v7 =	vmax.f32 v15, $9.999999960e-13;
	v9 =	vmax.f32 v9, $9.999999960e-13  }
0x2de: {  	v12 =	vsub.f32 $1.000000000e+00, v7;
	v13 =	vsub.f32 $1.000000000e+00, v9  }
0x2df: {  	v8 =	vadd.f32 v8, v4;
	v4 =	vadd.f32 $5.069756510e+00, v3;
	v7 =	vmul.f32 v9, v7  }
0x2e0: {  	v10 =	vshra.s32 v10, $0x17;
	v6 =	vmul.f32 v18, v6;
	v3 =	vmul.f32 v13, v12  }
0x2e1: {  	v10 =	vadd.s32 $0xFFFFFF81, v10;
	v12 =	vmul.f32 v16, v4;
	v4 =	vand.u32 $0x7FFFFF, v7  }
0x2e2: {  	s28 =	simm.s32 $0x20;
	s29 =	simm.s32 $0x100;
	v13 =	vadd.f32 $5.069756510e+00, v6;
	v4 =	vor.u32 $0x3F800000, v4;
	v6 =	vand.u32 $0x7FFFFF, v3  }
0x2e3: {  	s20 =	sand.u32 $0x1C00, s29;
	s19 =	sand.u32 $0x60, s28;
	v9 =	vshra.s32 v14, $0x17;
	v14 =	vmul.f32 $4.392862690e-02, v4;
	v6 =	vor.u32 $0x3F800000, v6  }
0x2e4: {  	s19 =	sor.u32 s19, s20;
	v9 =	vadd.s32 $0xFFFFFF81, v9;
	v13 =	vmul.f32 v18, v13;
	v15 =	vmul.f32 $4.392862690e-02, v6  }
0x2e5: {  	v17 =	vld [tilespmem:s19+$0x2110];
	v9 =	vcvt.s32.f32 v9;
	v12 =	vadd.f32 $-2.794153690e+00, v12;
	v14 =	vadd.f32 $-4.094755950e-01, v14  }
0x2e6: {  	v10 =	vcvt.s32.f32 v10;
	v16 =	vld [tilespmem:s19+$0x2100];
	v13 =	vadd.f32 $-2.794153690e+00, v13;
	v15 =	vadd.f32 $-4.094755950e-01, v15  }
0x2e7: {  	v2 =	vadd.f32 v11, v2;
	v9 =	vadd.f32 v9, v12;
	v11 =	vmul.f32 v4, v14  }
0x2e8: {  	v5 =	vadd.f32 v8, v5;
	v8 =	vadd.f32 v10, v13;
	v10 =	vmul.f32 v6, v15  }
0x2e9: {  	v2 =	vadd.f32 v9, v2;
	v9 =	vadd.f32 $1.610177520e+00, v11  }
0x2ea: {  	v7 =	vshra.s32 v7, $0x17;
	v5 =	vadd.f32 v8, v5;
	v8 =	vadd.f32 $1.610177520e+00, v10  }
0x2eb: {  	v11 =	vmax.f32 v17, $9.999999960e-13;
	v10 =	vmax.f32 v16, $9.999999960e-13;
	v9 =	vmul.f32 v4, v9  }
0x2ec: {  	v13 =	vsub.f32 $1.000000000e+00, v11;
	v12 =	vsub.f32 $1.000000000e+00, v10;
	v14 =	vmul.f32 v6, v8  }
0x2ed: {  	v7 =	vadd.s32 $0xFFFFFF81, v7;
	v10 =	vmul.f32 v11, v10;
	v9 =	vadd.f32 $-3.520218850e+00, v9  }
0x2ee: {  	v7 =	vcvt.s32.f32 v7;
	v8 =	vmul.f32 v13, v12;
	v11 =	vadd.f32 $-3.520218850e+00, v14  }
0x2ef: {  	v13 =	vshra.s32 v10, $0x17;
	v10 =	vand.u32 $0x7FFFFF, v10;
	v14 =	vmul.f32 v4, v9  }
0x2f0: {  	s30 =	simm.s32 $0x40;
	s19 =	simm.s32 $0x200;
	v9 =	vor.u32 $0x3F800000, v10;
	v10 =	vand.u32 $0x7FFFFF, v8;
	v16 =	vmul.f32 v6, v11  }
0x2f1: {  	s20 =	sand.u32 $0x60, s30;
	s31 =	sand.u32 $0x1C00, s19;
	v12 =	vmul.f32 $4.392862690e-02, v9;
	v10 =	vor.u32 $0x3F800000, v10;
	v11 =	vadd.f32 $5.069756510e+00, v14  }
0x2f2: {  	s21 =	sor.u32 s20, s31;
	s20 =	simm.s32 $0x60;
	v15 =	vadd.s32 $0xFFFFFF81, v13;
	v14 =	vmul.f32 $4.392862690e-02, v10;
	v13 =	vadd.f32 $5.069756510e+00, v16  }
.LBB2_23:
0x2f3: {  	p0 =	sne.s32 s20, $0x3C0;
	v16 =	vld [tilespmem:s21+$0x2100];
	v12 =	vadd.f32 $-4.094755950e-01, v12;
	v15 =	vcvt.s32.f32 v15;
	v11 =	vmul.f32 v4, v11;
	v4 =	vmovc v9  }
0x2f4: {  	v17 =	vshra.s32 v3, $0x17;
	v3 =	vmovc v8;
	v9 =	vld [tilespmem:s21+$0x2110];
	v14 =	vadd.f32 $-4.094755950e-01, v14;
	v13 =	vmul.f32 v6, v13;
	v6 =	vmovc v10  }
0x2f5: {  	v8 =	vmul.f32 v4, v12;
	v10 =	vadd.f32 $-2.794153690e+00, v11;
	v11 =	vadd.s32 $0xFFFFFF81, v17  }
0x2f6: {  	v12 =	vmul.f32 v6, v14;
	v13 =	vadd.f32 $-2.794153690e+00, v13;
	v11 =	vcvt.s32.f32 v11  }
0x2f7: {  	v8 =	vadd.f32 $1.610177520e+00, v8;
	v10 =	vadd.f32 v7, v10;
	v7 =	vmov v15  }
0x2f8: {  	v14 =	vmax.f32 v16, $9.999999960e-13;
	v12 =	vadd.f32 $1.610177520e+00, v12;
	v11 =	vadd.f32 v11, v13  }
0x2f9: {  	v9 =	vmax.f32 v9, $9.999999960e-13;
	v13 =	vsub.f32 $1.000000000e+00, v14;
	v8 =	vmul.f32 v4, v8  }
0x2fa: {  	v15 =	vsub.f32 $1.000000000e+00, v9;
	v12 =	vmul.f32 v6, v12;
	v5 =	vadd.f32 v11, v5  }
0x2fb: {  	v2 =	vadd.f32 v10, v2;
	v9 =	vmul.f32 v9, v14;
	v11 =	vadd.f32 $-3.520218850e+00, v8  }
.Ltmp10:
0x2fc: {  	v8 =	vmul.f32 v15, v13;
	v10 =	vadd.f32 $-3.520218850e+00, v12;
	(pc) =	sbr.rel @p0 .LBB2_23-.Ltmp10, $4  }
0x2fd: {  	v13 =	vshra.s32 v9, $0x17;
	v9 =	vand.u32 $0x7FFFFF, v9;
	v11 =	vmul.f32 v4, v11  }
0x2fe: {  	s19 =	sadd.s32 $0x100, s19;
	v9 =	vor.u32 $0x3F800000, v9;
	v14 =	vand.u32 $0x7FFFFF, v8;
	v16 =	vmul.f32 v6, v10  }
0x2ff: {  	s21 =	sand.u32 $0x60, s20;
	s22 =	sand.u32 $0x1C00, s19;
	v12 =	vmul.f32 $4.392862690e-02, v9;
	v10 =	vor.u32 $0x3F800000, v14;
	v11 =	vadd.f32 $5.069756510e+00, v11  }
0x300: {  	s20 =	sadd.s32 $0x20, s20;
	s21 =	sor.u32 s21, s22;
	v15 =	vadd.s32 $0xFFFFFF81, v13;
	v14 =	vmul.f32 $4.392862690e-02, v10;
	v13 =	vadd.f32 $5.069756510e+00, v16  }
0x301: {  	v16 =	vld [tilespmem:s21+$0x2100]  }
0x302: {  	v12 =	vadd.f32 $-4.094755950e-01, v12;
	v17 =	vld [tilespmem:s21+$0x2110]  }
0x303: {  	v15 =	vcvt.s32.f32 v15;
	v4 =	vmul.f32 v4, v11;
	v11 =	vadd.f32 $-4.094755950e-01, v14  }
0x304: {  	v3 =	vshra.s32 v3, $0x17;
	v6 =	vmul.f32 v6, v13;
	v12 =	vmul.f32 v9, v12  }
0x305: {  	v3 =	vadd.s32 $0xFFFFFF81, v3;
	v4 =	vadd.f32 $-2.794153690e+00, v4;
	v11 =	vmul.f32 v10, v11  }
0x306: {  	v3 =	vcvt.s32.f32 v3;
	v6 =	vadd.f32 $-2.794153690e+00, v6;
	v12 =	vadd.f32 $1.610177520e+00, v12  }
0x307: {  	v13 =	vmax.f32 v16, $9.999999960e-13;
	v11 =	vadd.f32 $1.610177520e+00, v11;
	v14 =	vmax.f32 v17, $9.999999960e-13  }
0x308: {  	v16 =	vsub.f32 $1.000000000e+00, v13;
	v12 =	vmul.f32 v9, v12;
	v17 =	vsub.f32 $1.000000000e+00, v14  }
0x309: {  	v3 =	vadd.f32 v3, v6;
	v6 =	vmul.f32 v10, v11;
	v11 =	vmul.f32 v14, v13  }
0x30a: {  	v4 =	vadd.f32 v7, v4;
	v7 =	vadd.f32 $-3.520218850e+00, v12;
	v12 =	vmul.f32 v17, v16  }
0x30b: {  	v3 =	vadd.f32 v3, v5;
	v5 =	vadd.f32 $-3.520218850e+00, v6;
	v6 =	vand.u32 $0x7FFFFF, v11  }
0x30c: {  	v14 =	vld [tilespmem:$0x3D58];
	v7 =	vmul.f32 v9, v7;
	v6 =	vor.u32 $0x3F800000, v6;
	v13 =	vand.u32 $0x7FFFFF, v12  }
0x30d: {  	v5 =	vmul.f32 v10, v5;
	v16 =	vmul.f32 $4.392862690e-02, v6;
	v13 =	vor.u32 $0x3F800000, v13  }
0x30e: {  	v2 =	vadd.f32 v4, v2;
	v4 =	vadd.f32 $5.069756510e+00, v7;
	v7 =	vmul.f32 $4.392862690e-02, v13  }
0x30f: {  	v8 =	vshra.s32 v8, $0x17;
	v5 =	vadd.f32 $5.069756510e+00, v5;
	v16 =	vadd.f32 $-4.094755950e-01, v16  }
0x310: {  	v8 =	vadd.s32 $0xFFFFFF81, v8;
	v4 =	vmul.f32 v9, v4;
	v7 =	vadd.f32 $-4.094755950e-01, v7  }
0x311: {  	v5 =	vmul.f32 v10, v5;
	v9 =	vmul.f32 v6, v16;
	v10 =	vmax.f32 v14, $9.999999960e-13  }
0x312: {  	v8 =	vcvt.s32.f32 v8;
	v7 =	vmul.f32 v13, v7;
	v14 =	vsel vm0, $0x3F800000, v10  }
0x313: {  	v10 =	vsub.f32 $1.000000000e+00, v10;
	v9 =	vadd.f32 $1.610177520e+00, v9;
	v16 =	vand.u32 $0x7FFFFF, v14  }
0x314: {  	v11 =	vshra.s32 v11, $0x17;
	v7 =	vadd.f32 $1.610177520e+00, v7;
	v16 =	vor.u32 $0x3F800000, v16  }
0x315: {  	v10 =	vsel vm0, $0x3F800000, v10;
	v9 =	vmul.f32 v6, v9;
	v17 =	vmul.f32 $4.392862690e-02, v16  }
0x316: {  	v5 =	vadd.f32 $-2.794153690e+00, v5;
	v18 =	vand.u32 $0x7FFFFF, v10;
	v7 =	vmul.f32 v13, v7  }
0x317: {  	v18 =	vor.u32 $0x3F800000, v18;
	v9 =	vadd.f32 $-3.520218850e+00, v9;
	v17 =	vadd.f32 $-4.094755950e-01, v17  }
0x318: {  	v5 =	vadd.f32 v8, v5;
	v8 =	vmul.f32 $4.392862690e-02, v18;
	v7 =	vadd.f32 $-3.520218850e+00, v7  }
0x319: {  	s19 =	simm.s32 $0x0;
	v11 =	vadd.s32 $0xFFFFFF81, v11;
	v9 =	vmul.f32 v6, v9;
	v17 =	vmul.f32 v16, v17  }
0x31a: {  	s20 =	sand.u32 $0x60, s19;
	s19 =	sand.u32 $0x1C00, s19;
	v4 =	vadd.f32 $-2.794153690e+00, v4;
	v8 =	vadd.f32 $-4.094755950e-01, v8;
	v7 =	vmul.f32 v13, v7  }
0x31b: {  	s19 =	sor.u32 s20, s19;
	v11 =	vcvt.s32.f32 v11;
	v9 =	vadd.f32 $5.069756510e+00, v9;
	v17 =	vadd.f32 $1.610177520e+00, v17  }
0x31c: {  	v4 =	vadd.f32 v15, v4;
	v15 =	vld [tilespmem:s19+$0x2180];
	v8 =	vmul.f32 v18, v8;
	v7 =	vadd.f32 $5.069756510e+00, v7  }
0x31d: {  	v5 =	vadd.f32 v5, v3;
	v3 =	vmul.f32 v6, v9;
	v6 =	vmul.f32 v16, v17;
	v9 =	vld [tilespmem:s19+$0x2190]  }
0x31e: {  	v2 =	vadd.f32 v4, v2;
	v4 =	vmul.f32 v13, v7;
	v7 =	vadd.f32 $1.610177520e+00, v8  }
0x31f: {  	v8 =	vshra.s32 v12, $0x17;
	v3 =	vadd.f32 $-2.794153690e+00, v3;
	v6 =	vadd.f32 $-3.520218850e+00, v6  }
0x320: {  	v8 =	vadd.s32 $0xFFFFFF81, v8;
	v4 =	vadd.f32 $-2.794153690e+00, v4;
	v7 =	vmul.f32 v18, v7  }
0x321: {  	v8 =	vcvt.s32.f32 v8;
	v11 =	vadd.f32 v11, v3;
	v3 =	vmul.f32 v16, v6  }
0x322: {  	v6 =	vadd.f32 $-3.520218850e+00, v7;
	v7 =	vmax.f32 v15, $9.999999960e-13;
	v9 =	vmax.f32 v9, $9.999999960e-13  }
0x323: {  	v12 =	vsub.f32 $1.000000000e+00, v7;
	v13 =	vsub.f32 $1.000000000e+00, v9  }
0x324: {  	v8 =	vadd.f32 v8, v4;
	v4 =	vadd.f32 $5.069756510e+00, v3;
	v7 =	vmul.f32 v9, v7  }
0x325: {  	v10 =	vshra.s32 v10, $0x17;
	v6 =	vmul.f32 v18, v6;
	v3 =	vmul.f32 v13, v12  }
0x326: {  	v10 =	vadd.s32 $0xFFFFFF81, v10;
	v12 =	vmul.f32 v16, v4;
	v4 =	vand.u32 $0x7FFFFF, v7  }
0x327: {  	s28 =	simm.s32 $0x20;
	s29 =	simm.s32 $0x100;
	v13 =	vadd.f32 $5.069756510e+00, v6;
	v4 =	vor.u32 $0x3F800000, v4;
	v6 =	vand.u32 $0x7FFFFF, v3  }
0x328: {  	s20 =	sand.u32 $0x1C00, s29;
	s19 =	sand.u32 $0x60, s28;
	v9 =	vshra.s32 v14, $0x17;
	v14 =	vmul.f32 $4.392862690e-02, v4;
	v6 =	vor.u32 $0x3F800000, v6  }
0x329: {  	s19 =	sor.u32 s19, s20;
	v9 =	vadd.s32 $0xFFFFFF81, v9;
	v13 =	vmul.f32 v18, v13;
	v15 =	vmul.f32 $4.392862690e-02, v6  }
0x32a: {  	v17 =	vld [tilespmem:s19+$0x2190];
	v9 =	vcvt.s32.f32 v9;
	v12 =	vadd.f32 $-2.794153690e+00, v12;
	v14 =	vadd.f32 $-4.094755950e-01, v14  }
0x32b: {  	v10 =	vcvt.s32.f32 v10;
	v16 =	vld [tilespmem:s19+$0x2180];
	v13 =	vadd.f32 $-2.794153690e+00, v13;
	v15 =	vadd.f32 $-4.094755950e-01, v15  }
0x32c: {  	v2 =	vadd.f32 v11, v2;
	v9 =	vadd.f32 v9, v12;
	v11 =	vmul.f32 v4, v14  }
0x32d: {  	v5 =	vadd.f32 v8, v5;
	v8 =	vadd.f32 v10, v13;
	v10 =	vmul.f32 v6, v15  }
0x32e: {  	v2 =	vadd.f32 v9, v2;
	v9 =	vadd.f32 $1.610177520e+00, v11  }
0x32f: {  	v7 =	vshra.s32 v7, $0x17;
	v5 =	vadd.f32 v8, v5;
	v8 =	vadd.f32 $1.610177520e+00, v10  }
0x330: {  	v11 =	vmax.f32 v17, $9.999999960e-13;
	v10 =	vmax.f32 v16, $9.999999960e-13;
	v9 =	vmul.f32 v4, v9  }
0x331: {  	v13 =	vsub.f32 $1.000000000e+00, v11;
	v12 =	vsub.f32 $1.000000000e+00, v10;
	v14 =	vmul.f32 v6, v8  }
0x332: {  	v7 =	vadd.s32 $0xFFFFFF81, v7;
	v10 =	vmul.f32 v11, v10;
	v9 =	vadd.f32 $-3.520218850e+00, v9  }
0x333: {  	v7 =	vcvt.s32.f32 v7;
	v8 =	vmul.f32 v13, v12;
	v11 =	vadd.f32 $-3.520218850e+00, v14  }
0x334: {  	v13 =	vshra.s32 v10, $0x17;
	v10 =	vand.u32 $0x7FFFFF, v10;
	v14 =	vmul.f32 v4, v9  }
0x335: {  	s30 =	simm.s32 $0x40;
	s19 =	simm.s32 $0x200;
	v9 =	vor.u32 $0x3F800000, v10;
	v10 =	vand.u32 $0x7FFFFF, v8;
	v16 =	vmul.f32 v6, v11  }
0x336: {  	s20 =	sand.u32 $0x60, s30;
	s31 =	sand.u32 $0x1C00, s19;
	v12 =	vmul.f32 $4.392862690e-02, v9;
	v10 =	vor.u32 $0x3F800000, v10;
	v11 =	vadd.f32 $5.069756510e+00, v14  }
0x337: {  	s21 =	sor.u32 s20, s31;
	s20 =	simm.s32 $0x60;
	v15 =	vadd.s32 $0xFFFFFF81, v13;
	v14 =	vmul.f32 $4.392862690e-02, v10;
	v13 =	vadd.f32 $5.069756510e+00, v16  }
.LBB2_25:
0x338: {  	p0 =	sne.s32 s20, $0x3C0;
	v16 =	vld [tilespmem:s21+$0x2180];
	v12 =	vadd.f32 $-4.094755950e-01, v12;
	v15 =	vcvt.s32.f32 v15;
	v11 =	vmul.f32 v4, v11;
	v4 =	vmovc v9  }
0x339: {  	v17 =	vshra.s32 v3, $0x17;
	v3 =	vmovc v8;
	v9 =	vld [tilespmem:s21+$0x2190];
	v14 =	vadd.f32 $-4.094755950e-01, v14;
	v13 =	vmul.f32 v6, v13;
	v6 =	vmovc v10  }
0x33a: {  	v8 =	vmul.f32 v4, v12;
	v10 =	vadd.f32 $-2.794153690e+00, v11;
	v11 =	vadd.s32 $0xFFFFFF81, v17  }
0x33b: {  	v12 =	vmul.f32 v6, v14;
	v13 =	vadd.f32 $-2.794153690e+00, v13;
	v11 =	vcvt.s32.f32 v11  }
0x33c: {  	v8 =	vadd.f32 $1.610177520e+00, v8;
	v10 =	vadd.f32 v7, v10;
	v7 =	vmov v15  }
0x33d: {  	v14 =	vmax.f32 v16, $9.999999960e-13;
	v12 =	vadd.f32 $1.610177520e+00, v12;
	v11 =	vadd.f32 v11, v13  }
0x33e: {  	v9 =	vmax.f32 v9, $9.999999960e-13;
	v13 =	vsub.f32 $1.000000000e+00, v14;
	v8 =	vmul.f32 v4, v8  }
0x33f: {  	v15 =	vsub.f32 $1.000000000e+00, v9;
	v12 =	vmul.f32 v6, v12;
	v5 =	vadd.f32 v11, v5  }
0x340: {  	v2 =	vadd.f32 v10, v2;
	v9 =	vmul.f32 v9, v14;
	v11 =	vadd.f32 $-3.520218850e+00, v8  }
.Ltmp11:
0x341: {  	v8 =	vmul.f32 v15, v13;
	v10 =	vadd.f32 $-3.520218850e+00, v12;
	(pc) =	sbr.rel @p0 .LBB2_25-.Ltmp11, $4  }
0x342: {  	v13 =	vshra.s32 v9, $0x17;
	v9 =	vand.u32 $0x7FFFFF, v9;
	v11 =	vmul.f32 v4, v11  }
0x343: {  	s19 =	sadd.s32 $0x100, s19;
	v9 =	vor.u32 $0x3F800000, v9;
	v14 =	vand.u32 $0x7FFFFF, v8;
	v16 =	vmul.f32 v6, v10  }
0x344: {  	s21 =	sand.u32 $0x60, s20;
	s22 =	sand.u32 $0x1C00, s19;
	v12 =	vmul.f32 $4.392862690e-02, v9;
	v10 =	vor.u32 $0x3F800000, v14;
	v11 =	vadd.f32 $5.069756510e+00, v11  }
0x345: {  	s20 =	sadd.s32 $0x20, s20;
	s21 =	sor.u32 s21, s22;
	v15 =	vadd.s32 $0xFFFFFF81, v13;
	v14 =	vmul.f32 $4.392862690e-02, v10;
	v13 =	vadd.f32 $5.069756510e+00, v16  }
0x346: {  	v16 =	vld [tilespmem:s21+$0x2180]  }
0x347: {  	v12 =	vadd.f32 $-4.094755950e-01, v12;
	v17 =	vld [tilespmem:s21+$0x2190]  }
0x348: {  	v15 =	vcvt.s32.f32 v15;
	v4 =	vmul.f32 v4, v11;
	v11 =	vadd.f32 $-4.094755950e-01, v14  }
0x349: {  	v3 =	vshra.s32 v3, $0x17;
	v6 =	vmul.f32 v6, v13;
	v12 =	vmul.f32 v9, v12  }
0x34a: {  	v3 =	vadd.s32 $0xFFFFFF81, v3;
	v4 =	vadd.f32 $-2.794153690e+00, v4;
	v11 =	vmul.f32 v10, v11  }
0x34b: {  	v3 =	vcvt.s32.f32 v3;
	v6 =	vadd.f32 $-2.794153690e+00, v6;
	v12 =	vadd.f32 $1.610177520e+00, v12  }
0x34c: {  	v13 =	vmax.f32 v16, $9.999999960e-13;
	v11 =	vadd.f32 $1.610177520e+00, v11;
	v14 =	vmax.f32 v17, $9.999999960e-13  }
0x34d: {  	v16 =	vsub.f32 $1.000000000e+00, v13;
	v12 =	vmul.f32 v9, v12;
	v17 =	vsub.f32 $1.000000000e+00, v14  }
0x34e: {  	v3 =	vadd.f32 v3, v6;
	v6 =	vmul.f32 v10, v11;
	v11 =	vmul.f32 v14, v13  }
0x34f: {  	v4 =	vadd.f32 v7, v4;
	v7 =	vadd.f32 $-3.520218850e+00, v12;
	v12 =	vmul.f32 v17, v16  }
0x350: {  	v3 =	vadd.f32 v3, v5;
	v5 =	vadd.f32 $-3.520218850e+00, v6;
	v6 =	vand.u32 $0x7FFFFF, v11  }
0x351: {  	v14 =	vld [tilespmem:$0x3DD8];
	v7 =	vmul.f32 v9, v7;
	v6 =	vor.u32 $0x3F800000, v6;
	v13 =	vand.u32 $0x7FFFFF, v12  }
0x352: {  	v5 =	vmul.f32 v10, v5;
	v16 =	vmul.f32 $4.392862690e-02, v6;
	v13 =	vor.u32 $0x3F800000, v13  }
0x353: {  	v2 =	vadd.f32 v4, v2;
	v4 =	vadd.f32 $5.069756510e+00, v7;
	v7 =	vmul.f32 $4.392862690e-02, v13  }
0x354: {  	v8 =	vshra.s32 v8, $0x17;
	v5 =	vadd.f32 $5.069756510e+00, v5;
	v16 =	vadd.f32 $-4.094755950e-01, v16  }
0x355: {  	v8 =	vadd.s32 $0xFFFFFF81, v8;
	v4 =	vmul.f32 v9, v4;
	v7 =	vadd.f32 $-4.094755950e-01, v7  }
0x356: {  	v5 =	vmul.f32 v10, v5;
	v9 =	vmul.f32 v6, v16;
	v10 =	vmax.f32 v14, $9.999999960e-13  }
0x357: {  	v8 =	vcvt.s32.f32 v8;
	v7 =	vmul.f32 v13, v7;
	v14 =	vsel vm0, $0x3F800000, v10  }
0x358: {  	v10 =	vsub.f32 $1.000000000e+00, v10;
	v9 =	vadd.f32 $1.610177520e+00, v9;
	v16 =	vand.u32 $0x7FFFFF, v14  }
0x359: {  	v11 =	vshra.s32 v11, $0x17;
	v7 =	vadd.f32 $1.610177520e+00, v7;
	v16 =	vor.u32 $0x3F800000, v16  }
0x35a: {  	v10 =	vsel vm0, $0x3F800000, v10;
	v9 =	vmul.f32 v6, v9;
	v17 =	vmul.f32 $4.392862690e-02, v16  }
0x35b: {  	v5 =	vadd.f32 $-2.794153690e+00, v5;
	v18 =	vand.u32 $0x7FFFFF, v10;
	v7 =	vmul.f32 v13, v7  }
0x35c: {  	v18 =	vor.u32 $0x3F800000, v18;
	v9 =	vadd.f32 $-3.520218850e+00, v9;
	v17 =	vadd.f32 $-4.094755950e-01, v17  }
0x35d: {  	v5 =	vadd.f32 v8, v5;
	v8 =	vmul.f32 $4.392862690e-02, v18;
	v7 =	vadd.f32 $-3.520218850e+00, v7  }
0x35e: {  	s19 =	simm.s32 $0x0;
	v11 =	vadd.s32 $0xFFFFFF81, v11;
	v9 =	vmul.f32 v6, v9;
	v17 =	vmul.f32 v16, v17  }
0x35f: {  	s20 =	sand.u32 $0x60, s19;
	s19 =	sand.u32 $0x1C00, s19;
	v4 =	vadd.f32 $-2.794153690e+00, v4;
	v8 =	vadd.f32 $-4.094755950e-01, v8;
	v7 =	vmul.f32 v13, v7  }
0x360: {  	s19 =	sor.u32 s20, s19;
	v11 =	vcvt.s32.f32 v11;
	v9 =	vadd.f32 $5.069756510e+00, v9;
	v17 =	vadd.f32 $1.610177520e+00, v17  }
0x361: {  	v4 =	vadd.f32 v15, v4;
	v15 =	vld [tilespmem:s19+$0x2200];
	v8 =	vmul.f32 v18, v8;
	v7 =	vadd.f32 $5.069756510e+00, v7  }
0x362: {  	v5 =	vadd.f32 v5, v3;
	v3 =	vmul.f32 v6, v9;
	v6 =	vmul.f32 v16, v17;
	v9 =	vld [tilespmem:s19+$0x2210]  }
0x363: {  	v2 =	vadd.f32 v4, v2;
	v4 =	vmul.f32 v13, v7;
	v7 =	vadd.f32 $1.610177520e+00, v8  }
0x364: {  	v8 =	vshra.s32 v12, $0x17;
	v3 =	vadd.f32 $-2.794153690e+00, v3;
	v6 =	vadd.f32 $-3.520218850e+00, v6  }
0x365: {  	v8 =	vadd.s32 $0xFFFFFF81, v8;
	v4 =	vadd.f32 $-2.794153690e+00, v4;
	v7 =	vmul.f32 v18, v7  }
0x366: {  	v8 =	vcvt.s32.f32 v8;
	v11 =	vadd.f32 v11, v3;
	v3 =	vmul.f32 v16, v6  }
0x367: {  	v6 =	vadd.f32 $-3.520218850e+00, v7;
	v7 =	vmax.f32 v15, $9.999999960e-13;
	v9 =	vmax.f32 v9, $9.999999960e-13  }
0x368: {  	v12 =	vsub.f32 $1.000000000e+00, v7;
	v13 =	vsub.f32 $1.000000000e+00, v9  }
0x369: {  	v8 =	vadd.f32 v8, v4;
	v4 =	vadd.f32 $5.069756510e+00, v3;
	v7 =	vmul.f32 v9, v7  }
0x36a: {  	v10 =	vshra.s32 v10, $0x17;
	v6 =	vmul.f32 v18, v6;
	v3 =	vmul.f32 v13, v12  }
0x36b: {  	v10 =	vadd.s32 $0xFFFFFF81, v10;
	v12 =	vmul.f32 v16, v4;
	v4 =	vand.u32 $0x7FFFFF, v7  }
0x36c: {  	s28 =	simm.s32 $0x20;
	s29 =	simm.s32 $0x100;
	v13 =	vadd.f32 $5.069756510e+00, v6;
	v4 =	vor.u32 $0x3F800000, v4;
	v6 =	vand.u32 $0x7FFFFF, v3  }
0x36d: {  	s20 =	sand.u32 $0x1C00, s29;
	s19 =	sand.u32 $0x60, s28;
	v9 =	vshra.s32 v14, $0x17;
	v14 =	vmul.f32 $4.392862690e-02, v4;
	v6 =	vor.u32 $0x3F800000, v6  }
0x36e: {  	s19 =	sor.u32 s19, s20;
	v9 =	vadd.s32 $0xFFFFFF81, v9;
	v13 =	vmul.f32 v18, v13;
	v15 =	vmul.f32 $4.392862690e-02, v6  }
0x36f: {  	v17 =	vld [tilespmem:s19+$0x2210];
	v9 =	vcvt.s32.f32 v9;
	v12 =	vadd.f32 $-2.794153690e+00, v12;
	v14 =	vadd.f32 $-4.094755950e-01, v14  }
0x370: {  	v10 =	vcvt.s32.f32 v10;
	v16 =	vld [tilespmem:s19+$0x2200];
	v13 =	vadd.f32 $-2.794153690e+00, v13;
	v15 =	vadd.f32 $-4.094755950e-01, v15  }
0x371: {  	v2 =	vadd.f32 v11, v2;
	v9 =	vadd.f32 v9, v12;
	v11 =	vmul.f32 v4, v14  }
0x372: {  	v5 =	vadd.f32 v8, v5;
	v8 =	vadd.f32 v10, v13;
	v10 =	vmul.f32 v6, v15  }
0x373: {  	v2 =	vadd.f32 v9, v2;
	v9 =	vadd.f32 $1.610177520e+00, v11  }
0x374: {  	v7 =	vshra.s32 v7, $0x17;
	v5 =	vadd.f32 v8, v5;
	v8 =	vadd.f32 $1.610177520e+00, v10  }
0x375: {  	v11 =	vmax.f32 v17, $9.999999960e-13;
	v10 =	vmax.f32 v16, $9.999999960e-13;
	v9 =	vmul.f32 v4, v9  }
0x376: {  	v13 =	vsub.f32 $1.000000000e+00, v11;
	v12 =	vsub.f32 $1.000000000e+00, v10;
	v14 =	vmul.f32 v6, v8  }
0x377: {  	v7 =	vadd.s32 $0xFFFFFF81, v7;
	v10 =	vmul.f32 v11, v10;
	v9 =	vadd.f32 $-3.520218850e+00, v9  }
0x378: {  	v7 =	vcvt.s32.f32 v7;
	v8 =	vmul.f32 v13, v12;
	v11 =	vadd.f32 $-3.520218850e+00, v14  }
0x379: {  	v13 =	vshra.s32 v10, $0x17;
	v10 =	vand.u32 $0x7FFFFF, v10;
	v14 =	vmul.f32 v4, v9  }
0x37a: {  	s30 =	simm.s32 $0x40;
	s19 =	simm.s32 $0x200;
	v9 =	vor.u32 $0x3F800000, v10;
	v10 =	vand.u32 $0x7FFFFF, v8;
	v16 =	vmul.f32 v6, v11  }
0x37b: {  	s20 =	sand.u32 $0x60, s30;
	s31 =	sand.u32 $0x1C00, s19;
	v12 =	vmul.f32 $4.392862690e-02, v9;
	v10 =	vor.u32 $0x3F800000, v10;
	v11 =	vadd.f32 $5.069756510e+00, v14  }
0x37c: {  	s21 =	sor.u32 s20, s31;
	s20 =	simm.s32 $0x60;
	v15 =	vadd.s32 $0xFFFFFF81, v13;
	v14 =	vmul.f32 $4.392862690e-02, v10;
	v13 =	vadd.f32 $5.069756510e+00, v16  }
.LBB2_27:
0x37d: {  	p0 =	sne.s32 s20, $0x3C0;
	v16 =	vld [tilespmem:s21+$0x2200];
	v12 =	vadd.f32 $-4.094755950e-01, v12;
	v15 =	vcvt.s32.f32 v15;
	v11 =	vmul.f32 v4, v11;
	v4 =	vmovc v9  }
0x37e: {  	v17 =	vshra.s32 v3, $0x17;
	v3 =	vmovc v8;
	v9 =	vld [tilespmem:s21+$0x2210];
	v14 =	vadd.f32 $-4.094755950e-01, v14;
	v13 =	vmul.f32 v6, v13;
	v6 =	vmovc v10  }
0x37f: {  	v8 =	vmul.f32 v4, v12;
	v10 =	vadd.f32 $-2.794153690e+00, v11;
	v11 =	vadd.s32 $0xFFFFFF81, v17  }
0x380: {  	v12 =	vmul.f32 v6, v14;
	v13 =	vadd.f32 $-2.794153690e+00, v13;
	v11 =	vcvt.s32.f32 v11  }
0x381: {  	v8 =	vadd.f32 $1.610177520e+00, v8;
	v10 =	vadd.f32 v7, v10;
	v7 =	vmov v15  }
0x382: {  	v14 =	vmax.f32 v16, $9.999999960e-13;
	v12 =	vadd.f32 $1.610177520e+00, v12;
	v11 =	vadd.f32 v11, v13  }
0x383: {  	v9 =	vmax.f32 v9, $9.999999960e-13;
	v13 =	vsub.f32 $1.000000000e+00, v14;
	v8 =	vmul.f32 v4, v8  }
0x384: {  	v15 =	vsub.f32 $1.000000000e+00, v9;
	v12 =	vmul.f32 v6, v12;
	v5 =	vadd.f32 v11, v5  }
0x385: {  	v2 =	vadd.f32 v10, v2;
	v9 =	vmul.f32 v9, v14;
	v11 =	vadd.f32 $-3.520218850e+00, v8  }
.Ltmp12:
0x386: {  	v8 =	vmul.f32 v15, v13;
	v10 =	vadd.f32 $-3.520218850e+00, v12;
	(pc) =	sbr.rel @p0 .LBB2_27-.Ltmp12, $4  }
0x387: {  	v13 =	vshra.s32 v9, $0x17;
	v9 =	vand.u32 $0x7FFFFF, v9;
	v11 =	vmul.f32 v4, v11  }
0x388: {  	s19 =	sadd.s32 $0x100, s19;
	v9 =	vor.u32 $0x3F800000, v9;
	v14 =	vand.u32 $0x7FFFFF, v8;
	v16 =	vmul.f32 v6, v10  }
0x389: {  	s21 =	sand.u32 $0x60, s20;
	s22 =	sand.u32 $0x1C00, s19;
	v12 =	vmul.f32 $4.392862690e-02, v9;
	v10 =	vor.u32 $0x3F800000, v14;
	v11 =	vadd.f32 $5.069756510e+00, v11  }
0x38a: {  	s20 =	sadd.s32 $0x20, s20;
	s21 =	sor.u32 s21, s22;
	v15 =	vadd.s32 $0xFFFFFF81, v13;
	v14 =	vmul.f32 $4.392862690e-02, v10;
	v13 =	vadd.f32 $5.069756510e+00, v16  }
0x38b: {  	v16 =	vld [tilespmem:s21+$0x2200]  }
0x38c: {  	v12 =	vadd.f32 $-4.094755950e-01, v12;
	v17 =	vld [tilespmem:s21+$0x2210]  }
0x38d: {  	v15 =	vcvt.s32.f32 v15;
	v4 =	vmul.f32 v4, v11;
	v11 =	vadd.f32 $-4.094755950e-01, v14  }
0x38e: {  	v3 =	vshra.s32 v3, $0x17;
	v6 =	vmul.f32 v6, v13;
	v12 =	vmul.f32 v9, v12  }
0x38f: {  	v3 =	vadd.s32 $0xFFFFFF81, v3;
	v4 =	vadd.f32 $-2.794153690e+00, v4;
	v11 =	vmul.f32 v10, v11  }
0x390: {  	v3 =	vcvt.s32.f32 v3;
	v6 =	vadd.f32 $-2.794153690e+00, v6;
	v12 =	vadd.f32 $1.610177520e+00, v12  }
0x391: {  	v13 =	vmax.f32 v16, $9.999999960e-13;
	v11 =	vadd.f32 $1.610177520e+00, v11;
	v14 =	vmax.f32 v17, $9.999999960e-13  }
0x392: {  	v16 =	vsub.f32 $1.000000000e+00, v13;
	v12 =	vmul.f32 v9, v12;
	v17 =	vsub.f32 $1.000000000e+00, v14  }
0x393: {  	v3 =	vadd.f32 v3, v6;
	v6 =	vmul.f32 v10, v11;
	v11 =	vmul.f32 v14, v13  }
0x394: {  	v4 =	vadd.f32 v7, v4;
	v7 =	vadd.f32 $-3.520218850e+00, v12;
	v12 =	vmul.f32 v17, v16  }
0x395: {  	v3 =	vadd.f32 v3, v5;
	v5 =	vadd.f32 $-3.520218850e+00, v6;
	v6 =	vand.u32 $0x7FFFFF, v11  }
0x396: {  	v14 =	vld [tilespmem:$0x3E58];
	v7 =	vmul.f32 v9, v7;
	v6 =	vor.u32 $0x3F800000, v6;
	v13 =	vand.u32 $0x7FFFFF, v12  }
0x397: {  	v5 =	vmul.f32 v10, v5;
	v16 =	vmul.f32 $4.392862690e-02, v6;
	v13 =	vor.u32 $0x3F800000, v13  }
0x398: {  	v2 =	vadd.f32 v4, v2;
	v4 =	vadd.f32 $5.069756510e+00, v7;
	v7 =	vmul.f32 $4.392862690e-02, v13  }
0x399: {  	v8 =	vshra.s32 v8, $0x17;
	v5 =	vadd.f32 $5.069756510e+00, v5;
	v16 =	vadd.f32 $-4.094755950e-01, v16  }
0x39a: {  	v8 =	vadd.s32 $0xFFFFFF81, v8;
	v4 =	vmul.f32 v9, v4;
	v7 =	vadd.f32 $-4.094755950e-01, v7  }
0x39b: {  	v5 =	vmul.f32 v10, v5;
	v9 =	vmul.f32 v6, v16;
	v10 =	vmax.f32 v14, $9.999999960e-13  }
0x39c: {  	v8 =	vcvt.s32.f32 v8;
	v7 =	vmul.f32 v13, v7;
	v14 =	vsel vm0, $0x3F800000, v10  }
0x39d: {  	v10 =	vsub.f32 $1.000000000e+00, v10;
	v9 =	vadd.f32 $1.610177520e+00, v9;
	v16 =	vand.u32 $0x7FFFFF, v14  }
0x39e: {  	v11 =	vshra.s32 v11, $0x17;
	v7 =	vadd.f32 $1.610177520e+00, v7;
	v16 =	vor.u32 $0x3F800000, v16  }
0x39f: {  	v10 =	vsel vm0, $0x3F800000, v10;
	v9 =	vmul.f32 v6, v9;
	v17 =	vmul.f32 $4.392862690e-02, v16  }
0x3a0: {  	v5 =	vadd.f32 $-2.794153690e+00, v5;
	v18 =	vand.u32 $0x7FFFFF, v10;
	v7 =	vmul.f32 v13, v7  }
0x3a1: {  	v18 =	vor.u32 $0x3F800000, v18;
	v9 =	vadd.f32 $-3.520218850e+00, v9;
	v17 =	vadd.f32 $-4.094755950e-01, v17  }
0x3a2: {  	v5 =	vadd.f32 v8, v5;
	v8 =	vmul.f32 $4.392862690e-02, v18;
	v7 =	vadd.f32 $-3.520218850e+00, v7  }
0x3a3: {  	s19 =	simm.s32 $0x0;
	v11 =	vadd.s32 $0xFFFFFF81, v11;
	v9 =	vmul.f32 v6, v9;
	v17 =	vmul.f32 v16, v17  }
0x3a4: {  	s20 =	sand.u32 $0x60, s19;
	s19 =	sand.u32 $0x1C00, s19;
	v4 =	vadd.f32 $-2.794153690e+00, v4;
	v8 =	vadd.f32 $-4.094755950e-01, v8;
	v7 =	vmul.f32 v13, v7  }
0x3a5: {  	s19 =	sor.u32 s20, s19;
	v11 =	vcvt.s32.f32 v11;
	v9 =	vadd.f32 $5.069756510e+00, v9;
	v17 =	vadd.f32 $1.610177520e+00, v17  }
0x3a6: {  	v4 =	vadd.f32 v15, v4;
	v15 =	vld [tilespmem:s19+$0x2280];
	v8 =	vmul.f32 v18, v8;
	v7 =	vadd.f32 $5.069756510e+00, v7  }
0x3a7: {  	v5 =	vadd.f32 v5, v3;
	v3 =	vmul.f32 v6, v9;
	v6 =	vmul.f32 v16, v17;
	v9 =	vld [tilespmem:s19+$0x2290]  }
0x3a8: {  	v2 =	vadd.f32 v4, v2;
	v4 =	vmul.f32 v13, v7;
	v7 =	vadd.f32 $1.610177520e+00, v8  }
0x3a9: {  	v8 =	vshra.s32 v12, $0x17;
	v3 =	vadd.f32 $-2.794153690e+00, v3;
	v6 =	vadd.f32 $-3.520218850e+00, v6  }
0x3aa: {  	v8 =	vadd.s32 $0xFFFFFF81, v8;
	v4 =	vadd.f32 $-2.794153690e+00, v4;
	v7 =	vmul.f32 v18, v7  }
0x3ab: {  	v8 =	vcvt.s32.f32 v8;
	v11 =	vadd.f32 v11, v3;
	v3 =	vmul.f32 v16, v6  }
0x3ac: {  	v6 =	vadd.f32 $-3.520218850e+00, v7;
	v7 =	vmax.f32 v15, $9.999999960e-13;
	v9 =	vmax.f32 v9, $9.999999960e-13  }
0x3ad: {  	v12 =	vsub.f32 $1.000000000e+00, v7;
	v13 =	vsub.f32 $1.000000000e+00, v9  }
0x3ae: {  	v8 =	vadd.f32 v8, v4;
	v4 =	vadd.f32 $5.069756510e+00, v3;
	v7 =	vmul.f32 v9, v7  }
0x3af: {  	v10 =	vshra.s32 v10, $0x17;
	v6 =	vmul.f32 v18, v6;
	v3 =	vmul.f32 v13, v12  }
0x3b0: {  	v10 =	vadd.s32 $0xFFFFFF81, v10;
	v12 =	vmul.f32 v16, v4;
	v4 =	vand.u32 $0x7FFFFF, v7  }
0x3b1: {  	s28 =	simm.s32 $0x20;
	s29 =	simm.s32 $0x100;
	v13 =	vadd.f32 $5.069756510e+00, v6;
	v4 =	vor.u32 $0x3F800000, v4;
	v6 =	vand.u32 $0x7FFFFF, v3  }
0x3b2: {  	s20 =	sand.u32 $0x1C00, s29;
	s19 =	sand.u32 $0x60, s28;
	v9 =	vshra.s32 v14, $0x17;
	v14 =	vmul.f32 $4.392862690e-02, v4;
	v6 =	vor.u32 $0x3F800000, v6  }
0x3b3: {  	s19 =	sor.u32 s19, s20;
	v9 =	vadd.s32 $0xFFFFFF81, v9;
	v13 =	vmul.f32 v18, v13;
	v15 =	vmul.f32 $4.392862690e-02, v6  }
0x3b4: {  	v17 =	vld [tilespmem:s19+$0x2290];
	v9 =	vcvt.s32.f32 v9;
	v12 =	vadd.f32 $-2.794153690e+00, v12;
	v14 =	vadd.f32 $-4.094755950e-01, v14  }
0x3b5: {  	v10 =	vcvt.s32.f32 v10;
	v16 =	vld [tilespmem:s19+$0x2280];
	v13 =	vadd.f32 $-2.794153690e+00, v13;
	v15 =	vadd.f32 $-4.094755950e-01, v15  }
0x3b6: {  	v2 =	vadd.f32 v11, v2;
	v9 =	vadd.f32 v9, v12;
	v11 =	vmul.f32 v4, v14  }
0x3b7: {  	v5 =	vadd.f32 v8, v5;
	v8 =	vadd.f32 v10, v13;
	v10 =	vmul.f32 v6, v15  }
0x3b8: {  	v2 =	vadd.f32 v9, v2;
	v9 =	vadd.f32 $1.610177520e+00, v11  }
0x3b9: {  	v7 =	vshra.s32 v7, $0x17;
	v5 =	vadd.f32 v8, v5;
	v8 =	vadd.f32 $1.610177520e+00, v10  }
0x3ba: {  	v11 =	vmax.f32 v17, $9.999999960e-13;
	v10 =	vmax.f32 v16, $9.999999960e-13;
	v9 =	vmul.f32 v4, v9  }
0x3bb: {  	v13 =	vsub.f32 $1.000000000e+00, v11;
	v12 =	vsub.f32 $1.000000000e+00, v10;
	v14 =	vmul.f32 v6, v8  }
0x3bc: {  	v7 =	vadd.s32 $0xFFFFFF81, v7;
	v10 =	vmul.f32 v11, v10;
	v9 =	vadd.f32 $-3.520218850e+00, v9  }
0x3bd: {  	v7 =	vcvt.s32.f32 v7;
	v8 =	vmul.f32 v13, v12;
	v11 =	vadd.f32 $-3.520218850e+00, v14  }
0x3be: {  	v13 =	vshra.s32 v10, $0x17;
	v10 =	vand.u32 $0x7FFFFF, v10;
	v14 =	vmul.f32 v4, v9  }
0x3bf: {  	s30 =	simm.s32 $0x40;
	s19 =	simm.s32 $0x200;
	v9 =	vor.u32 $0x3F800000, v10;
	v10 =	vand.u32 $0x7FFFFF, v8;
	v16 =	vmul.f32 v6, v11  }
0x3c0: {  	s20 =	sand.u32 $0x60, s30;
	s31 =	sand.u32 $0x1C00, s19;
	v12 =	vmul.f32 $4.392862690e-02, v9;
	v10 =	vor.u32 $0x3F800000, v10;
	v11 =	vadd.f32 $5.069756510e+00, v14  }
0x3c1: {  	s21 =	sor.u32 s20, s31;
	s20 =	simm.s32 $0x60;
	v15 =	vadd.s32 $0xFFFFFF81, v13;
	v14 =	vmul.f32 $4.392862690e-02, v10;
	v13 =	vadd.f32 $5.069756510e+00, v16  }
.LBB2_29:
0x3c2: {  	p0 =	sne.s32 s20, $0x3C0;
	v16 =	vld [tilespmem:s21+$0x2280];
	v12 =	vadd.f32 $-4.094755950e-01, v12;
	v15 =	vcvt.s32.f32 v15;
	v11 =	vmul.f32 v4, v11;
	v4 =	vmovc v9  }
0x3c3: {  	v17 =	vshra.s32 v3, $0x17;
	v3 =	vmovc v8;
	v9 =	vld [tilespmem:s21+$0x2290];
	v14 =	vadd.f32 $-4.094755950e-01, v14;
	v13 =	vmul.f32 v6, v13;
	v6 =	vmovc v10  }
0x3c4: {  	v8 =	vmul.f32 v4, v12;
	v10 =	vadd.f32 $-2.794153690e+00, v11;
	v11 =	vadd.s32 $0xFFFFFF81, v17  }
0x3c5: {  	v12 =	vmul.f32 v6, v14;
	v13 =	vadd.f32 $-2.794153690e+00, v13;
	v11 =	vcvt.s32.f32 v11  }
0x3c6: {  	v8 =	vadd.f32 $1.610177520e+00, v8;
	v10 =	vadd.f32 v7, v10;
	v7 =	vmov v15  }
0x3c7: {  	v14 =	vmax.f32 v16, $9.999999960e-13;
	v12 =	vadd.f32 $1.610177520e+00, v12;
	v11 =	vadd.f32 v11, v13  }
0x3c8: {  	v9 =	vmax.f32 v9, $9.999999960e-13;
	v13 =	vsub.f32 $1.000000000e+00, v14;
	v8 =	vmul.f32 v4, v8  }
0x3c9: {  	v15 =	vsub.f32 $1.000000000e+00, v9;
	v12 =	vmul.f32 v6, v12;
	v5 =	vadd.f32 v11, v5  }
0x3ca: {  	v2 =	vadd.f32 v10, v2;
	v9 =	vmul.f32 v9, v14;
	v11 =	vadd.f32 $-3.520218850e+00, v8  }
.Ltmp13:
0x3cb: {  	v8 =	vmul.f32 v15, v13;
	v10 =	vadd.f32 $-3.520218850e+00, v12;
	(pc) =	sbr.rel @p0 .LBB2_29-.Ltmp13, $4  }
0x3cc: {  	v13 =	vshra.s32 v9, $0x17;
	v9 =	vand.u32 $0x7FFFFF, v9;
	v11 =	vmul.f32 v4, v11  }
0x3cd: {  	s19 =	sadd.s32 $0x100, s19;
	v9 =	vor.u32 $0x3F800000, v9;
	v14 =	vand.u32 $0x7FFFFF, v8;
	v16 =	vmul.f32 v6, v10  }
0x3ce: {  	s21 =	sand.u32 $0x60, s20;
	s22 =	sand.u32 $0x1C00, s19;
	v12 =	vmul.f32 $4.392862690e-02, v9;
	v10 =	vor.u32 $0x3F800000, v14;
	v11 =	vadd.f32 $5.069756510e+00, v11  }
0x3cf: {  	s20 =	sadd.s32 $0x20, s20;
	s21 =	sor.u32 s21, s22;
	v15 =	vadd.s32 $0xFFFFFF81, v13;
	v14 =	vmul.f32 $4.392862690e-02, v10;
	v13 =	vadd.f32 $5.069756510e+00, v16  }
0x3d0: {  	v16 =	vld [tilespmem:s21+$0x2280]  }
0x3d1: {  	v12 =	vadd.f32 $-4.094755950e-01, v12;
	v17 =	vld [tilespmem:s21+$0x2290]  }
0x3d2: {  	v15 =	vcvt.s32.f32 v15;
	v4 =	vmul.f32 v4, v11;
	v11 =	vadd.f32 $-4.094755950e-01, v14  }
0x3d3: {  	v3 =	vshra.s32 v3, $0x17;
	v6 =	vmul.f32 v6, v13;
	v12 =	vmul.f32 v9, v12  }
0x3d4: {  	v3 =	vadd.s32 $0xFFFFFF81, v3;
	v4 =	vadd.f32 $-2.794153690e+00, v4;
	v11 =	vmul.f32 v10, v11  }
0x3d5: {  	v3 =	vcvt.s32.f32 v3;
	v6 =	vadd.f32 $-2.794153690e+00, v6;
	v12 =	vadd.f32 $1.610177520e+00, v12  }
0x3d6: {  	v13 =	vmax.f32 v16, $9.999999960e-13;
	v11 =	vadd.f32 $1.610177520e+00, v11;
	v14 =	vmax.f32 v17, $9.999999960e-13  }
0x3d7: {  	v16 =	vsub.f32 $1.000000000e+00, v13;
	v12 =	vmul.f32 v9, v12;
	v17 =	vsub.f32 $1.000000000e+00, v14  }
0x3d8: {  	v3 =	vadd.f32 v3, v6;
	v6 =	vmul.f32 v10, v11;
	v11 =	vmul.f32 v14, v13  }
0x3d9: {  	v4 =	vadd.f32 v7, v4;
	v7 =	vadd.f32 $-3.520218850e+00, v12;
	v12 =	vmul.f32 v17, v16  }
0x3da: {  	v3 =	vadd.f32 v3, v5;
	v5 =	vadd.f32 $-3.520218850e+00, v6;
	v6 =	vand.u32 $0x7FFFFF, v11  }
0x3db: {  	v14 =	vld [tilespmem:$0x3ED8];
	v7 =	vmul.f32 v9, v7;
	v6 =	vor.u32 $0x3F800000, v6;
	v13 =	vand.u32 $0x7FFFFF, v12  }
0x3dc: {  	v5 =	vmul.f32 v10, v5;
	v16 =	vmul.f32 $4.392862690e-02, v6;
	v13 =	vor.u32 $0x3F800000, v13  }
0x3dd: {  	v2 =	vadd.f32 v4, v2;
	v4 =	vadd.f32 $5.069756510e+00, v7;
	v7 =	vmul.f32 $4.392862690e-02, v13  }
0x3de: {  	v8 =	vshra.s32 v8, $0x17;
	v5 =	vadd.f32 $5.069756510e+00, v5;
	v16 =	vadd.f32 $-4.094755950e-01, v16  }
0x3df: {  	v8 =	vadd.s32 $0xFFFFFF81, v8;
	v4 =	vmul.f32 v9, v4;
	v7 =	vadd.f32 $-4.094755950e-01, v7  }
0x3e0: {  	v5 =	vmul.f32 v10, v5;
	v9 =	vmul.f32 v6, v16;
	v10 =	vmax.f32 v14, $9.999999960e-13  }
0x3e1: {  	v8 =	vcvt.s32.f32 v8;
	v7 =	vmul.f32 v13, v7;
	v14 =	vsel vm0, $0x3F800000, v10  }
0x3e2: {  	v10 =	vsub.f32 $1.000000000e+00, v10;
	v9 =	vadd.f32 $1.610177520e+00, v9;
	v16 =	vand.u32 $0x7FFFFF, v14  }
0x3e3: {  	v11 =	vshra.s32 v11, $0x17;
	v7 =	vadd.f32 $1.610177520e+00, v7;
	v16 =	vor.u32 $0x3F800000, v16  }
0x3e4: {  	v10 =	vsel vm0, $0x3F800000, v10;
	v9 =	vmul.f32 v6, v9;
	v17 =	vmul.f32 $4.392862690e-02, v16  }
0x3e5: {  	v5 =	vadd.f32 $-2.794153690e+00, v5;
	v18 =	vand.u32 $0x7FFFFF, v10;
	v7 =	vmul.f32 v13, v7  }
0x3e6: {  	v18 =	vor.u32 $0x3F800000, v18;
	v9 =	vadd.f32 $-3.520218850e+00, v9;
	v17 =	vadd.f32 $-4.094755950e-01, v17  }
0x3e7: {  	v5 =	vadd.f32 v8, v5;
	v8 =	vmul.f32 $4.392862690e-02, v18;
	v7 =	vadd.f32 $-3.520218850e+00, v7  }
0x3e8: {  	s19 =	simm.s32 $0x0;
	v11 =	vadd.s32 $0xFFFFFF81, v11;
	v9 =	vmul.f32 v6, v9;
	v17 =	vmul.f32 v16, v17  }
0x3e9: {  	s20 =	sand.u32 $0x60, s19;
	s19 =	sand.u32 $0x1C00, s19;
	v4 =	vadd.f32 $-2.794153690e+00, v4;
	v8 =	vadd.f32 $-4.094755950e-01, v8;
	v7 =	vmul.f32 v13, v7  }
0x3ea: {  	s19 =	sor.u32 s20, s19;
	v11 =	vcvt.s32.f32 v11;
	v9 =	vadd.f32 $5.069756510e+00, v9;
	v17 =	vadd.f32 $1.610177520e+00, v17  }
0x3eb: {  	v4 =	vadd.f32 v15, v4;
	v15 =	vld [tilespmem:s19+$0x2300];
	v8 =	vmul.f32 v18, v8;
	v7 =	vadd.f32 $5.069756510e+00, v7  }
0x3ec: {  	v5 =	vadd.f32 v5, v3;
	v3 =	vmul.f32 v6, v9;
	v6 =	vmul.f32 v16, v17;
	v9 =	vld [tilespmem:s19+$0x2310]  }
0x3ed: {  	v2 =	vadd.f32 v4, v2;
	v4 =	vmul.f32 v13, v7;
	v7 =	vadd.f32 $1.610177520e+00, v8  }
0x3ee: {  	v8 =	vshra.s32 v12, $0x17;
	v3 =	vadd.f32 $-2.794153690e+00, v3;
	v6 =	vadd.f32 $-3.520218850e+00, v6  }
0x3ef: {  	v8 =	vadd.s32 $0xFFFFFF81, v8;
	v4 =	vadd.f32 $-2.794153690e+00, v4;
	v7 =	vmul.f32 v18, v7  }
0x3f0: {  	v8 =	vcvt.s32.f32 v8;
	v11 =	vadd.f32 v11, v3;
	v3 =	vmul.f32 v16, v6  }
0x3f1: {  	v6 =	vadd.f32 $-3.520218850e+00, v7;
	v7 =	vmax.f32 v15, $9.999999960e-13;
	v9 =	vmax.f32 v9, $9.999999960e-13  }
0x3f2: {  	v12 =	vsub.f32 $1.000000000e+00, v7;
	v13 =	vsub.f32 $1.000000000e+00, v9  }
0x3f3: {  	v8 =	vadd.f32 v8, v4;
	v4 =	vadd.f32 $5.069756510e+00, v3;
	v7 =	vmul.f32 v9, v7  }
0x3f4: {  	v10 =	vshra.s32 v10, $0x17;
	v6 =	vmul.f32 v18, v6;
	v3 =	vmul.f32 v13, v12  }
0x3f5: {  	v10 =	vadd.s32 $0xFFFFFF81, v10;
	v12 =	vmul.f32 v16, v4;
	v4 =	vand.u32 $0x7FFFFF, v7  }
0x3f6: {  	s28 =	simm.s32 $0x20;
	s29 =	simm.s32 $0x100;
	v13 =	vadd.f32 $5.069756510e+00, v6;
	v4 =	vor.u32 $0x3F800000, v4;
	v6 =	vand.u32 $0x7FFFFF, v3  }
0x3f7: {  	s20 =	sand.u32 $0x1C00, s29;
	s19 =	sand.u32 $0x60, s28;
	v9 =	vshra.s32 v14, $0x17;
	v14 =	vmul.f32 $4.392862690e-02, v4;
	v6 =	vor.u32 $0x3F800000, v6  }
0x3f8: {  	s19 =	sor.u32 s19, s20;
	v9 =	vadd.s32 $0xFFFFFF81, v9;
	v13 =	vmul.f32 v18, v13;
	v15 =	vmul.f32 $4.392862690e-02, v6  }
0x3f9: {  	v17 =	vld [tilespmem:s19+$0x2310];
	v9 =	vcvt.s32.f32 v9;
	v12 =	vadd.f32 $-2.794153690e+00, v12;
	v14 =	vadd.f32 $-4.094755950e-01, v14  }
0x3fa: {  	v10 =	vcvt.s32.f32 v10;
	v16 =	vld [tilespmem:s19+$0x2300];
	v13 =	vadd.f32 $-2.794153690e+00, v13;
	v15 =	vadd.f32 $-4.094755950e-01, v15  }
0x3fb: {  	v2 =	vadd.f32 v11, v2;
	v9 =	vadd.f32 v9, v12;
	v11 =	vmul.f32 v4, v14  }
0x3fc: {  	v5 =	vadd.f32 v8, v5;
	v8 =	vadd.f32 v10, v13;
	v10 =	vmul.f32 v6, v15  }
0x3fd: {  	v2 =	vadd.f32 v9, v2;
	v9 =	vadd.f32 $1.610177520e+00, v11  }
0x3fe: {  	v7 =	vshra.s32 v7, $0x17;
	v5 =	vadd.f32 v8, v5;
	v8 =	vadd.f32 $1.610177520e+00, v10  }
0x3ff: {  	v11 =	vmax.f32 v17, $9.999999960e-13;
	v10 =	vmax.f32 v16, $9.999999960e-13;
	v9 =	vmul.f32 v4, v9  }
0x400: {  	v13 =	vsub.f32 $1.000000000e+00, v11;
	v12 =	vsub.f32 $1.000000000e+00, v10;
	v14 =	vmul.f32 v6, v8  }
0x401: {  	v7 =	vadd.s32 $0xFFFFFF81, v7;
	v10 =	vmul.f32 v11, v10;
	v9 =	vadd.f32 $-3.520218850e+00, v9  }
0x402: {  	v7 =	vcvt.s32.f32 v7;
	v8 =	vmul.f32 v13, v12;
	v11 =	vadd.f32 $-3.520218850e+00, v14  }
0x403: {  	v13 =	vshra.s32 v10, $0x17;
	v10 =	vand.u32 $0x7FFFFF, v10;
	v14 =	vmul.f32 v4, v9  }
0x404: {  	s30 =	simm.s32 $0x40;
	s19 =	simm.s32 $0x200;
	v9 =	vor.u32 $0x3F800000, v10;
	v10 =	vand.u32 $0x7FFFFF, v8;
	v16 =	vmul.f32 v6, v11  }
0x405: {  	s20 =	sand.u32 $0x60, s30;
	s31 =	sand.u32 $0x1C00, s19;
	v12 =	vmul.f32 $4.392862690e-02, v9;
	v10 =	vor.u32 $0x3F800000, v10;
	v11 =	vadd.f32 $5.069756510e+00, v14  }
0x406: {  	s21 =	sor.u32 s20, s31;
	s20 =	simm.s32 $0x60;
	v15 =	vadd.s32 $0xFFFFFF81, v13;
	v14 =	vmul.f32 $4.392862690e-02, v10;
	v13 =	vadd.f32 $5.069756510e+00, v16  }
.LBB2_31:
0x407: {  	p0 =	sne.s32 s20, $0x3C0;
	v16 =	vld [tilespmem:s21+$0x2300];
	v12 =	vadd.f32 $-4.094755950e-01, v12;
	v15 =	vcvt.s32.f32 v15;
	v11 =	vmul.f32 v4, v11;
	v4 =	vmovc v9  }
0x408: {  	v17 =	vshra.s32 v3, $0x17;
	v3 =	vmovc v8;
	v9 =	vld [tilespmem:s21+$0x2310];
	v14 =	vadd.f32 $-4.094755950e-01, v14;
	v13 =	vmul.f32 v6, v13;
	v6 =	vmovc v10  }
0x409: {  	v8 =	vmul.f32 v4, v12;
	v10 =	vadd.f32 $-2.794153690e+00, v11;
	v11 =	vadd.s32 $0xFFFFFF81, v17  }
0x40a: {  	v12 =	vmul.f32 v6, v14;
	v13 =	vadd.f32 $-2.794153690e+00, v13;
	v11 =	vcvt.s32.f32 v11  }
0x40b: {  	v8 =	vadd.f32 $1.610177520e+00, v8;
	v10 =	vadd.f32 v7, v10;
	v7 =	vmov v15  }
0x40c: {  	v14 =	vmax.f32 v16, $9.999999960e-13;
	v12 =	vadd.f32 $1.610177520e+00, v12;
	v11 =	vadd.f32 v11, v13  }
0x40d: {  	v9 =	vmax.f32 v9, $9.999999960e-13;
	v13 =	vsub.f32 $1.000000000e+00, v14;
	v8 =	vmul.f32 v4, v8  }
0x40e: {  	v15 =	vsub.f32 $1.000000000e+00, v9;
	v12 =	vmul.f32 v6, v12;
	v5 =	vadd.f32 v11, v5  }
0x40f: {  	v2 =	vadd.f32 v10, v2;
	v9 =	vmul.f32 v9, v14;
	v11 =	vadd.f32 $-3.520218850e+00, v8  }
.Ltmp14:
0x410: {  	v8 =	vmul.f32 v15, v13;
	v10 =	vadd.f32 $-3.520218850e+00, v12;
	(pc) =	sbr.rel @p0 .LBB2_31-.Ltmp14, $4  }
0x411: {  	v13 =	vshra.s32 v9, $0x17;
	v9 =	vand.u32 $0x7FFFFF, v9;
	v11 =	vmul.f32 v4, v11  }
0x412: {  	s19 =	sadd.s32 $0x100, s19;
	v9 =	vor.u32 $0x3F800000, v9;
	v14 =	vand.u32 $0x7FFFFF, v8;
	v16 =	vmul.f32 v6, v10  }
0x413: {  	s21 =	sand.u32 $0x60, s20;
	s22 =	sand.u32 $0x1C00, s19;
	v12 =	vmul.f32 $4.392862690e-02, v9;
	v10 =	vor.u32 $0x3F800000, v14;
	v11 =	vadd.f32 $5.069756510e+00, v11  }
0x414: {  	s20 =	sadd.s32 $0x20, s20;
	s21 =	sor.u32 s21, s22;
	v15 =	vadd.s32 $0xFFFFFF81, v13;
	v14 =	vmul.f32 $4.392862690e-02, v10;
	v13 =	vadd.f32 $5.069756510e+00, v16  }
0x415: {  	v16 =	vld [tilespmem:s21+$0x2300]  }
0x416: {  	v12 =	vadd.f32 $-4.094755950e-01, v12;
	v17 =	vld [tilespmem:s21+$0x2310]  }
0x417: {  	v15 =	vcvt.s32.f32 v15;
	v4 =	vmul.f32 v4, v11;
	v11 =	vadd.f32 $-4.094755950e-01, v14  }
0x418: {  	v3 =	vshra.s32 v3, $0x17;
	v6 =	vmul.f32 v6, v13;
	v12 =	vmul.f32 v9, v12  }
0x419: {  	v3 =	vadd.s32 $0xFFFFFF81, v3;
	v4 =	vadd.f32 $-2.794153690e+00, v4;
	v11 =	vmul.f32 v10, v11  }
0x41a: {  	v3 =	vcvt.s32.f32 v3;
	v6 =	vadd.f32 $-2.794153690e+00, v6;
	v12 =	vadd.f32 $1.610177520e+00, v12  }
0x41b: {  	v13 =	vmax.f32 v16, $9.999999960e-13;
	v11 =	vadd.f32 $1.610177520e+00, v11;
	v14 =	vmax.f32 v17, $9.999999960e-13  }
0x41c: {  	v16 =	vsub.f32 $1.000000000e+00, v13;
	v12 =	vmul.f32 v9, v12;
	v17 =	vsub.f32 $1.000000000e+00, v14  }
0x41d: {  	v3 =	vadd.f32 v3, v6;
	v6 =	vmul.f32 v10, v11;
	v11 =	vmul.f32 v14, v13  }
0x41e: {  	v4 =	vadd.f32 v7, v4;
	v7 =	vadd.f32 $-3.520218850e+00, v12;
	v12 =	vmul.f32 v17, v16  }
0x41f: {  	v3 =	vadd.f32 v3, v5;
	v5 =	vadd.f32 $-3.520218850e+00, v6;
	v6 =	vand.u32 $0x7FFFFF, v11  }
0x420: {  	v14 =	vld [tilespmem:$0x3F58];
	v7 =	vmul.f32 v9, v7;
	v6 =	vor.u32 $0x3F800000, v6;
	v13 =	vand.u32 $0x7FFFFF, v12  }
0x421: {  	v5 =	vmul.f32 v10, v5;
	v16 =	vmul.f32 $4.392862690e-02, v6;
	v13 =	vor.u32 $0x3F800000, v13  }
0x422: {  	v2 =	vadd.f32 v4, v2;
	v4 =	vadd.f32 $5.069756510e+00, v7;
	v7 =	vmul.f32 $4.392862690e-02, v13  }
0x423: {  	v8 =	vshra.s32 v8, $0x17;
	v5 =	vadd.f32 $5.069756510e+00, v5;
	v16 =	vadd.f32 $-4.094755950e-01, v16  }
0x424: {  	v8 =	vadd.s32 $0xFFFFFF81, v8;
	v4 =	vmul.f32 v9, v4;
	v7 =	vadd.f32 $-4.094755950e-01, v7  }
0x425: {  	v5 =	vmul.f32 v10, v5;
	v9 =	vmul.f32 v6, v16;
	v10 =	vmax.f32 v14, $9.999999960e-13  }
0x426: {  	v8 =	vcvt.s32.f32 v8;
	v7 =	vmul.f32 v13, v7;
	v14 =	vsel vm0, $0x3F800000, v10  }
0x427: {  	v10 =	vsub.f32 $1.000000000e+00, v10;
	v9 =	vadd.f32 $1.610177520e+00, v9;
	v16 =	vand.u32 $0x7FFFFF, v14  }
0x428: {  	v11 =	vshra.s32 v11, $0x17;
	v7 =	vadd.f32 $1.610177520e+00, v7;
	v16 =	vor.u32 $0x3F800000, v16  }
0x429: {  	v10 =	vsel vm0, $0x3F800000, v10;
	v9 =	vmul.f32 v6, v9;
	v17 =	vmul.f32 $4.392862690e-02, v16  }
0x42a: {  	v5 =	vadd.f32 $-2.794153690e+00, v5;
	v18 =	vand.u32 $0x7FFFFF, v10;
	v7 =	vmul.f32 v13, v7  }
0x42b: {  	v18 =	vor.u32 $0x3F800000, v18;
	v9 =	vadd.f32 $-3.520218850e+00, v9;
	v17 =	vadd.f32 $-4.094755950e-01, v17  }
0x42c: {  	v5 =	vadd.f32 v8, v5;
	v8 =	vmul.f32 $4.392862690e-02, v18;
	v7 =	vadd.f32 $-3.520218850e+00, v7  }
0x42d: {  	s19 =	simm.s32 $0x0;
	v11 =	vadd.s32 $0xFFFFFF81, v11;
	v9 =	vmul.f32 v6, v9;
	v17 =	vmul.f32 v16, v17  }
0x42e: {  	s20 =	sand.u32 $0x60, s19;
	s19 =	sand.u32 $0x1C00, s19;
	v4 =	vadd.f32 $-2.794153690e+00, v4;
	v8 =	vadd.f32 $-4.094755950e-01, v8;
	v7 =	vmul.f32 v13, v7  }
0x42f: {  	s19 =	sor.u32 s20, s19;
	v11 =	vcvt.s32.f32 v11;
	v9 =	vadd.f32 $5.069756510e+00, v9;
	v17 =	vadd.f32 $1.610177520e+00, v17  }
0x430: {  	v4 =	vadd.f32 v15, v4;
	v15 =	vld [tilespmem:s19+$0x2380];
	v8 =	vmul.f32 v18, v8;
	v7 =	vadd.f32 $5.069756510e+00, v7  }
0x431: {  	v5 =	vadd.f32 v5, v3;
	v3 =	vmul.f32 v6, v9;
	v6 =	vmul.f32 v16, v17;
	v9 =	vld [tilespmem:s19+$0x2390]  }
0x432: {  	v4 =	vadd.f32 v4, v2;
	v2 =	vmul.f32 v13, v7;
	v7 =	vadd.f32 $1.610177520e+00, v8  }
0x433: {  	v8 =	vshra.s32 v12, $0x17;
	v3 =	vadd.f32 $-2.794153690e+00, v3;
	v6 =	vadd.f32 $-3.520218850e+00, v6  }
0x434: {  	v8 =	vadd.s32 $0xFFFFFF81, v8;
	v7 =	vmul.f32 v18, v7  }
0x435: {  	v2 =	vadd.f32 $-2.794153690e+00, v2;
	v11 =	vadd.f32 v11, v3;
	v3 =	vmul.f32 v16, v6  }
0x436: {  	v6 =	vadd.f32 $-3.520218850e+00, v7;
	v7 =	vmax.f32 v15, $9.999999960e-13;
	v9 =	vmax.f32 v9, $9.999999960e-13  }
0x437: {  	v8 =	vcvt.s32.f32 v8;
	v12 =	vsub.f32 $1.000000000e+00, v7;
	v13 =	vsub.f32 $1.000000000e+00, v9  }
0x438: {  	v10 =	vshra.s32 v10, $0x17;
	v3 =	vadd.f32 $5.069756510e+00, v3;
	v7 =	vmul.f32 v9, v7  }
0x439: {  	v8 =	vadd.f32 v8, v2;
	v6 =	vmul.f32 v18, v6;
	v2 =	vmul.f32 v13, v12  }
0x43a: {  	v10 =	vadd.s32 $0xFFFFFF81, v10;
	v12 =	vmul.f32 v16, v3;
	v3 =	vand.u32 $0x7FFFFF, v7  }
0x43b: {  	s28 =	simm.s32 $0x20;
	s29 =	simm.s32 $0x100;
	v13 =	vadd.f32 $5.069756510e+00, v6;
	v3 =	vor.u32 $0x3F800000, v3;
	v6 =	vand.u32 $0x7FFFFF, v2  }
0x43c: {  	s20 =	sand.u32 $0x1C00, s29;
	s19 =	sand.u32 $0x60, s28;
	v9 =	vshra.s32 v14, $0x17;
	v14 =	vmul.f32 $4.392862690e-02, v3;
	v6 =	vor.u32 $0x3F800000, v6  }
0x43d: {  	s19 =	sor.u32 s19, s20;
	v9 =	vadd.s32 $0xFFFFFF81, v9;
	v13 =	vmul.f32 v18, v13;
	v15 =	vmul.f32 $4.392862690e-02, v6  }
0x43e: {  	v17 =	vld [tilespmem:s19+$0x2390];
	v9 =	vcvt.s32.f32 v9;
	v12 =	vadd.f32 $-2.794153690e+00, v12;
	v14 =	vadd.f32 $-4.094755950e-01, v14  }
0x43f: {  	v10 =	vcvt.s32.f32 v10;
	v16 =	vld [tilespmem:s19+$0x2380];
	v13 =	vadd.f32 $-2.794153690e+00, v13;
	v15 =	vadd.f32 $-4.094755950e-01, v15  }
0x440: {  	v4 =	vadd.f32 v11, v4;
	v9 =	vadd.f32 v9, v12;
	v11 =	vmul.f32 v3, v14  }
0x441: {  	v5 =	vadd.f32 v8, v5;
	v8 =	vadd.f32 v10, v13;
	v10 =	vmul.f32 v6, v15  }
0x442: {  	v4 =	vadd.f32 v9, v4;
	v9 =	vadd.f32 $1.610177520e+00, v11  }
0x443: {  	v7 =	vshra.s32 v7, $0x17;
	v5 =	vadd.f32 v8, v5;
	v8 =	vadd.f32 $1.610177520e+00, v10  }
0x444: {  	v11 =	vmax.f32 v17, $9.999999960e-13;
	v10 =	vmax.f32 v16, $9.999999960e-13;
	v9 =	vmul.f32 v3, v9  }
0x445: {  	v13 =	vsub.f32 $1.000000000e+00, v11;
	v12 =	vsub.f32 $1.000000000e+00, v10;
	v14 =	vmul.f32 v6, v8  }
0x446: {  	v7 =	vadd.s32 $0xFFFFFF81, v7;
	v10 =	vmul.f32 v11, v10;
	v9 =	vadd.f32 $-3.520218850e+00, v9  }
0x447: {  	v8 =	vcvt.s32.f32 v7;
	v7 =	vmul.f32 v13, v12;
	v11 =	vadd.f32 $-3.520218850e+00, v14  }
0x448: {  	v14 =	vshra.s32 v10, $0x17;
	v10 =	vand.u32 $0x7FFFFF, v10;
	v12 =	vmul.f32 v3, v9  }
0x449: {  	s30 =	simm.s32 $0x40;
	s19 =	simm.s32 $0x200;
	v9 =	vor.u32 $0x3F800000, v10;
	v10 =	vand.u32 $0x7FFFFF, v7;
	v16 =	vmul.f32 v6, v11  }
0x44a: {  	s20 =	sand.u32 $0x60, s30;
	s31 =	sand.u32 $0x1C00, s19;
	v13 =	vmul.f32 $4.392862690e-02, v9;
	v10 =	vor.u32 $0x3F800000, v10;
	v12 =	vadd.f32 $5.069756510e+00, v12  }
0x44b: {  	s21 =	sor.u32 s20, s31;
	s20 =	simm.s32 $0x60;
	v11 =	vadd.s32 $0xFFFFFF81, v14;
	v15 =	vmul.f32 $4.392862690e-02, v10;
	v14 =	vadd.f32 $5.069756510e+00, v16  }
.LBB2_33:
0x44c: {  	p0 =	sne.s32 s20, $0x3C0;
	v16 =	vld [tilespmem:s21+$0x2380];
	v13 =	vadd.f32 $-4.094755950e-01, v13;
	v11 =	vcvt.s32.f32 v11;
	v12 =	vmul.f32 v3, v12;
	v3 =	vmovc v9  }
0x44d: {  	v17 =	vshra.s32 v2, $0x17;
	v2 =	vmovc v7;
	v9 =	vld [tilespmem:s21+$0x2390];
	v15 =	vadd.f32 $-4.094755950e-01, v15;
	v14 =	vmul.f32 v6, v14;
	v6 =	vmovc v10  }
0x44e: {  	v7 =	vmul.f32 v3, v13;
	v10 =	vadd.f32 $-2.794153690e+00, v12;
	v12 =	vadd.s32 $0xFFFFFF81, v17  }
0x44f: {  	v13 =	vmul.f32 v6, v15;
	v14 =	vadd.f32 $-2.794153690e+00, v14;
	v12 =	vcvt.s32.f32 v12  }
0x450: {  	v7 =	vadd.f32 $1.610177520e+00, v7;
	v10 =	vadd.f32 v8, v10;
	v8 =	vmov v11  }
0x451: {  	v11 =	vmax.f32 v16, $9.999999960e-13;
	v13 =	vadd.f32 $1.610177520e+00, v13;
	v12 =	vadd.f32 v12, v14  }
0x452: {  	v9 =	vmax.f32 v9, $9.999999960e-13;
	v14 =	vsub.f32 $1.000000000e+00, v11;
	v7 =	vmul.f32 v3, v7  }
0x453: {  	v15 =	vsub.f32 $1.000000000e+00, v9;
	v13 =	vmul.f32 v6, v13;
	v5 =	vadd.f32 v12, v5  }
0x454: {  	v4 =	vadd.f32 v10, v4;
	v9 =	vmul.f32 v9, v11;
	v11 =	vadd.f32 $-3.520218850e+00, v7  }
.Ltmp15:
0x455: {  	v7 =	vmul.f32 v15, v14;
	v10 =	vadd.f32 $-3.520218850e+00, v13;
	(pc) =	sbr.rel @p0 .LBB2_33-.Ltmp15, $4  }
0x456: {  	v14 =	vshra.s32 v9, $0x17;
	v9 =	vand.u32 $0x7FFFFF, v9;
	v11 =	vmul.f32 v3, v11  }
0x457: {  	s19 =	sadd.s32 $0x100, s19;
	v9 =	vor.u32 $0x3F800000, v9;
	v12 =	vand.u32 $0x7FFFFF, v7;
	v16 =	vmul.f32 v6, v10  }
0x458: {  	s21 =	sand.u32 $0x60, s20;
	s22 =	sand.u32 $0x1C00, s19;
	v13 =	vmul.f32 $4.392862690e-02, v9;
	v10 =	vor.u32 $0x3F800000, v12;
	v12 =	vadd.f32 $5.069756510e+00, v11  }
0x459: {  	s20 =	sadd.s32 $0x20, s20;
	s21 =	sor.u32 s21, s22;
	v11 =	vadd.s32 $0xFFFFFF81, v14;
	v15 =	vmul.f32 $4.392862690e-02, v10;
	v14 =	vadd.f32 $5.069756510e+00, v16  }
0x45a: {  	v16 =	vld [tilespmem:s21+$0x2380];
	v13 =	vadd.f32 $-4.094755950e-01, v13;
	v2 =	vshra.s32 v2, $0x17  }
0x45b: {  	v17 =	vld [tilespmem:s21+$0x2390];
	v3 =	vmul.f32 v3, v12;
	v11 =	vcvt.s32.f32 v11;
	v35 =	vor.u32 $0x2000, v0  }
0x45c: {  	v30 =	vld [tilespmem:s18+$0x4000];
	v7 =	vshra.s32 v7, $0x17;
	v15 =	vadd.f32 $-4.094755950e-01, v15;
	v6 =	vmul.f32 v6, v14  }
0x45d: {  	v2 =	vadd.s32 $0xFFFFFF81, v2;
	v7 =	vadd.s32 $0xFFFFFF81, v7;
	v23 =	vmul.f32 v9, v13  }
0x45e: {  	v2 =	vcvt.s32.f32 v2;
	v3 =	vadd.f32 $-2.794153690e+00, v3;
	v24 =	vmul.f32 v10, v15  }
0x45f: {  	v7 =	vcvt.s32.f32 v7;
	v6 =	vadd.f32 $-2.794153690e+00, v6;
	v12 =	vadd.f32 $1.610177520e+00, v23  }
0x460: {  	v3 =	vadd.f32 v8, v3;
	v25 =	vmax.f32 v16, $9.999999960e-13;
	v13 =	vadd.f32 $1.610177520e+00, v24  }
0x461: {  	v2 =	vadd.f32 v2, v6;
	v26 =	vmax.f32 v17, $9.999999960e-13;
	v34 =	vshll.u32 v30, $0x3  }
0x462: {  	v27 =	vsub.f32 $1.000000000e+00, v25;
	v28 =	vsub.f32 $1.000000000e+00, v26;
	v29 =	vmul.f32 v9, v12  }
0x463: {  	v6 =	vmul.f32 v26, v25;
	v3 =	vadd.f32 v3, v4;
	v12 =	vand.u32 $0x7F, v30  }
0x464: {  	v17 =	vand.u32 $0xFFFFFC00, v34;
	v13 =	vmul.f32 v10, v13;
	v2 =	vadd.f32 v2, v5  }
0x465: {  	v12 =	vor.u32 v12, v17;
	v5 =	vmul.f32 v28, v27;
	v8 =	vadd.f32 $-3.520218850e+00, v29  }
0x466: {  	v4 =	vand.u32 $0x7FFFFF, v6;
	v12 =	vadd.s32 v35, v12;
	v6 =	vshra.s32 v6, $0x17  }
0x467: {  	v13 =	vadd.f32 $-3.520218850e+00, v13;
	v4 =	vor.u32 $0x3F800000, v4;
	v6 =	vadd.s32 $0xFFFFFF81, v6  }
0x468: {  	v31 =	vand.u32 $0x7FFFFF, v5;
	v8 =	vmul.f32 v9, v8;
	v32 =	vmul.f32 $4.392862690e-02, v4  }
0x469: {  	v37 =	vld [tilespmem:$0x3FD8];
	v6 =	vcvt.s32.f32 v6;
	v14 =	vor.u32 $0x3F800000, v31;
	v13 =	vmul.f32 v10, v13  }
0x46a: {  	v5 =	vshra.s32 v5, $0x17;
	v33 =	vmul.f32 $4.392862690e-02, v14;
	v15 =	vadd.f32 $-4.094755950e-01, v32  }
0x46b: {  	v5 =	vadd.s32 $0xFFFFFF81, v5;
	v8 =	vadd.f32 $5.069756510e+00, v8;
	v13 =	vadd.f32 $5.069756510e+00, v13  }
0x46c: {  	v5 =	vcvt.s32.f32 v5;
	v16 =	vadd.f32 $-4.094755950e-01, v33;
	v15 =	vmul.f32 v4, v15  }
0x46d: {  	v12 =	vld.idx.msk [tilespmem:v12+s2+$0x0], $0xffff;
	v8 =	vmul.f32 v9, v8;
	v36 =	vmul.f32 v10, v13  }
0x46e: {  	v10 =	vmax.f32 v37, $9.999999960e-13;
	v16 =	vmul.f32 v14, v16;
	v38 =	vadd.f32 $1.610177520e+00, v15  }
0x46f: {  	v8 =	vadd.f32 $-2.794153690e+00, v8;
	v42 =	vsel vm0, $0x3F800000, v10;
	v10 =	vsub.f32 $1.000000000e+00, v10  }
0x470: {  	v9 =	vadd.f32 $-2.794153690e+00, v36;
	v45 =	vand.u32 $0x7FFFFF, v42;
	v39 =	vadd.f32 $1.610177520e+00, v16  }
0x471: {  	v13 =	vmul.f32 v4, v38;
	v8 =	vadd.f32 v11, v8;
	v11 =	vor.u32 $0x3F800000, v45  }
0x472: {  	v12 =	vmax.f32 v12, $9.999999960e-13;
	v10 =	vsel vm0, $0x3F800000, v10;
	v7 =	vadd.f32 v7, v9  }
0x473: {  	v12 =	vnsel vm0, $0x3F000000, v12;
	v15 =	vmul.f32 v14, v39;
	v40 =	vadd.f32 $-3.520218850e+00, v13  }
0x474: {  	v46 =	vmul.f32 $4.392862690e-02, v11;
	v49 =	vand.u32 $0x7FFFFF, v10;
	v48 =	vsub.f32 $1.000000000e+00, v12  }
0x475: {  	v47 =	vand.u32 $0x7FFFFF, v12;
	v41 =	vadd.f32 $-3.520218850e+00, v15;
	v43 =	vmul.f32 v4, v40  }
0x476: {  	v3 =	vadd.f32 v8, v3;
	v15 =	vor.u32 $0x3F800000, v47;
	v18 =	vand.u32 $0x7FFFFF, v48  }
0x477: {  	v18 =	vor.u32 $0x3F800000, v18;
	v44 =	vmul.f32 v14, v41;
	v8 =	vadd.f32 $5.069756510e+00, v43  }
0x478: {  	v13 =	vadd.f32 $-4.094755950e-01, v46;
	v50 =	vmul.f32 $4.392862690e-02, v15;
	v51 =	vmul.f32 $4.392862690e-02, v18  }
0x479: {  	v9 =	vadd.f32 $5.069756510e+00, v44;
	v4 =	vmul.f32 v4, v8;
	v8 =	vor.u32 $0x3F800000, v49  }
0x47a: {  	v10 =	vshra.s32 v10, $0x17;
	v17 =	vadd.f32 $-4.094755950e-01, v50;
	v19 =	vmul.f32 $4.392862690e-02, v8  }
0x47b: {  	v13 =	vmul.f32 v11, v13;
	v9 =	vmul.f32 v14, v9;
	v14 =	vadd.f32 $-4.094755950e-01, v51  }
0x47c: {  	v10 =	vadd.s32 $0xFFFFFF81, v10;
	v17 =	vmul.f32 v15, v17;
	v19 =	vadd.f32 $-4.094755950e-01, v19  }
0x47d: {  	v58 =	vshra.s32 v12, $0x17;
	v13 =	vadd.f32 $1.610177520e+00, v13;
	v14 =	vmul.f32 v18, v14  }
0x47e: {  	v2 =	vadd.f32 v7, v2;
	v17 =	vadd.f32 $1.610177520e+00, v17;
	v19 =	vmul.f32 v8, v19  }
0x47f: {  	v7 =	vshra.s32 v42, $0x17;
	v13 =	vmul.f32 v11, v13;
	v53 =	vadd.f32 $1.610177520e+00, v14  }
0x480: {  	v4 =	vadd.f32 $-2.794153690e+00, v4;
	v17 =	vmul.f32 v15, v17;
	v19 =	vadd.f32 $1.610177520e+00, v19  }
0x481: {  	v13 =	vadd.f32 $-3.520218850e+00, v13;
	v9 =	vadd.f32 $-2.794153690e+00, v9;
	v56 =	vmul.f32 v18, v53  }
0x482: {  	v4 =	vadd.f32 v6, v4;
	v55 =	vadd.f32 $-3.520218850e+00, v17;
	v54 =	vmul.f32 v8, v19  }
0x483: {  	v59 =	vadd.s32 $0xFFFFFF81, v58;
	v5 =	vadd.f32 v5, v9;
	v9 =	vadd.f32 $-3.520218850e+00, v56  }
0x484: {  	v3 =	vadd.f32 v4, v3;
	v57 =	vmul.f32 v15, v55;
	v4 =	vadd.f32 $-3.520218850e+00, v54  }
0x485: {  	v7 =	vadd.s32 $0xFFFFFF81, v7;
	v52 =	vmul.f32 v11, v13;
	v9 =	vmul.f32 v18, v9  }
0x486: {  	v5 =	vadd.f32 v5, v2;
	v6 =	vadd.f32 $5.069756510e+00, v57;
	v4 =	vmul.f32 v8, v4  }
0x487: {  	v60 =	vshra.s32 v48, $0x17;
	v2 =	vadd.f32 $5.069756510e+00, v52;
	v9 =	vadd.f32 $5.069756510e+00, v9  }
0x488: {  	v7 =	vcvt.s32.f32 v7;
	v6 =	vmul.f32 v15, v6;
	v4 =	vadd.f32 $5.069756510e+00, v4  }
0x489: {  	v2 =	vmul.f32 v11, v2;
	v11 =	vadd.s32 $0xFFFFFF81, v60;
	v9 =	vmul.f32 v18, v9  }
0x48a: {  	s17 =	sadd.s32 $0x1, s17;
	v6 =	vadd.f32 $-2.794153690e+00, v6;
	v4 =	vmul.f32 v8, v4;
	v8 =	vcvt.s32.f32 v59  }
0x48b: {  	p0 =	sne.s32 s17, $0x8;
	v62 =	vcvt.s32.f32 v11;
	v2 =	vadd.f32 $-2.794153690e+00, v2;
	v61 =	vadd.f32 $-2.794153690e+00, v9  }
.Ltmp16:
0x48c: {  	v10 =	vcvt.s32.f32 v10;
	v4 =	vadd.f32 $-2.794153690e+00, v4;
	v6 =	vadd.f32 v8, v6;
	(pc) =	sbr.rel @p0 .LBB2_2-.Ltmp16, $4  }
0x48d: {  	v2 =	vadd.f32 v7, v2;
	v63 =	vadd.f32 v62, v61  }
0x48e: {  	v4 =	vadd.f32 v10, v4;
	v1 =	vadd.f32 v6, v1  }
0x48f: {  	v2 =	vadd.f32 v2, v3  }
0x490: {  	v3 =	vadd.f32 v4, v5;
	v1 =	vsub.f32 v1, v63  }
0x491: {  	_ = 	snop  }
0x492: {  	v2 =	vmul.f32 $1.000000010e-01, v2;
	v3 =	vmul.f32 $8.999999760e-01, v3;
	_ =	sdelay $0x1  }
0x493: {  	v1 =	vmul.f32 $8.999999760e-01, v1;
	v2 =	vadd.f32 v3, v2;
	_ =	sdelay $0x1  }
0x494: {  	s16 =	sadd.s32 $0x1, s16;
	v1 =	vadd.f32 v1, v2  }
0x495: {  	p0 =	sne.s32 s16, s9  }
.Ltmp17:
0x496: {  	[tilespmem:$0x4100] =	vst v1;
	(pc) =	sbr.rel @p0 .LBB2_1-.Ltmp17, $4  }
0x497: {  	[hbm4b:s8+s2] =	stream.linear.scatter [tilespmem:s15], [sflag:$0x3], $0x80, $0x38;
	[tilespmem:$0x4180] =	vst v63  }
0x498: {  	_ =	swait.ge [sflag:s11], $0x80  }
0x499: {  	[sflag:s11] =	ssyncset.done $0x0  }
0x49a: {  	[sflag:s11] =	ssyncadd.s32 $0xFFFFFF80  }
0x49b: {  	_ =	sfence.sel $0x180000  }
0x49c: {  	[bflag:$0x0] =	sbarrier.arrive $0xFFFF  }
0x49d: {  	p0 =	sne.s32 s1, $0x0;
	_ =	strace $0x90000047  }
0x49e: {  	s0 =	sadd.s32 @!p0 $0x100000, s0;
	[bflag:$0x2] =	sbarrier.arrive $0xFFFF  }
0x49f: {  	[sflag:s0] =	ssyncadd.tile.s32 @!p0 $0x1;
	_ =	shalt  }
.Lfunc_end2:
_tile_overlayer_lowered:
.L_overlay_start_2:
0x4a0: {  	(tag) =	ssettag $0x2  }
0x4a1: {  	s0 =	rddreg [dreg:$0x0];
	s2 =	stileid.u32  }
0x4a2: {  	s1 =	rddreg [dreg:$0x1];
	p0 =	sne.s32 s2, $0x0  }
0x4a3: {  	s3 =	rddreg [dreg:$0x2];
	[bflag:$0x3] =	sbarrier.arrive $0xFFFF;
	s2 =	simm.s32 @!p0 $0x1C03  }
0x4a4: {  	[timem:s3], [sflag:s2] =	dma.local @!p0 [hbm:s0], s1  }
0x4a5: {  	s0 =	simm.s32 @!p0 $0x3  }
0x4a6: {  	_ =	swait.ge @!p0 [sflag:s0], s1  }
0x4a7: {  	s1 =	ssub.s32 @!p0 $0x0, s1;
	[sflag:s0] =	ssyncset.done @!p0 $0x0  }
0x4a8: {  	[sflag:s0] =	ssyncadd.s32 @!p0 s1  }
0x4a9: {  	[bflag:$0x3] =	sbarrier.arrive $0xFFFF  }
0x4aa: {  	_ =	shalt  }

</sc_bundles>
